<compile_context>
chip_gen: v7x
topology: tpu7x:2x2x1
jax: 0.10.2.dev20260603
libtpu: 0.0.44.dev20260713+nightly
codegen_flags: <defaults>
</compile_context>

<pallas_src>
import functools

import jax
import jax.numpy as jnp
from jax import lax
from jax.experimental import pallas as pl
from jax.experimental.pallas import tpu as pltpu
from jax.experimental.pallas import tpu_sc as plsc

M, K, D, N = 10000, 32, 128, 10000
L = 16
CH = D // L
NC, NS = 2, 16
NW = NC * NS
R = 4
CHUNK_IDX = R * K
NCHUNK = M // R
GPW = 80
PADC = NW * GPW
MPAD = PADC * R

_mesh = plsc.VectorSubcoreMesh(
    core_axis_name="c", subcore_axis_name="s", num_cores=NC, num_subcores=NS
)


@functools.partial(
    pl.kernel,
    out_type=jax.ShapeDtypeStruct((MPAD, D), jnp.float32),
    mesh=_mesh,
    scratch_types=[
        pltpu.VMEM((GPW, CHUNK_IDX), jnp.int32),
        pltpu.VMEM((2, CHUNK_IDX, D), jnp.float32),
        pltpu.VMEM((2, R, D), jnp.float32),
        pltpu.SemaphoreType.DMA,
        pltpu.SemaphoreType.DMA,
        pltpu.SemaphoreType.DMA,
        pltpu.SemaphoreType.DMA,
    ],
)
def _maxpool_sc(feats_hbm, idx_hbm, out_hbm, idx_all, rows_v, out_v,
                sem_g0, sem_g1, sem_o0, sem_o1):
    wid = lax.axis_index("s") * NC + lax.axis_index("c")
    base = GPW * wid

    pltpu.sync_copy(idx_hbm.at[pl.ds(base, GPW)], idx_all)

    gsems = (sem_g0, sem_g1)
    osems = (sem_o0, sem_o1)

    def issue_gather(g, b):
        pltpu.async_copy(
            feats_hbm.at[idx_all.at[g]], rows_v.at[b], gsems[b]
        )

    def wait_gather(b):
        pltpu.make_async_copy(
            feats_hbm.at[idx_all.at[0]], rows_v.at[b], gsems[b]
        ).wait()

    def wait_out(b):
        pltpu.make_async_copy(
            out_v.at[b], out_hbm.at[pl.ds(0, R)], osems[b]
        ).wait()

    issue_gather(0, 0)

    @pl.loop(0, GPW, step=2)
    def _chunk_loop(g):
        for b in range(2):
            gg = g + b

            @pl.when(gg + 1 < GPW)
            def _():
                issue_gather(gg + 1, 1 - b)

            wait_gather(b)

            @pl.when(gg >= 2)
            def _():
                wait_out(b)

            for r in range(R):
                init = tuple(
                    rows_v[b, r * K, pl.ds(c * L, L)] for c in range(CH)
                )

                def k_body(k, accs, _r=r):
                    return tuple(
                        jnp.maximum(
                            accs[c], rows_v[b, _r * K + k, pl.ds(c * L, L)]
                        )
                        for c in range(CH)
                    )

                accs = lax.fori_loop(1, K, k_body, init, unroll=4)
                for c in range(CH):
                    out_v[b, r, pl.ds(c * L, L)] = accs[c]
            pltpu.async_copy(
                out_v.at[b], out_hbm.at[pl.ds((base + gg) * R, R)], osems[b]
            )

    wait_out(0)
    wait_out(1)


def kernel(s_feats, neighbor_indices):
    idx = neighbor_indices.astype(jnp.int32).reshape(NCHUNK, CHUNK_IDX)
    idx = jnp.pad(idx, ((0, PADC - NCHUNK), (0, 0)))
    return _maxpool_sc(s_feats, idx)[:M]

# --- scband reference (transcript-rebuilt; emitter-appended) ---
"""Pipeline reference for scband-max-pool-68126771249156 (READ-ONLY COPY).

The authoritative reference and input builder live on the scoring server;
editing this copy changes nothing except your own understanding.
"""

import jax, jax.numpy as jnp
import numpy as np


def setup_inputs(seed: int = 0) -> dict:
    key = jax.random.key(seed)
    k1, k2 = jax.random.split(key)
    s_feats = jax.random.normal(k1, (10000, 128), dtype=jnp.float32)
    # indices may include the shadow zero-row index (== N) after padding; randint < N is always valid
    neighbor_indices = jax.random.randint(k2, (10000, 32), 0, 10000, dtype=jnp.int64)
    return {"s_feats": s_feats, "neighbor_indices": neighbor_indices}


def reference(s_feats, neighbor_indices):
    # maxpool: append a zero shadow row, gather neighbor features, max over neighbor axis
    x = jnp.concatenate([s_feats, jnp.zeros_like(s_feats[:1, :])], axis=0)
    neighbor_feats = jnp.take(x, neighbor_indices, axis=0)  # [M, K, d]
    pooled_feats = jnp.max(neighbor_feats, axis=1)  # [M, d]
    return pooled_feats

if __name__ == "__main__":
    import jax
    _d = setup_inputs()
    print(jax.jit(kernel)(*tuple(_d.values())))

</pallas_src>

<mosaic_0001>
#map = affine_map<(d0, d1) -> (0, 0)>
module attributes {stable_mosaic.version = 14 : i64} {
  func.func @_maxpool_sc(%arg0: i32, %arg1: i32, %arg2: memref<10000x128xf32, #tpu.memory_space<hbm>>, %arg3: memref<2560x128xi32, #tpu.memory_space<hbm>>, %arg4: memref<10240x128xf32, #tpu.memory_space<hbm>>, %arg5: memref<80x128xi32, #tpu.memory_space<vmem>>, %arg6: memref<2x128x128xf32, #tpu.memory_space<vmem>>, %arg7: memref<2x4x128xf32, #tpu.memory_space<vmem>>, %arg8: memref<!tpu.dma_semaphore, #tpu.memory_space<semaphore_mem>>, %arg9: memref<!tpu.dma_semaphore, #tpu.memory_space<semaphore_mem>>, %arg10: memref<!tpu.dma_semaphore, #tpu.memory_space<semaphore_mem>>, %arg11: memref<!tpu.dma_semaphore, #tpu.memory_space<semaphore_mem>>) attributes {dimension_semantics = [#tpu.dimension_semantics<core_parallel>, #tpu.dimension_semantics<subcore_parallel>], iteration_bounds = array<i64: 2, 16>, scalar_prefetch = 0 : i64, scratch_operands = 7 : i64, tpu.core_type = #tpu.core_type<sc_vector_subcore>, window_params = [{transform_indices = #map}, {transform_indices = #map}, {transform_indices = #map}]} {
    %mul3A = arith.constant 2 : i32
    %mul3A_0 = arith.muli %arg1, %mul3A : i32
    %add3A = arith.addi %mul3A_0, %arg0 : i32
    %mul3A_1 = arith.constant 80 : i32
    %mul3A_2 = arith.muli %mul3A_1, %add3A : i32
    "tpu.region"() ({
      %run_scoped3A = tpu.sem_alloc : memref<!tpu.dma_semaphore, #tpu.memory_space<semaphore_mem>>
      %dma_start3A_47 = arith.constant 0 : i32
      %dma_start3A_48 = tpu.memref_slice %arg3[%mul3A_2, %dma_start3A_47] : memref<2560x128xi32, #tpu.memory_space<hbm>> -> memref<80x128xi32, #tpu.memory_space<hbm>>
      %dma_start3A_49 = arith.constant 0 : i32
      %dma_start3A_50 = tpu.memref_slice %arg3[%mul3A_2, %dma_start3A_49] : memref<2560x128xi32, #tpu.memory_space<hbm>> -> memref<80x128xi32, #tpu.memory_space<hbm>>
      tpu.enqueue_dma source(%dma_start3A_50 : memref<80x128xi32, #tpu.memory_space<hbm>>) target(%arg5 : memref<80x128xi32, #tpu.memory_space<vmem>>) target_semaphore(%run_scoped3A : memref<!tpu.dma_semaphore, #tpu.memory_space<semaphore_mem>>)
      %dma_wait3A_51 = arith.constant 0 : i32
      %dma_wait3A_52 = tpu.memref_slice %arg3[%mul3A_2, %dma_wait3A_51] : memref<2560x128xi32, #tpu.memory_space<hbm>> -> memref<80x128xi32, #tpu.memory_space<hbm>>
      %dma_wait3A_53 = arith.constant 0 : i32
      %dma_wait3A_54 = tpu.memref_slice %arg3[%mul3A_2, %dma_wait3A_53] : memref<2560x128xi32, #tpu.memory_space<hbm>> -> memref<80x128xi32, #tpu.memory_space<hbm>>
      tpu.wait_dma2 semaphore(%run_scoped3A : memref<!tpu.dma_semaphore, #tpu.memory_space<semaphore_mem>>) src(%dma_wait3A_54 : memref<80x128xi32, #tpu.memory_space<hbm>>) dst(%arg5 : memref<80x128xi32, #tpu.memory_space<vmem>>)
      tpu.yield
    }) : () -> ()
    %dma_start3A = arith.constant 0 : i32
    %dma_start3A_3 = arith.constant 0 : i32
    %dma_start3A_4 = arith.constant 0 : i32
    %dma_start3A_5 = arith.constant 0 : i32
    %dma_start3A_6 = tpu.memref_slice %arg6[%dma_start3A_3, %dma_start3A_4, %dma_start3A_5] : memref<2x128x128xf32, #tpu.memory_space<vmem>> -> memref<1x128x128xf32, #tpu.memory_space<vmem>>
    %dma_start3A_7 = tpu.memref_squeeze %dma_start3A_6 : memref<1x128x128xf32, #tpu.memory_space<vmem>> -> memref<128x128xf32, #tpu.memory_space<vmem>>
    %dma_start3A_8 = arith.constant 0 : i32
    %dma_start3A_9 = tpu.memref_slice %arg5[%dma_start3A, %dma_start3A_8] : memref<80x128xi32, #tpu.memory_space<vmem>> -> memref<1x128xi32, #tpu.memory_space<vmem>>
    %dma_start3A_10 = tpu.memref_squeeze %dma_start3A_9 : memref<1x128xi32, #tpu.memory_space<vmem>> -> memref<128xi32, #tpu.memory_space<vmem>>
    %dma_start3A_11 = arith.constant 0 : i32
    %dma_start3A_12 = arith.constant 0 : i32
    %dma_start3A_13 = tpu.memref_slice %arg2[%dma_start3A_11, %dma_start3A_12] : memref<10000x128xf32, #tpu.memory_space<hbm>> -> memref<10000x128xf32, #tpu.memory_space<hbm>>
    tpu.enqueue_indirect_dma source(%dma_start3A_13 : memref<10000x128xf32, #tpu.memory_space<hbm>>) target(%dma_start3A_7 : memref<128x128xf32, #tpu.memory_space<vmem>>) offsets(%dma_start3A_10 : memref<128xi32, #tpu.memory_space<vmem>>) semaphore(%arg8 : memref<!tpu.dma_semaphore, #tpu.memory_space<semaphore_mem>>)
    %scan3A = arith.constant 0 : i32
    %scan3A_14 = arith.constant 40 : i32
    %scan3A_15 = arith.addi %scan3A, %scan3A_14 : i32
    %scan3A_16 = arith.constant 1 : i32
    scf.for %scan3A_47 = %scan3A to %scan3A_15 step %scan3A_16  : i32 {
      %mul3A_48 = arith.constant 2 : i32
      %mul3A_49 = arith.muli %scan3A_47, %mul3A_48 : i32
      %add3A_50 = arith.constant 0 : i32
      %add3A_51 = arith.addi %add3A_50, %mul3A_49 : i32
      %add3A_52 = arith.constant 0 : i32
      %add3A_53 = arith.addi %add3A_51, %add3A_52 : i32
      %add3A_54 = arith.constant 1 : i32
      %add3A_55 = arith.addi %add3A_53, %add3A_54 : i32
      %lt3A = arith.constant 80 : i32
      %lt3A_56 = arith.cmpi slt, %add3A_55, %lt3A : i32
      %convert_element_type3A = arith.extui %lt3A_56 : i1 to i32
      %cond3A = arith.constant 0 : i32
      %cond3A_57 = arith.cmpi ne, %convert_element_type3A, %cond3A : i32
      scf.if %cond3A_57 {
        %add3A_2913 = arith.constant 1 : i32
        %add3A_2914 = arith.addi %add3A_53, %add3A_2913 : i32
        %dma_start3A_2915 = arith.constant 1 : i32
        %dma_start3A_2916 = arith.constant 0 : i32
        %dma_start3A_2917 = arith.constant 0 : i32
        %dma_start3A_2918 = tpu.memref_slice %arg6[%dma_start3A_2915, %dma_start3A_2916, %dma_start3A_2917] : memref<2x128x128xf32, #tpu.memory_space<vmem>> -> memref<1x128x128xf32, #tpu.memory_space<vmem>>
        %dma_start3A_2919 = tpu.memref_squeeze %dma_start3A_2918 : memref<1x128x128xf32, #tpu.memory_space<vmem>> -> memref<128x128xf32, #tpu.memory_space<vmem>>
        %dma_start3A_2920 = arith.constant 0 : i32
        %dma_start3A_2921 = tpu.memref_slice %arg5[%add3A_2914, %dma_start3A_2920] : memref<80x128xi32, #tpu.memory_space<vmem>> -> memref<1x128xi32, #tpu.memory_space<vmem>>
        %dma_start3A_2922 = tpu.memref_squeeze %dma_start3A_2921 : memref<1x128xi32, #tpu.memory_space<vmem>> -> memref<128xi32, #tpu.memory_space<vmem>>
        %dma_start3A_2923 = arith.constant 0 : i32
        %dma_start3A_2924 = arith.constant 0 : i32
        %dma_start3A_2925 = tpu.memref_slice %arg2[%dma_start3A_2923, %dma_start3A_2924] : memref<10000x128xf32, #tpu.memory_space<hbm>> -> memref<10000x128xf32, #tpu.memory_space<hbm>>
        tpu.enqueue_indirect_dma source(%dma_start3A_2925 : memref<10000x128xf32, #tpu.memory_space<hbm>>) target(%dma_start3A_2919 : memref<128x128xf32, #tpu.memory_space<vmem>>) offsets(%dma_start3A_2922 : memref<128xi32, #tpu.memory_space<vmem>>) semaphore(%arg9 : memref<!tpu.dma_semaphore, #tpu.memory_space<semaphore_mem>>)
      } else {
      }
      %dma_wait3A_58 = arith.constant 0 : i32
      %dma_wait3A_59 = arith.constant 0 : i32
      %dma_wait3A_60 = arith.constant 0 : i32
      %dma_wait3A_61 = arith.constant 0 : i32
      %dma_wait3A_62 = tpu.memref_slice %arg6[%dma_wait3A_59, %dma_wait3A_60, %dma_wait3A_61] : memref<2x128x128xf32, #tpu.memory_space<vmem>> -> memref<1x128x128xf32, #tpu.memory_space<vmem>>
      %dma_wait3A_63 = tpu.memref_squeeze %dma_wait3A_62 : memref<1x128x128xf32, #tpu.memory_space<vmem>> -> memref<128x128xf32, #tpu.memory_space<vmem>>
      %dma_wait3A_64 = arith.constant 0 : i32
      %dma_wait3A_65 = tpu.memref_slice %arg5[%dma_wait3A_58, %dma_wait3A_64] : memref<80x128xi32, #tpu.memory_space<vmem>> -> memref<1x128xi32, #tpu.memory_space<vmem>>
      %dma_wait3A_66 = tpu.memref_squeeze %dma_wait3A_65 : memref<1x128xi32, #tpu.memory_space<vmem>> -> memref<128xi32, #tpu.memory_space<vmem>>
      %dma_wait3A_67 = arith.constant 0 : i32
      %dma_wait3A_68 = arith.constant 0 : i32
      %dma_wait3A_69 = tpu.memref_slice %arg2[%dma_wait3A_67, %dma_wait3A_68] : memref<10000x128xf32, #tpu.memory_space<hbm>> -> memref<10000x128xf32, #tpu.memory_space<hbm>>
      tpu.wait_indirect_dma semaphore(%arg8 : memref<!tpu.dma_semaphore, #tpu.memory_space<semaphore_mem>>) src(%dma_wait3A_69 : memref<10000x128xf32, #tpu.memory_space<hbm>>) dst(%dma_wait3A_63 : memref<128x128xf32, #tpu.memory_space<vmem>>)
      %ge3A = arith.constant 2 : i32
      %ge3A_70 = arith.cmpi sge, %add3A_53, %ge3A : i32
      %convert_element_type3A_71 = arith.extui %ge3A_70 : i1 to i32
      %cond3A_72 = arith.constant 0 : i32
      %cond3A_73 = arith.cmpi ne, %convert_element_type3A_71, %cond3A_72 : i32
      scf.if %cond3A_73 {
        %dma_wait3A_2913 = arith.constant 0 : i32
        %dma_wait3A_2914 = arith.constant 0 : i32
        %dma_wait3A_2915 = arith.constant 0 : i32
        %dma_wait3A_2916 = tpu.memref_slice %arg7[%dma_wait3A_2913, %dma_wait3A_2914, %dma_wait3A_2915] : memref<2x4x128xf32, #tpu.memory_space<vmem>> -> memref<1x4x128xf32, #tpu.memory_space<vmem>>
        %dma_wait3A_2917 = tpu.memref_squeeze %dma_wait3A_2916 : memref<1x4x128xf32, #tpu.memory_space<vmem>> -> memref<4x128xf32, #tpu.memory_space<vmem>>
        %dma_wait3A_2918 = arith.constant 0 : i32
        %dma_wait3A_2919 = arith.constant 0 : i32
        %dma_wait3A_2920 = tpu.memref_slice %arg4[%dma_wait3A_2918, %dma_wait3A_2919] : memref<10240x128xf32, #tpu.memory_space<hbm>> -> memref<4x128xf32, #tpu.memory_space<hbm>>
        %dma_wait3A_2921 = arith.constant 0 : i32
        %dma_wait3A_2922 = arith.constant 0 : i32
        %dma_wait3A_2923 = tpu.memref_slice %arg4[%dma_wait3A_2921, %dma_wait3A_2922] : memref<10240x128xf32, #tpu.memory_space<hbm>> -> memref<4x128xf32, #tpu.memory_space<hbm>>
        %dma_wait3A_2924 = arith.constant 0 : i32
        %dma_wait3A_2925 = arith.constant 0 : i32
        %dma_wait3A_2926 = tpu.memref_slice %arg7[%dma_wait3A_2913, %dma_wait3A_2924, %dma_wait3A_2925] : memref<2x4x128xf32, #tpu.memory_space<vmem>> -> memref<1x4x128xf32, #tpu.memory_space<vmem>>
        %dma_wait3A_2927 = tpu.memref_squeeze %dma_wait3A_2926 : memref<1x4x128xf32, #tpu.memory_space<vmem>> -> memref<4x128xf32, #tpu.memory_space<vmem>>
        tpu.wait_dma2 semaphore(%arg10 : memref<!tpu.dma_semaphore, #tpu.memory_space<semaphore_mem>>) src(%dma_wait3A_2927 : memref<4x128xf32, #tpu.memory_space<vmem>>) dst(%dma_wait3A_2923 : memref<4x128xf32, #tpu.memory_space<hbm>>)
      } else {
      }
      %get3A = arith.constant 0 : i32
      %get3A_74 = arith.constant 0 : i32
      %get3A_75 = arith.index_cast %get3A : i32 to index
      %get3A_76 = arith.index_cast %get3A_74 : i32 to index
      %get3A_77 = arith.constant 0 : index
      %get3A_78 = tpu.vector_load %arg6[%get3A_75, %get3A_76, %get3A_77] {strides = array<i32>} : memref<2x128x128xf32, #tpu.memory_space<vmem>>, vector<1x1x16xf32>,
      %get3A_79 = vector.shape_cast %get3A_78 : vector<1x1x16xf32> to vector<16xf32>
      %get3A_80 = arith.constant 0 : i32
      %get3A_81 = arith.constant 0 : i32
      %get3A_82 = arith.index_cast %get3A_80 : i32 to index
      %get3A_83 = arith.index_cast %get3A_81 : i32 to index
      %get3A_84 = arith.constant 16 : index
      %get3A_85 = tpu.vector_load %arg6[%get3A_82, %get3A_83, %get3A_84] {strides = array<i32>} : memref<2x128x128xf32, #tpu.memory_space<vmem>>, vector<1x1x16xf32>,
      %get3A_86 = vector.shape_cast %get3A_85 : vector<1x1x16xf32> to vector<16xf32>
      %get3A_87 = arith.constant 0 : i32
      %get3A_88 = arith.constant 0 : i32
      %get3A_89 = arith.index_cast %get3A_87 : i32 to index
      %get3A_90 = arith.index_cast %get3A_88 : i32 to index
      %get3A_91 = arith.constant 32 : index
      %get3A_92 = tpu.vector_load %arg6[%get3A_89, %get3A_90, %get3A_91] {strides = array<i32>} : memref<2x128x128xf32, #tpu.memory_space<vmem>>, vector<1x1x16xf32>,
      %get3A_93 = vector.shape_cast %get3A_92 : vector<1x1x16xf32> to vector<16xf32>
      %get3A_94 = arith.constant 0 : i32
      %get3A_95 = arith.constant 0 : i32
      %get3A_96 = arith.index_cast %get3A_94 : i32 to index
      %get3A_97 = arith.index_cast %get3A_95 : i32 to index
      %get3A_98 = arith.constant 48 : index
      %get3A_99 = tpu.vector_load %arg6[%get3A_96, %get3A_97, %get3A_98] {strides = array<i32>} : memref<2x128x128xf32, #tpu.memory_space<vmem>>, vector<1x1x16xf32>,
      %get3A_100 = vector.shape_cast %get3A_99 : vector<1x1x16xf32> to vector<16xf32>
      %get3A_101 = arith.constant 0 : i32
      %get3A_102 = arith.constant 0 : i32
      %get3A_103 = arith.index_cast %get3A_101 : i32 to index
      %get3A_104 = arith.index_cast %get3A_102 : i32 to index
      %get3A_105 = arith.constant 64 : index
      %get3A_106 = tpu.vector_load %arg6[%get3A_103, %get3A_104, %get3A_105] {strides = array<i32>} : memref<2x128x128xf32, #tpu.memory_space<vmem>>, vector<1x1x16xf32>,
      %get3A_107 = vector.shape_cast %get3A_106 : vector<1x1x16xf32> to vector<16xf32>
      %get3A_108 = arith.constant 0 : i32
      %get3A_109 = arith.constant 0 : i32
      %get3A_110 = arith.index_cast %get3A_108 : i32 to index
      %get3A_111 = arith.index_cast %get3A_109 : i32 to index
      %get3A_112 = arith.constant 80 : index
      %get3A_113 = tpu.vector_load %arg6[%get3A_110, %get3A_111, %get3A_112] {strides = array<i32>} : memref<2x128x128xf32, #tpu.memory_space<vmem>>, vector<1x1x16xf32>,
      %get3A_114 = vector.shape_cast %get3A_113 : vector<1x1x16xf32> to vector<16xf32>
      %get3A_115 = arith.constant 0 : i32
      %get3A_116 = arith.constant 0 : i32
      %get3A_117 = arith.index_cast %get3A_115 : i32 to index
      %get3A_118 = arith.index_cast %get3A_116 : i32 to index
      %get3A_119 = arith.constant 96 : index
      %get3A_120 = tpu.vector_load %arg6[%get3A_117, %get3A_118, %get3A_119] {strides = array<i32>} : memref<2x128x128xf32, #tpu.memory_space<vmem>>, vector<1x1x16xf32>,
      %get3A_121 = vector.shape_cast %get3A_120 : vector<1x1x16xf32> to vector<16xf32>
      %get3A_122 = arith.constant 0 : i32
      %get3A_123 = arith.constant 0 : i32
      %get3A_124 = arith.index_cast %get3A_122 : i32 to index
      %get3A_125 = arith.index_cast %get3A_123 : i32 to index
      %get3A_126 = arith.constant 112 : index
      %get3A_127 = tpu.vector_load %arg6[%get3A_124, %get3A_125, %get3A_126] {strides = array<i32>} : memref<2x128x128xf32, #tpu.memory_space<vmem>>, vector<1x1x16xf32>,
      %get3A_128 = vector.shape_cast %get3A_127 : vector<1x1x16xf32> to vector<16xf32>
      %scan3A_129 = arith.constant 1 : i32
      %scan3A_130 = arith.constant 28 : i32
      %scan3A_131 = arith.addi %scan3A_129, %scan3A_130 : i32
      %scan3A_132 = arith.constant 4 : i32
      %scan3A_133:8 = scf.for %scan3A_2913 = %scan3A_129 to %scan3A_131 step %scan3A_132 iter_args(%scan3A_2914 = %get3A_79, %scan3A_2915 = %get3A_86, %scan3A_2916 = %get3A_93, %scan3A_2917 = %get3A_100, %scan3A_2918 = %get3A_107, %scan3A_2919 = %get3A_114, %scan3A_2920 = %get3A_121, %scan3A_2921 = %get3A_128) -> (vector<16xf32>, vector<16xf32>, vector<16xf32>, vector<16xf32>, vector<16xf32>, vector<16xf32>, vector<16xf32>, vector<16xf32>)  : i32 {
        %add3A_2922 = arith.constant 0 : i32
        %add3A_2923 = arith.addi %add3A_2922, %scan3A_2913 : i32
        %get3A_2924 = arith.constant 0 : i32
        %get3A_2925 = arith.index_cast %get3A_2924 : i32 to index
        %get3A_2926 = arith.index_cast %add3A_2923 : i32 to index
        %get3A_2927 = arith.constant 0 : index
        %get3A_2928 = tpu.vector_load %arg6[%get3A_2925, %get3A_2926, %get3A_2927] {strides = array<i32>} : memref<2x128x128xf32, #tpu.memory_space<vmem>>, vector<1x1x16xf32>,
        %get3A_2929 = vector.shape_cast %get3A_2928 : vector<1x1x16xf32> to vector<16xf32>
        %max3A_2930 = arith.maximumf %scan3A_2914, %get3A_2929 : vector<16xf32>
        %add3A_2931 = arith.constant 0 : i32
        %add3A_2932 = arith.addi %add3A_2931, %scan3A_2913 : i32
        %get3A_2933 = arith.constant 0 : i32
        %get3A_2934 = arith.index_cast %get3A_2933 : i32 to index
        %get3A_2935 = arith.index_cast %add3A_2932 : i32 to index
        %get3A_2936 = arith.constant 16 : index
        %get3A_2937 = tpu.vector_load %arg6[%get3A_2934, %get3A_2935, %get3A_2936] {strides = array<i32>} : memref<2x128x128xf32, #tpu.memory_space<vmem>>, vector<1x1x16xf32>,
        %get3A_2938 = vector.shape_cast %get3A_2937 : vector<1x1x16xf32> to vector<16xf32>
        %max3A_2939 = arith.maximumf %scan3A_2915, %get3A_2938 : vector<16xf32>
        %add3A_2940 = arith.constant 0 : i32
        %add3A_2941 = arith.addi %add3A_2940, %scan3A_2913 : i32
        %get3A_2942 = arith.constant 0 : i32
        %get3A_2943 = arith.index_cast %get3A_2942 : i32 to index
        %get3A_2944 = arith.index_cast %add3A_2941 : i32 to index
        %get3A_2945 = arith.constant 32 : index
        %get3A_2946 = tpu.vector_load %arg6[%get3A_2943, %get3A_2944, %get3A_2945] {strides = array<i32>} : memref<2x128x128xf32, #tpu.memory_space<vmem>>, vector<1x1x16xf32>,
        %get3A_2947 = vector.shape_cast %get3A_2946 : vector<1x1x16xf32> to vector<16xf32>
        %max3A_2948 = arith.maximumf %scan3A_2916, %get3A_2947 : vector<16xf32>
        %add3A_2949 = arith.constant 0 : i32
        %add3A_2950 = arith.addi %add3A_2949, %scan3A_2913 : i32
        %get3A_2951 = arith.constant 0 : i32
        %get3A_2952 = arith.index_cast %get3A_2951 : i32 to index
        %get3A_2953 = arith.index_cast %add3A_2950 : i32 to index
        %get3A_2954 = arith.constant 48 : index
        %get3A_2955 = tpu.vector_load %arg6[%get3A_2952, %get3A_2953, %get3A_2954] {strides = array<i32>} : memref<2x128x128xf32, #tpu.memory_space<vmem>>, vector<1x1x16xf32>,
        %get3A_2956 = vector.shape_cast %get3A_2955 : vector<1x1x16xf32> to vector<16xf32>
        %max3A_2957 = arith.maximumf %scan3A_2917, %get3A_2956 : vector<16xf32>
        %add3A_2958 = arith.constant 0 : i32
        %add3A_2959 = arith.addi %add3A_2958, %scan3A_2913 : i32
        %get3A_2960 = arith.constant 0 : i32
        %get3A_2961 = arith.index_cast %get3A_2960 : i32 to index
        %get3A_2962 = arith.index_cast %add3A_2959 : i32 to index
        %get3A_2963 = arith.constant 64 : index
        %get3A_2964 = tpu.vector_load %arg6[%get3A_2961, %get3A_2962, %get3A_2963] {strides = array<i32>} : memref<2x128x128xf32, #tpu.memory_space<vmem>>, vector<1x1x16xf32>,
        %get3A_2965 = vector.shape_cast %get3A_2964 : vector<1x1x16xf32> to vector<16xf32>
        %max3A_2966 = arith.maximumf %scan3A_2918, %get3A_2965 : vector<16xf32>
        %add3A_2967 = arith.constant 0 : i32
        %add3A_2968 = arith.addi %add3A_2967, %scan3A_2913 : i32
        %get3A_2969 = arith.constant 0 : i32
        %get3A_2970 = arith.index_cast %get3A_2969 : i32 to index
        %get3A_2971 = arith.index_cast %add3A_2968 : i32 to index
        %get3A_2972 = arith.constant 80 : index
        %get3A_2973 = tpu.vector_load %arg6[%get3A_2970, %get3A_2971, %get3A_2972] {strides = array<i32>} : memref<2x128x128xf32, #tpu.memory_space<vmem>>, vector<1x1x16xf32>,
        %get3A_2974 = vector.shape_cast %get3A_2973 : vector<1x1x16xf32> to vector<16xf32>
        %max3A_2975 = arith.maximumf %scan3A_2919, %get3A_2974 : vector<16xf32>
        %add3A_2976 = arith.constant 0 : i32
        %add3A_2977 = arith.addi %add3A_2976, %scan3A_2913 : i32
        %get3A_2978 = arith.constant 0 : i32
        %get3A_2979 = arith.index_cast %get3A_2978 : i32 to index
        %get3A_2980 = arith.index_cast %add3A_2977 : i32 to index
        %get3A_2981 = arith.constant 96 : index
        %get3A_2982 = tpu.vector_load %arg6[%get3A_2979, %get3A_2980, %get3A_2981] {strides = array<i32>} : memref<2x128x128xf32, #tpu.memory_space<vmem>>, vector<1x1x16xf32>,
        %get3A_2983 = vector.shape_cast %get3A_2982 : vector<1x1x16xf32> to vector<16xf32>
        %max3A_2984 = arith.maximumf %scan3A_2920, %get3A_2983 : vector<16xf32>
        %add3A_2985 = arith.constant 0 : i32
        %add3A_2986 = arith.addi %add3A_2985, %scan3A_2913 : i32
        %get3A_2987 = arith.constant 0 : i32
        %get3A_2988 = arith.index_cast %get3A_2987 : i32 to index
        %get3A_2989 = arith.index_cast %add3A_2986 : i32 to index
        %get3A_2990 = arith.constant 112 : index
        %get3A_2991 = tpu.vector_load %arg6[%get3A_2988, %get3A_2989, %get3A_2990] {strides = array<i32>} : memref<2x128x128xf32, #tpu.memory_space<vmem>>, vector<1x1x16xf32>,
        %get3A_2992 = vector.shape_cast %get3A_2991 : vector<1x1x16xf32> to vector<16xf32>
        %max3A_2993 = arith.maximumf %scan3A_2921, %get3A_2992 : vector<16xf32>
        %scan3A_2994 = arith.constant 1 : i32
        %scan3A_2995 = arith.addi %scan3A_2913, %scan3A_2994 : i32
        %add3A_2996 = arith.constant 0 : i32
        %add3A_2997 = arith.addi %add3A_2996, %scan3A_2995 : i32
        %get3A_2998 = arith.constant 0 : i32
        %get3A_2999 = arith.index_cast %get3A_2998 : i32 to index
        %get3A_3000 = arith.index_cast %add3A_2997 : i32 to index
        %get3A_3001 = arith.constant 0 : index
        %get3A_3002 = tpu.vector_load %arg6[%get3A_2999, %get3A_3000, %get3A_3001] {strides = array<i32>} : memref<2x128x128xf32, #tpu.memory_space<vmem>>, vector<1x1x16xf32>,
        %get3A_3003 = vector.shape_cast %get3A_3002 : vector<1x1x16xf32> to vector<16xf32>
        %max3A_3004 = arith.maximumf %max3A_2930, %get3A_3003 : vector<16xf32>
        %add3A_3005 = arith.constant 0 : i32
        %add3A_3006 = arith.addi %add3A_3005, %scan3A_2995 : i32
        %get3A_3007 = arith.constant 0 : i32
        %get3A_3008 = arith.index_cast %get3A_3007 : i32 to index
        %get3A_3009 = arith.index_cast %add3A_3006 : i32 to index
        %get3A_3010 = arith.constant 16 : index
        %get3A_3011 = tpu.vector_load %arg6[%get3A_3008, %get3A_3009, %get3A_3010] {strides = array<i32>} : memref<2x128x128xf32, #tpu.memory_space<vmem>>, vector<1x1x16xf32>,
        %get3A_3012 = vector.shape_cast %get3A_3011 : vector<1x1x16xf32> to vector<16xf32>
        %max3A_3013 = arith.maximumf %max3A_2939, %get3A_3012 : vector<16xf32>
        %add3A_3014 = arith.constant 0 : i32
        %add3A_3015 = arith.addi %add3A_3014, %scan3A_2995 : i32
        %get3A_3016 = arith.constant 0 : i32
        %get3A_3017 = arith.index_cast %get3A_3016 : i32 to index
        %get3A_3018 = arith.index_cast %add3A_3015 : i32 to index
        %get3A_3019 = arith.constant 32 : index
        %get3A_3020 = tpu.vector_load %arg6[%get3A_3017, %get3A_3018, %get3A_3019] {strides = array<i32>} : memref<2x128x128xf32, #tpu.memory_space<vmem>>, vector<1x1x16xf32>,
        %get3A_3021 = vector.shape_cast %get3A_3020 : vector<1x1x16xf32> to vector<16xf32>
        %max3A_3022 = arith.maximumf %max3A_2948, %get3A_3021 : vector<16xf32>
        %add3A_3023 = arith.constant 0 : i32
        %add3A_3024 = arith.addi %add3A_3023, %scan3A_2995 : i32
        %get3A_3025 = arith.constant 0 : i32
        %get3A_3026 = arith.index_cast %get3A_3025 : i32 to index
        %get3A_3027 = arith.index_cast %add3A_3024 : i32 to index
        %get3A_3028 = arith.constant 48 : index
        %get3A_3029 = tpu.vector_load %arg6[%get3A_3026, %get3A_3027, %get3A_3028] {strides = array<i32>} : memref<2x128x128xf32, #tpu.memory_space<vmem>>, vector<1x1x16xf32>,
        %get3A_3030 = vector.shape_cast %get3A_3029 : vector<1x1x16xf32> to vector<16xf32>
        %max3A_3031 = arith.maximumf %max3A_2957, %get3A_3030 : vector<16xf32>
        %add3A_3032 = arith.constant 0 : i32
        %add3A_3033 = arith.addi %add3A_3032, %scan3A_2995 : i32
        %get3A_3034 = arith.constant 0 : i32
        %get3A_3035 = arith.index_cast %get3A_3034 : i32 to index
        %get3A_3036 = arith.index_cast %add3A_3033 : i32 to index
        %get3A_3037 = arith.constant 64 : index
        %get3A_3038 = tpu.vector_load %arg6[%get3A_3035, %get3A_3036, %get3A_3037] {strides = array<i32>} : memref<2x128x128xf32, #tpu.memory_space<vmem>>, vector<1x1x16xf32>,
        %get3A_3039 = vector.shape_cast %get3A_3038 : vector<1x1x16xf32> to vector<16xf32>
        %max3A_3040 = arith.maximumf %max3A_2966, %get3A_3039 : vector<16xf32>
        %add3A_3041 = arith.constant 0 : i32
        %add3A_3042 = arith.addi %add3A_3041, %scan3A_2995 : i32
        %get3A_3043 = arith.constant 0 : i32
        %get3A_3044 = arith.index_cast %get3A_3043 : i32 to index
        %get3A_3045 = arith.index_cast %add3A_3042 : i32 to index
        %get3A_3046 = arith.constant 80 : index
        %get3A_3047 = tpu.vector_load %arg6[%get3A_3044, %get3A_3045, %get3A_3046] {strides = array<i32>} : memref<2x128x128xf32, #tpu.memory_space<vmem>>, vector<1x1x16xf32>,
        %get3A_3048 = vector.shape_cast %get3A_3047 : vector<1x1x16xf32> to vector<16xf32>
        %max3A_3049 = arith.maximumf %max3A_2975, %get3A_3048 : vector<16xf32>
        %add3A_3050 = arith.constant 0 : i32
        %add3A_3051 = arith.addi %add3A_3050, %scan3A_2995 : i32
        %get3A_3052 = arith.constant 0 : i32
        %get3A_3053 = arith.index_cast %get3A_3052 : i32 to index
        %get3A_3054 = arith.index_cast %add3A_3051 : i32 to index
        %get3A_3055 = arith.constant 96 : index
        %get3A_3056 = tpu.vector_load %arg6[%get3A_3053, %get3A_3054, %get3A_3055] {strides = array<i32>} : memref<2x128x128xf32, #tpu.memory_space<vmem>>, vector<1x1x16xf32>,
        %get3A_3057 = vector.shape_cast %get3A_3056 : vector<1x1x16xf32> to vector<16xf32>
        %max3A_3058 = arith.maximumf %max3A_2984, %get3A_3057 : vector<16xf32>
        %add3A_3059 = arith.constant 0 : i32
        %add3A_3060 = arith.addi %add3A_3059, %scan3A_2995 : i32
        %get3A_3061 = arith.constant 0 : i32
        %get3A_3062 = arith.index_cast %get3A_3061 : i32 to index
        %get3A_3063 = arith.index_cast %add3A_3060 : i32 to index
        %get3A_3064 = arith.constant 112 : index
        %get3A_3065 = tpu.vector_load %arg6[%get3A_3062, %get3A_3063, %get3A_3064] {strides = array<i32>} : memref<2x128x128xf32, #tpu.memory_space<vmem>>, vector<1x1x16xf32>,
        %get3A_3066 = vector.shape_cast %get3A_3065 : vector<1x1x16xf32> to vector<16xf32>
        %max3A_3067 = arith.maximumf %max3A_2993, %get3A_3066 : vector<16xf32>
        %scan3A_3068 = arith.constant 2 : i32
        %scan3A_3069 = arith.addi %scan3A_2913, %scan3A_3068 : i32
        %add3A_3070 = arith.constant 0 : i32
        %add3A_3071 = arith.addi %add3A_3070, %scan3A_3069 : i32
        %get3A_3072 = arith.constant 0 : i32
        %get3A_3073 = arith.index_cast %get3A_3072 : i32 to index
        %get3A_3074 = arith.index_cast %add3A_3071 : i32 to index
        %get3A_3075 = arith.constant 0 : index
        %get3A_3076 = tpu.vector_load %arg6[%get3A_3073, %get3A_3074, %get3A_3075] {strides = array<i32>} : memref<2x128x128xf32, #tpu.memory_space<vmem>>, vector<1x1x16xf32>,
        %get3A_3077 = vector.shape_cast %get3A_3076 : vector<1x1x16xf32> to vector<16xf32>
        %max3A_3078 = arith.maximumf %max3A_3004, %get3A_3077 : vector<16xf32>
        %add3A_3079 = arith.constant 0 : i32
        %add3A_3080 = arith.addi %add3A_3079, %scan3A_3069 : i32
        %get3A_3081 = arith.constant 0 : i32
        %get3A_3082 = arith.index_cast %get3A_3081 : i32 to index
        %get3A_3083 = arith.index_cast %add3A_3080 : i32 to index
        %get3A_3084 = arith.constant 16 : index
        %get3A_3085 = tpu.vector_load %arg6[%get3A_3082, %get3A_3083, %get3A_3084] {strides = array<i32>} : memref<2x128x128xf32, #tpu.memory_space<vmem>>, vector<1x1x16xf32>,
        %get3A_3086 = vector.shape_cast %get3A_3085 : vector<1x1x16xf32> to vector<16xf32>
        %max3A_3087 = arith.maximumf %max3A_3013, %get3A_3086 : vector<16xf32>
        %add3A_3088 = arith.constant 0 : i32
        %add3A_3089 = arith.addi %add3A_3088, %scan3A_3069 : i32
        %get3A_3090 = arith.constant 0 : i32
        %get3A_3091 = arith.index_cast %get3A_3090 : i32 to index
        %get3A_3092 = arith.index_cast %add3A_3089 : i32 to index
        %get3A_3093 = arith.constant 32 : index
        %get3A_3094 = tpu.vector_load %arg6[%get3A_3091, %get3A_3092, %get3A_3093] {strides = array<i32>} : memref<2x128x128xf32, #tpu.memory_space<vmem>>, vector<1x1x16xf32>,
        %get3A_3095 = vector.shape_cast %get3A_3094 : vector<1x1x16xf32> to vector<16xf32>
        %max3A_3096 = arith.maximumf %max3A_3022, %get3A_3095 : vector<16xf32>
        %add3A_3097 = arith.constant 0 : i32
        %add3A_3098 = arith.addi %add3A_3097, %scan3A_3069 : i32
        %get3A_3099 = arith.constant 0 : i32
        %get3A_3100 = arith.index_cast %get3A_3099 : i32 to index
        %get3A_3101 = arith.index_cast %add3A_3098 : i32 to index
        %get3A_3102 = arith.constant 48 : index
        %get3A_3103 = tpu.vector_load %arg6[%get3A_3100, %get3A_3101, %get3A_3102] {strides = array<i32>} : memref<2x128x128xf32, #tpu.memory_space<vmem>>, vector<1x1x16xf32>,
        %get3A_3104 = vector.shape_cast %get3A_3103 : vector<1x1x16xf32> to vector<16xf32>
        %max3A_3105 = arith.maximumf %max3A_3031, %get3A_3104 : vector<16xf32>
        %add3A_3106 = arith.constant 0 : i32
        %add3A_3107 = arith.addi %add3A_3106, %scan3A_3069 : i32
        %get3A_3108 = arith.constant 0 : i32
        %get3A_3109 = arith.index_cast %get3A_3108 : i32 to index
        %get3A_3110 = arith.index_cast %add3A_3107 : i32 to index
        %get3A_3111 = arith.constant 64 : index
        %get3A_3112 = tpu.vector_load %arg6[%get3A_3109, %get3A_3110, %get3A_3111] {strides = array<i32>} : memref<2x128x128xf32, #tpu.memory_space<vmem>>, vector<1x1x16xf32>,
        %get3A_3113 = vector.shape_cast %get3A_3112 : vector<1x1x16xf32> to vector<16xf32>
        %max3A_3114 = arith.maximumf %max3A_3040, %get3A_3113 : vector<16xf32>
        %add3A_3115 = arith.constant 0 : i32
        %add3A_3116 = arith.addi %add3A_3115, %scan3A_3069 : i32
        %get3A_3117 = arith.constant 0 : i32
        %get3A_3118 = arith.index_cast %get3A_3117 : i32 to index
        %get3A_3119 = arith.index_cast %add3A_3116 : i32 to index
        %get3A_3120 = arith.constant 80 : index
        %get3A_3121 = tpu.vector_load %arg6[%get3A_3118, %get3A_3119, %get3A_3120] {strides = array<i32>} : memref<2x128x128xf32, #tpu.memory_space<vmem>>, vector<1x1x16xf32>,
        %get3A_3122 = vector.shape_cast %get3A_3121 : vector<1x1x16xf32> to vector<16xf32>
        %max3A_3123 = arith.maximumf %max3A_3049, %get3A_3122 : vector<16xf32>
        %add3A_3124 = arith.constant 0 : i32
        %add3A_3125 = arith.addi %add3A_3124, %scan3A_3069 : i32
        %get3A_3126 = arith.constant 0 : i32
        %get3A_3127 = arith.index_cast %get3A_3126 : i32 to index
        %get3A_3128 = arith.index_cast %add3A_3125 : i32 to index
        %get3A_3129 = arith.constant 96 : index
        %get3A_3130 = tpu.vector_load %arg6[%get3A_3127, %get3A_3128, %get3A_3129] {strides = array<i32>} : memref<2x128x128xf32, #tpu.memory_space<vmem>>, vector<1x1x16xf32>,
        %get3A_3131 = vector.shape_cast %get3A_3130 : vector<1x1x16xf32> to vector<16xf32>
        %max3A_3132 = arith.maximumf %max3A_3058, %get3A_3131 : vector<16xf32>
        %add3A_3133 = arith.constant 0 : i32
        %add3A_3134 = arith.addi %add3A_3133, %scan3A_3069 : i32
        %get3A_3135 = arith.constant 0 : i32
        %get3A_3136 = arith.index_cast %get3A_3135 : i32 to index
        %get3A_3137 = arith.index_cast %add3A_3134 : i32 to index
        %get3A_3138 = arith.constant 112 : index
        %get3A_3139 = tpu.vector_load %arg6[%get3A_3136, %get3A_3137, %get3A_3138] {strides = array<i32>} : memref<2x128x128xf32, #tpu.memory_space<vmem>>, vector<1x1x16xf32>,
        %get3A_3140 = vector.shape_cast %get3A_3139 : vector<1x1x16xf32> to vector<16xf32>
        %max3A_3141 = arith.maximumf %max3A_3067, %get3A_3140 : vector<16xf32>
        %scan3A_3142 = arith.constant 3 : i32
        %scan3A_3143 = arith.addi %scan3A_2913, %scan3A_3142 : i32
        %add3A_3144 = arith.constant 0 : i32
        %add3A_3145 = arith.addi %add3A_3144, %scan3A_3143 : i32
        %get3A_3146 = arith.constant 0 : i32
        %get3A_3147 = arith.index_cast %get3A_3146 : i32 to index
        %get3A_3148 = arith.index_cast %add3A_3145 : i32 to index
        %get3A_3149 = arith.constant 0 : index
        %get3A_3150 = tpu.vector_load %arg6[%get3A_3147, %get3A_3148, %get3A_3149] {strides = array<i32>} : memref<2x128x128xf32, #tpu.memory_space<vmem>>, vector<1x1x16xf32>,
        %get3A_3151 = vector.shape_cast %get3A_3150 : vector<1x1x16xf32> to vector<16xf32>
        %max3A_3152 = arith.maximumf %max3A_3078, %get3A_3151 : vector<16xf32>
        %add3A_3153 = arith.constant 0 : i32
        %add3A_3154 = arith.addi %add3A_3153, %scan3A_3143 : i32
        %get3A_3155 = arith.constant 0 : i32
        %get3A_3156 = arith.index_cast %get3A_3155 : i32 to index
        %get3A_3157 = arith.index_cast %add3A_3154 : i32 to index
        %get3A_3158 = arith.constant 16 : index
        %get3A_3159 = tpu.vector_load %arg6[%get3A_3156, %get3A_3157, %get3A_3158] {strides = array<i32>} : memref<2x128x128xf32, #tpu.memory_space<vmem>>, vector<1x1x16xf32>,
        %get3A_3160 = vector.shape_cast %get3A_3159 : vector<1x1x16xf32> to vector<16xf32>
        %max3A_3161 = arith.maximumf %max3A_3087, %get3A_3160 : vector<16xf32>
        %add3A_3162 = arith.constant 0 : i32
        %add3A_3163 = arith.addi %add3A_3162, %scan3A_3143 : i32
        %get3A_3164 = arith.constant 0 : i32
        %get3A_3165 = arith.index_cast %get3A_3164 : i32 to index
        %get3A_3166 = arith.index_cast %add3A_3163 : i32 to index
        %get3A_3167 = arith.constant 32 : index
        %get3A_3168 = tpu.vector_load %arg6[%get3A_3165, %get3A_3166, %get3A_3167] {strides = array<i32>} : memref<2x128x128xf32, #tpu.memory_space<vmem>>, vector<1x1x16xf32>,
        %get3A_3169 = vector.shape_cast %get3A_3168 : vector<1x1x16xf32> to vector<16xf32>
        %max3A_3170 = arith.maximumf %max3A_3096, %get3A_3169 : vector<16xf32>
        %add3A_3171 = arith.constant 0 : i32
        %add3A_3172 = arith.addi %add3A_3171, %scan3A_3143 : i32
        %get3A_3173 = arith.constant 0 : i32
        %get3A_3174 = arith.index_cast %get3A_3173 : i32 to index
        %get3A_3175 = arith.index_cast %add3A_3172 : i32 to index
        %get3A_3176 = arith.constant 48 : index
        %get3A_3177 = tpu.vector_load %arg6[%get3A_3174, %get3A_3175, %get3A_3176] {strides = array<i32>} : memref<2x128x128xf32, #tpu.memory_space<vmem>>, vector<1x1x16xf32>,
        %get3A_3178 = vector.shape_cast %get3A_3177 : vector<1x1x16xf32> to vector<16xf32>
        %max3A_3179 = arith.maximumf %max3A_3105, %get3A_3178 : vector<16xf32>
        %add3A_3180 = arith.constant 0 : i32
        %add3A_3181 = arith.addi %add3A_3180, %scan3A_3143 : i32
        %get3A_3182 = arith.constant 0 : i32
        %get3A_3183 = arith.index_cast %get3A_3182 : i32 to index
        %get3A_3184 = arith.index_cast %add3A_3181 : i32 to index
        %get3A_3185 = arith.constant 64 : index
        %get3A_3186 = tpu.vector_load %arg6[%get3A_3183, %get3A_3184, %get3A_3185] {strides = array<i32>} : memref<2x128x128xf32, #tpu.memory_space<vmem>>, vector<1x1x16xf32>,
        %get3A_3187 = vector.shape_cast %get3A_3186 : vector<1x1x16xf32> to vector<16xf32>
        %max3A_3188 = arith.maximumf %max3A_3114, %get3A_3187 : vector<16xf32>
        %add3A_3189 = arith.constant 0 : i32
        %add3A_3190 = arith.addi %add3A_3189, %scan3A_3143 : i32
        %get3A_3191 = arith.constant 0 : i32
        %get3A_3192 = arith.index_cast %get3A_3191 : i32 to index
        %get3A_3193 = arith.index_cast %add3A_3190 : i32 to index
        %get3A_3194 = arith.constant 80 : index
        %get3A_3195 = tpu.vector_load %arg6[%get3A_3192, %get3A_3193, %get3A_3194] {strides = array<i32>} : memref<2x128x128xf32, #tpu.memory_space<vmem>>, vector<1x1x16xf32>,
        %get3A_3196 = vector.shape_cast %get3A_3195 : vector<1x1x16xf32> to vector<16xf32>
        %max3A_3197 = arith.maximumf %max3A_3123, %get3A_3196 : vector<16xf32>
        %add3A_3198 = arith.constant 0 : i32
        %add3A_3199 = arith.addi %add3A_3198, %scan3A_3143 : i32
        %get3A_3200 = arith.constant 0 : i32
        %get3A_3201 = arith.index_cast %get3A_3200 : i32 to index
        %get3A_3202 = arith.index_cast %add3A_3199 : i32 to index
        %get3A_3203 = arith.constant 96 : index
        %get3A_3204 = tpu.vector_load %arg6[%get3A_3201, %get3A_3202, %get3A_3203] {strides = array<i32>} : memref<2x128x128xf32, #tpu.memory_space<vmem>>, vector<1x1x16xf32>,
        %get3A_3205 = vector.shape_cast %get3A_3204 : vector<1x1x16xf32> to vector<16xf32>
        %max3A_3206 = arith.maximumf %max3A_3132, %get3A_3205 : vector<16xf32>
        %add3A_3207 = arith.constant 0 : i32
        %add3A_3208 = arith.addi %add3A_3207, %scan3A_3143 : i32
        %get3A_3209 = arith.constant 0 : i32
        %get3A_3210 = arith.index_cast %get3A_3209 : i32 to index
        %get3A_3211 = arith.index_cast %add3A_3208 : i32 to index
        %get3A_3212 = arith.constant 112 : index
        %get3A_3213 = tpu.vector_load %arg6[%get3A_3210, %get3A_3211, %get3A_3212] {strides = array<i32>} : memref<2x128x128xf32, #tpu.memory_space<vmem>>, vector<1x1x16xf32>,
        %get3A_3214 = vector.shape_cast %get3A_3213 : vector<1x1x16xf32> to vector<16xf32>
        %max3A_3215 = arith.maximumf %max3A_3141, %get3A_3214 : vector<16xf32>
        scf.yield %max3A_3152, %max3A_3161, %max3A_3170, %max3A_3179, %max3A_3188, %max3A_3197, %max3A_3206, %max3A_3215 : vector<16xf32>, vector<16xf32>, vector<16xf32>, vector<16xf32>, vector<16xf32>, vector<16xf32>, vector<16xf32>, vector<16xf32>
      }
      %scan3A_134 = arith.constant 28 : i32
      %scan3A_135 = arith.addi %scan3A_129, %scan3A_134 : i32
      %add3A_136 = arith.constant 0 : i32
      %add3A_137 = arith.addi %add3A_136, %scan3A_135 : i32
      %get3A_138 = arith.constant 0 : i32
      %get3A_139 = arith.index_cast %get3A_138 : i32 to index
      %get3A_140 = arith.index_cast %add3A_137 : i32 to index
      %get3A_141 = arith.constant 0 : index
      %get3A_142 = tpu.vector_load %arg6[%get3A_139, %get3A_140, %get3A_141] {strides = array<i32>} : memref<2x128x128xf32, #tpu.memory_space<vmem>>, vector<1x1x16xf32>,
      %get3A_143 = vector.shape_cast %get3A_142 : vector<1x1x16xf32> to vector<16xf32>
      %max3A = arith.maximumf %scan3A_133#0, %get3A_143 : vector<16xf32>
      %add3A_144 = arith.constant 0 : i32
      %add3A_145 = arith.addi %add3A_144, %scan3A_135 : i32
      %get3A_146 = arith.constant 0 : i32
      %get3A_147 = arith.index_cast %get3A_146 : i32 to index
      %get3A_148 = arith.index_cast %add3A_145 : i32 to index
      %get3A_149 = arith.constant 16 : index
      %get3A_150 = tpu.vector_load %arg6[%get3A_147, %get3A_148, %get3A_149] {strides = array<i32>} : memref<2x128x128xf32, #tpu.memory_space<vmem>>, vector<1x1x16xf32>,
      %get3A_151 = vector.shape_cast %get3A_150 : vector<1x1x16xf32> to vector<16xf32>
      %max3A_152 = arith.maximumf %scan3A_133#1, %get3A_151 : vector<16xf32>
      %add3A_153 = arith.constant 0 : i32
      %add3A_154 = arith.addi %add3A_153, %scan3A_135 : i32
      %get3A_155 = arith.constant 0 : i32
      %get3A_156 = arith.index_cast %get3A_155 : i32 to index
      %get3A_157 = arith.index_cast %add3A_154 : i32 to index
      %get3A_158 = arith.constant 32 : index
      %get3A_159 = tpu.vector_load %arg6[%get3A_156, %get3A_157, %get3A_158] {strides = array<i32>} : memref<2x128x128xf32, #tpu.memory_space<vmem>>, vector<1x1x16xf32>,
      %get3A_160 = vector.shape_cast %get3A_159 : vector<1x1x16xf32> to vector<16xf32>
      %max3A_161 = arith.maximumf %scan3A_133#2, %get3A_160 : vector<16xf32>
      %add3A_162 = arith.constant 0 : i32
      %add3A_163 = arith.addi %add3A_162, %scan3A_135 : i32
      %get3A_164 = arith.constant 0 : i32
      %get3A_165 = arith.index_cast %get3A_164 : i32 to index
      %get3A_166 = arith.index_cast %add3A_163 : i32 to index
      %get3A_167 = arith.constant 48 : index
      %get3A_168 = tpu.vector_load %arg6[%get3A_165, %get3A_166, %get3A_167] {strides = array<i32>} : memref<2x128x128xf32, #tpu.memory_space<vmem>>, vector<1x1x16xf32>,
      %get3A_169 = vector.shape_cast %get3A_168 : vector<1x1x16xf32> to vector<16xf32>
      %max3A_170 = arith.maximumf %scan3A_133#3, %get3A_169 : vector<16xf32>
      %add3A_171 = arith.constant 0 : i32
      %add3A_172 = arith.addi %add3A_171, %scan3A_135 : i32
      %get3A_173 = arith.constant 0 : i32
      %get3A_174 = arith.index_cast %get3A_173 : i32 to index
      %get3A_175 = arith.index_cast %add3A_172 : i32 to index
      %get3A_176 = arith.constant 64 : index
      %get3A_177 = tpu.vector_load %arg6[%get3A_174, %get3A_175, %get3A_176] {strides = array<i32>} : memref<2x128x128xf32, #tpu.memory_space<vmem>>, vector<1x1x16xf32>,
      %get3A_178 = vector.shape_cast %get3A_177 : vector<1x1x16xf32> to vector<16xf32>
      %max3A_179 = arith.maximumf %scan3A_133#4, %get3A_178 : vector<16xf32>
      %add3A_180 = arith.constant 0 : i32
      %add3A_181 = arith.addi %add3A_180, %scan3A_135 : i32
      %get3A_182 = arith.constant 0 : i32
      %get3A_183 = arith.index_cast %get3A_182 : i32 to index
      %get3A_184 = arith.index_cast %add3A_181 : i32 to index
      %get3A_185 = arith.constant 80 : index
      %get3A_186 = tpu.vector_load %arg6[%get3A_183, %get3A_184, %get3A_185] {strides = array<i32>} : memref<2x128x128xf32, #tpu.memory_space<vmem>>, vector<1x1x16xf32>,
      %get3A_187 = vector.shape_cast %get3A_186 : vector<1x1x16xf32> to vector<16xf32>
      %max3A_188 = arith.maximumf %scan3A_133#5, %get3A_187 : vector<16xf32>
      %add3A_189 = arith.constant 0 : i32
      %add3A_190 = arith.addi %add3A_189, %scan3A_135 : i32
      %get3A_191 = arith.constant 0 : i32
      %get3A_192 = arith.index_cast %get3A_191 : i32 to index
      %get3A_193 = arith.index_cast %add3A_190 : i32 to index
      %get3A_194 = arith.constant 96 : index
      %get3A_195 = tpu.vector_load %arg6[%get3A_192, %get3A_193, %get3A_194] {strides = array<i32>} : memref<2x128x128xf32, #tpu.memory_space<vmem>>, vector<1x1x16xf32>,
      %get3A_196 = vector.shape_cast %get3A_195 : vector<1x1x16xf32> to vector<16xf32>
      %max3A_197 = arith.maximumf %scan3A_133#6, %get3A_196 : vector<16xf32>
      %add3A_198 = arith.constant 0 : i32
      %add3A_199 = arith.addi %add3A_198, %scan3A_135 : i32
      %get3A_200 = arith.constant 0 : i32
      %get3A_201 = arith.index_cast %get3A_200 : i32 to index
      %get3A_202 = arith.index_cast %add3A_199 : i32 to index
      %get3A_203 = arith.constant 112 : index
      %get3A_204 = tpu.vector_load %arg6[%get3A_201, %get3A_202, %get3A_203] {strides = array<i32>} : memref<2x128x128xf32, #tpu.memory_space<vmem>>, vector<1x1x16xf32>,
      %get3A_205 = vector.shape_cast %get3A_204 : vector<1x1x16xf32> to vector<16xf32>
      %max3A_206 = arith.maximumf %scan3A_133#7, %get3A_205 : vector<16xf32>
      %scan3A_207 = arith.constant 29 : i32
      %scan3A_208 = arith.addi %scan3A_129, %scan3A_207 : i32
      %add3A_209 = arith.constant 0 : i32
      %add3A_210 = arith.addi %add3A_209, %scan3A_208 : i32
      %get3A_211 = arith.constant 0 : i32
      %get3A_212 = arith.index_cast %get3A_211 : i32 to index
      %get3A_213 = arith.index_cast %add3A_210 : i32 to index
      %get3A_214 = arith.constant 0 : index
      %get3A_215 = tpu.vector_load %arg6[%get3A_212, %get3A_213, %get3A_214] {strides = array<i32>} : memref<2x128x128xf32, #tpu.memory_space<vmem>>, vector<1x1x16xf32>,
      %get3A_216 = vector.shape_cast %get3A_215 : vector<1x1x16xf32> to vector<16xf32>
      %max3A_217 = arith.maximumf %max3A, %get3A_216 : vector<16xf32>
      %add3A_218 = arith.constant 0 : i32
      %add3A_219 = arith.addi %add3A_218, %scan3A_208 : i32
      %get3A_220 = arith.constant 0 : i32
      %get3A_221 = arith.index_cast %get3A_220 : i32 to index
      %get3A_222 = arith.index_cast %add3A_219 : i32 to index
      %get3A_223 = arith.constant 16 : index
      %get3A_224 = tpu.vector_load %arg6[%get3A_221, %get3A_222, %get3A_223] {strides = array<i32>} : memref<2x128x128xf32, #tpu.memory_space<vmem>>, vector<1x1x16xf32>,
      %get3A_225 = vector.shape_cast %get3A_224 : vector<1x1x16xf32> to vector<16xf32>
      %max3A_226 = arith.maximumf %max3A_152, %get3A_225 : vector<16xf32>
      %add3A_227 = arith.constant 0 : i32
      %add3A_228 = arith.addi %add3A_227, %scan3A_208 : i32
      %get3A_229 = arith.constant 0 : i32
      %get3A_230 = arith.index_cast %get3A_229 : i32 to index
      %get3A_231 = arith.index_cast %add3A_228 : i32 to index
      %get3A_232 = arith.constant 32 : index
      %get3A_233 = tpu.vector_load %arg6[%get3A_230, %get3A_231, %get3A_232] {strides = array<i32>} : memref<2x128x128xf32, #tpu.memory_space<vmem>>, vector<1x1x16xf32>,
      %get3A_234 = vector.shape_cast %get3A_233 : vector<1x1x16xf32> to vector<16xf32>
      %max3A_235 = arith.maximumf %max3A_161, %get3A_234 : vector<16xf32>
      %add3A_236 = arith.constant 0 : i32
      %add3A_237 = arith.addi %add3A_236, %scan3A_208 : i32
      %get3A_238 = arith.constant 0 : i32
      %get3A_239 = arith.index_cast %get3A_238 : i32 to index
      %get3A_240 = arith.index_cast %add3A_237 : i32 to index
      %get3A_241 = arith.constant 48 : index
      %get3A_242 = tpu.vector_load %arg6[%get3A_239, %get3A_240, %get3A_241] {strides = array<i32>} : memref<2x128x128xf32, #tpu.memory_space<vmem>>, vector<1x1x16xf32>,
      %get3A_243 = vector.shape_cast %get3A_242 : vector<1x1x16xf32> to vector<16xf32>
      %max3A_244 = arith.maximumf %max3A_170, %get3A_243 : vector<16xf32>
      %add3A_245 = arith.constant 0 : i32
      %add3A_246 = arith.addi %add3A_245, %scan3A_208 : i32
      %get3A_247 = arith.constant 0 : i32
      %get3A_248 = arith.index_cast %get3A_247 : i32 to index
      %get3A_249 = arith.index_cast %add3A_246 : i32 to index
      %get3A_250 = arith.constant 64 : index
      %get3A_251 = tpu.vector_load %arg6[%get3A_248, %get3A_249, %get3A_250] {strides = array<i32>} : memref<2x128x128xf32, #tpu.memory_space<vmem>>, vector<1x1x16xf32>,
      %get3A_252 = vector.shape_cast %get3A_251 : vector<1x1x16xf32> to vector<16xf32>
      %max3A_253 = arith.maximumf %max3A_179, %get3A_252 : vector<16xf32>
      %add3A_254 = arith.constant 0 : i32
      %add3A_255 = arith.addi %add3A_254, %scan3A_208 : i32
      %get3A_256 = arith.constant 0 : i32
      %get3A_257 = arith.index_cast %get3A_256 : i32 to index
      %get3A_258 = arith.index_cast %add3A_255 : i32 to index
      %get3A_259 = arith.constant 80 : index
      %get3A_260 = tpu.vector_load %arg6[%get3A_257, %get3A_258, %get3A_259] {strides = array<i32>} : memref<2x128x128xf32, #tpu.memory_space<vmem>>, vector<1x1x16xf32>,
      %get3A_261 = vector.shape_cast %get3A_260 : vector<1x1x16xf32> to vector<16xf32>
      %max3A_262 = arith.maximumf %max3A_188, %get3A_261 : vector<16xf32>
      %add3A_263 = arith.constant 0 : i32
      %add3A_264 = arith.addi %add3A_263, %scan3A_208 : i32
      %get3A_265 = arith.constant 0 : i32
      %get3A_266 = arith.index_cast %get3A_265 : i32 to index
      %get3A_267 = arith.index_cast %add3A_264 : i32 to index
      %get3A_268 = arith.constant 96 : index
      %get3A_269 = tpu.vector_load %arg6[%get3A_266, %get3A_267, %get3A_268] {strides = array<i32>} : memref<2x128x128xf32, #tpu.memory_space<vmem>>, vector<1x1x16xf32>,
      %get3A_270 = vector.shape_cast %get3A_269 : vector<1x1x16xf32> to vector<16xf32>
      %max3A_271 = arith.maximumf %max3A_197, %get3A_270 : vector<16xf32>
      %add3A_272 = arith.constant 0 : i32
      %add3A_273 = arith.addi %add3A_272, %scan3A_208 : i32
      %get3A_274 = arith.constant 0 : i32
      %get3A_275 = arith.index_cast %get3A_274 : i32 to index
      %get3A_276 = arith.index_cast %add3A_273 : i32 to index
      %get3A_277 = arith.constant 112 : index
      %get3A_278 = tpu.vector_load %arg6[%get3A_275, %get3A_276, %get3A_277] {strides = array<i32>} : memref<2x128x128xf32, #tpu.memory_space<vmem>>, vector<1x1x16xf32>,
      %get3A_279 = vector.shape_cast %get3A_278 : vector<1x1x16xf32> to vector<16xf32>
      %max3A_280 = arith.maximumf %max3A_206, %get3A_279 : vector<16xf32>
      %scan3A_281 = arith.constant 30 : i32
      %scan3A_282 = arith.addi %scan3A_129, %scan3A_281 : i32
      %add3A_283 = arith.constant 0 : i32
      %add3A_284 = arith.addi %add3A_283, %scan3A_282 : i32
      %get3A_285 = arith.constant 0 : i32
      %get3A_286 = arith.index_cast %get3A_285 : i32 to index
      %get3A_287 = arith.index_cast %add3A_284 : i32 to index
      %get3A_288 = arith.constant 0 : index
      %get3A_289 = tpu.vector_load %arg6[%get3A_286, %get3A_287, %get3A_288] {strides = array<i32>} : memref<2x128x128xf32, #tpu.memory_space<vmem>>, vector<1x1x16xf32>,
      %get3A_290 = vector.shape_cast %get3A_289 : vector<1x1x16xf32> to vector<16xf32>
      %max3A_291 = arith.maximumf %max3A_217, %get3A_290 : vector<16xf32>
      %add3A_292 = arith.constant 0 : i32
      %add3A_293 = arith.addi %add3A_292, %scan3A_282 : i32
      %get3A_294 = arith.constant 0 : i32
      %get3A_295 = arith.index_cast %get3A_294 : i32 to index
      %get3A_296 = arith.index_cast %add3A_293 : i32 to index
      %get3A_297 = arith.constant 16 : index
      %get3A_298 = tpu.vector_load %arg6[%get3A_295, %get3A_296, %get3A_297] {strides = array<i32>} : memref<2x128x128xf32, #tpu.memory_space<vmem>>, vector<1x1x16xf32>,
      %get3A_299 = vector.shape_cast %get3A_298 : vector<1x1x16xf32> to vector<16xf32>
      %max3A_300 = arith.maximumf %max3A_226, %get3A_299 : vector<16xf32>
      %add3A_301 = arith.constant 0 : i32
      %add3A_302 = arith.addi %add3A_301, %scan3A_282 : i32
      %get3A_303 = arith.constant 0 : i32
      %get3A_304 = arith.index_cast %get3A_303 : i32 to index
      %get3A_305 = arith.index_cast %add3A_302 : i32 to index
      %get3A_306 = arith.constant 32 : index
      %get3A_307 = tpu.vector_load %arg6[%get3A_304, %get3A_305, %get3A_306] {strides = array<i32>} : memref<2x128x128xf32, #tpu.memory_space<vmem>>, vector<1x1x16xf32>,
      %get3A_308 = vector.shape_cast %get3A_307 : vector<1x1x16xf32> to vector<16xf32>
      %max3A_309 = arith.maximumf %max3A_235, %get3A_308 : vector<16xf32>
      %add3A_310 = arith.constant 0 : i32
      %add3A_311 = arith.addi %add3A_310, %scan3A_282 : i32
      %get3A_312 = arith.constant 0 : i32
      %get3A_313 = arith.index_cast %get3A_312 : i32 to index
      %get3A_314 = arith.index_cast %add3A_311 : i32 to index
      %get3A_315 = arith.constant 48 : index
      %get3A_316 = tpu.vector_load %arg6[%get3A_313, %get3A_314, %get3A_315] {strides = array<i32>} : memref<2x128x128xf32, #tpu.memory_space<vmem>>, vector<1x1x16xf32>,
      %get3A_317 = vector.shape_cast %get3A_316 : vector<1x1x16xf32> to vector<16xf32>
      %max3A_318 = arith.maximumf %max3A_244, %get3A_317 : vector<16xf32>
      %add3A_319 = arith.constant 0 : i32
      %add3A_320 = arith.addi %add3A_319, %scan3A_282 : i32
      %get3A_321 = arith.constant 0 : i32
      %get3A_322 = arith.index_cast %get3A_321 : i32 to index
      %get3A_323 = arith.index_cast %add3A_320 : i32 to index
      %get3A_324 = arith.constant 64 : index
      %get3A_325 = tpu.vector_load %arg6[%get3A_322, %get3A_323, %get3A_324] {strides = array<i32>} : memref<2x128x128xf32, #tpu.memory_space<vmem>>, vector<1x1x16xf32>,
      %get3A_326 = vector.shape_cast %get3A_325 : vector<1x1x16xf32> to vector<16xf32>
      %max3A_327 = arith.maximumf %max3A_253, %get3A_326 : vector<16xf32>
      %add3A_328 = arith.constant 0 : i32
      %add3A_329 = arith.addi %add3A_328, %scan3A_282 : i32
      %get3A_330 = arith.constant 0 : i32
      %get3A_331 = arith.index_cast %get3A_330 : i32 to index
      %get3A_332 = arith.index_cast %add3A_329 : i32 to index
      %get3A_333 = arith.constant 80 : index
      %get3A_334 = tpu.vector_load %arg6[%get3A_331, %get3A_332, %get3A_333] {strides = array<i32>} : memref<2x128x128xf32, #tpu.memory_space<vmem>>, vector<1x1x16xf32>,
      %get3A_335 = vector.shape_cast %get3A_334 : vector<1x1x16xf32> to vector<16xf32>
      %max3A_336 = arith.maximumf %max3A_262, %get3A_335 : vector<16xf32>
      %add3A_337 = arith.constant 0 : i32
      %add3A_338 = arith.addi %add3A_337, %scan3A_282 : i32
      %get3A_339 = arith.constant 0 : i32
      %get3A_340 = arith.index_cast %get3A_339 : i32 to index
      %get3A_341 = arith.index_cast %add3A_338 : i32 to index
      %get3A_342 = arith.constant 96 : index
      %get3A_343 = tpu.vector_load %arg6[%get3A_340, %get3A_341, %get3A_342] {strides = array<i32>} : memref<2x128x128xf32, #tpu.memory_space<vmem>>, vector<1x1x16xf32>,
      %get3A_344 = vector.shape_cast %get3A_343 : vector<1x1x16xf32> to vector<16xf32>
      %max3A_345 = arith.maximumf %max3A_271, %get3A_344 : vector<16xf32>
      %add3A_346 = arith.constant 0 : i32
      %add3A_347 = arith.addi %add3A_346, %scan3A_282 : i32
      %get3A_348 = arith.constant 0 : i32
      %get3A_349 = arith.index_cast %get3A_348 : i32 to index
      %get3A_350 = arith.index_cast %add3A_347 : i32 to index
      %get3A_351 = arith.constant 112 : index
      %get3A_352 = tpu.vector_load %arg6[%get3A_349, %get3A_350, %get3A_351] {strides = array<i32>} : memref<2x128x128xf32, #tpu.memory_space<vmem>>, vector<1x1x16xf32>,
      %get3A_353 = vector.shape_cast %get3A_352 : vector<1x1x16xf32> to vector<16xf32>
      %max3A_354 = arith.maximumf %max3A_280, %get3A_353 : vector<16xf32>
      %scan3A_355 = arith.constant 31 : i32
      %swap3A = arith.constant 0 : i32
      %swap3A_356 = arith.constant 0 : i32
      %swap3A_357 = arith.index_cast %swap3A : i32 to index
      %swap3A_358 = arith.index_cast %swap3A_356 : i32 to index
      %swap3A_359 = arith.constant 0 : index
      %swap3A_360 = tpu.vector_load %arg7[%swap3A_357, %swap3A_358, %swap3A_359] {strides = array<i32>} : memref<2x4x128xf32, #tpu.memory_space<vmem>>, vector<1x1x16xf32>,
      %swap3A_361 = vector.shape_cast %swap3A_360 : vector<1x1x16xf32> to vector<16xf32>
      %swap3A_362 = vector.shape_cast %max3A_291 : vector<16xf32> to vector<1x1x16xf32>
      tpu.vector_store %arg7[%swap3A_357, %swap3A_358, %swap3A_359], %swap3A_362 {strides = array<i32>} : memref<2x4x128xf32, #tpu.memory_space<vmem>>, vector<1x1x16xf32>,
      %swap3A_363 = arith.constant 0 : i32
      %swap3A_364 = arith.constant 0 : i32
      %swap3A_365 = arith.index_cast %swap3A_363 : i32 to index
      %swap3A_366 = arith.index_cast %swap3A_364 : i32 to index
      %swap3A_367 = arith.constant 16 : index
      %swap3A_368 = tpu.vector_load %arg7[%swap3A_365, %swap3A_366, %swap3A_367] {strides = array<i32>} : memref<2x4x128xf32, #tpu.memory_space<vmem>>, vector<1x1x16xf32>,
      %swap3A_369 = vector.shape_cast %swap3A_368 : vector<1x1x16xf32> to vector<16xf32>
      %swap3A_370 = vector.shape_cast %max3A_300 : vector<16xf32> to vector<1x1x16xf32>
      tpu.vector_store %arg7[%swap3A_365, %swap3A_366, %swap3A_367], %swap3A_370 {strides = array<i32>} : memref<2x4x128xf32, #tpu.memory_space<vmem>>, vector<1x1x16xf32>,
      %swap3A_371 = arith.constant 0 : i32
      %swap3A_372 = arith.constant 0 : i32
      %swap3A_373 = arith.index_cast %swap3A_371 : i32 to index
      %swap3A_374 = arith.index_cast %swap3A_372 : i32 to index
      %swap3A_375 = arith.constant 32 : index
      %swap3A_376 = tpu.vector_load %arg7[%swap3A_373, %swap3A_374, %swap3A_375] {strides = array<i32>} : memref<2x4x128xf32, #tpu.memory_space<vmem>>, vector<1x1x16xf32>,
      %swap3A_377 = vector.shape_cast %swap3A_376 : vector<1x1x16xf32> to vector<16xf32>
      %swap3A_378 = vector.shape_cast %max3A_309 : vector<16xf32> to vector<1x1x16xf32>
      tpu.vector_store %arg7[%swap3A_373, %swap3A_374, %swap3A_375], %swap3A_378 {strides = array<i32>} : memref<2x4x128xf32, #tpu.memory_space<vmem>>, vector<1x1x16xf32>,
      %swap3A_379 = arith.constant 0 : i32
      %swap3A_380 = arith.constant 0 : i32
      %swap3A_381 = arith.index_cast %swap3A_379 : i32 to index
      %swap3A_382 = arith.index_cast %swap3A_380 : i32 to index
      %swap3A_383 = arith.constant 48 : index
      %swap3A_384 = tpu.vector_load %arg7[%swap3A_381, %swap3A_382, %swap3A_383] {strides = array<i32>} : memref<2x4x128xf32, #tpu.memory_space<vmem>>, vector<1x1x16xf32>,
      %swap3A_385 = vector.shape_cast %swap3A_384 : vector<1x1x16xf32> to vector<16xf32>
      %swap3A_386 = vector.shape_cast %max3A_318 : vector<16xf32> to vector<1x1x16xf32>
      tpu.vector_store %arg7[%swap3A_381, %swap3A_382, %swap3A_383], %swap3A_386 {strides = array<i32>} : memref<2x4x128xf32, #tpu.memory_space<vmem>>, vector<1x1x16xf32>,
      %swap3A_387 = arith.constant 0 : i32
      %swap3A_388 = arith.constant 0 : i32
      %swap3A_389 = arith.index_cast %swap3A_387 : i32 to index
      %swap3A_390 = arith.index_cast %swap3A_388 : i32 to index
      %swap3A_391 = arith.constant 64 : index
      %swap3A_392 = tpu.vector_load %arg7[%swap3A_389, %swap3A_390, %swap3A_391] {strides = array<i32>} : memref<2x4x128xf32, #tpu.memory_space<vmem>>, vector<1x1x16xf32>,
      %swap3A_393 = vector.shape_cast %swap3A_392 : vector<1x1x16xf32> to vector<16xf32>
      %swap3A_394 = vector.shape_cast %max3A_327 : vector<16xf32> to vector<1x1x16xf32>
      tpu.vector_store %arg7[%swap3A_389, %swap3A_390, %swap3A_391], %swap3A_394 {strides = array<i32>} : memref<2x4x128xf32, #tpu.memory_space<vmem>>, vector<1x1x16xf32>,
      %swap3A_395 = arith.constant 0 : i32
      %swap3A_396 = arith.constant 0 : i32
      %swap3A_397 = arith.index_cast %swap3A_395 : i32 to index
      %swap3A_398 = arith.index_cast %swap3A_396 : i32 to index
      %swap3A_399 = arith.constant 80 : index
      %swap3A_400 = tpu.vector_load %arg7[%swap3A_397, %swap3A_398, %swap3A_399] {strides = array<i32>} : memref<2x4x128xf32, #tpu.memory_space<vmem>>, vector<1x1x16xf32>,
      %swap3A_401 = vector.shape_cast %swap3A_400 : vector<1x1x16xf32> to vector<16xf32>
      %swap3A_402 = vector.shape_cast %max3A_336 : vector<16xf32> to vector<1x1x16xf32>
      tpu.vector_store %arg7[%swap3A_397, %swap3A_398, %swap3A_399], %swap3A_402 {strides = array<i32>} : memref<2x4x128xf32, #tpu.memory_space<vmem>>, vector<1x1x16xf32>,
      %swap3A_403 = arith.constant 0 : i32
      %swap3A_404 = arith.constant 0 : i32
      %swap3A_405 = arith.index_cast %swap3A_403 : i32 to index
      %swap3A_406 = arith.index_cast %swap3A_404 : i32 to index
      %swap3A_407 = arith.constant 96 : index
      %swap3A_408 = tpu.vector_load %arg7[%swap3A_405, %swap3A_406, %swap3A_407] {strides = array<i32>} : memref<2x4x128xf32, #tpu.memory_space<vmem>>, vector<1x1x16xf32>,
      %swap3A_409 = vector.shape_cast %swap3A_408 : vector<1x1x16xf32> to vector<16xf32>
      %swap3A_410 = vector.shape_cast %max3A_345 : vector<16xf32> to vector<1x1x16xf32>
      tpu.vector_store %arg7[%swap3A_405, %swap3A_406, %swap3A_407], %swap3A_410 {strides = array<i32>} : memref<2x4x128xf32, #tpu.memory_space<vmem>>, vector<1x1x16xf32>,
      %swap3A_411 = arith.constant 0 : i32
      %swap3A_412 = arith.constant 0 : i32
      %swap3A_413 = arith.index_cast %swap3A_411 : i32 to index
      %swap3A_414 = arith.index_cast %swap3A_412 : i32 to index
      %swap3A_415 = arith.constant 112 : index
      %swap3A_416 = tpu.vector_load %arg7[%swap3A_413, %swap3A_414, %swap3A_415] {strides = array<i32>} : memref<2x4x128xf32, #tpu.memory_space<vmem>>, vector<1x1x16xf32>,
      %swap3A_417 = vector.shape_cast %swap3A_416 : vector<1x1x16xf32> to vector<16xf32>
      %swap3A_418 = vector.shape_cast %max3A_354 : vector<16xf32> to vector<1x1x16xf32>
      tpu.vector_store %arg7[%swap3A_413, %swap3A_414, %swap3A_415], %swap3A_418 {strides = array<i32>} : memref<2x4x128xf32, #tpu.memory_space<vmem>>, vector<1x1x16xf32>,
      %get3A_419 = arith.constant 0 : i32
      %get3A_420 = arith.constant 32 : i32
      %get3A_421 = arith.index_cast %get3A_419 : i32 to index
      %get3A_422 = arith.index_cast %get3A_420 : i32 to index
      %get3A_423 = arith.constant 0 : index
      %get3A_424 = tpu.vector_load %arg6[%get3A_421, %get3A_422, %get3A_423] {strides = array<i32>} : memref<2x128x128xf32, #tpu.memory_space<vmem>>, vector<1x1x16xf32>,
      %get3A_425 = vector.shape_cast %get3A_424 : vector<1x1x16xf32> to vector<16xf32>
      %get3A_426 = arith.constant 0 : i32
      %get3A_427 = arith.constant 32 : i32
      %get3A_428 = arith.index_cast %get3A_426 : i32 to index
      %get3A_429 = arith.index_cast %get3A_427 : i32 to index
      %get3A_430 = arith.constant 16 : index
      %get3A_431 = tpu.vector_load %arg6[%get3A_428, %get3A_429, %get3A_430] {strides = array<i32>} : memref<2x128x128xf32, #tpu.memory_space<vmem>>, vector<1x1x16xf32>,
      %get3A_432 = vector.shape_cast %get3A_431 : vector<1x1x16xf32> to vector<16xf32>
      %get3A_433 = arith.constant 0 : i32
      %get3A_434 = arith.constant 32 : i32
      %get3A_435 = arith.index_cast %get3A_433 : i32 to index
      %get3A_436 = arith.index_cast %get3A_434 : i32 to index
      %get3A_437 = arith.constant 32 : index
      %get3A_438 = tpu.vector_load %arg6[%get3A_435, %get3A_436, %get3A_437] {strides = array<i32>} : memref<2x128x128xf32, #tpu.memory_space<vmem>>, vector<1x1x16xf32>,
      %get3A_439 = vector.shape_cast %get3A_438 : vector<1x1x16xf32> to vector<16xf32>
      %get3A_440 = arith.constant 0 : i32
      %get3A_441 = arith.constant 32 : i32
      %get3A_442 = arith.index_cast %get3A_440 : i32 to index
      %get3A_443 = arith.index_cast %get3A_441 : i32 to index
      %get3A_444 = arith.constant 48 : index
      %get3A_445 = tpu.vector_load %arg6[%get3A_442, %get3A_443, %get3A_444] {strides = array<i32>} : memref<2x128x128xf32, #tpu.memory_space<vmem>>, vector<1x1x16xf32>,
      %get3A_446 = vector.shape_cast %get3A_445 : vector<1x1x16xf32> to vector<16xf32>
      %get3A_447 = arith.constant 0 : i32
      %get3A_448 = arith.constant 32 : i32
      %get3A_449 = arith.index_cast %get3A_447 : i32 to index
      %get3A_450 = arith.index_cast %get3A_448 : i32 to index
      %get3A_451 = arith.constant 64 : index
      %get3A_452 = tpu.vector_load %arg6[%get3A_449, %get3A_450, %get3A_451] {strides = array<i32>} : memref<2x128x128xf32, #tpu.memory_space<vmem>>, vector<1x1x16xf32>,
      %get3A_453 = vector.shape_cast %get3A_452 : vector<1x1x16xf32> to vector<16xf32>
      %get3A_454 = arith.constant 0 : i32
      %get3A_455 = arith.constant 32 : i32
      %get3A_456 = arith.index_cast %get3A_454 : i32 to index
      %get3A_457 = arith.index_cast %get3A_455 : i32 to index
      %get3A_458 = arith.constant 80 : index
      %get3A_459 = tpu.vector_load %arg6[%get3A_456, %get3A_457, %get3A_458] {strides = array<i32>} : memref<2x128x128xf32, #tpu.memory_space<vmem>>, vector<1x1x16xf32>,
      %get3A_460 = vector.shape_cast %get3A_459 : vector<1x1x16xf32> to vector<16xf32>
      %get3A_461 = arith.constant 0 : i32
      %get3A_462 = arith.constant 32 : i32
      %get3A_463 = arith.index_cast %get3A_461 : i32 to index
      %get3A_464 = arith.index_cast %get3A_462 : i32 to index
      %get3A_465 = arith.constant 96 : index
      %get3A_466 = tpu.vector_load %arg6[%get3A_463, %get3A_464, %get3A_465] {strides = array<i32>} : memref<2x128x128xf32, #tpu.memory_space<vmem>>, vector<1x1x16xf32>,
      %get3A_467 = vector.shape_cast %get3A_466 : vector<1x1x16xf32> to vector<16xf32>
      %get3A_468 = arith.constant 0 : i32
      %get3A_469 = arith.constant 32 : i32
      %get3A_470 = arith.index_cast %get3A_468 : i32 to index
      %get3A_471 = arith.index_cast %get3A_469 : i32 to index
      %get3A_472 = arith.constant 112 : index
      %get3A_473 = tpu.vector_load %arg6[%get3A_470, %get3A_471, %get3A_472] {strides = array<i32>} : memref<2x128x128xf32, #tpu.memory_space<vmem>>, vector<1x1x16xf32>,
      %get3A_474 = vector.shape_cast %get3A_473 : vector<1x1x16xf32> to vector<16xf32>
      %scan3A_475 = arith.constant 1 : i32
      %scan3A_476 = arith.constant 28 : i32
      %scan3A_477 = arith.addi %scan3A_475, %scan3A_476 : i32
      %scan3A_478 = arith.constant 4 : i32
      %scan3A_479:8 = scf.for %scan3A_2913 = %scan3A_475 to %scan3A_477 step %scan3A_478 iter_args(%scan3A_2914 = %get3A_425, %scan3A_2915 = %get3A_432, %scan3A_2916 = %get3A_439, %scan3A_2917 = %get3A_446, %scan3A_2918 = %get3A_453, %scan3A_2919 = %get3A_460, %scan3A_2920 = %get3A_467, %scan3A_2921 = %get3A_474) -> (vector<16xf32>, vector<16xf32>, vector<16xf32>, vector<16xf32>, vector<16xf32>, vector<16xf32>, vector<16xf32>, vector<16xf32>)  : i32 {
        %add3A_2922 = arith.constant 32 : i32
        %add3A_2923 = arith.addi %add3A_2922, %scan3A_2913 : i32
        %get3A_2924 = arith.constant 0 : i32
        %get3A_2925 = arith.index_cast %get3A_2924 : i32 to index
        %get3A_2926 = arith.index_cast %add3A_2923 : i32 to index
        %get3A_2927 = arith.constant 0 : index
        %get3A_2928 = tpu.vector_load %arg6[%get3A_2925, %get3A_2926, %get3A_2927] {strides = array<i32>} : memref<2x128x128xf32, #tpu.memory_space<vmem>>, vector<1x1x16xf32>,
        %get3A_2929 = vector.shape_cast %get3A_2928 : vector<1x1x16xf32> to vector<16xf32>
        %max3A_2930 = arith.maximumf %scan3A_2914, %get3A_2929 : vector<16xf32>
        %add3A_2931 = arith.constant 32 : i32
        %add3A_2932 = arith.addi %add3A_2931, %scan3A_2913 : i32
        %get3A_2933 = arith.constant 0 : i32
        %get3A_2934 = arith.index_cast %get3A_2933 : i32 to index
        %get3A_2935 = arith.index_cast %add3A_2932 : i32 to index
        %get3A_2936 = arith.constant 16 : index
        %get3A_2937 = tpu.vector_load %arg6[%get3A_2934, %get3A_2935, %get3A_2936] {strides = array<i32>} : memref<2x128x128xf32, #tpu.memory_space<vmem>>, vector<1x1x16xf32>,
        %get3A_2938 = vector.shape_cast %get3A_2937 : vector<1x1x16xf32> to vector<16xf32>
        %max3A_2939 = arith.maximumf %scan3A_2915, %get3A_2938 : vector<16xf32>
        %add3A_2940 = arith.constant 32 : i32
        %add3A_2941 = arith.addi %add3A_2940, %scan3A_2913 : i32
        %get3A_2942 = arith.constant 0 : i32
        %get3A_2943 = arith.index_cast %get3A_2942 : i32 to index
        %get3A_2944 = arith.index_cast %add3A_2941 : i32 to index
        %get3A_2945 = arith.constant 32 : index
        %get3A_2946 = tpu.vector_load %arg6[%get3A_2943, %get3A_2944, %get3A_2945] {strides = array<i32>} : memref<2x128x128xf32, #tpu.memory_space<vmem>>, vector<1x1x16xf32>,
        %get3A_2947 = vector.shape_cast %get3A_2946 : vector<1x1x16xf32> to vector<16xf32>
        %max3A_2948 = arith.maximumf %scan3A_2916, %get3A_2947 : vector<16xf32>
        %add3A_2949 = arith.constant 32 : i32
        %add3A_2950 = arith.addi %add3A_2949, %scan3A_2913 : i32
        %get3A_2951 = arith.constant 0 : i32
        %get3A_2952 = arith.index_cast %get3A_2951 : i32 to index
        %get3A_2953 = arith.index_cast %add3A_2950 : i32 to index
        %get3A_2954 = arith.constant 48 : index
        %get3A_2955 = tpu.vector_load %arg6[%get3A_2952, %get3A_2953, %get3A_2954] {strides = array<i32>} : memref<2x128x128xf32, #tpu.memory_space<vmem>>, vector<1x1x16xf32>,
        %get3A_2956 = vector.shape_cast %get3A_2955 : vector<1x1x16xf32> to vector<16xf32>
        %max3A_2957 = arith.maximumf %scan3A_2917, %get3A_2956 : vector<16xf32>
        %add3A_2958 = arith.constant 32 : i32
        %add3A_2959 = arith.addi %add3A_2958, %scan3A_2913 : i32
        %get3A_2960 = arith.constant 0 : i32
        %get3A_2961 = arith.index_cast %get3A_2960 : i32 to index
        %get3A_2962 = arith.index_cast %add3A_2959 : i32 to index
        %get3A_2963 = arith.constant 64 : index
        %get3A_2964 = tpu.vector_load %arg6[%get3A_2961, %get3A_2962, %get3A_2963] {strides = array<i32>} : memref<2x128x128xf32, #tpu.memory_space<vmem>>, vector<1x1x16xf32>,
        %get3A_2965 = vector.shape_cast %get3A_2964 : vector<1x1x16xf32> to vector<16xf32>
        %max3A_2966 = arith.maximumf %scan3A_2918, %get3A_2965 : vector<16xf32>
        %add3A_2967 = arith.constant 32 : i32
        %add3A_2968 = arith.addi %add3A_2967, %scan3A_2913 : i32
        %get3A_2969 = arith.constant 0 : i32
        %get3A_2970 = arith.index_cast %get3A_2969 : i32 to index
        %get3A_2971 = arith.index_cast %add3A_2968 : i32 to index
        %get3A_2972 = arith.constant 80 : index
        %get3A_2973 = tpu.vector_load %arg6[%get3A_2970, %get3A_2971, %get3A_2972] {strides = array<i32>} : memref<2x128x128xf32, #tpu.memory_space<vmem>>, vector<1x1x16xf32>,
        %get3A_2974 = vector.shape_cast %get3A_2973 : vector<1x1x16xf32> to vector<16xf32>
        %max3A_2975 = arith.maximumf %scan3A_2919, %get3A_2974 : vector<16xf32>
        %add3A_2976 = arith.constant 32 : i32
        %add3A_2977 = arith.addi %add3A_2976, %scan3A_2913 : i32
        %get3A_2978 = arith.constant 0 : i32
        %get3A_2979 = arith.index_cast %get3A_2978 : i32 to index
        %get3A_2980 = arith.index_cast %add3A_2977 : i32 to index
        %get3A_2981 = arith.constant 96 : index
        %get3A_2982 = tpu.vector_load %arg6[%get3A_2979, %get3A_2980, %get3A_2981] {strides = array<i32>} : memref<2x128x128xf32, #tpu.memory_space<vmem>>, vector<1x1x16xf32>,
        %get3A_2983 = vector.shape_cast %get3A_2982 : vector<1x1x16xf32> to vector<16xf32>
        %max3A_2984 = arith.maximumf %scan3A_2920, %get3A_2983 : vector<16xf32>
        %add3A_2985 = arith.constant 32 : i32
        %add3A_2986 = arith.addi %add3A_2985, %scan3A_2913 : i32
        %get3A_2987 = arith.constant 0 : i32
        %get3A_2988 = arith.index_cast %get3A_2987 : i32 to index
        %get3A_2989 = arith.index_cast %add3A_2986 : i32 to index
        %get3A_2990 = arith.constant 112 : index
        %get3A_2991 = tpu.vector_load %arg6[%get3A_2988, %get3A_2989, %get3A_2990] {strides = array<i32>} : memref<2x128x128xf32, #tpu.memory_space<vmem>>, vector<1x1x16xf32>,
        %get3A_2992 = vector.shape_cast %get3A_2991 : vector<1x1x16xf32> to vector<16xf32>
        %max3A_2993 = arith.maximumf %scan3A_2921, %get3A_2992 : vector<16xf32>
        %scan3A_2994 = arith.constant 1 : i32
        %scan3A_2995 = arith.addi %scan3A_2913, %scan3A_2994 : i32
        %add3A_2996 = arith.constant 32 : i32
        %add3A_2997 = arith.addi %add3A_2996, %scan3A_2995 : i32
        %get3A_2998 = arith.constant 0 : i32
        %get3A_2999 = arith.index_cast %get3A_2998 : i32 to index
        %get3A_3000 = arith.index_cast %add3A_2997 : i32 to index
        %get3A_3001 = arith.constant 0 : index
        %get3A_3002 = tpu.vector_load %arg6[%get3A_2999, %get3A_3000, %get3A_3001] {strides = array<i32>} : memref<2x128x128xf32, #tpu.memory_space<vmem>>, vector<1x1x16xf32>,
        %get3A_3003 = vector.shape_cast %get3A_3002 : vector<1x1x16xf32> to vector<16xf32>
        %max3A_3004 = arith.maximumf %max3A_2930, %get3A_3003 : vector<16xf32>
        %add3A_3005 = arith.constant 32 : i32
        %add3A_3006 = arith.addi %add3A_3005, %scan3A_2995 : i32
        %get3A_3007 = arith.constant 0 : i32
        %get3A_3008 = arith.index_cast %get3A_3007 : i32 to index
        %get3A_3009 = arith.index_cast %add3A_3006 : i32 to index
        %get3A_3010 = arith.constant 16 : index
        %get3A_3011 = tpu.vector_load %arg6[%get3A_3008, %get3A_3009, %get3A_3010] {strides = array<i32>} : memref<2x128x128xf32, #tpu.memory_space<vmem>>, vector<1x1x16xf32>,
        %get3A_3012 = vector.shape_cast %get3A_3011 : vector<1x1x16xf32> to vector<16xf32>
        %max3A_3013 = arith.maximumf %max3A_2939, %get3A_3012 : vector<16xf32>
        %add3A_3014 = arith.constant 32 : i32
        %add3A_3015 = arith.addi %add3A_3014, %scan3A_2995 : i32
        %get3A_3016 = arith.constant 0 : i32
        %get3A_3017 = arith.index_cast %get3A_3016 : i32 to index
        %get3A_3018 = arith.index_cast %add3A_3015 : i32 to index
        %get3A_3019 = arith.constant 32 : index
        %get3A_3020 = tpu.vector_load %arg6[%get3A_3017, %get3A_3018, %get3A_3019] {strides = array<i32>} : memref<2x128x128xf32, #tpu.memory_space<vmem>>, vector<1x1x16xf32>,
        %get3A_3021 = vector.shape_cast %get3A_3020 : vector<1x1x16xf32> to vector<16xf32>
        %max3A_3022 = arith.maximumf %max3A_2948, %get3A_3021 : vector<16xf32>
        %add3A_3023 = arith.constant 32 : i32
        %add3A_3024 = arith.addi %add3A_3023, %scan3A_2995 : i32
        %get3A_3025 = arith.constant 0 : i32
        %get3A_3026 = arith.index_cast %get3A_3025 : i32 to index
        %get3A_3027 = arith.index_cast %add3A_3024 : i32 to index
        %get3A_3028 = arith.constant 48 : index
        %get3A_3029 = tpu.vector_load %arg6[%get3A_3026, %get3A_3027, %get3A_3028] {strides = array<i32>} : memref<2x128x128xf32, #tpu.memory_space<vmem>>, vector<1x1x16xf32>,
        %get3A_3030 = vector.shape_cast %get3A_3029 : vector<1x1x16xf32> to vector<16xf32>
        %max3A_3031 = arith.maximumf %max3A_2957, %get3A_3030 : vector<16xf32>
        %add3A_3032 = arith.constant 32 : i32
        %add3A_3033 = arith.addi %add3A_3032, %scan3A_2995 : i32
        %get3A_3034 = arith.constant 0 : i32
        %get3A_3035 = arith.index_cast %get3A_3034 : i32 to index
        %get3A_3036 = arith.index_cast %add3A_3033 : i32 to index
        %get3A_3037 = arith.constant 64 : index
        %get3A_3038 = tpu.vector_load %arg6[%get3A_3035, %get3A_3036, %get3A_3037] {strides = array<i32>} : memref<2x128x128xf32, #tpu.memory_space<vmem>>, vector<1x1x16xf32>,
        %get3A_3039 = vector.shape_cast %get3A_3038 : vector<1x1x16xf32> to vector<16xf32>
        %max3A_3040 = arith.maximumf %max3A_2966, %get3A_3039 : vector<16xf32>
        %add3A_3041 = arith.constant 32 : i32
        %add3A_3042 = arith.addi %add3A_3041, %scan3A_2995 : i32
        %get3A_3043 = arith.constant 0 : i32
        %get3A_3044 = arith.index_cast %get3A_3043 : i32 to index
        %get3A_3045 = arith.index_cast %add3A_3042 : i32 to index
        %get3A_3046 = arith.constant 80 : index
        %get3A_3047 = tpu.vector_load %arg6[%get3A_3044, %get3A_3045, %get3A_3046] {strides = array<i32>} : memref<2x128x128xf32, #tpu.memory_space<vmem>>, vector<1x1x16xf32>,
        %get3A_3048 = vector.shape_cast %get3A_3047 : vector<1x1x16xf32> to vector<16xf32>
        %max3A_3049 = arith.maximumf %max3A_2975, %get3A_3048 : vector<16xf32>
        %add3A_3050 = arith.constant 32 : i32
        %add3A_3051 = arith.addi %add3A_3050, %scan3A_2995 : i32
        %get3A_3052 = arith.constant 0 : i32
        %get3A_3053 = arith.index_cast %get3A_3052 : i32 to index
        %get3A_3054 = arith.index_cast %add3A_3051 : i32 to index
        %get3A_3055 = arith.constant 96 : index
        %get3A_3056 = tpu.vector_load %arg6[%get3A_3053, %get3A_3054, %get3A_3055] {strides = array<i32>} : memref<2x128x128xf32, #tpu.memory_space<vmem>>, vector<1x1x16xf32>,
        %get3A_3057 = vector.shape_cast %get3A_3056 : vector<1x1x16xf32> to vector<16xf32>
        %max3A_3058 = arith.maximumf %max3A_2984, %get3A_3057 : vector<16xf32>
        %add3A_3059 = arith.constant 32 : i32
        %add3A_3060 = arith.addi %add3A_3059, %scan3A_2995 : i32
        %get3A_3061 = arith.constant 0 : i32
        %get3A_3062 = arith.index_cast %get3A_3061 : i32 to index
        %get3A_3063 = arith.index_cast %add3A_3060 : i32 to index
        %get3A_3064 = arith.constant 112 : index
        %get3A_3065 = tpu.vector_load %arg6[%get3A_3062, %get3A_3063, %get3A_3064] {strides = array<i32>} : memref<2x128x128xf32, #tpu.memory_space<vmem>>, vector<1x1x16xf32>,
        %get3A_3066 = vector.shape_cast %get3A_3065 : vector<1x1x16xf32> to vector<16xf32>
        %max3A_3067 = arith.maximumf %max3A_2993, %get3A_3066 : vector<16xf32>
        %scan3A_3068 = arith.constant 2 : i32
        %scan3A_3069 = arith.addi %scan3A_2913, %scan3A_3068 : i32
        %add3A_3070 = arith.constant 32 : i32
        %add3A_3071 = arith.addi %add3A_3070, %scan3A_3069 : i32
        %get3A_3072 = arith.constant 0 : i32
        %get3A_3073 = arith.index_cast %get3A_3072 : i32 to index
        %get3A_3074 = arith.index_cast %add3A_3071 : i32 to index
        %get3A_3075 = arith.constant 0 : index
        %get3A_3076 = tpu.vector_load %arg6[%get3A_3073, %get3A_3074, %get3A_3075] {strides = array<i32>} : memref<2x128x128xf32, #tpu.memory_space<vmem>>, vector<1x1x16xf32>,
        %get3A_3077 = vector.shape_cast %get3A_3076 : vector<1x1x16xf32> to vector<16xf32>
        %max3A_3078 = arith.maximumf %max3A_3004, %get3A_3077 : vector<16xf32>
        %add3A_3079 = arith.constant 32 : i32
        %add3A_3080 = arith.addi %add3A_3079, %scan3A_3069 : i32
        %get3A_3081 = arith.constant 0 : i32
        %get3A_3082 = arith.index_cast %get3A_3081 : i32 to index
        %get3A_3083 = arith.index_cast %add3A_3080 : i32 to index
        %get3A_3084 = arith.constant 16 : index
        %get3A_3085 = tpu.vector_load %arg6[%get3A_3082, %get3A_3083, %get3A_3084] {strides = array<i32>} : memref<2x128x128xf32, #tpu.memory_space<vmem>>, vector<1x1x16xf32>,
        %get3A_3086 = vector.shape_cast %get3A_3085 : vector<1x1x16xf32> to vector<16xf32>
        %max3A_3087 = arith.maximumf %max3A_3013, %get3A_3086 : vector<16xf32>
        %add3A_3088 = arith.constant 32 : i32
        %add3A_3089 = arith.addi %add3A_3088, %scan3A_3069 : i32
        %get3A_3090 = arith.constant 0 : i32
        %get3A_3091 = arith.index_cast %get3A_3090 : i32 to index
        %get3A_3092 = arith.index_cast %add3A_3089 : i32 to index
        %get3A_3093 = arith.constant 32 : index
        %get3A_3094 = tpu.vector_load %arg6[%get3A_3091, %get3A_3092, %get3A_3093] {strides = array<i32>} : memref<2x128x128xf32, #tpu.memory_space<vmem>>, vector<1x1x16xf32>,
        %get3A_3095 = vector.shape_cast %get3A_3094 : vector<1x1x16xf32> to vector<16xf32>
        %max3A_3096 = arith.maximumf %max3A_3022, %get3A_3095 : vector<16xf32>
        %add3A_3097 = arith.constant 32 : i32
        %add3A_3098 = arith.addi %add3A_3097, %scan3A_3069 : i32
        %get3A_3099 = arith.constant 0 : i32
        %get3A_3100 = arith.index_cast %get3A_3099 : i32 to index
        %get3A_3101 = arith.index_cast %add3A_3098 : i32 to index
        %get3A_3102 = arith.constant 48 : index
        %get3A_3103 = tpu.vector_load %arg6[%get3A_3100, %get3A_3101, %get3A_3102] {strides = array<i32>} : memref<2x128x128xf32, #tpu.memory_space<vmem>>, vector<1x1x16xf32>,
        %get3A_3104 = vector.shape_cast %get3A_3103 : vector<1x1x16xf32> to vector<16xf32>
        %max3A_3105 = arith.maximumf %max3A_3031, %get3A_3104 : vector<16xf32>
        %add3A_3106 = arith.constant 32 : i32
        %add3A_3107 = arith.addi %add3A_3106, %scan3A_3069 : i32
        %get3A_3108 = arith.constant 0 : i32
        %get3A_3109 = arith.index_cast %get3A_3108 : i32 to index
        %get3A_3110 = arith.index_cast %add3A_3107 : i32 to index
        %get3A_3111 = arith.constant 64 : index
        %get3A_3112 = tpu.vector_load %arg6[%get3A_3109, %get3A_3110, %get3A_3111] {strides = array<i32>} : memref<2x128x128xf32, #tpu.memory_space<vmem>>, vector<1x1x16xf32>,
        %get3A_3113 = vector.shape_cast %get3A_3112 : vector<1x1x16xf32> to vector<16xf32>
        %max3A_3114 = arith.maximumf %max3A_3040, %get3A_3113 : vector<16xf32>
        %add3A_3115 = arith.constant 32 : i32
        %add3A_3116 = arith.addi %add3A_3115, %scan3A_3069 : i32
        %get3A_3117 = arith.constant 0 : i32
        %get3A_3118 = arith.index_cast %get3A_3117 : i32 to index
        %get3A_3119 = arith.index_cast %add3A_3116 : i32 to index
        %get3A_3120 = arith.constant 80 : index
        %get3A_3121 = tpu.vector_load %arg6[%get3A_3118, %get3A_3119, %get3A_3120] {strides = array<i32>} : memref<2x128x128xf32, #tpu.memory_space<vmem>>, vector<1x1x16xf32>,
        %get3A_3122 = vector.shape_cast %get3A_3121 : vector<1x1x16xf32> to vector<16xf32>
        %max3A_3123 = arith.maximumf %max3A_3049, %get3A_3122 : vector<16xf32>
        %add3A_3124 = arith.constant 32 : i32
        %add3A_3125 = arith.addi %add3A_3124, %scan3A_3069 : i32
        %get3A_3126 = arith.constant 0 : i32
        %get3A_3127 = arith.index_cast %get3A_3126 : i32 to index
        %get3A_3128 = arith.index_cast %add3A_3125 : i32 to index
        %get3A_3129 = arith.constant 96 : index
        %get3A_3130 = tpu.vector_load %arg6[%get3A_3127, %get3A_3128, %get3A_3129] {strides = array<i32>} : memref<2x128x128xf32, #tpu.memory_space<vmem>>, vector<1x1x16xf32>,
        %get3A_3131 = vector.shape_cast %get3A_3130 : vector<1x1x16xf32> to vector<16xf32>
        %max3A_3132 = arith.maximumf %max3A_3058, %get3A_3131 : vector<16xf32>
        %add3A_3133 = arith.constant 32 : i32
        %add3A_3134 = arith.addi %add3A_3133, %scan3A_3069 : i32
        %get3A_3135 = arith.constant 0 : i32
        %get3A_3136 = arith.index_cast %get3A_3135 : i32 to index
        %get3A_3137 = arith.index_cast %add3A_3134 : i32 to index
        %get3A_3138 = arith.constant 112 : index
        %get3A_3139 = tpu.vector_load %arg6[%get3A_3136, %get3A_3137, %get3A_3138] {strides = array<i32>} : memref<2x128x128xf32, #tpu.memory_space<vmem>>, vector<1x1x16xf32>,
        %get3A_3140 = vector.shape_cast %get3A_3139 : vector<1x1x16xf32> to vector<16xf32>
        %max3A_3141 = arith.maximumf %max3A_3067, %get3A_3140 : vector<16xf32>
        %scan3A_3142 = arith.constant 3 : i32
        %scan3A_3143 = arith.addi %scan3A_2913, %scan3A_3142 : i32
        %add3A_3144 = arith.constant 32 : i32
        %add3A_3145 = arith.addi %add3A_3144, %scan3A_3143 : i32
        %get3A_3146 = arith.constant 0 : i32
        %get3A_3147 = arith.index_cast %get3A_3146 : i32 to index
        %get3A_3148 = arith.index_cast %add3A_3145 : i32 to index
        %get3A_3149 = arith.constant 0 : index
        %get3A_3150 = tpu.vector_load %arg6[%get3A_3147, %get3A_3148, %get3A_3149] {strides = array<i32>} : memref<2x128x128xf32, #tpu.memory_space<vmem>>, vector<1x1x16xf32>,
        %get3A_3151 = vector.shape_cast %get3A_3150 : vector<1x1x16xf32> to vector<16xf32>
        %max3A_3152 = arith.maximumf %max3A_3078, %get3A_3151 : vector<16xf32>
        %add3A_3153 = arith.constant 32 : i32
        %add3A_3154 = arith.addi %add3A_3153, %scan3A_3143 : i32
        %get3A_3155 = arith.constant 0 : i32
        %get3A_3156 = arith.index_cast %get3A_3155 : i32 to index
        %get3A_3157 = arith.index_cast %add3A_3154 : i32 to index
        %get3A_3158 = arith.constant 16 : index
        %get3A_3159 = tpu.vector_load %arg6[%get3A_3156, %get3A_3157, %get3A_3158] {strides = array<i32>} : memref<2x128x128xf32, #tpu.memory_space<vmem>>, vector<1x1x16xf32>,
        %get3A_3160 = vector.shape_cast %get3A_3159 : vector<1x1x16xf32> to vector<16xf32>
        %max3A_3161 = arith.maximumf %max3A_3087, %get3A_3160 : vector<16xf32>
        %add3A_3162 = arith.constant 32 : i32
        %add3A_3163 = arith.addi %add3A_3162, %scan3A_3143 : i32
        %get3A_3164 = arith.constant 0 : i32
        %get3A_3165 = arith.index_cast %get3A_3164 : i32 to index
        %get3A_3166 = arith.index_cast %add3A_3163 : i32 to index
        %get3A_3167 = arith.constant 32 : index
        %get3A_3168 = tpu.vector_load %arg6[%get3A_3165, %get3A_3166, %get3A_3167] {strides = array<i32>} : memref<2x128x128xf32, #tpu.memory_space<vmem>>, vector<1x1x16xf32>,
        %get3A_3169 = vector.shape_cast %get3A_3168 : vector<1x1x16xf32> to vector<16xf32>
        %max3A_3170 = arith.maximumf %max3A_3096, %get3A_3169 : vector<16xf32>
        %add3A_3171 = arith.constant 32 : i32
        %add3A_3172 = arith.addi %add3A_3171, %scan3A_3143 : i32
        %get3A_3173 = arith.constant 0 : i32
        %get3A_3174 = arith.index_cast %get3A_3173 : i32 to index
        %get3A_3175 = arith.index_cast %add3A_3172 : i32 to index
        %get3A_3176 = arith.constant 48 : index
        %get3A_3177 = tpu.vector_load %arg6[%get3A_3174, %get3A_3175, %get3A_3176] {strides = array<i32>} : memref<2x128x128xf32, #tpu.memory_space<vmem>>, vector<1x1x16xf32>,
        %get3A_3178 = vector.shape_cast %get3A_3177 : vector<1x1x16xf32> to vector<16xf32>
        %max3A_3179 = arith.maximumf %max3A_3105, %get3A_3178 : vector<16xf32>
        %add3A_3180 = arith.constant 32 : i32
        %add3A_3181 = arith.addi %add3A_3180, %scan3A_3143 : i32
        %get3A_3182 = arith.constant 0 : i32
        %get3A_3183 = arith.index_cast %get3A_3182 : i32 to index
        %get3A_3184 = arith.index_cast %add3A_3181 : i32 to index
        %get3A_3185 = arith.constant 64 : index
        %get3A_3186 = tpu.vector_load %arg6[%get3A_3183, %get3A_3184, %get3A_3185] {strides = array<i32>} : memref<2x128x128xf32, #tpu.memory_space<vmem>>, vector<1x1x16xf32>,
        %get3A_3187 = vector.shape_cast %get3A_3186 : vector<1x1x16xf32> to vector<16xf32>
        %max3A_3188 = arith.maximumf %max3A_3114, %get3A_3187 : vector<16xf32>
        %add3A_3189 = arith.constant 32 : i32
        %add3A_3190 = arith.addi %add3A_3189, %scan3A_3143 : i32
        %get3A_3191 = arith.constant 0 : i32
        %get3A_3192 = arith.index_cast %get3A_3191 : i32 to index
        %get3A_3193 = arith.index_cast %add3A_3190 : i32 to index
        %get3A_3194 = arith.constant 80 : index
        %get3A_3195 = tpu.vector_load %arg6[%get3A_3192, %get3A_3193, %get3A_3194] {strides = array<i32>} : memref<2x128x128xf32, #tpu.memory_space<vmem>>, vector<1x1x16xf32>,
        %get3A_3196 = vector.shape_cast %get3A_3195 : vector<1x1x16xf32> to vector<16xf32>
        %max3A_3197 = arith.maximumf %max3A_3123, %get3A_3196 : vector<16xf32>
        %add3A_3198 = arith.constant 32 : i32
        %add3A_3199 = arith.addi %add3A_3198, %scan3A_3143 : i32
        %get3A_3200 = arith.constant 0 : i32
        %get3A_3201 = arith.index_cast %get3A_3200 : i32 to index
        %get3A_3202 = arith.index_cast %add3A_3199 : i32 to index
        %get3A_3203 = arith.constant 96 : index
        %get3A_3204 = tpu.vector_load %arg6[%get3A_3201, %get3A_3202, %get3A_3203] {strides = array<i32>} : memref<2x128x128xf32, #tpu.memory_space<vmem>>, vector<1x1x16xf32>,
        %get3A_3205 = vector.shape_cast %get3A_3204 : vector<1x1x16xf32> to vector<16xf32>
        %max3A_3206 = arith.maximumf %max3A_3132, %get3A_3205 : vector<16xf32>
        %add3A_3207 = arith.constant 32 : i32
        %add3A_3208 = arith.addi %add3A_3207, %scan3A_3143 : i32
        %get3A_3209 = arith.constant 0 : i32
        %get3A_3210 = arith.index_cast %get3A_3209 : i32 to index
        %get3A_3211 = arith.index_cast %add3A_3208 : i32 to index
        %get3A_3212 = arith.constant 112 : index
        %get3A_3213 = tpu.vector_load %arg6[%get3A_3210, %get3A_3211, %get3A_3212] {strides = array<i32>} : memref<2x128x128xf32, #tpu.memory_space<vmem>>, vector<1x1x16xf32>,
        %get3A_3214 = vector.shape_cast %get3A_3213 : vector<1x1x16xf32> to vector<16xf32>
        %max3A_3215 = arith.maximumf %max3A_3141, %get3A_3214 : vector<16xf32>
        scf.yield %max3A_3152, %max3A_3161, %max3A_3170, %max3A_3179, %max3A_3188, %max3A_3197, %max3A_3206, %max3A_3215 : vector<16xf32>, vector<16xf32>, vector<16xf32>, vector<16xf32>, vector<16xf32>, vector<16xf32>, vector<16xf32>, vector<16xf32>
      }
      %scan3A_480 = arith.constant 28 : i32
      %scan3A_481 = arith.addi %scan3A_475, %scan3A_480 : i32
      %add3A_482 = arith.constant 32 : i32
      %add3A_483 = arith.addi %add3A_482, %scan3A_481 : i32
      %get3A_484 = arith.constant 0 : i32
      %get3A_485 = arith.index_cast %get3A_484 : i32 to index
      %get3A_486 = arith.index_cast %add3A_483 : i32 to index
      %get3A_487 = arith.constant 0 : index
      %get3A_488 = tpu.vector_load %arg6[%get3A_485, %get3A_486, %get3A_487] {strides = array<i32>} : memref<2x128x128xf32, #tpu.memory_space<vmem>>, vector<1x1x16xf32>,
      %get3A_489 = vector.shape_cast %get3A_488 : vector<1x1x16xf32> to vector<16xf32>
      %max3A_490 = arith.maximumf %scan3A_479#0, %get3A_489 : vector<16xf32>
      %add3A_491 = arith.constant 32 : i32
      %add3A_492 = arith.addi %add3A_491, %scan3A_481 : i32
      %get3A_493 = arith.constant 0 : i32
      %get3A_494 = arith.index_cast %get3A_493 : i32 to index
      %get3A_495 = arith.index_cast %add3A_492 : i32 to index
      %get3A_496 = arith.constant 16 : index
      %get3A_497 = tpu.vector_load %arg6[%get3A_494, %get3A_495, %get3A_496] {strides = array<i32>} : memref<2x128x128xf32, #tpu.memory_space<vmem>>, vector<1x1x16xf32>,
      %get3A_498 = vector.shape_cast %get3A_497 : vector<1x1x16xf32> to vector<16xf32>
      %max3A_499 = arith.maximumf %scan3A_479#1, %get3A_498 : vector<16xf32>
      %add3A_500 = arith.constant 32 : i32
      %add3A_501 = arith.addi %add3A_500, %scan3A_481 : i32
      %get3A_502 = arith.constant 0 : i32
      %get3A_503 = arith.index_cast %get3A_502 : i32 to index
      %get3A_504 = arith.index_cast %add3A_501 : i32 to index
      %get3A_505 = arith.constant 32 : index
      %get3A_506 = tpu.vector_load %arg6[%get3A_503, %get3A_504, %get3A_505] {strides = array<i32>} : memref<2x128x128xf32, #tpu.memory_space<vmem>>, vector<1x1x16xf32>,
      %get3A_507 = vector.shape_cast %get3A_506 : vector<1x1x16xf32> to vector<16xf32>
      %max3A_508 = arith.maximumf %scan3A_479#2, %get3A_507 : vector<16xf32>
      %add3A_509 = arith.constant 32 : i32
      %add3A_510 = arith.addi %add3A_509, %scan3A_481 : i32
      %get3A_511 = arith.constant 0 : i32
      %get3A_512 = arith.index_cast %get3A_511 : i32 to index
      %get3A_513 = arith.index_cast %add3A_510 : i32 to index
      %get3A_514 = arith.constant 48 : index
      %get3A_515 = tpu.vector_load %arg6[%get3A_512, %get3A_513, %get3A_514] {strides = array<i32>} : memref<2x128x128xf32, #tpu.memory_space<vmem>>, vector<1x1x16xf32>,
      %get3A_516 = vector.shape_cast %get3A_515 : vector<1x1x16xf32> to vector<16xf32>
      %max3A_517 = arith.maximumf %scan3A_479#3, %get3A_516 : vector<16xf32>
      %add3A_518 = arith.constant 32 : i32
      %add3A_519 = arith.addi %add3A_518, %scan3A_481 : i32
      %get3A_520 = arith.constant 0 : i32
      %get3A_521 = arith.index_cast %get3A_520 : i32 to index
      %get3A_522 = arith.index_cast %add3A_519 : i32 to index
      %get3A_523 = arith.constant 64 : index
      %get3A_524 = tpu.vector_load %arg6[%get3A_521, %get3A_522, %get3A_523] {strides = array<i32>} : memref<2x128x128xf32, #tpu.memory_space<vmem>>, vector<1x1x16xf32>,
      %get3A_525 = vector.shape_cast %get3A_524 : vector<1x1x16xf32> to vector<16xf32>
      %max3A_526 = arith.maximumf %scan3A_479#4, %get3A_525 : vector<16xf32>
      %add3A_527 = arith.constant 32 : i32
      %add3A_528 = arith.addi %add3A_527, %scan3A_481 : i32
      %get3A_529 = arith.constant 0 : i32
      %get3A_530 = arith.index_cast %get3A_529 : i32 to index
      %get3A_531 = arith.index_cast %add3A_528 : i32 to index
      %get3A_532 = arith.constant 80 : index
      %get3A_533 = tpu.vector_load %arg6[%get3A_530, %get3A_531, %get3A_532] {strides = array<i32>} : memref<2x128x128xf32, #tpu.memory_space<vmem>>, vector<1x1x16xf32>,
      %get3A_534 = vector.shape_cast %get3A_533 : vector<1x1x16xf32> to vector<16xf32>
      %max3A_535 = arith.maximumf %scan3A_479#5, %get3A_534 : vector<16xf32>
      %add3A_536 = arith.constant 32 : i32
      %add3A_537 = arith.addi %add3A_536, %scan3A_481 : i32
      %get3A_538 = arith.constant 0 : i32
      %get3A_539 = arith.index_cast %get3A_538 : i32 to index
      %get3A_540 = arith.index_cast %add3A_537 : i32 to index
      %get3A_541 = arith.constant 96 : index
      %get3A_542 = tpu.vector_load %arg6[%get3A_539, %get3A_540, %get3A_541] {strides = array<i32>} : memref<2x128x128xf32, #tpu.memory_space<vmem>>, vector<1x1x16xf32>,
      %get3A_543 = vector.shape_cast %get3A_542 : vector<1x1x16xf32> to vector<16xf32>
      %max3A_544 = arith.maximumf %scan3A_479#6, %get3A_543 : vector<16xf32>
      %add3A_545 = arith.constant 32 : i32
      %add3A_546 = arith.addi %add3A_545, %scan3A_481 : i32
      %get3A_547 = arith.constant 0 : i32
      %get3A_548 = arith.index_cast %get3A_547 : i32 to index
      %get3A_549 = arith.index_cast %add3A_546 : i32 to index
      %get3A_550 = arith.constant 112 : index
      %get3A_551 = tpu.vector_load %arg6[%get3A_548, %get3A_549, %get3A_550] {strides = array<i32>} : memref<2x128x128xf32, #tpu.memory_space<vmem>>, vector<1x1x16xf32>,
      %get3A_552 = vector.shape_cast %get3A_551 : vector<1x1x16xf32> to vector<16xf32>
      %max3A_553 = arith.maximumf %scan3A_479#7, %get3A_552 : vector<16xf32>
      %scan3A_554 = arith.constant 29 : i32
      %scan3A_555 = arith.addi %scan3A_475, %scan3A_554 : i32
      %add3A_556 = arith.constant 32 : i32
      %add3A_557 = arith.addi %add3A_556, %scan3A_555 : i32
      %get3A_558 = arith.constant 0 : i32
      %get3A_559 = arith.index_cast %get3A_558 : i32 to index
      %get3A_560 = arith.index_cast %add3A_557 : i32 to index
      %get3A_561 = arith.constant 0 : index
      %get3A_562 = tpu.vector_load %arg6[%get3A_559, %get3A_560, %get3A_561] {strides = array<i32>} : memref<2x128x128xf32, #tpu.memory_space<vmem>>, vector<1x1x16xf32>,
      %get3A_563 = vector.shape_cast %get3A_562 : vector<1x1x16xf32> to vector<16xf32>
      %max3A_564 = arith.maximumf %max3A_490, %get3A_563 : vector<16xf32>
      %add3A_565 = arith.constant 32 : i32
      %add3A_566 = arith.addi %add3A_565, %scan3A_555 : i32
      %get3A_567 = arith.constant 0 : i32
      %get3A_568 = arith.index_cast %get3A_567 : i32 to index
      %get3A_569 = arith.index_cast %add3A_566 : i32 to index
      %get3A_570 = arith.constant 16 : index
      %get3A_571 = tpu.vector_load %arg6[%get3A_568, %get3A_569, %get3A_570] {strides = array<i32>} : memref<2x128x128xf32, #tpu.memory_space<vmem>>, vector<1x1x16xf32>,
      %get3A_572 = vector.shape_cast %get3A_571 : vector<1x1x16xf32> to vector<16xf32>
      %max3A_573 = arith.maximumf %max3A_499, %get3A_572 : vector<16xf32>
      %add3A_574 = arith.constant 32 : i32
      %add3A_575 = arith.addi %add3A_574, %scan3A_555 : i32
      %get3A_576 = arith.constant 0 : i32
      %get3A_577 = arith.index_cast %get3A_576 : i32 to index
      %get3A_578 = arith.index_cast %add3A_575 : i32 to index
      %get3A_579 = arith.constant 32 : index
      %get3A_580 = tpu.vector_load %arg6[%get3A_577, %get3A_578, %get3A_579] {strides = array<i32>} : memref<2x128x128xf32, #tpu.memory_space<vmem>>, vector<1x1x16xf32>,
      %get3A_581 = vector.shape_cast %get3A_580 : vector<1x1x16xf32> to vector<16xf32>
      %max3A_582 = arith.maximumf %max3A_508, %get3A_581 : vector<16xf32>
      %add3A_583 = arith.constant 32 : i32
      %add3A_584 = arith.addi %add3A_583, %scan3A_555 : i32
      %get3A_585 = arith.constant 0 : i32
      %get3A_586 = arith.index_cast %get3A_585 : i32 to index
      %get3A_587 = arith.index_cast %add3A_584 : i32 to index
      %get3A_588 = arith.constant 48 : index
      %get3A_589 = tpu.vector_load %arg6[%get3A_586, %get3A_587, %get3A_588] {strides = array<i32>} : memref<2x128x128xf32, #tpu.memory_space<vmem>>, vector<1x1x16xf32>,
      %get3A_590 = vector.shape_cast %get3A_589 : vector<1x1x16xf32> to vector<16xf32>
      %max3A_591 = arith.maximumf %max3A_517, %get3A_590 : vector<16xf32>
      %add3A_592 = arith.constant 32 : i32
      %add3A_593 = arith.addi %add3A_592, %scan3A_555 : i32
      %get3A_594 = arith.constant 0 : i32
      %get3A_595 = arith.index_cast %get3A_594 : i32 to index
      %get3A_596 = arith.index_cast %add3A_593 : i32 to index
      %get3A_597 = arith.constant 64 : index
      %get3A_598 = tpu.vector_load %arg6[%get3A_595, %get3A_596, %get3A_597] {strides = array<i32>} : memref<2x128x128xf32, #tpu.memory_space<vmem>>, vector<1x1x16xf32>,
      %get3A_599 = vector.shape_cast %get3A_598 : vector<1x1x16xf32> to vector<16xf32>
      %max3A_600 = arith.maximumf %max3A_526, %get3A_599 : vector<16xf32>
      %add3A_601 = arith.constant 32 : i32
      %add3A_602 = arith.addi %add3A_601, %scan3A_555 : i32
      %get3A_603 = arith.constant 0 : i32
      %get3A_604 = arith.index_cast %get3A_603 : i32 to index
      %get3A_605 = arith.index_cast %add3A_602 : i32 to index
      %get3A_606 = arith.constant 80 : index
      %get3A_607 = tpu.vector_load %arg6[%get3A_604, %get3A_605, %get3A_606] {strides = array<i32>} : memref<2x128x128xf32, #tpu.memory_space<vmem>>, vector<1x1x16xf32>,
      %get3A_608 = vector.shape_cast %get3A_607 : vector<1x1x16xf32> to vector<16xf32>
      %max3A_609 = arith.maximumf %max3A_535, %get3A_608 : vector<16xf32>
      %add3A_610 = arith.constant 32 : i32
      %add3A_611 = arith.addi %add3A_610, %scan3A_555 : i32
      %get3A_612 = arith.constant 0 : i32
      %get3A_613 = arith.index_cast %get3A_612 : i32 to index
      %get3A_614 = arith.index_cast %add3A_611 : i32 to index
      %get3A_615 = arith.constant 96 : index
      %get3A_616 = tpu.vector_load %arg6[%get3A_613, %get3A_614, %get3A_615] {strides = array<i32>} : memref<2x128x128xf32, #tpu.memory_space<vmem>>, vector<1x1x16xf32>,
      %get3A_617 = vector.shape_cast %get3A_616 : vector<1x1x16xf32> to vector<16xf32>
      %max3A_618 = arith.maximumf %max3A_544, %get3A_617 : vector<16xf32>
      %add3A_619 = arith.constant 32 : i32
      %add3A_620 = arith.addi %add3A_619, %scan3A_555 : i32
      %get3A_621 = arith.constant 0 : i32
      %get3A_622 = arith.index_cast %get3A_621 : i32 to index
      %get3A_623 = arith.index_cast %add3A_620 : i32 to index
      %get3A_624 = arith.constant 112 : index
      %get3A_625 = tpu.vector_load %arg6[%get3A_622, %get3A_623, %get3A_624] {strides = array<i32>} : memref<2x128x128xf32, #tpu.memory_space<vmem>>, vector<1x1x16xf32>,
      %get3A_626 = vector.shape_cast %get3A_625 : vector<1x1x16xf32> to vector<16xf32>
      %max3A_627 = arith.maximumf %max3A_553, %get3A_626 : vector<16xf32>
      %scan3A_628 = arith.constant 30 : i32
      %scan3A_629 = arith.addi %scan3A_475, %scan3A_628 : i32
      %add3A_630 = arith.constant 32 : i32
      %add3A_631 = arith.addi %add3A_630, %scan3A_629 : i32
      %get3A_632 = arith.constant 0 : i32
      %get3A_633 = arith.index_cast %get3A_632 : i32 to index
      %get3A_634 = arith.index_cast %add3A_631 : i32 to index
      %get3A_635 = arith.constant 0 : index
      %get3A_636 = tpu.vector_load %arg6[%get3A_633, %get3A_634, %get3A_635] {strides = array<i32>} : memref<2x128x128xf32, #tpu.memory_space<vmem>>, vector<1x1x16xf32>,
      %get3A_637 = vector.shape_cast %get3A_636 : vector<1x1x16xf32> to vector<16xf32>
      %max3A_638 = arith.maximumf %max3A_564, %get3A_637 : vector<16xf32>
      %add3A_639 = arith.constant 32 : i32
      %add3A_640 = arith.addi %add3A_639, %scan3A_629 : i32
      %get3A_641 = arith.constant 0 : i32
      %get3A_642 = arith.index_cast %get3A_641 : i32 to index
      %get3A_643 = arith.index_cast %add3A_640 : i32 to index
      %get3A_644 = arith.constant 16 : index
      %get3A_645 = tpu.vector_load %arg6[%get3A_642, %get3A_643, %get3A_644] {strides = array<i32>} : memref<2x128x128xf32, #tpu.memory_space<vmem>>, vector<1x1x16xf32>,
      %get3A_646 = vector.shape_cast %get3A_645 : vector<1x1x16xf32> to vector<16xf32>
      %max3A_647 = arith.maximumf %max3A_573, %get3A_646 : vector<16xf32>
      %add3A_648 = arith.constant 32 : i32
      %add3A_649 = arith.addi %add3A_648, %scan3A_629 : i32
      %get3A_650 = arith.constant 0 : i32
      %get3A_651 = arith.index_cast %get3A_650 : i32 to index
      %get3A_652 = arith.index_cast %add3A_649 : i32 to index
      %get3A_653 = arith.constant 32 : index
      %get3A_654 = tpu.vector_load %arg6[%get3A_651, %get3A_652, %get3A_653] {strides = array<i32>} : memref<2x128x128xf32, #tpu.memory_space<vmem>>, vector<1x1x16xf32>,
      %get3A_655 = vector.shape_cast %get3A_654 : vector<1x1x16xf32> to vector<16xf32>
      %max3A_656 = arith.maximumf %max3A_582, %get3A_655 : vector<16xf32>
      %add3A_657 = arith.constant 32 : i32
      %add3A_658 = arith.addi %add3A_657, %scan3A_629 : i32
      %get3A_659 = arith.constant 0 : i32
      %get3A_660 = arith.index_cast %get3A_659 : i32 to index
      %get3A_661 = arith.index_cast %add3A_658 : i32 to index
      %get3A_662 = arith.constant 48 : index
      %get3A_663 = tpu.vector_load %arg6[%get3A_660, %get3A_661, %get3A_662] {strides = array<i32>} : memref<2x128x128xf32, #tpu.memory_space<vmem>>, vector<1x1x16xf32>,
      %get3A_664 = vector.shape_cast %get3A_663 : vector<1x1x16xf32> to vector<16xf32>
      %max3A_665 = arith.maximumf %max3A_591, %get3A_664 : vector<16xf32>
      %add3A_666 = arith.constant 32 : i32
      %add3A_667 = arith.addi %add3A_666, %scan3A_629 : i32
      %get3A_668 = arith.constant 0 : i32
      %get3A_669 = arith.index_cast %get3A_668 : i32 to index
      %get3A_670 = arith.index_cast %add3A_667 : i32 to index
      %get3A_671 = arith.constant 64 : index
      %get3A_672 = tpu.vector_load %arg6[%get3A_669, %get3A_670, %get3A_671] {strides = array<i32>} : memref<2x128x128xf32, #tpu.memory_space<vmem>>, vector<1x1x16xf32>,
      %get3A_673 = vector.shape_cast %get3A_672 : vector<1x1x16xf32> to vector<16xf32>
      %max3A_674 = arith.maximumf %max3A_600, %get3A_673 : vector<16xf32>
      %add3A_675 = arith.constant 32 : i32
      %add3A_676 = arith.addi %add3A_675, %scan3A_629 : i32
      %get3A_677 = arith.constant 0 : i32
      %get3A_678 = arith.index_cast %get3A_677 : i32 to index
      %get3A_679 = arith.index_cast %add3A_676 : i32 to index
      %get3A_680 = arith.constant 80 : index
      %get3A_681 = tpu.vector_load %arg6[%get3A_678, %get3A_679, %get3A_680] {strides = array<i32>} : memref<2x128x128xf32, #tpu.memory_space<vmem>>, vector<1x1x16xf32>,
      %get3A_682 = vector.shape_cast %get3A_681 : vector<1x1x16xf32> to vector<16xf32>
      %max3A_683 = arith.maximumf %max3A_609, %get3A_682 : vector<16xf32>
      %add3A_684 = arith.constant 32 : i32
      %add3A_685 = arith.addi %add3A_684, %scan3A_629 : i32
      %get3A_686 = arith.constant 0 : i32
      %get3A_687 = arith.index_cast %get3A_686 : i32 to index
      %get3A_688 = arith.index_cast %add3A_685 : i32 to index
      %get3A_689 = arith.constant 96 : index
      %get3A_690 = tpu.vector_load %arg6[%get3A_687, %get3A_688, %get3A_689] {strides = array<i32>} : memref<2x128x128xf32, #tpu.memory_space<vmem>>, vector<1x1x16xf32>,
      %get3A_691 = vector.shape_cast %get3A_690 : vector<1x1x16xf32> to vector<16xf32>
      %max3A_692 = arith.maximumf %max3A_618, %get3A_691 : vector<16xf32>
      %add3A_693 = arith.constant 32 : i32
      %add3A_694 = arith.addi %add3A_693, %scan3A_629 : i32
      %get3A_695 = arith.constant 0 : i32
      %get3A_696 = arith.index_cast %get3A_695 : i32 to index
      %get3A_697 = arith.index_cast %add3A_694 : i32 to index
      %get3A_698 = arith.constant 112 : index
      %get3A_699 = tpu.vector_load %arg6[%get3A_696, %get3A_697, %get3A_698] {strides = array<i32>} : memref<2x128x128xf32, #tpu.memory_space<vmem>>, vector<1x1x16xf32>,
      %get3A_700 = vector.shape_cast %get3A_699 : vector<1x1x16xf32> to vector<16xf32>
      %max3A_701 = arith.maximumf %max3A_627, %get3A_700 : vector<16xf32>
      %scan3A_702 = arith.constant 31 : i32
      %swap3A_703 = arith.constant 0 : i32
      %swap3A_704 = arith.constant 1 : i32
      %swap3A_705 = arith.index_cast %swap3A_703 : i32 to index
      %swap3A_706 = arith.index_cast %swap3A_704 : i32 to index
      %swap3A_707 = arith.constant 0 : index
      %swap3A_708 = tpu.vector_load %arg7[%swap3A_705, %swap3A_706, %swap3A_707] {strides = array<i32>} : memref<2x4x128xf32, #tpu.memory_space<vmem>>, vector<1x1x16xf32>,
      %swap3A_709 = vector.shape_cast %swap3A_708 : vector<1x1x16xf32> to vector<16xf32>
      %swap3A_710 = vector.shape_cast %max3A_638 : vector<16xf32> to vector<1x1x16xf32>
      tpu.vector_store %arg7[%swap3A_705, %swap3A_706, %swap3A_707], %swap3A_710 {strides = array<i32>} : memref<2x4x128xf32, #tpu.memory_space<vmem>>, vector<1x1x16xf32>,
      %swap3A_711 = arith.constant 0 : i32
      %swap3A_712 = arith.constant 1 : i32
      %swap3A_713 = arith.index_cast %swap3A_711 : i32 to index
      %swap3A_714 = arith.index_cast %swap3A_712 : i32 to index
      %swap3A_715 = arith.constant 16 : index
      %swap3A_716 = tpu.vector_load %arg7[%swap3A_713, %swap3A_714, %swap3A_715] {strides = array<i32>} : memref<2x4x128xf32, #tpu.memory_space<vmem>>, vector<1x1x16xf32>,
      %swap3A_717 = vector.shape_cast %swap3A_716 : vector<1x1x16xf32> to vector<16xf32>
      %swap3A_718 = vector.shape_cast %max3A_647 : vector<16xf32> to vector<1x1x16xf32>
      tpu.vector_store %arg7[%swap3A_713, %swap3A_714, %swap3A_715], %swap3A_718 {strides = array<i32>} : memref<2x4x128xf32, #tpu.memory_space<vmem>>, vector<1x1x16xf32>,
      %swap3A_719 = arith.constant 0 : i32
      %swap3A_720 = arith.constant 1 : i32
      %swap3A_721 = arith.index_cast %swap3A_719 : i32 to index
      %swap3A_722 = arith.index_cast %swap3A_720 : i32 to index
      %swap3A_723 = arith.constant 32 : index
      %swap3A_724 = tpu.vector_load %arg7[%swap3A_721, %swap3A_722, %swap3A_723] {strides = array<i32>} : memref<2x4x128xf32, #tpu.memory_space<vmem>>, vector<1x1x16xf32>,
      %swap3A_725 = vector.shape_cast %swap3A_724 : vector<1x1x16xf32> to vector<16xf32>
      %swap3A_726 = vector.shape_cast %max3A_656 : vector<16xf32> to vector<1x1x16xf32>
      tpu.vector_store %arg7[%swap3A_721, %swap3A_722, %swap3A_723], %swap3A_726 {strides = array<i32>} : memref<2x4x128xf32, #tpu.memory_space<vmem>>, vector<1x1x16xf32>,
      %swap3A_727 = arith.constant 0 : i32
      %swap3A_728 = arith.constant 1 : i32
      %swap3A_729 = arith.index_cast %swap3A_727 : i32 to index
      %swap3A_730 = arith.index_cast %swap3A_728 : i32 to index
      %swap3A_731 = arith.constant 48 : index
      %swap3A_732 = tpu.vector_load %arg7[%swap3A_729, %swap3A_730, %swap3A_731] {strides = array<i32>} : memref<2x4x128xf32, #tpu.memory_space<vmem>>, vector<1x1x16xf32>,
      %swap3A_733 = vector.shape_cast %swap3A_732 : vector<1x1x16xf32> to vector<16xf32>
      %swap3A_734 = vector.shape_cast %max3A_665 : vector<16xf32> to vector<1x1x16xf32>
      tpu.vector_store %arg7[%swap3A_729, %swap3A_730, %swap3A_731], %swap3A_734 {strides = array<i32>} : memref<2x4x128xf32, #tpu.memory_space<vmem>>, vector<1x1x16xf32>,
      %swap3A_735 = arith.constant 0 : i32
      %swap3A_736 = arith.constant 1 : i32
      %swap3A_737 = arith.index_cast %swap3A_735 : i32 to index
      %swap3A_738 = arith.index_cast %swap3A_736 : i32 to index
      %swap3A_739 = arith.constant 64 : index
      %swap3A_740 = tpu.vector_load %arg7[%swap3A_737, %swap3A_738, %swap3A_739] {strides = array<i32>} : memref<2x4x128xf32, #tpu.memory_space<vmem>>, vector<1x1x16xf32>,
      %swap3A_741 = vector.shape_cast %swap3A_740 : vector<1x1x16xf32> to vector<16xf32>
      %swap3A_742 = vector.shape_cast %max3A_674 : vector<16xf32> to vector<1x1x16xf32>
      tpu.vector_store %arg7[%swap3A_737, %swap3A_738, %swap3A_739], %swap3A_742 {strides = array<i32>} : memref<2x4x128xf32, #tpu.memory_space<vmem>>, vector<1x1x16xf32>,
      %swap3A_743 = arith.constant 0 : i32
      %swap3A_744 = arith.constant 1 : i32
      %swap3A_745 = arith.index_cast %swap3A_743 : i32 to index
      %swap3A_746 = arith.index_cast %swap3A_744 : i32 to index
      %swap3A_747 = arith.constant 80 : index
      %swap3A_748 = tpu.vector_load %arg7[%swap3A_745, %swap3A_746, %swap3A_747] {strides = array<i32>} : memref<2x4x128xf32, #tpu.memory_space<vmem>>, vector<1x1x16xf32>,
      %swap3A_749 = vector.shape_cast %swap3A_748 : vector<1x1x16xf32> to vector<16xf32>
      %swap3A_750 = vector.shape_cast %max3A_683 : vector<16xf32> to vector<1x1x16xf32>
      tpu.vector_store %arg7[%swap3A_745, %swap3A_746, %swap3A_747], %swap3A_750 {strides = array<i32>} : memref<2x4x128xf32, #tpu.memory_space<vmem>>, vector<1x1x16xf32>,
      %swap3A_751 = arith.constant 0 : i32
      %swap3A_752 = arith.constant 1 : i32
      %swap3A_753 = arith.index_cast %swap3A_751 : i32 to index
      %swap3A_754 = arith.index_cast %swap3A_752 : i32 to index
      %swap3A_755 = arith.constant 96 : index
      %swap3A_756 = tpu.vector_load %arg7[%swap3A_753, %swap3A_754, %swap3A_755] {strides = array<i32>} : memref<2x4x128xf32, #tpu.memory_space<vmem>>, vector<1x1x16xf32>,
      %swap3A_757 = vector.shape_cast %swap3A_756 : vector<1x1x16xf32> to vector<16xf32>
      %swap3A_758 = vector.shape_cast %max3A_692 : vector<16xf32> to vector<1x1x16xf32>
      tpu.vector_store %arg7[%swap3A_753, %swap3A_754, %swap3A_755], %swap3A_758 {strides = array<i32>} : memref<2x4x128xf32, #tpu.memory_space<vmem>>, vector<1x1x16xf32>,
      %swap3A_759 = arith.constant 0 : i32
      %swap3A_760 = arith.constant 1 : i32
      %swap3A_761 = arith.index_cast %swap3A_759 : i32 to index
      %swap3A_762 = arith.index_cast %swap3A_760 : i32 to index
      %swap3A_763 = arith.constant 112 : index
      %swap3A_764 = tpu.vector_load %arg7[%swap3A_761, %swap3A_762, %swap3A_763] {strides = array<i32>} : memref<2x4x128xf32, #tpu.memory_space<vmem>>, vector<1x1x16xf32>,
      %swap3A_765 = vector.shape_cast %swap3A_764 : vector<1x1x16xf32> to vector<16xf32>
      %swap3A_766 = vector.shape_cast %max3A_701 : vector<16xf32> to vector<1x1x16xf32>
      tpu.vector_store %arg7[%swap3A_761, %swap3A_762, %swap3A_763], %swap3A_766 {strides = array<i32>} : memref<2x4x128xf32, #tpu.memory_space<vmem>>, vector<1x1x16xf32>,
      %get3A_767 = arith.constant 0 : i32
      %get3A_768 = arith.constant 64 : i32
      %get3A_769 = arith.index_cast %get3A_767 : i32 to index
      %get3A_770 = arith.index_cast %get3A_768 : i32 to index
      %get3A_771 = arith.constant 0 : index
      %get3A_772 = tpu.vector_load %arg6[%get3A_769, %get3A_770, %get3A_771] {strides = array<i32>} : memref<2x128x128xf32, #tpu.memory_space<vmem>>, vector<1x1x16xf32>,
      %get3A_773 = vector.shape_cast %get3A_772 : vector<1x1x16xf32> to vector<16xf32>
      %get3A_774 = arith.constant 0 : i32
      %get3A_775 = arith.constant 64 : i32
      %get3A_776 = arith.index_cast %get3A_774 : i32 to index
      %get3A_777 = arith.index_cast %get3A_775 : i32 to index
      %get3A_778 = arith.constant 16 : index
      %get3A_779 = tpu.vector_load %arg6[%get3A_776, %get3A_777, %get3A_778] {strides = array<i32>} : memref<2x128x128xf32, #tpu.memory_space<vmem>>, vector<1x1x16xf32>,
      %get3A_780 = vector.shape_cast %get3A_779 : vector<1x1x16xf32> to vector<16xf32>
      %get3A_781 = arith.constant 0 : i32
      %get3A_782 = arith.constant 64 : i32
      %get3A_783 = arith.index_cast %get3A_781 : i32 to index
      %get3A_784 = arith.index_cast %get3A_782 : i32 to index
      %get3A_785 = arith.constant 32 : index
      %get3A_786 = tpu.vector_load %arg6[%get3A_783, %get3A_784, %get3A_785] {strides = array<i32>} : memref<2x128x128xf32, #tpu.memory_space<vmem>>, vector<1x1x16xf32>,
      %get3A_787 = vector.shape_cast %get3A_786 : vector<1x1x16xf32> to vector<16xf32>
      %get3A_788 = arith.constant 0 : i32
      %get3A_789 = arith.constant 64 : i32
      %get3A_790 = arith.index_cast %get3A_788 : i32 to index
      %get3A_791 = arith.index_cast %get3A_789 : i32 to index
      %get3A_792 = arith.constant 48 : index
      %get3A_793 = tpu.vector_load %arg6[%get3A_790, %get3A_791, %get3A_792] {strides = array<i32>} : memref<2x128x128xf32, #tpu.memory_space<vmem>>, vector<1x1x16xf32>,
      %get3A_794 = vector.shape_cast %get3A_793 : vector<1x1x16xf32> to vector<16xf32>
      %get3A_795 = arith.constant 0 : i32
      %get3A_796 = arith.constant 64 : i32
      %get3A_797 = arith.index_cast %get3A_795 : i32 to index
      %get3A_798 = arith.index_cast %get3A_796 : i32 to index
      %get3A_799 = arith.constant 64 : index
      %get3A_800 = tpu.vector_load %arg6[%get3A_797, %get3A_798, %get3A_799] {strides = array<i32>} : memref<2x128x128xf32, #tpu.memory_space<vmem>>, vector<1x1x16xf32>,
      %get3A_801 = vector.shape_cast %get3A_800 : vector<1x1x16xf32> to vector<16xf32>
      %get3A_802 = arith.constant 0 : i32
      %get3A_803 = arith.constant 64 : i32
      %get3A_804 = arith.index_cast %get3A_802 : i32 to index
      %get3A_805 = arith.index_cast %get3A_803 : i32 to index
      %get3A_806 = arith.constant 80 : index
      %get3A_807 = tpu.vector_load %arg6[%get3A_804, %get3A_805, %get3A_806] {strides = array<i32>} : memref<2x128x128xf32, #tpu.memory_space<vmem>>, vector<1x1x16xf32>,
      %get3A_808 = vector.shape_cast %get3A_807 : vector<1x1x16xf32> to vector<16xf32>
      %get3A_809 = arith.constant 0 : i32
      %get3A_810 = arith.constant 64 : i32
      %get3A_811 = arith.index_cast %get3A_809 : i32 to index
      %get3A_812 = arith.index_cast %get3A_810 : i32 to index
      %get3A_813 = arith.constant 96 : index
      %get3A_814 = tpu.vector_load %arg6[%get3A_811, %get3A_812, %get3A_813] {strides = array<i32>} : memref<2x128x128xf32, #tpu.memory_space<vmem>>, vector<1x1x16xf32>,
      %get3A_815 = vector.shape_cast %get3A_814 : vector<1x1x16xf32> to vector<16xf32>
      %get3A_816 = arith.constant 0 : i32
      %get3A_817 = arith.constant 64 : i32
      %get3A_818 = arith.index_cast %get3A_816 : i32 to index
      %get3A_819 = arith.index_cast %get3A_817 : i32 to index
      %get3A_820 = arith.constant 112 : index
      %get3A_821 = tpu.vector_load %arg6[%get3A_818, %get3A_819, %get3A_820] {strides = array<i32>} : memref<2x128x128xf32, #tpu.memory_space<vmem>>, vector<1x1x16xf32>,
      %get3A_822 = vector.shape_cast %get3A_821 : vector<1x1x16xf32> to vector<16xf32>
      %scan3A_823 = arith.constant 1 : i32
      %scan3A_824 = arith.constant 28 : i32
      %scan3A_825 = arith.addi %scan3A_823, %scan3A_824 : i32
      %scan3A_826 = arith.constant 4 : i32
      %scan3A_827:8 = scf.for %scan3A_2913 = %scan3A_823 to %scan3A_825 step %scan3A_826 iter_args(%scan3A_2914 = %get3A_773, %scan3A_2915 = %get3A_780, %scan3A_2916 = %get3A_787, %scan3A_2917 = %get3A_794, %scan3A_2918 = %get3A_801, %scan3A_2919 = %get3A_808, %scan3A_2920 = %get3A_815, %scan3A_2921 = %get3A_822) -> (vector<16xf32>, vector<16xf32>, vector<16xf32>, vector<16xf32>, vector<16xf32>, vector<16xf32>, vector<16xf32>, vector<16xf32>)  : i32 {
        %add3A_2922 = arith.constant 64 : i32
        %add3A_2923 = arith.addi %add3A_2922, %scan3A_2913 : i32
        %get3A_2924 = arith.constant 0 : i32
        %get3A_2925 = arith.index_cast %get3A_2924 : i32 to index
        %get3A_2926 = arith.index_cast %add3A_2923 : i32 to index
        %get3A_2927 = arith.constant 0 : index
        %get3A_2928 = tpu.vector_load %arg6[%get3A_2925, %get3A_2926, %get3A_2927] {strides = array<i32>} : memref<2x128x128xf32, #tpu.memory_space<vmem>>, vector<1x1x16xf32>,
        %get3A_2929 = vector.shape_cast %get3A_2928 : vector<1x1x16xf32> to vector<16xf32>
        %max3A_2930 = arith.maximumf %scan3A_2914, %get3A_2929 : vector<16xf32>
        %add3A_2931 = arith.constant 64 : i32
        %add3A_2932 = arith.addi %add3A_2931, %scan3A_2913 : i32
        %get3A_2933 = arith.constant 0 : i32
        %get3A_2934 = arith.index_cast %get3A_2933 : i32 to index
        %get3A_2935 = arith.index_cast %add3A_2932 : i32 to index
        %get3A_2936 = arith.constant 16 : index
        %get3A_2937 = tpu.vector_load %arg6[%get3A_2934, %get3A_2935, %get3A_2936] {strides = array<i32>} : memref<2x128x128xf32, #tpu.memory_space<vmem>>, vector<1x1x16xf32>,
        %get3A_2938 = vector.shape_cast %get3A_2937 : vector<1x1x16xf32> to vector<16xf32>
        %max3A_2939 = arith.maximumf %scan3A_2915, %get3A_2938 : vector<16xf32>
        %add3A_2940 = arith.constant 64 : i32
        %add3A_2941 = arith.addi %add3A_2940, %scan3A_2913 : i32
        %get3A_2942 = arith.constant 0 : i32
        %get3A_2943 = arith.index_cast %get3A_2942 : i32 to index
        %get3A_2944 = arith.index_cast %add3A_2941 : i32 to index
        %get3A_2945 = arith.constant 32 : index
        %get3A_2946 = tpu.vector_load %arg6[%get3A_2943, %get3A_2944, %get3A_2945] {strides = array<i32>} : memref<2x128x128xf32, #tpu.memory_space<vmem>>, vector<1x1x16xf32>,
        %get3A_2947 = vector.shape_cast %get3A_2946 : vector<1x1x16xf32> to vector<16xf32>
        %max3A_2948 = arith.maximumf %scan3A_2916, %get3A_2947 : vector<16xf32>
        %add3A_2949 = arith.constant 64 : i32
        %add3A_2950 = arith.addi %add3A_2949, %scan3A_2913 : i32
        %get3A_2951 = arith.constant 0 : i32
        %get3A_2952 = arith.index_cast %get3A_2951 : i32 to index
        %get3A_2953 = arith.index_cast %add3A_2950 : i32 to index
        %get3A_2954 = arith.constant 48 : index
        %get3A_2955 = tpu.vector_load %arg6[%get3A_2952, %get3A_2953, %get3A_2954] {strides = array<i32>} : memref<2x128x128xf32, #tpu.memory_space<vmem>>, vector<1x1x16xf32>,
        %get3A_2956 = vector.shape_cast %get3A_2955 : vector<1x1x16xf32> to vector<16xf32>
        %max3A_2957 = arith.maximumf %scan3A_2917, %get3A_2956 : vector<16xf32>
        %add3A_2958 = arith.constant 64 : i32
        %add3A_2959 = arith.addi %add3A_2958, %scan3A_2913 : i32
        %get3A_2960 = arith.constant 0 : i32
        %get3A_2961 = arith.index_cast %get3A_2960 : i32 to index
        %get3A_2962 = arith.index_cast %add3A_2959 : i32 to index
        %get3A_2963 = arith.constant 64 : index
        %get3A_2964 = tpu.vector_load %arg6[%get3A_2961, %get3A_2962, %get3A_2963] {strides = array<i32>} : memref<2x128x128xf32, #tpu.memory_space<vmem>>, vector<1x1x16xf32>,
        %get3A_2965 = vector.shape_cast %get3A_2964 : vector<1x1x16xf32> to vector<16xf32>
        %max3A_2966 = arith.maximumf %scan3A_2918, %get3A_2965 : vector<16xf32>
        %add3A_2967 = arith.constant 64 : i32
        %add3A_2968 = arith.addi %add3A_2967, %scan3A_2913 : i32
        %get3A_2969 = arith.constant 0 : i32
        %get3A_2970 = arith.index_cast %get3A_2969 : i32 to index
        %get3A_2971 = arith.index_cast %add3A_2968 : i32 to index
        %get3A_2972 = arith.constant 80 : index
        %get3A_2973 = tpu.vector_load %arg6[%get3A_2970, %get3A_2971, %get3A_2972] {strides = array<i32>} : memref<2x128x128xf32, #tpu.memory_space<vmem>>, vector<1x1x16xf32>,
        %get3A_2974 = vector.shape_cast %get3A_2973 : vector<1x1x16xf32> to vector<16xf32>
        %max3A_2975 = arith.maximumf %scan3A_2919, %get3A_2974 : vector<16xf32>
        %add3A_2976 = arith.constant 64 : i32
        %add3A_2977 = arith.addi %add3A_2976, %scan3A_2913 : i32
        %get3A_2978 = arith.constant 0 : i32
        %get3A_2979 = arith.index_cast %get3A_2978 : i32 to index
        %get3A_2980 = arith.index_cast %add3A_2977 : i32 to index
        %get3A_2981 = arith.constant 96 : index
        %get3A_2982 = tpu.vector_load %arg6[%get3A_2979, %get3A_2980, %get3A_2981] {strides = array<i32>} : memref<2x128x128xf32, #tpu.memory_space<vmem>>, vector<1x1x16xf32>,
        %get3A_2983 = vector.shape_cast %get3A_2982 : vector<1x1x16xf32> to vector<16xf32>
        %max3A_2984 = arith.maximumf %scan3A_2920, %get3A_2983 : vector<16xf32>
        %add3A_2985 = arith.constant 64 : i32
        %add3A_2986 = arith.addi %add3A_2985, %scan3A_2913 : i32
        %get3A_2987 = arith.constant 0 : i32
        %get3A_2988 = arith.index_cast %get3A_2987 : i32 to index
        %get3A_2989 = arith.index_cast %add3A_2986 : i32 to index
        %get3A_2990 = arith.constant 112 : index
        %get3A_2991 = tpu.vector_load %arg6[%get3A_2988, %get3A_2989, %get3A_2990] {strides = array<i32>} : memref<2x128x128xf32, #tpu.memory_space<vmem>>, vector<1x1x16xf32>,
        %get3A_2992 = vector.shape_cast %get3A_2991 : vector<1x1x16xf32> to vector<16xf32>
        %max3A_2993 = arith.maximumf %scan3A_2921, %get3A_2992 : vector<16xf32>
        %scan3A_2994 = arith.constant 1 : i32
        %scan3A_2995 = arith.addi %scan3A_2913, %scan3A_2994 : i32
        %add3A_2996 = arith.constant 64 : i32
        %add3A_2997 = arith.addi %add3A_2996, %scan3A_2995 : i32
        %get3A_2998 = arith.constant 0 : i32
        %get3A_2999 = arith.index_cast %get3A_2998 : i32 to index
        %get3A_3000 = arith.index_cast %add3A_2997 : i32 to index
        %get3A_3001 = arith.constant 0 : index
        %get3A_3002 = tpu.vector_load %arg6[%get3A_2999, %get3A_3000, %get3A_3001] {strides = array<i32>} : memref<2x128x128xf32, #tpu.memory_space<vmem>>, vector<1x1x16xf32>,
        %get3A_3003 = vector.shape_cast %get3A_3002 : vector<1x1x16xf32> to vector<16xf32>
        %max3A_3004 = arith.maximumf %max3A_2930, %get3A_3003 : vector<16xf32>
        %add3A_3005 = arith.constant 64 : i32
        %add3A_3006 = arith.addi %add3A_3005, %scan3A_2995 : i32
        %get3A_3007 = arith.constant 0 : i32
        %get3A_3008 = arith.index_cast %get3A_3007 : i32 to index
        %get3A_3009 = arith.index_cast %add3A_3006 : i32 to index
        %get3A_3010 = arith.constant 16 : index
        %get3A_3011 = tpu.vector_load %arg6[%get3A_3008, %get3A_3009, %get3A_3010] {strides = array<i32>} : memref<2x128x128xf32, #tpu.memory_space<vmem>>, vector<1x1x16xf32>,
        %get3A_3012 = vector.shape_cast %get3A_3011 : vector<1x1x16xf32> to vector<16xf32>
        %max3A_3013 = arith.maximumf %max3A_2939, %get3A_3012 : vector<16xf32>
        %add3A_3014 = arith.constant 64 : i32
        %add3A_3015 = arith.addi %add3A_3014, %scan3A_2995 : i32
        %get3A_3016 = arith.constant 0 : i32
        %get3A_3017 = arith.index_cast %get3A_3016 : i32 to index
        %get3A_3018 = arith.index_cast %add3A_3015 : i32 to index
        %get3A_3019 = arith.constant 32 : index
        %get3A_3020 = tpu.vector_load %arg6[%get3A_3017, %get3A_3018, %get3A_3019] {strides = array<i32>} : memref<2x128x128xf32, #tpu.memory_space<vmem>>, vector<1x1x16xf32>,
        %get3A_3021 = vector.shape_cast %get3A_3020 : vector<1x1x16xf32> to vector<16xf32>
        %max3A_3022 = arith.maximumf %max3A_2948, %get3A_3021 : vector<16xf32>
        %add3A_3023 = arith.constant 64 : i32
        %add3A_3024 = arith.addi %add3A_3023, %scan3A_2995 : i32
        %get3A_3025 = arith.constant 0 : i32
        %get3A_3026 = arith.index_cast %get3A_3025 : i32 to index
        %get3A_3027 = arith.index_cast %add3A_3024 : i32 to index
        %get3A_3028 = arith.constant 48 : index
        %get3A_3029 = tpu.vector_load %arg6[%get3A_3026, %get3A_3027, %get3A_3028] {strides = array<i32>} : memref<2x128x128xf32, #tpu.memory_space<vmem>>, vector<1x1x16xf32>,
        %get3A_3030 = vector.shape_cast %get3A_3029 : vector<1x1x16xf32> to vector<16xf32>
        %max3A_3031 = arith.maximumf %max3A_2957, %get3A_3030 : vector<16xf32>
        %add3A_3032 = arith.constant 64 : i32
        %add3A_3033 = arith.addi %add3A_3032, %scan3A_2995 : i32
        %get3A_3034 = arith.constant 0 : i32
        %get3A_3035 = arith.index_cast %get3A_3034 : i32 to index
        %get3A_3036 = arith.index_cast %add3A_3033 : i32 to index
        %get3A_3037 = arith.constant 64 : index
        %get3A_3038 = tpu.vector_load %arg6[%get3A_3035, %get3A_3036, %get3A_3037] {strides = array<i32>} : memref<2x128x128xf32, #tpu.memory_space<vmem>>, vector<1x1x16xf32>,
        %get3A_3039 = vector.shape_cast %get3A_3038 : vector<1x1x16xf32> to vector<16xf32>
        %max3A_3040 = arith.maximumf %max3A_2966, %get3A_3039 : vector<16xf32>
        %add3A_3041 = arith.constant 64 : i32
        %add3A_3042 = arith.addi %add3A_3041, %scan3A_2995 : i32
        %get3A_3043 = arith.constant 0 : i32
        %get3A_3044 = arith.index_cast %get3A_3043 : i32 to index
        %get3A_3045 = arith.index_cast %add3A_3042 : i32 to index
        %get3A_3046 = arith.constant 80 : index
        %get3A_3047 = tpu.vector_load %arg6[%get3A_3044, %get3A_3045, %get3A_3046] {strides = array<i32>} : memref<2x128x128xf32, #tpu.memory_space<vmem>>, vector<1x1x16xf32>,
        %get3A_3048 = vector.shape_cast %get3A_3047 : vector<1x1x16xf32> to vector<16xf32>
        %max3A_3049 = arith.maximumf %max3A_2975, %get3A_3048 : vector<16xf32>
        %add3A_3050 = arith.constant 64 : i32
        %add3A_3051 = arith.addi %add3A_3050, %scan3A_2995 : i32
        %get3A_3052 = arith.constant 0 : i32
        %get3A_3053 = arith.index_cast %get3A_3052 : i32 to index
        %get3A_3054 = arith.index_cast %add3A_3051 : i32 to index
        %get3A_3055 = arith.constant 96 : index
        %get3A_3056 = tpu.vector_load %arg6[%get3A_3053, %get3A_3054, %get3A_3055] {strides = array<i32>} : memref<2x128x128xf32, #tpu.memory_space<vmem>>, vector<1x1x16xf32>,
        %get3A_3057 = vector.shape_cast %get3A_3056 : vector<1x1x16xf32> to vector<16xf32>
        %max3A_3058 = arith.maximumf %max3A_2984, %get3A_3057 : vector<16xf32>
        %add3A_3059 = arith.constant 64 : i32
        %add3A_3060 = arith.addi %add3A_3059, %scan3A_2995 : i32
        %get3A_3061 = arith.constant 0 : i32
        %get3A_3062 = arith.index_cast %get3A_3061 : i32 to index
        %get3A_3063 = arith.index_cast %add3A_3060 : i32 to index
        %get3A_3064 = arith.constant 112 : index
        %get3A_3065 = tpu.vector_load %arg6[%get3A_3062, %get3A_3063, %get3A_3064] {strides = array<i32>} : memref<2x128x128xf32, #tpu.memory_space<vmem>>, vector<1x1x16xf32>,
        %get3A_3066 = vector.shape_cast %get3A_3065 : vector<1x1x16xf32> to vector<16xf32>
        %max3A_3067 = arith.maximumf %max3A_2993, %get3A_3066 : vector<16xf32>
        %scan3A_3068 = arith.constant 2 : i32
        %scan3A_3069 = arith.addi %scan3A_2913, %scan3A_3068 : i32
        %add3A_3070 = arith.constant 64 : i32
        %add3A_3071 = arith.addi %add3A_3070, %scan3A_3069 : i32
        %get3A_3072 = arith.constant 0 : i32
        %get3A_3073 = arith.index_cast %get3A_3072 : i32 to index
        %get3A_3074 = arith.index_cast %add3A_3071 : i32 to index
        %get3A_3075 = arith.constant 0 : index
        %get3A_3076 = tpu.vector_load %arg6[%get3A_3073, %get3A_3074, %get3A_3075] {strides = array<i32>} : memref<2x128x128xf32, #tpu.memory_space<vmem>>, vector<1x1x16xf32>,
        %get3A_3077 = vector.shape_cast %get3A_3076 : vector<1x1x16xf32> to vector<16xf32>
        %max3A_3078 = arith.maximumf %max3A_3004, %get3A_3077 : vector<16xf32>
        %add3A_3079 = arith.constant 64 : i32
        %add3A_3080 = arith.addi %add3A_3079, %scan3A_3069 : i32
        %get3A_3081 = arith.constant 0 : i32
        %get3A_3082 = arith.index_cast %get3A_3081 : i32 to index
        %get3A_3083 = arith.index_cast %add3A_3080 : i32 to index
        %get3A_3084 = arith.constant 16 : index
        %get3A_3085 = tpu.vector_load %arg6[%get3A_3082, %get3A_3083, %get3A_3084] {strides = array<i32>} : memref<2x128x128xf32, #tpu.memory_space<vmem>>, vector<1x1x16xf32>,
        %get3A_3086 = vector.shape_cast %get3A_3085 : vector<1x1x16xf32> to vector<16xf32>
        %max3A_3087 = arith.maximumf %max3A_3013, %get3A_3086 : vector<16xf32>
        %add3A_3088 = arith.constant 64 : i32
        %add3A_3089 = arith.addi %add3A_3088, %scan3A_3069 : i32
        %get3A_3090 = arith.constant 0 : i32
        %get3A_3091 = arith.index_cast %get3A_3090 : i32 to index
        %get3A_3092 = arith.index_cast %add3A_3089 : i32 to index
        %get3A_3093 = arith.constant 32 : index
        %get3A_3094 = tpu.vector_load %arg6[%get3A_3091, %get3A_3092, %get3A_3093] {strides = array<i32>} : memref<2x128x128xf32, #tpu.memory_space<vmem>>, vector<1x1x16xf32>,
        %get3A_3095 = vector.shape_cast %get3A_3094 : vector<1x1x16xf32> to vector<16xf32>
        %max3A_3096 = arith.maximumf %max3A_3022, %get3A_3095 : vector<16xf32>
        %add3A_3097 = arith.constant 64 : i32
        %add3A_3098 = arith.addi %add3A_3097, %scan3A_3069 : i32
        %get3A_3099 = arith.constant 0 : i32
        %get3A_3100 = arith.index_cast %get3A_3099 : i32 to index
        %get3A_3101 = arith.index_cast %add3A_3098 : i32 to index
        %get3A_3102 = arith.constant 48 : index
        %get3A_3103 = tpu.vector_load %arg6[%get3A_3100, %get3A_3101, %get3A_3102] {strides = array<i32>} : memref<2x128x128xf32, #tpu.memory_space<vmem>>, vector<1x1x16xf32>,
        %get3A_3104 = vector.shape_cast %get3A_3103 : vector<1x1x16xf32> to vector<16xf32>
        %max3A_3105 = arith.maximumf %max3A_3031, %get3A_3104 : vector<16xf32>
        %add3A_3106 = arith.constant 64 : i32
        %add3A_3107 = arith.addi %add3A_3106, %scan3A_3069 : i32
        %get3A_3108 = arith.constant 0 : i32
        %get3A_3109 = arith.index_cast %get3A_3108 : i32 to index
        %get3A_3110 = arith.index_cast %add3A_3107 : i32 to index
        %get3A_3111 = arith.constant 64 : index
        %get3A_3112 = tpu.vector_load %arg6[%get3A_3109, %get3A_3110, %get3A_3111] {strides = array<i32>} : memref<2x128x128xf32, #tpu.memory_space<vmem>>, vector<1x1x16xf32>,
        %get3A_3113 = vector.shape_cast %get3A_3112 : vector<1x1x16xf32> to vector<16xf32>
        %max3A_3114 = arith.maximumf %max3A_3040, %get3A_3113 : vector<16xf32>
        %add3A_3115 = arith.constant 64 : i32
        %add3A_3116 = arith.addi %add3A_3115, %scan3A_3069 : i32
        %get3A_3117 = arith.constant 0 : i32
        %get3A_3118 = arith.index_cast %get3A_3117 : i32 to index
        %get3A_3119 = arith.index_cast %add3A_3116 : i32 to index
        %get3A_3120 = arith.constant 80 : index
        %get3A_3121 = tpu.vector_load %arg6[%get3A_3118, %get3A_3119, %get3A_3120] {strides = array<i32>} : memref<2x128x128xf32, #tpu.memory_space<vmem>>, vector<1x1x16xf32>,
        %get3A_3122 = vector.shape_cast %get3A_3121 : vector<1x1x16xf32> to vector<16xf32>
        %max3A_3123 = arith.maximumf %max3A_3049, %get3A_3122 : vector<16xf32>
        %add3A_3124 = arith.constant 64 : i32
        %add3A_3125 = arith.addi %add3A_3124, %scan3A_3069 : i32
        %get3A_3126 = arith.constant 0 : i32
        %get3A_3127 = arith.index_cast %get3A_3126 : i32 to index
        %get3A_3128 = arith.index_cast %add3A_3125 : i32 to index
        %get3A_3129 = arith.constant 96 : index
        %get3A_3130 = tpu.vector_load %arg6[%get3A_3127, %get3A_3128, %get3A_3129] {strides = array<i32>} : memref<2x128x128xf32, #tpu.memory_space<vmem>>, vector<1x1x16xf32>,
        %get3A_3131 = vector.shape_cast %get3A_3130 : vector<1x1x16xf32> to vector<16xf32>
        %max3A_3132 = arith.maximumf %max3A_3058, %get3A_3131 : vector<16xf32>
        %add3A_3133 = arith.constant 64 : i32
        %add3A_3134 = arith.addi %add3A_3133, %scan3A_3069 : i32
        %get3A_3135 = arith.constant 0 : i32
        %get3A_3136 = arith.index_cast %get3A_3135 : i32 to index
        %get3A_3137 = arith.index_cast %add3A_3134 : i32 to index
        %get3A_3138 = arith.constant 112 : index
        %get3A_3139 = tpu.vector_load %arg6[%get3A_3136, %get3A_3137, %get3A_3138] {strides = array<i32>} : memref<2x128x128xf32, #tpu.memory_space<vmem>>, vector<1x1x16xf32>,
        %get3A_3140 = vector.shape_cast %get3A_3139 : vector<1x1x16xf32> to vector<16xf32>
        %max3A_3141 = arith.maximumf %max3A_3067, %get3A_3140 : vector<16xf32>
        %scan3A_3142 = arith.constant 3 : i32
        %scan3A_3143 = arith.addi %scan3A_2913, %scan3A_3142 : i32
        %add3A_3144 = arith.constant 64 : i32
        %add3A_3145 = arith.addi %add3A_3144, %scan3A_3143 : i32
        %get3A_3146 = arith.constant 0 : i32
        %get3A_3147 = arith.index_cast %get3A_3146 : i32 to index
        %get3A_3148 = arith.index_cast %add3A_3145 : i32 to index
        %get3A_3149 = arith.constant 0 : index
        %get3A_3150 = tpu.vector_load %arg6[%get3A_3147, %get3A_3148, %get3A_3149] {strides = array<i32>} : memref<2x128x128xf32, #tpu.memory_space<vmem>>, vector<1x1x16xf32>,
        %get3A_3151 = vector.shape_cast %get3A_3150 : vector<1x1x16xf32> to vector<16xf32>
        %max3A_3152 = arith.maximumf %max3A_3078, %get3A_3151 : vector<16xf32>
        %add3A_3153 = arith.constant 64 : i32
        %add3A_3154 = arith.addi %add3A_3153, %scan3A_3143 : i32
        %get3A_3155 = arith.constant 0 : i32
        %get3A_3156 = arith.index_cast %get3A_3155 : i32 to index
        %get3A_3157 = arith.index_cast %add3A_3154 : i32 to index
        %get3A_3158 = arith.constant 16 : index
        %get3A_3159 = tpu.vector_load %arg6[%get3A_3156, %get3A_3157, %get3A_3158] {strides = array<i32>} : memref<2x128x128xf32, #tpu.memory_space<vmem>>, vector<1x1x16xf32>,
        %get3A_3160 = vector.shape_cast %get3A_3159 : vector<1x1x16xf32> to vector<16xf32>
        %max3A_3161 = arith.maximumf %max3A_3087, %get3A_3160 : vector<16xf32>
        %add3A_3162 = arith.constant 64 : i32
        %add3A_3163 = arith.addi %add3A_3162, %scan3A_3143 : i32
        %get3A_3164 = arith.constant 0 : i32
        %get3A_3165 = arith.index_cast %get3A_3164 : i32 to index
        %get3A_3166 = arith.index_cast %add3A_3163 : i32 to index
        %get3A_3167 = arith.constant 32 : index
        %get3A_3168 = tpu.vector_load %arg6[%get3A_3165, %get3A_3166, %get3A_3167] {strides = array<i32>} : memref<2x128x128xf32, #tpu.memory_space<vmem>>, vector<1x1x16xf32>,
        %get3A_3169 = vector.shape_cast %get3A_3168 : vector<1x1x16xf32> to vector<16xf32>
        %max3A_3170 = arith.maximumf %max3A_3096, %get3A_3169 : vector<16xf32>
        %add3A_3171 = arith.constant 64 : i32
        %add3A_3172 = arith.addi %add3A_3171, %scan3A_3143 : i32
        %get3A_3173 = arith.constant 0 : i32
        %get3A_3174 = arith.index_cast %get3A_3173 : i32 to index
        %get3A_3175 = arith.index_cast %add3A_3172 : i32 to index
        %get3A_3176 = arith.constant 48 : index
        %get3A_3177 = tpu.vector_load %arg6[%get3A_3174, %get3A_3175, %get3A_3176] {strides = array<i32>} : memref<2x128x128xf32, #tpu.memory_space<vmem>>, vector<1x1x16xf32>,
        %get3A_3178 = vector.shape_cast %get3A_3177 : vector<1x1x16xf32> to vector<16xf32>
        %max3A_3179 = arith.maximumf %max3A_3105, %get3A_3178 : vector<16xf32>
        %add3A_3180 = arith.constant 64 : i32
        %add3A_3181 = arith.addi %add3A_3180, %scan3A_3143 : i32
        %get3A_3182 = arith.constant 0 : i32
        %get3A_3183 = arith.index_cast %get3A_3182 : i32 to index
        %get3A_3184 = arith.index_cast %add3A_3181 : i32 to index
        %get3A_3185 = arith.constant 64 : index
        %get3A_3186 = tpu.vector_load %arg6[%get3A_3183, %get3A_3184, %get3A_3185] {strides = array<i32>} : memref<2x128x128xf32, #tpu.memory_space<vmem>>, vector<1x1x16xf32>,
        %get3A_3187 = vector.shape_cast %get3A_3186 : vector<1x1x16xf32> to vector<16xf32>
        %max3A_3188 = arith.maximumf %max3A_3114, %get3A_3187 : vector<16xf32>
        %add3A_3189 = arith.constant 64 : i32
        %add3A_3190 = arith.addi %add3A_3189, %scan3A_3143 : i32
        %get3A_3191 = arith.constant 0 : i32
        %get3A_3192 = arith.index_cast %get3A_3191 : i32 to index
        %get3A_3193 = arith.index_cast %add3A_3190 : i32 to index
        %get3A_3194 = arith.constant 80 : index
        %get3A_3195 = tpu.vector_load %arg6[%get3A_3192, %get3A_3193, %get3A_3194] {strides = array<i32>} : memref<2x128x128xf32, #tpu.memory_space<vmem>>, vector<1x1x16xf32>,
        %get3A_3196 = vector.shape_cast %get3A_3195 : vector<1x1x16xf32> to vector<16xf32>
        %max3A_3197 = arith.maximumf %max3A_3123, %get3A_3196 : vector<16xf32>
        %add3A_3198 = arith.constant 64 : i32
        %add3A_3199 = arith.addi %add3A_3198, %scan3A_3143 : i32
        %get3A_3200 = arith.constant 0 : i32
        %get3A_3201 = arith.index_cast %get3A_3200 : i32 to index
        %get3A_3202 = arith.index_cast %add3A_3199 : i32 to index
        %get3A_3203 = arith.constant 96 : index
        %get3A_3204 = tpu.vector_load %arg6[%get3A_3201, %get3A_3202, %get3A_3203] {strides = array<i32>} : memref<2x128x128xf32, #tpu.memory_space<vmem>>, vector<1x1x16xf32>,
        %get3A_3205 = vector.shape_cast %get3A_3204 : vector<1x1x16xf32> to vector<16xf32>
        %max3A_3206 = arith.maximumf %max3A_3132, %get3A_3205 : vector<16xf32>
        %add3A_3207 = arith.constant 64 : i32
        %add3A_3208 = arith.addi %add3A_3207, %scan3A_3143 : i32
        %get3A_3209 = arith.constant 0 : i32
        %get3A_3210 = arith.index_cast %get3A_3209 : i32 to index
        %get3A_3211 = arith.index_cast %add3A_3208 : i32 to index
        %get3A_3212 = arith.constant 112 : index
        %get3A_3213 = tpu.vector_load %arg6[%get3A_3210, %get3A_3211, %get3A_3212] {strides = array<i32>} : memref<2x128x128xf32, #tpu.memory_space<vmem>>, vector<1x1x16xf32>,
        %get3A_3214 = vector.shape_cast %get3A_3213 : vector<1x1x16xf32> to vector<16xf32>
        %max3A_3215 = arith.maximumf %max3A_3141, %get3A_3214 : vector<16xf32>
        scf.yield %max3A_3152, %max3A_3161, %max3A_3170, %max3A_3179, %max3A_3188, %max3A_3197, %max3A_3206, %max3A_3215 : vector<16xf32>, vector<16xf32>, vector<16xf32>, vector<16xf32>, vector<16xf32>, vector<16xf32>, vector<16xf32>, vector<16xf32>
      }
      %scan3A_828 = arith.constant 28 : i32
      %scan3A_829 = arith.addi %scan3A_823, %scan3A_828 : i32
      %add3A_830 = arith.constant 64 : i32
      %add3A_831 = arith.addi %add3A_830, %scan3A_829 : i32
      %get3A_832 = arith.constant 0 : i32
      %get3A_833 = arith.index_cast %get3A_832 : i32 to index
      %get3A_834 = arith.index_cast %add3A_831 : i32 to index
      %get3A_835 = arith.constant 0 : index
      %get3A_836 = tpu.vector_load %arg6[%get3A_833, %get3A_834, %get3A_835] {strides = array<i32>} : memref<2x128x128xf32, #tpu.memory_space<vmem>>, vector<1x1x16xf32>,
      %get3A_837 = vector.shape_cast %get3A_836 : vector<1x1x16xf32> to vector<16xf32>
      %max3A_838 = arith.maximumf %scan3A_827#0, %get3A_837 : vector<16xf32>
      %add3A_839 = arith.constant 64 : i32
      %add3A_840 = arith.addi %add3A_839, %scan3A_829 : i32
      %get3A_841 = arith.constant 0 : i32
      %get3A_842 = arith.index_cast %get3A_841 : i32 to index
      %get3A_843 = arith.index_cast %add3A_840 : i32 to index
      %get3A_844 = arith.constant 16 : index
      %get3A_845 = tpu.vector_load %arg6[%get3A_842, %get3A_843, %get3A_844] {strides = array<i32>} : memref<2x128x128xf32, #tpu.memory_space<vmem>>, vector<1x1x16xf32>,
      %get3A_846 = vector.shape_cast %get3A_845 : vector<1x1x16xf32> to vector<16xf32>
      %max3A_847 = arith.maximumf %scan3A_827#1, %get3A_846 : vector<16xf32>
      %add3A_848 = arith.constant 64 : i32
      %add3A_849 = arith.addi %add3A_848, %scan3A_829 : i32
      %get3A_850 = arith.constant 0 : i32
      %get3A_851 = arith.index_cast %get3A_850 : i32 to index
      %get3A_852 = arith.index_cast %add3A_849 : i32 to index
      %get3A_853 = arith.constant 32 : index
      %get3A_854 = tpu.vector_load %arg6[%get3A_851, %get3A_852, %get3A_853] {strides = array<i32>} : memref<2x128x128xf32, #tpu.memory_space<vmem>>, vector<1x1x16xf32>,
      %get3A_855 = vector.shape_cast %get3A_854 : vector<1x1x16xf32> to vector<16xf32>
      %max3A_856 = arith.maximumf %scan3A_827#2, %get3A_855 : vector<16xf32>
      %add3A_857 = arith.constant 64 : i32
      %add3A_858 = arith.addi %add3A_857, %scan3A_829 : i32
      %get3A_859 = arith.constant 0 : i32
      %get3A_860 = arith.index_cast %get3A_859 : i32 to index
      %get3A_861 = arith.index_cast %add3A_858 : i32 to index
      %get3A_862 = arith.constant 48 : index
      %get3A_863 = tpu.vector_load %arg6[%get3A_860, %get3A_861, %get3A_862] {strides = array<i32>} : memref<2x128x128xf32, #tpu.memory_space<vmem>>, vector<1x1x16xf32>,
      %get3A_864 = vector.shape_cast %get3A_863 : vector<1x1x16xf32> to vector<16xf32>
      %max3A_865 = arith.maximumf %scan3A_827#3, %get3A_864 : vector<16xf32>
      %add3A_866 = arith.constant 64 : i32
      %add3A_867 = arith.addi %add3A_866, %scan3A_829 : i32
      %get3A_868 = arith.constant 0 : i32
      %get3A_869 = arith.index_cast %get3A_868 : i32 to index
      %get3A_870 = arith.index_cast %add3A_867 : i32 to index
      %get3A_871 = arith.constant 64 : index
      %get3A_872 = tpu.vector_load %arg6[%get3A_869, %get3A_870, %get3A_871] {strides = array<i32>} : memref<2x128x128xf32, #tpu.memory_space<vmem>>, vector<1x1x16xf32>,
      %get3A_873 = vector.shape_cast %get3A_872 : vector<1x1x16xf32> to vector<16xf32>
      %max3A_874 = arith.maximumf %scan3A_827#4, %get3A_873 : vector<16xf32>
      %add3A_875 = arith.constant 64 : i32
      %add3A_876 = arith.addi %add3A_875, %scan3A_829 : i32
      %get3A_877 = arith.constant 0 : i32
      %get3A_878 = arith.index_cast %get3A_877 : i32 to index
      %get3A_879 = arith.index_cast %add3A_876 : i32 to index
      %get3A_880 = arith.constant 80 : index
      %get3A_881 = tpu.vector_load %arg6[%get3A_878, %get3A_879, %get3A_880] {strides = array<i32>} : memref<2x128x128xf32, #tpu.memory_space<vmem>>, vector<1x1x16xf32>,
      %get3A_882 = vector.shape_cast %get3A_881 : vector<1x1x16xf32> to vector<16xf32>
      %max3A_883 = arith.maximumf %scan3A_827#5, %get3A_882 : vector<16xf32>
      %add3A_884 = arith.constant 64 : i32
      %add3A_885 = arith.addi %add3A_884, %scan3A_829 : i32
      %get3A_886 = arith.constant 0 : i32
      %get3A_887 = arith.index_cast %get3A_886 : i32 to index
      %get3A_888 = arith.index_cast %add3A_885 : i32 to index
      %get3A_889 = arith.constant 96 : index
      %get3A_890 = tpu.vector_load %arg6[%get3A_887, %get3A_888, %get3A_889] {strides = array<i32>} : memref<2x128x128xf32, #tpu.memory_space<vmem>>, vector<1x1x16xf32>,
      %get3A_891 = vector.shape_cast %get3A_890 : vector<1x1x16xf32> to vector<16xf32>
      %max3A_892 = arith.maximumf %scan3A_827#6, %get3A_891 : vector<16xf32>
      %add3A_893 = arith.constant 64 : i32
      %add3A_894 = arith.addi %add3A_893, %scan3A_829 : i32
      %get3A_895 = arith.constant 0 : i32
      %get3A_896 = arith.index_cast %get3A_895 : i32 to index
      %get3A_897 = arith.index_cast %add3A_894 : i32 to index
      %get3A_898 = arith.constant 112 : index
      %get3A_899 = tpu.vector_load %arg6[%get3A_896, %get3A_897, %get3A_898] {strides = array<i32>} : memref<2x128x128xf32, #tpu.memory_space<vmem>>, vector<1x1x16xf32>,
      %get3A_900 = vector.shape_cast %get3A_899 : vector<1x1x16xf32> to vector<16xf32>
      %max3A_901 = arith.maximumf %scan3A_827#7, %get3A_900 : vector<16xf32>
      %scan3A_902 = arith.constant 29 : i32
      %scan3A_903 = arith.addi %scan3A_823, %scan3A_902 : i32
      %add3A_904 = arith.constant 64 : i32
      %add3A_905 = arith.addi %add3A_904, %scan3A_903 : i32
      %get3A_906 = arith.constant 0 : i32
      %get3A_907 = arith.index_cast %get3A_906 : i32 to index
      %get3A_908 = arith.index_cast %add3A_905 : i32 to index
      %get3A_909 = arith.constant 0 : index
      %get3A_910 = tpu.vector_load %arg6[%get3A_907, %get3A_908, %get3A_909] {strides = array<i32>} : memref<2x128x128xf32, #tpu.memory_space<vmem>>, vector<1x1x16xf32>,
      %get3A_911 = vector.shape_cast %get3A_910 : vector<1x1x16xf32> to vector<16xf32>
      %max3A_912 = arith.maximumf %max3A_838, %get3A_911 : vector<16xf32>
      %add3A_913 = arith.constant 64 : i32
      %add3A_914 = arith.addi %add3A_913, %scan3A_903 : i32
      %get3A_915 = arith.constant 0 : i32
      %get3A_916 = arith.index_cast %get3A_915 : i32 to index
      %get3A_917 = arith.index_cast %add3A_914 : i32 to index
      %get3A_918 = arith.constant 16 : index
      %get3A_919 = tpu.vector_load %arg6[%get3A_916, %get3A_917, %get3A_918] {strides = array<i32>} : memref<2x128x128xf32, #tpu.memory_space<vmem>>, vector<1x1x16xf32>,
      %get3A_920 = vector.shape_cast %get3A_919 : vector<1x1x16xf32> to vector<16xf32>
      %max3A_921 = arith.maximumf %max3A_847, %get3A_920 : vector<16xf32>
      %add3A_922 = arith.constant 64 : i32
      %add3A_923 = arith.addi %add3A_922, %scan3A_903 : i32
      %get3A_924 = arith.constant 0 : i32
      %get3A_925 = arith.index_cast %get3A_924 : i32 to index
      %get3A_926 = arith.index_cast %add3A_923 : i32 to index
      %get3A_927 = arith.constant 32 : index
      %get3A_928 = tpu.vector_load %arg6[%get3A_925, %get3A_926, %get3A_927] {strides = array<i32>} : memref<2x128x128xf32, #tpu.memory_space<vmem>>, vector<1x1x16xf32>,
      %get3A_929 = vector.shape_cast %get3A_928 : vector<1x1x16xf32> to vector<16xf32>
      %max3A_930 = arith.maximumf %max3A_856, %get3A_929 : vector<16xf32>
      %add3A_931 = arith.constant 64 : i32
      %add3A_932 = arith.addi %add3A_931, %scan3A_903 : i32
      %get3A_933 = arith.constant 0 : i32
      %get3A_934 = arith.index_cast %get3A_933 : i32 to index
      %get3A_935 = arith.index_cast %add3A_932 : i32 to index
      %get3A_936 = arith.constant 48 : index
      %get3A_937 = tpu.vector_load %arg6[%get3A_934, %get3A_935, %get3A_936] {strides = array<i32>} : memref<2x128x128xf32, #tpu.memory_space<vmem>>, vector<1x1x16xf32>,
      %get3A_938 = vector.shape_cast %get3A_937 : vector<1x1x16xf32> to vector<16xf32>
      %max3A_939 = arith.maximumf %max3A_865, %get3A_938 : vector<16xf32>
      %add3A_940 = arith.constant 64 : i32
      %add3A_941 = arith.addi %add3A_940, %scan3A_903 : i32
      %get3A_942 = arith.constant 0 : i32
      %get3A_943 = arith.index_cast %get3A_942 : i32 to index
      %get3A_944 = arith.index_cast %add3A_941 : i32 to index
      %get3A_945 = arith.constant 64 : index
      %get3A_946 = tpu.vector_load %arg6[%get3A_943, %get3A_944, %get3A_945] {strides = array<i32>} : memref<2x128x128xf32, #tpu.memory_space<vmem>>, vector<1x1x16xf32>,
      %get3A_947 = vector.shape_cast %get3A_946 : vector<1x1x16xf32> to vector<16xf32>
      %max3A_948 = arith.maximumf %max3A_874, %get3A_947 : vector<16xf32>
      %add3A_949 = arith.constant 64 : i32
      %add3A_950 = arith.addi %add3A_949, %scan3A_903 : i32
      %get3A_951 = arith.constant 0 : i32
      %get3A_952 = arith.index_cast %get3A_951 : i32 to index
      %get3A_953 = arith.index_cast %add3A_950 : i32 to index
      %get3A_954 = arith.constant 80 : index
      %get3A_955 = tpu.vector_load %arg6[%get3A_952, %get3A_953, %get3A_954] {strides = array<i32>} : memref<2x128x128xf32, #tpu.memory_space<vmem>>, vector<1x1x16xf32>,
      %get3A_956 = vector.shape_cast %get3A_955 : vector<1x1x16xf32> to vector<16xf32>
      %max3A_957 = arith.maximumf %max3A_883, %get3A_956 : vector<16xf32>
      %add3A_958 = arith.constant 64 : i32
      %add3A_959 = arith.addi %add3A_958, %scan3A_903 : i32
      %get3A_960 = arith.constant 0 : i32
      %get3A_961 = arith.index_cast %get3A_960 : i32 to index
      %get3A_962 = arith.index_cast %add3A_959 : i32 to index
      %get3A_963 = arith.constant 96 : index
      %get3A_964 = tpu.vector_load %arg6[%get3A_961, %get3A_962, %get3A_963] {strides = array<i32>} : memref<2x128x128xf32, #tpu.memory_space<vmem>>, vector<1x1x16xf32>,
      %get3A_965 = vector.shape_cast %get3A_964 : vector<1x1x16xf32> to vector<16xf32>
      %max3A_966 = arith.maximumf %max3A_892, %get3A_965 : vector<16xf32>
      %add3A_967 = arith.constant 64 : i32
      %add3A_968 = arith.addi %add3A_967, %scan3A_903 : i32
      %get3A_969 = arith.constant 0 : i32
      %get3A_970 = arith.index_cast %get3A_969 : i32 to index
      %get3A_971 = arith.index_cast %add3A_968 : i32 to index
      %get3A_972 = arith.constant 112 : index
      %get3A_973 = tpu.vector_load %arg6[%get3A_970, %get3A_971, %get3A_972] {strides = array<i32>} : memref<2x128x128xf32, #tpu.memory_space<vmem>>, vector<1x1x16xf32>,
      %get3A_974 = vector.shape_cast %get3A_973 : vector<1x1x16xf32> to vector<16xf32>
      %max3A_975 = arith.maximumf %max3A_901, %get3A_974 : vector<16xf32>
      %scan3A_976 = arith.constant 30 : i32
      %scan3A_977 = arith.addi %scan3A_823, %scan3A_976 : i32
      %add3A_978 = arith.constant 64 : i32
      %add3A_979 = arith.addi %add3A_978, %scan3A_977 : i32
      %get3A_980 = arith.constant 0 : i32
      %get3A_981 = arith.index_cast %get3A_980 : i32 to index
      %get3A_982 = arith.index_cast %add3A_979 : i32 to index
      %get3A_983 = arith.constant 0 : index
      %get3A_984 = tpu.vector_load %arg6[%get3A_981, %get3A_982, %get3A_983] {strides = array<i32>} : memref<2x128x128xf32, #tpu.memory_space<vmem>>, vector<1x1x16xf32>,
      %get3A_985 = vector.shape_cast %get3A_984 : vector<1x1x16xf32> to vector<16xf32>
      %max3A_986 = arith.maximumf %max3A_912, %get3A_985 : vector<16xf32>
      %add3A_987 = arith.constant 64 : i32
      %add3A_988 = arith.addi %add3A_987, %scan3A_977 : i32
      %get3A_989 = arith.constant 0 : i32
      %get3A_990 = arith.index_cast %get3A_989 : i32 to index
      %get3A_991 = arith.index_cast %add3A_988 : i32 to index
      %get3A_992 = arith.constant 16 : index
      %get3A_993 = tpu.vector_load %arg6[%get3A_990, %get3A_991, %get3A_992] {strides = array<i32>} : memref<2x128x128xf32, #tpu.memory_space<vmem>>, vector<1x1x16xf32>,
      %get3A_994 = vector.shape_cast %get3A_993 : vector<1x1x16xf32> to vector<16xf32>
      %max3A_995 = arith.maximumf %max3A_921, %get3A_994 : vector<16xf32>
      %add3A_996 = arith.constant 64 : i32
      %add3A_997 = arith.addi %add3A_996, %scan3A_977 : i32
      %get3A_998 = arith.constant 0 : i32
      %get3A_999 = arith.index_cast %get3A_998 : i32 to index
      %get3A_1000 = arith.index_cast %add3A_997 : i32 to index
      %get3A_1001 = arith.constant 32 : index
      %get3A_1002 = tpu.vector_load %arg6[%get3A_999, %get3A_1000, %get3A_1001] {strides = array<i32>} : memref<2x128x128xf32, #tpu.memory_space<vmem>>, vector<1x1x16xf32>,
      %get3A_1003 = vector.shape_cast %get3A_1002 : vector<1x1x16xf32> to vector<16xf32>
      %max3A_1004 = arith.maximumf %max3A_930, %get3A_1003 : vector<16xf32>
      %add3A_1005 = arith.constant 64 : i32
      %add3A_1006 = arith.addi %add3A_1005, %scan3A_977 : i32
      %get3A_1007 = arith.constant 0 : i32
      %get3A_1008 = arith.index_cast %get3A_1007 : i32 to index
      %get3A_1009 = arith.index_cast %add3A_1006 : i32 to index
      %get3A_1010 = arith.constant 48 : index
      %get3A_1011 = tpu.vector_load %arg6[%get3A_1008, %get3A_1009, %get3A_1010] {strides = array<i32>} : memref<2x128x128xf32, #tpu.memory_space<vmem>>, vector<1x1x16xf32>,
      %get3A_1012 = vector.shape_cast %get3A_1011 : vector<1x1x16xf32> to vector<16xf32>
      %max3A_1013 = arith.maximumf %max3A_939, %get3A_1012 : vector<16xf32>
      %add3A_1014 = arith.constant 64 : i32
      %add3A_1015 = arith.addi %add3A_1014, %scan3A_977 : i32
      %get3A_1016 = arith.constant 0 : i32
      %get3A_1017 = arith.index_cast %get3A_1016 : i32 to index
      %get3A_1018 = arith.index_cast %add3A_1015 : i32 to index
      %get3A_1019 = arith.constant 64 : index
      %get3A_1020 = tpu.vector_load %arg6[%get3A_1017, %get3A_1018, %get3A_1019] {strides = array<i32>} : memref<2x128x128xf32, #tpu.memory_space<vmem>>, vector<1x1x16xf32>,
      %get3A_1021 = vector.shape_cast %get3A_1020 : vector<1x1x16xf32> to vector<16xf32>
      %max3A_1022 = arith.maximumf %max3A_948, %get3A_1021 : vector<16xf32>
      %add3A_1023 = arith.constant 64 : i32
      %add3A_1024 = arith.addi %add3A_1023, %scan3A_977 : i32
      %get3A_1025 = arith.constant 0 : i32
      %get3A_1026 = arith.index_cast %get3A_1025 : i32 to index
      %get3A_1027 = arith.index_cast %add3A_1024 : i32 to index
      %get3A_1028 = arith.constant 80 : index
      %get3A_1029 = tpu.vector_load %arg6[%get3A_1026, %get3A_1027, %get3A_1028] {strides = array<i32>} : memref<2x128x128xf32, #tpu.memory_space<vmem>>, vector<1x1x16xf32>,
      %get3A_1030 = vector.shape_cast %get3A_1029 : vector<1x1x16xf32> to vector<16xf32>
      %max3A_1031 = arith.maximumf %max3A_957, %get3A_1030 : vector<16xf32>
      %add3A_1032 = arith.constant 64 : i32
      %add3A_1033 = arith.addi %add3A_1032, %scan3A_977 : i32
      %get3A_1034 = arith.constant 0 : i32
      %get3A_1035 = arith.index_cast %get3A_1034 : i32 to index
      %get3A_1036 = arith.index_cast %add3A_1033 : i32 to index
      %get3A_1037 = arith.constant 96 : index
      %get3A_1038 = tpu.vector_load %arg6[%get3A_1035, %get3A_1036, %get3A_1037] {strides = array<i32>} : memref<2x128x128xf32, #tpu.memory_space<vmem>>, vector<1x1x16xf32>,
      %get3A_1039 = vector.shape_cast %get3A_1038 : vector<1x1x16xf32> to vector<16xf32>
      %max3A_1040 = arith.maximumf %max3A_966, %get3A_1039 : vector<16xf32>
      %add3A_1041 = arith.constant 64 : i32
      %add3A_1042 = arith.addi %add3A_1041, %scan3A_977 : i32
      %get3A_1043 = arith.constant 0 : i32
      %get3A_1044 = arith.index_cast %get3A_1043 : i32 to index
      %get3A_1045 = arith.index_cast %add3A_1042 : i32 to index
      %get3A_1046 = arith.constant 112 : index
      %get3A_1047 = tpu.vector_load %arg6[%get3A_1044, %get3A_1045, %get3A_1046] {strides = array<i32>} : memref<2x128x128xf32, #tpu.memory_space<vmem>>, vector<1x1x16xf32>,
      %get3A_1048 = vector.shape_cast %get3A_1047 : vector<1x1x16xf32> to vector<16xf32>
      %max3A_1049 = arith.maximumf %max3A_975, %get3A_1048 : vector<16xf32>
      %scan3A_1050 = arith.constant 31 : i32
      %swap3A_1051 = arith.constant 0 : i32
      %swap3A_1052 = arith.constant 2 : i32
      %swap3A_1053 = arith.index_cast %swap3A_1051 : i32 to index
      %swap3A_1054 = arith.index_cast %swap3A_1052 : i32 to index
      %swap3A_1055 = arith.constant 0 : index
      %swap3A_1056 = tpu.vector_load %arg7[%swap3A_1053, %swap3A_1054, %swap3A_1055] {strides = array<i32>} : memref<2x4x128xf32, #tpu.memory_space<vmem>>, vector<1x1x16xf32>,
      %swap3A_1057 = vector.shape_cast %swap3A_1056 : vector<1x1x16xf32> to vector<16xf32>
      %swap3A_1058 = vector.shape_cast %max3A_986 : vector<16xf32> to vector<1x1x16xf32>
      tpu.vector_store %arg7[%swap3A_1053, %swap3A_1054, %swap3A_1055], %swap3A_1058 {strides = array<i32>} : memref<2x4x128xf32, #tpu.memory_space<vmem>>, vector<1x1x16xf32>,
      %swap3A_1059 = arith.constant 0 : i32
      %swap3A_1060 = arith.constant 2 : i32
      %swap3A_1061 = arith.index_cast %swap3A_1059 : i32 to index
      %swap3A_1062 = arith.index_cast %swap3A_1060 : i32 to index
      %swap3A_1063 = arith.constant 16 : index
      %swap3A_1064 = tpu.vector_load %arg7[%swap3A_1061, %swap3A_1062, %swap3A_1063] {strides = array<i32>} : memref<2x4x128xf32, #tpu.memory_space<vmem>>, vector<1x1x16xf32>,
      %swap3A_1065 = vector.shape_cast %swap3A_1064 : vector<1x1x16xf32> to vector<16xf32>
      %swap3A_1066 = vector.shape_cast %max3A_995 : vector<16xf32> to vector<1x1x16xf32>
      tpu.vector_store %arg7[%swap3A_1061, %swap3A_1062, %swap3A_1063], %swap3A_1066 {strides = array<i32>} : memref<2x4x128xf32, #tpu.memory_space<vmem>>, vector<1x1x16xf32>,
      %swap3A_1067 = arith.constant 0 : i32
      %swap3A_1068 = arith.constant 2 : i32
      %swap3A_1069 = arith.index_cast %swap3A_1067 : i32 to index
      %swap3A_1070 = arith.index_cast %swap3A_1068 : i32 to index
      %swap3A_1071 = arith.constant 32 : index
      %swap3A_1072 = tpu.vector_load %arg7[%swap3A_1069, %swap3A_1070, %swap3A_1071] {strides = array<i32>} : memref<2x4x128xf32, #tpu.memory_space<vmem>>, vector<1x1x16xf32>,
      %swap3A_1073 = vector.shape_cast %swap3A_1072 : vector<1x1x16xf32> to vector<16xf32>
      %swap3A_1074 = vector.shape_cast %max3A_1004 : vector<16xf32> to vector<1x1x16xf32>
      tpu.vector_store %arg7[%swap3A_1069, %swap3A_1070, %swap3A_1071], %swap3A_1074 {strides = array<i32>} : memref<2x4x128xf32, #tpu.memory_space<vmem>>, vector<1x1x16xf32>,
      %swap3A_1075 = arith.constant 0 : i32
      %swap3A_1076 = arith.constant 2 : i32
      %swap3A_1077 = arith.index_cast %swap3A_1075 : i32 to index
      %swap3A_1078 = arith.index_cast %swap3A_1076 : i32 to index
      %swap3A_1079 = arith.constant 48 : index
      %swap3A_1080 = tpu.vector_load %arg7[%swap3A_1077, %swap3A_1078, %swap3A_1079] {strides = array<i32>} : memref<2x4x128xf32, #tpu.memory_space<vmem>>, vector<1x1x16xf32>,
      %swap3A_1081 = vector.shape_cast %swap3A_1080 : vector<1x1x16xf32> to vector<16xf32>
      %swap3A_1082 = vector.shape_cast %max3A_1013 : vector<16xf32> to vector<1x1x16xf32>
      tpu.vector_store %arg7[%swap3A_1077, %swap3A_1078, %swap3A_1079], %swap3A_1082 {strides = array<i32>} : memref<2x4x128xf32, #tpu.memory_space<vmem>>, vector<1x1x16xf32>,
      %swap3A_1083 = arith.constant 0 : i32
      %swap3A_1084 = arith.constant 2 : i32
      %swap3A_1085 = arith.index_cast %swap3A_1083 : i32 to index
      %swap3A_1086 = arith.index_cast %swap3A_1084 : i32 to index
      %swap3A_1087 = arith.constant 64 : index
      %swap3A_1088 = tpu.vector_load %arg7[%swap3A_1085, %swap3A_1086, %swap3A_1087] {strides = array<i32>} : memref<2x4x128xf32, #tpu.memory_space<vmem>>, vector<1x1x16xf32>,
      %swap3A_1089 = vector.shape_cast %swap3A_1088 : vector<1x1x16xf32> to vector<16xf32>
      %swap3A_1090 = vector.shape_cast %max3A_1022 : vector<16xf32> to vector<1x1x16xf32>
      tpu.vector_store %arg7[%swap3A_1085, %swap3A_1086, %swap3A_1087], %swap3A_1090 {strides = array<i32>} : memref<2x4x128xf32, #tpu.memory_space<vmem>>, vector<1x1x16xf32>,
      %swap3A_1091 = arith.constant 0 : i32
      %swap3A_1092 = arith.constant 2 : i32
      %swap3A_1093 = arith.index_cast %swap3A_1091 : i32 to index
      %swap3A_1094 = arith.index_cast %swap3A_1092 : i32 to index
      %swap3A_1095 = arith.constant 80 : index
      %swap3A_1096 = tpu.vector_load %arg7[%swap3A_1093, %swap3A_1094, %swap3A_1095] {strides = array<i32>} : memref<2x4x128xf32, #tpu.memory_space<vmem>>, vector<1x1x16xf32>,
      %swap3A_1097 = vector.shape_cast %swap3A_1096 : vector<1x1x16xf32> to vector<16xf32>
      %swap3A_1098 = vector.shape_cast %max3A_1031 : vector<16xf32> to vector<1x1x16xf32>
      tpu.vector_store %arg7[%swap3A_1093, %swap3A_1094, %swap3A_1095], %swap3A_1098 {strides = array<i32>} : memref<2x4x128xf32, #tpu.memory_space<vmem>>, vector<1x1x16xf32>,
      %swap3A_1099 = arith.constant 0 : i32
      %swap3A_1100 = arith.constant 2 : i32
      %swap3A_1101 = arith.index_cast %swap3A_1099 : i32 to index
      %swap3A_1102 = arith.index_cast %swap3A_1100 : i32 to index
      %swap3A_1103 = arith.constant 96 : index
      %swap3A_1104 = tpu.vector_load %arg7[%swap3A_1101, %swap3A_1102, %swap3A_1103] {strides = array<i32>} : memref<2x4x128xf32, #tpu.memory_space<vmem>>, vector<1x1x16xf32>,
      %swap3A_1105 = vector.shape_cast %swap3A_1104 : vector<1x1x16xf32> to vector<16xf32>
      %swap3A_1106 = vector.shape_cast %max3A_1040 : vector<16xf32> to vector<1x1x16xf32>
      tpu.vector_store %arg7[%swap3A_1101, %swap3A_1102, %swap3A_1103], %swap3A_1106 {strides = array<i32>} : memref<2x4x128xf32, #tpu.memory_space<vmem>>, vector<1x1x16xf32>,
      %swap3A_1107 = arith.constant 0 : i32
      %swap3A_1108 = arith.constant 2 : i32
      %swap3A_1109 = arith.index_cast %swap3A_1107 : i32 to index
      %swap3A_1110 = arith.index_cast %swap3A_1108 : i32 to index
      %swap3A_1111 = arith.constant 112 : index
      %swap3A_1112 = tpu.vector_load %arg7[%swap3A_1109, %swap3A_1110, %swap3A_1111] {strides = array<i32>} : memref<2x4x128xf32, #tpu.memory_space<vmem>>, vector<1x1x16xf32>,
      %swap3A_1113 = vector.shape_cast %swap3A_1112 : vector<1x1x16xf32> to vector<16xf32>
      %swap3A_1114 = vector.shape_cast %max3A_1049 : vector<16xf32> to vector<1x1x16xf32>
      tpu.vector_store %arg7[%swap3A_1109, %swap3A_1110, %swap3A_1111], %swap3A_1114 {strides = array<i32>} : memref<2x4x128xf32, #tpu.memory_space<vmem>>, vector<1x1x16xf32>,
      %get3A_1115 = arith.constant 0 : i32
      %get3A_1116 = arith.constant 96 : i32
      %get3A_1117 = arith.index_cast %get3A_1115 : i32 to index
      %get3A_1118 = arith.index_cast %get3A_1116 : i32 to index
      %get3A_1119 = arith.constant 0 : index
      %get3A_1120 = tpu.vector_load %arg6[%get3A_1117, %get3A_1118, %get3A_1119] {strides = array<i32>} : memref<2x128x128xf32, #tpu.memory_space<vmem>>, vector<1x1x16xf32>,
      %get3A_1121 = vector.shape_cast %get3A_1120 : vector<1x1x16xf32> to vector<16xf32>
      %get3A_1122 = arith.constant 0 : i32
      %get3A_1123 = arith.constant 96 : i32
      %get3A_1124 = arith.index_cast %get3A_1122 : i32 to index
      %get3A_1125 = arith.index_cast %get3A_1123 : i32 to index
      %get3A_1126 = arith.constant 16 : index
      %get3A_1127 = tpu.vector_load %arg6[%get3A_1124, %get3A_1125, %get3A_1126] {strides = array<i32>} : memref<2x128x128xf32, #tpu.memory_space<vmem>>, vector<1x1x16xf32>,
      %get3A_1128 = vector.shape_cast %get3A_1127 : vector<1x1x16xf32> to vector<16xf32>
      %get3A_1129 = arith.constant 0 : i32
      %get3A_1130 = arith.constant 96 : i32
      %get3A_1131 = arith.index_cast %get3A_1129 : i32 to index
      %get3A_1132 = arith.index_cast %get3A_1130 : i32 to index
      %get3A_1133 = arith.constant 32 : index
      %get3A_1134 = tpu.vector_load %arg6[%get3A_1131, %get3A_1132, %get3A_1133] {strides = array<i32>} : memref<2x128x128xf32, #tpu.memory_space<vmem>>, vector<1x1x16xf32>,
      %get3A_1135 = vector.shape_cast %get3A_1134 : vector<1x1x16xf32> to vector<16xf32>
      %get3A_1136 = arith.constant 0 : i32
      %get3A_1137 = arith.constant 96 : i32
      %get3A_1138 = arith.index_cast %get3A_1136 : i32 to index
      %get3A_1139 = arith.index_cast %get3A_1137 : i32 to index
      %get3A_1140 = arith.constant 48 : index
      %get3A_1141 = tpu.vector_load %arg6[%get3A_1138, %get3A_1139, %get3A_1140] {strides = array<i32>} : memref<2x128x128xf32, #tpu.memory_space<vmem>>, vector<1x1x16xf32>,
      %get3A_1142 = vector.shape_cast %get3A_1141 : vector<1x1x16xf32> to vector<16xf32>
      %get3A_1143 = arith.constant 0 : i32
      %get3A_1144 = arith.constant 96 : i32
      %get3A_1145 = arith.index_cast %get3A_1143 : i32 to index
      %get3A_1146 = arith.index_cast %get3A_1144 : i32 to index
      %get3A_1147 = arith.constant 64 : index
      %get3A_1148 = tpu.vector_load %arg6[%get3A_1145, %get3A_1146, %get3A_1147] {strides = array<i32>} : memref<2x128x128xf32, #tpu.memory_space<vmem>>, vector<1x1x16xf32>,
      %get3A_1149 = vector.shape_cast %get3A_1148 : vector<1x1x16xf32> to vector<16xf32>
      %get3A_1150 = arith.constant 0 : i32
      %get3A_1151 = arith.constant 96 : i32
      %get3A_1152 = arith.index_cast %get3A_1150 : i32 to index
      %get3A_1153 = arith.index_cast %get3A_1151 : i32 to index
      %get3A_1154 = arith.constant 80 : index
      %get3A_1155 = tpu.vector_load %arg6[%get3A_1152, %get3A_1153, %get3A_1154] {strides = array<i32>} : memref<2x128x128xf32, #tpu.memory_space<vmem>>, vector<1x1x16xf32>,
      %get3A_1156 = vector.shape_cast %get3A_1155 : vector<1x1x16xf32> to vector<16xf32>
      %get3A_1157 = arith.constant 0 : i32
      %get3A_1158 = arith.constant 96 : i32
      %get3A_1159 = arith.index_cast %get3A_1157 : i32 to index
      %get3A_1160 = arith.index_cast %get3A_1158 : i32 to index
      %get3A_1161 = arith.constant 96 : index
      %get3A_1162 = tpu.vector_load %arg6[%get3A_1159, %get3A_1160, %get3A_1161] {strides = array<i32>} : memref<2x128x128xf32, #tpu.memory_space<vmem>>, vector<1x1x16xf32>,
      %get3A_1163 = vector.shape_cast %get3A_1162 : vector<1x1x16xf32> to vector<16xf32>
      %get3A_1164 = arith.constant 0 : i32
      %get3A_1165 = arith.constant 96 : i32
      %get3A_1166 = arith.index_cast %get3A_1164 : i32 to index
      %get3A_1167 = arith.index_cast %get3A_1165 : i32 to index
      %get3A_1168 = arith.constant 112 : index
      %get3A_1169 = tpu.vector_load %arg6[%get3A_1166, %get3A_1167, %get3A_1168] {strides = array<i32>} : memref<2x128x128xf32, #tpu.memory_space<vmem>>, vector<1x1x16xf32>,
      %get3A_1170 = vector.shape_cast %get3A_1169 : vector<1x1x16xf32> to vector<16xf32>
      %scan3A_1171 = arith.constant 1 : i32
      %scan3A_1172 = arith.constant 28 : i32
      %scan3A_1173 = arith.addi %scan3A_1171, %scan3A_1172 : i32
      %scan3A_1174 = arith.constant 4 : i32
      %scan3A_1175:8 = scf.for %scan3A_2913 = %scan3A_1171 to %scan3A_1173 step %scan3A_1174 iter_args(%scan3A_2914 = %get3A_1121, %scan3A_2915 = %get3A_1128, %scan3A_2916 = %get3A_1135, %scan3A_2917 = %get3A_1142, %scan3A_2918 = %get3A_1149, %scan3A_2919 = %get3A_1156, %scan3A_2920 = %get3A_1163, %scan3A_2921 = %get3A_1170) -> (vector<16xf32>, vector<16xf32>, vector<16xf32>, vector<16xf32>, vector<16xf32>, vector<16xf32>, vector<16xf32>, vector<16xf32>)  : i32 {
        %add3A_2922 = arith.constant 96 : i32
        %add3A_2923 = arith.addi %add3A_2922, %scan3A_2913 : i32
        %get3A_2924 = arith.constant 0 : i32
        %get3A_2925 = arith.index_cast %get3A_2924 : i32 to index
        %get3A_2926 = arith.index_cast %add3A_2923 : i32 to index
        %get3A_2927 = arith.constant 0 : index
        %get3A_2928 = tpu.vector_load %arg6[%get3A_2925, %get3A_2926, %get3A_2927] {strides = array<i32>} : memref<2x128x128xf32, #tpu.memory_space<vmem>>, vector<1x1x16xf32>,
        %get3A_2929 = vector.shape_cast %get3A_2928 : vector<1x1x16xf32> to vector<16xf32>
        %max3A_2930 = arith.maximumf %scan3A_2914, %get3A_2929 : vector<16xf32>
        %add3A_2931 = arith.constant 96 : i32
        %add3A_2932 = arith.addi %add3A_2931, %scan3A_2913 : i32
        %get3A_2933 = arith.constant 0 : i32
        %get3A_2934 = arith.index_cast %get3A_2933 : i32 to index
        %get3A_2935 = arith.index_cast %add3A_2932 : i32 to index
        %get3A_2936 = arith.constant 16 : index
        %get3A_2937 = tpu.vector_load %arg6[%get3A_2934, %get3A_2935, %get3A_2936] {strides = array<i32>} : memref<2x128x128xf32, #tpu.memory_space<vmem>>, vector<1x1x16xf32>,
        %get3A_2938 = vector.shape_cast %get3A_2937 : vector<1x1x16xf32> to vector<16xf32>
        %max3A_2939 = arith.maximumf %scan3A_2915, %get3A_2938 : vector<16xf32>
        %add3A_2940 = arith.constant 96 : i32
        %add3A_2941 = arith.addi %add3A_2940, %scan3A_2913 : i32
        %get3A_2942 = arith.constant 0 : i32
        %get3A_2943 = arith.index_cast %get3A_2942 : i32 to index
        %get3A_2944 = arith.index_cast %add3A_2941 : i32 to index
        %get3A_2945 = arith.constant 32 : index
        %get3A_2946 = tpu.vector_load %arg6[%get3A_2943, %get3A_2944, %get3A_2945] {strides = array<i32>} : memref<2x128x128xf32, #tpu.memory_space<vmem>>, vector<1x1x16xf32>,
        %get3A_2947 = vector.shape_cast %get3A_2946 : vector<1x1x16xf32> to vector<16xf32>
        %max3A_2948 = arith.maximumf %scan3A_2916, %get3A_2947 : vector<16xf32>
        %add3A_2949 = arith.constant 96 : i32
        %add3A_2950 = arith.addi %add3A_2949, %scan3A_2913 : i32
        %get3A_2951 = arith.constant 0 : i32
        %get3A_2952 = arith.index_cast %get3A_2951 : i32 to index
        %get3A_2953 = arith.index_cast %add3A_2950 : i32 to index
        %get3A_2954 = arith.constant 48 : index
        %get3A_2955 = tpu.vector_load %arg6[%get3A_2952, %get3A_2953, %get3A_2954] {strides = array<i32>} : memref<2x128x128xf32, #tpu.memory_space<vmem>>, vector<1x1x16xf32>,
        %get3A_2956 = vector.shape_cast %get3A_2955 : vector<1x1x16xf32> to vector<16xf32>
        %max3A_2957 = arith.maximumf %scan3A_2917, %get3A_2956 : vector<16xf32>
        %add3A_2958 = arith.constant 96 : i32
        %add3A_2959 = arith.addi %add3A_2958, %scan3A_2913 : i32
        %get3A_2960 = arith.constant 0 : i32
        %get3A_2961 = arith.index_cast %get3A_2960 : i32 to index
        %get3A_2962 = arith.index_cast %add3A_2959 : i32 to index
        %get3A_2963 = arith.constant 64 : index
        %get3A_2964 = tpu.vector_load %arg6[%get3A_2961, %get3A_2962, %get3A_2963] {strides = array<i32>} : memref<2x128x128xf32, #tpu.memory_space<vmem>>, vector<1x1x16xf32>,
        %get3A_2965 = vector.shape_cast %get3A_2964 : vector<1x1x16xf32> to vector<16xf32>
        %max3A_2966 = arith.maximumf %scan3A_2918, %get3A_2965 : vector<16xf32>
        %add3A_2967 = arith.constant 96 : i32
        %add3A_2968 = arith.addi %add3A_2967, %scan3A_2913 : i32
        %get3A_2969 = arith.constant 0 : i32
        %get3A_2970 = arith.index_cast %get3A_2969 : i32 to index
        %get3A_2971 = arith.index_cast %add3A_2968 : i32 to index
        %get3A_2972 = arith.constant 80 : index
        %get3A_2973 = tpu.vector_load %arg6[%get3A_2970, %get3A_2971, %get3A_2972] {strides = array<i32>} : memref<2x128x128xf32, #tpu.memory_space<vmem>>, vector<1x1x16xf32>,
        %get3A_2974 = vector.shape_cast %get3A_2973 : vector<1x1x16xf32> to vector<16xf32>
        %max3A_2975 = arith.maximumf %scan3A_2919, %get3A_2974 : vector<16xf32>
        %add3A_2976 = arith.constant 96 : i32
        %add3A_2977 = arith.addi %add3A_2976, %scan3A_2913 : i32
        %get3A_2978 = arith.constant 0 : i32
        %get3A_2979 = arith.index_cast %get3A_2978 : i32 to index
        %get3A_2980 = arith.index_cast %add3A_2977 : i32 to index
        %get3A_2981 = arith.constant 96 : index
        %get3A_2982 = tpu.vector_load %arg6[%get3A_2979, %get3A_2980, %get3A_2981] {strides = array<i32>} : memref<2x128x128xf32, #tpu.memory_space<vmem>>, vector<1x1x16xf32>,
        %get3A_2983 = vector.shape_cast %get3A_2982 : vector<1x1x16xf32> to vector<16xf32>
        %max3A_2984 = arith.maximumf %scan3A_2920, %get3A_2983 : vector<16xf32>
        %add3A_2985 = arith.constant 96 : i32
        %add3A_2986 = arith.addi %add3A_2985, %scan3A_2913 : i32
        %get3A_2987 = arith.constant 0 : i32
        %get3A_2988 = arith.index_cast %get3A_2987 : i32 to index
        %get3A_2989 = arith.index_cast %add3A_2986 : i32 to index
        %get3A_2990 = arith.constant 112 : index
        %get3A_2991 = tpu.vector_load %arg6[%get3A_2988, %get3A_2989, %get3A_2990] {strides = array<i32>} : memref<2x128x128xf32, #tpu.memory_space<vmem>>, vector<1x1x16xf32>,
        %get3A_2992 = vector.shape_cast %get3A_2991 : vector<1x1x16xf32> to vector<16xf32>
        %max3A_2993 = arith.maximumf %scan3A_2921, %get3A_2992 : vector<16xf32>
        %scan3A_2994 = arith.constant 1 : i32
        %scan3A_2995 = arith.addi %scan3A_2913, %scan3A_2994 : i32
        %add3A_2996 = arith.constant 96 : i32
        %add3A_2997 = arith.addi %add3A_2996, %scan3A_2995 : i32
        %get3A_2998 = arith.constant 0 : i32
        %get3A_2999 = arith.index_cast %get3A_2998 : i32 to index
        %get3A_3000 = arith.index_cast %add3A_2997 : i32 to index
        %get3A_3001 = arith.constant 0 : index
        %get3A_3002 = tpu.vector_load %arg6[%get3A_2999, %get3A_3000, %get3A_3001] {strides = array<i32>} : memref<2x128x128xf32, #tpu.memory_space<vmem>>, vector<1x1x16xf32>,
        %get3A_3003 = vector.shape_cast %get3A_3002 : vector<1x1x16xf32> to vector<16xf32>
        %max3A_3004 = arith.maximumf %max3A_2930, %get3A_3003 : vector<16xf32>
        %add3A_3005 = arith.constant 96 : i32
        %add3A_3006 = arith.addi %add3A_3005, %scan3A_2995 : i32
        %get3A_3007 = arith.constant 0 : i32
        %get3A_3008 = arith.index_cast %get3A_3007 : i32 to index
        %get3A_3009 = arith.index_cast %add3A_3006 : i32 to index
        %get3A_3010 = arith.constant 16 : index
        %get3A_3011 = tpu.vector_load %arg6[%get3A_3008, %get3A_3009, %get3A_3010] {strides = array<i32>} : memref<2x128x128xf32, #tpu.memory_space<vmem>>, vector<1x1x16xf32>,
        %get3A_3012 = vector.shape_cast %get3A_3011 : vector<1x1x16xf32> to vector<16xf32>
        %max3A_3013 = arith.maximumf %max3A_2939, %get3A_3012 : vector<16xf32>
        %add3A_3014 = arith.constant 96 : i32
        %add3A_3015 = arith.addi %add3A_3014, %scan3A_2995 : i32
        %get3A_3016 = arith.constant 0 : i32
        %get3A_3017 = arith.index_cast %get3A_3016 : i32 to index
        %get3A_3018 = arith.index_cast %add3A_3015 : i32 to index
        %get3A_3019 = arith.constant 32 : index
        %get3A_3020 = tpu.vector_load %arg6[%get3A_3017, %get3A_3018, %get3A_3019] {strides = array<i32>} : memref<2x128x128xf32, #tpu.memory_space<vmem>>, vector<1x1x16xf32>,
        %get3A_3021 = vector.shape_cast %get3A_3020 : vector<1x1x16xf32> to vector<16xf32>
        %max3A_3022 = arith.maximumf %max3A_2948, %get3A_3021 : vector<16xf32>
        %add3A_3023 = arith.constant 96 : i32
        %add3A_3024 = arith.addi %add3A_3023, %scan3A_2995 : i32
        %get3A_3025 = arith.constant 0 : i32
        %get3A_3026 = arith.index_cast %get3A_3025 : i32 to index
        %get3A_3027 = arith.index_cast %add3A_3024 : i32 to index
        %get3A_3028 = arith.constant 48 : index
        %get3A_3029 = tpu.vector_load %arg6[%get3A_3026, %get3A_3027, %get3A_3028] {strides = array<i32>} : memref<2x128x128xf32, #tpu.memory_space<vmem>>, vector<1x1x16xf32>,
        %get3A_3030 = vector.shape_cast %get3A_3029 : vector<1x1x16xf32> to vector<16xf32>
        %max3A_3031 = arith.maximumf %max3A_2957, %get3A_3030 : vector<16xf32>
        %add3A_3032 = arith.constant 96 : i32
        %add3A_3033 = arith.addi %add3A_3032, %scan3A_2995 : i32
        %get3A_3034 = arith.constant 0 : i32
        %get3A_3035 = arith.index_cast %get3A_3034 : i32 to index
        %get3A_3036 = arith.index_cast %add3A_3033 : i32 to index
        %get3A_3037 = arith.constant 64 : index
        %get3A_3038 = tpu.vector_load %arg6[%get3A_3035, %get3A_3036, %get3A_3037] {strides = array<i32>} : memref<2x128x128xf32, #tpu.memory_space<vmem>>, vector<1x1x16xf32>,
        %get3A_3039 = vector.shape_cast %get3A_3038 : vector<1x1x16xf32> to vector<16xf32>
        %max3A_3040 = arith.maximumf %max3A_2966, %get3A_3039 : vector<16xf32>
        %add3A_3041 = arith.constant 96 : i32
        %add3A_3042 = arith.addi %add3A_3041, %scan3A_2995 : i32
        %get3A_3043 = arith.constant 0 : i32
        %get3A_3044 = arith.index_cast %get3A_3043 : i32 to index
        %get3A_3045 = arith.index_cast %add3A_3042 : i32 to index
        %get3A_3046 = arith.constant 80 : index
        %get3A_3047 = tpu.vector_load %arg6[%get3A_3044, %get3A_3045, %get3A_3046] {strides = array<i32>} : memref<2x128x128xf32, #tpu.memory_space<vmem>>, vector<1x1x16xf32>,
        %get3A_3048 = vector.shape_cast %get3A_3047 : vector<1x1x16xf32> to vector<16xf32>
        %max3A_3049 = arith.maximumf %max3A_2975, %get3A_3048 : vector<16xf32>
        %add3A_3050 = arith.constant 96 : i32
        %add3A_3051 = arith.addi %add3A_3050, %scan3A_2995 : i32
        %get3A_3052 = arith.constant 0 : i32
        %get3A_3053 = arith.index_cast %get3A_3052 : i32 to index
        %get3A_3054 = arith.index_cast %add3A_3051 : i32 to index
        %get3A_3055 = arith.constant 96 : index
        %get3A_3056 = tpu.vector_load %arg6[%get3A_3053, %get3A_3054, %get3A_3055] {strides = array<i32>} : memref<2x128x128xf32, #tpu.memory_space<vmem>>, vector<1x1x16xf32>,
        %get3A_3057 = vector.shape_cast %get3A_3056 : vector<1x1x16xf32> to vector<16xf32>
        %max3A_3058 = arith.maximumf %max3A_2984, %get3A_3057 : vector<16xf32>
        %add3A_3059 = arith.constant 96 : i32
        %add3A_3060 = arith.addi %add3A_3059, %scan3A_2995 : i32
        %get3A_3061 = arith.constant 0 : i32
        %get3A_3062 = arith.index_cast %get3A_3061 : i32 to index
        %get3A_3063 = arith.index_cast %add3A_3060 : i32 to index
        %get3A_3064 = arith.constant 112 : index
        %get3A_3065 = tpu.vector_load %arg6[%get3A_3062, %get3A_3063, %get3A_3064] {strides = array<i32>} : memref<2x128x128xf32, #tpu.memory_space<vmem>>, vector<1x1x16xf32>,
        %get3A_3066 = vector.shape_cast %get3A_3065 : vector<1x1x16xf32> to vector<16xf32>
        %max3A_3067 = arith.maximumf %max3A_2993, %get3A_3066 : vector<16xf32>
        %scan3A_3068 = arith.constant 2 : i32
        %scan3A_3069 = arith.addi %scan3A_2913, %scan3A_3068 : i32
        %add3A_3070 = arith.constant 96 : i32
        %add3A_3071 = arith.addi %add3A_3070, %scan3A_3069 : i32
        %get3A_3072 = arith.constant 0 : i32
        %get3A_3073 = arith.index_cast %get3A_3072 : i32 to index
        %get3A_3074 = arith.index_cast %add3A_3071 : i32 to index
        %get3A_3075 = arith.constant 0 : index
        %get3A_3076 = tpu.vector_load %arg6[%get3A_3073, %get3A_3074, %get3A_3075] {strides = array<i32>} : memref<2x128x128xf32, #tpu.memory_space<vmem>>, vector<1x1x16xf32>,
        %get3A_3077 = vector.shape_cast %get3A_3076 : vector<1x1x16xf32> to vector<16xf32>
        %max3A_3078 = arith.maximumf %max3A_3004, %get3A_3077 : vector<16xf32>
        %add3A_3079 = arith.constant 96 : i32
        %add3A_3080 = arith.addi %add3A_3079, %scan3A_3069 : i32
        %get3A_3081 = arith.constant 0 : i32
        %get3A_3082 = arith.index_cast %get3A_3081 : i32 to index
        %get3A_3083 = arith.index_cast %add3A_3080 : i32 to index
        %get3A_3084 = arith.constant 16 : index
        %get3A_3085 = tpu.vector_load %arg6[%get3A_3082, %get3A_3083, %get3A_3084] {strides = array<i32>} : memref<2x128x128xf32, #tpu.memory_space<vmem>>, vector<1x1x16xf32>,
        %get3A_3086 = vector.shape_cast %get3A_3085 : vector<1x1x16xf32> to vector<16xf32>
        %max3A_3087 = arith.maximumf %max3A_3013, %get3A_3086 : vector<16xf32>
        %add3A_3088 = arith.constant 96 : i32
        %add3A_3089 = arith.addi %add3A_3088, %scan3A_3069 : i32
        %get3A_3090 = arith.constant 0 : i32
        %get3A_3091 = arith.index_cast %get3A_3090 : i32 to index
        %get3A_3092 = arith.index_cast %add3A_3089 : i32 to index
        %get3A_3093 = arith.constant 32 : index
        %get3A_3094 = tpu.vector_load %arg6[%get3A_3091, %get3A_3092, %get3A_3093] {strides = array<i32>} : memref<2x128x128xf32, #tpu.memory_space<vmem>>, vector<1x1x16xf32>,
        %get3A_3095 = vector.shape_cast %get3A_3094 : vector<1x1x16xf32> to vector<16xf32>
        %max3A_3096 = arith.maximumf %max3A_3022, %get3A_3095 : vector<16xf32>
        %add3A_3097 = arith.constant 96 : i32
        %add3A_3098 = arith.addi %add3A_3097, %scan3A_3069 : i32
        %get3A_3099 = arith.constant 0 : i32
        %get3A_3100 = arith.index_cast %get3A_3099 : i32 to index
        %get3A_3101 = arith.index_cast %add3A_3098 : i32 to index
        %get3A_3102 = arith.constant 48 : index
        %get3A_3103 = tpu.vector_load %arg6[%get3A_3100, %get3A_3101, %get3A_3102] {strides = array<i32>} : memref<2x128x128xf32, #tpu.memory_space<vmem>>, vector<1x1x16xf32>,
        %get3A_3104 = vector.shape_cast %get3A_3103 : vector<1x1x16xf32> to vector<16xf32>
        %max3A_3105 = arith.maximumf %max3A_3031, %get3A_3104 : vector<16xf32>
        %add3A_3106 = arith.constant 96 : i32
        %add3A_3107 = arith.addi %add3A_3106, %scan3A_3069 : i32
        %get3A_3108 = arith.constant 0 : i32
        %get3A_3109 = arith.index_cast %get3A_3108 : i32 to index
        %get3A_3110 = arith.index_cast %add3A_3107 : i32 to index
        %get3A_3111 = arith.constant 64 : index
        %get3A_3112 = tpu.vector_load %arg6[%get3A_3109, %get3A_3110, %get3A_3111] {strides = array<i32>} : memref<2x128x128xf32, #tpu.memory_space<vmem>>, vector<1x1x16xf32>,
        %get3A_3113 = vector.shape_cast %get3A_3112 : vector<1x1x16xf32> to vector<16xf32>
        %max3A_3114 = arith.maximumf %max3A_3040, %get3A_3113 : vector<16xf32>
        %add3A_3115 = arith.constant 96 : i32
        %add3A_3116 = arith.addi %add3A_3115, %scan3A_3069 : i32
        %get3A_3117 = arith.constant 0 : i32
        %get3A_3118 = arith.index_cast %get3A_3117 : i32 to index
        %get3A_3119 = arith.index_cast %add3A_3116 : i32 to index
        %get3A_3120 = arith.constant 80 : index
        %get3A_3121 = tpu.vector_load %arg6[%get3A_3118, %get3A_3119, %get3A_3120] {strides = array<i32>} : memref<2x128x128xf32, #tpu.memory_space<vmem>>, vector<1x1x16xf32>,
        %get3A_3122 = vector.shape_cast %get3A_3121 : vector<1x1x16xf32> to vector<16xf32>
        %max3A_3123 = arith.maximumf %max3A_3049, %get3A_3122 : vector<16xf32>
        %add3A_3124 = arith.constant 96 : i32
        %add3A_3125 = arith.addi %add3A_3124, %scan3A_3069 : i32
        %get3A_3126 = arith.constant 0 : i32
        %get3A_3127 = arith.index_cast %get3A_3126 : i32 to index
        %get3A_3128 = arith.index_cast %add3A_3125 : i32 to index
        %get3A_3129 = arith.constant 96 : index
        %get3A_3130 = tpu.vector_load %arg6[%get3A_3127, %get3A_3128, %get3A_3129] {strides = array<i32>} : memref<2x128x128xf32, #tpu.memory_space<vmem>>, vector<1x1x16xf32>,
        %get3A_3131 = vector.shape_cast %get3A_3130 : vector<1x1x16xf32> to vector<16xf32>
        %max3A_3132 = arith.maximumf %max3A_3058, %get3A_3131 : vector<16xf32>
        %add3A_3133 = arith.constant 96 : i32
        %add3A_3134 = arith.addi %add3A_3133, %scan3A_3069 : i32
        %get3A_3135 = arith.constant 0 : i32
        %get3A_3136 = arith.index_cast %get3A_3135 : i32 to index
        %get3A_3137 = arith.index_cast %add3A_3134 : i32 to index
        %get3A_3138 = arith.constant 112 : index
        %get3A_3139 = tpu.vector_load %arg6[%get3A_3136, %get3A_3137, %get3A_3138] {strides = array<i32>} : memref<2x128x128xf32, #tpu.memory_space<vmem>>, vector<1x1x16xf32>,
        %get3A_3140 = vector.shape_cast %get3A_3139 : vector<1x1x16xf32> to vector<16xf32>
        %max3A_3141 = arith.maximumf %max3A_3067, %get3A_3140 : vector<16xf32>
        %scan3A_3142 = arith.constant 3 : i32
        %scan3A_3143 = arith.addi %scan3A_2913, %scan3A_3142 : i32
        %add3A_3144 = arith.constant 96 : i32
        %add3A_3145 = arith.addi %add3A_3144, %scan3A_3143 : i32
        %get3A_3146 = arith.constant 0 : i32
        %get3A_3147 = arith.index_cast %get3A_3146 : i32 to index
        %get3A_3148 = arith.index_cast %add3A_3145 : i32 to index
        %get3A_3149 = arith.constant 0 : index
        %get3A_3150 = tpu.vector_load %arg6[%get3A_3147, %get3A_3148, %get3A_3149] {strides = array<i32>} : memref<2x128x128xf32, #tpu.memory_space<vmem>>, vector<1x1x16xf32>,
        %get3A_3151 = vector.shape_cast %get3A_3150 : vector<1x1x16xf32> to vector<16xf32>
        %max3A_3152 = arith.maximumf %max3A_3078, %get3A_3151 : vector<16xf32>
        %add3A_3153 = arith.constant 96 : i32
        %add3A_3154 = arith.addi %add3A_3153, %scan3A_3143 : i32
        %get3A_3155 = arith.constant 0 : i32
        %get3A_3156 = arith.index_cast %get3A_3155 : i32 to index
        %get3A_3157 = arith.index_cast %add3A_3154 : i32 to index
        %get3A_3158 = arith.constant 16 : index
        %get3A_3159 = tpu.vector_load %arg6[%get3A_3156, %get3A_3157, %get3A_3158] {strides = array<i32>} : memref<2x128x128xf32, #tpu.memory_space<vmem>>, vector<1x1x16xf32>,
        %get3A_3160 = vector.shape_cast %get3A_3159 : vector<1x1x16xf32> to vector<16xf32>
        %max3A_3161 = arith.maximumf %max3A_3087, %get3A_3160 : vector<16xf32>
        %add3A_3162 = arith.constant 96 : i32
        %add3A_3163 = arith.addi %add3A_3162, %scan3A_3143 : i32
        %get3A_3164 = arith.constant 0 : i32
        %get3A_3165 = arith.index_cast %get3A_3164 : i32 to index
        %get3A_3166 = arith.index_cast %add3A_3163 : i32 to index
        %get3A_3167 = arith.constant 32 : index
        %get3A_3168 = tpu.vector_load %arg6[%get3A_3165, %get3A_3166, %get3A_3167] {strides = array<i32>} : memref<2x128x128xf32, #tpu.memory_space<vmem>>, vector<1x1x16xf32>,
        %get3A_3169 = vector.shape_cast %get3A_3168 : vector<1x1x16xf32> to vector<16xf32>
        %max3A_3170 = arith.maximumf %max3A_3096, %get3A_3169 : vector<16xf32>
        %add3A_3171 = arith.constant 96 : i32
        %add3A_3172 = arith.addi %add3A_3171, %scan3A_3143 : i32
        %get3A_3173 = arith.constant 0 : i32
        %get3A_3174 = arith.index_cast %get3A_3173 : i32 to index
        %get3A_3175 = arith.index_cast %add3A_3172 : i32 to index
        %get3A_3176 = arith.constant 48 : index
        %get3A_3177 = tpu.vector_load %arg6[%get3A_3174, %get3A_3175, %get3A_3176] {strides = array<i32>} : memref<2x128x128xf32, #tpu.memory_space<vmem>>, vector<1x1x16xf32>,
        %get3A_3178 = vector.shape_cast %get3A_3177 : vector<1x1x16xf32> to vector<16xf32>
        %max3A_3179 = arith.maximumf %max3A_3105, %get3A_3178 : vector<16xf32>
        %add3A_3180 = arith.constant 96 : i32
        %add3A_3181 = arith.addi %add3A_3180, %scan3A_3143 : i32
        %get3A_3182 = arith.constant 0 : i32
        %get3A_3183 = arith.index_cast %get3A_3182 : i32 to index
        %get3A_3184 = arith.index_cast %add3A_3181 : i32 to index
        %get3A_3185 = arith.constant 64 : index
        %get3A_3186 = tpu.vector_load %arg6[%get3A_3183, %get3A_3184, %get3A_3185] {strides = array<i32>} : memref<2x128x128xf32, #tpu.memory_space<vmem>>, vector<1x1x16xf32>,
        %get3A_3187 = vector.shape_cast %get3A_3186 : vector<1x1x16xf32> to vector<16xf32>
        %max3A_3188 = arith.maximumf %max3A_3114, %get3A_3187 : vector<16xf32>
        %add3A_3189 = arith.constant 96 : i32
        %add3A_3190 = arith.addi %add3A_3189, %scan3A_3143 : i32
        %get3A_3191 = arith.constant 0 : i32
        %get3A_3192 = arith.index_cast %get3A_3191 : i32 to index
        %get3A_3193 = arith.index_cast %add3A_3190 : i32 to index
        %get3A_3194 = arith.constant 80 : index
        %get3A_3195 = tpu.vector_load %arg6[%get3A_3192, %get3A_3193, %get3A_3194] {strides = array<i32>} : memref<2x128x128xf32, #tpu.memory_space<vmem>>, vector<1x1x16xf32>,
        %get3A_3196 = vector.shape_cast %get3A_3195 : vector<1x1x16xf32> to vector<16xf32>
        %max3A_3197 = arith.maximumf %max3A_3123, %get3A_3196 : vector<16xf32>
        %add3A_3198 = arith.constant 96 : i32
        %add3A_3199 = arith.addi %add3A_3198, %scan3A_3143 : i32
        %get3A_3200 = arith.constant 0 : i32
        %get3A_3201 = arith.index_cast %get3A_3200 : i32 to index
        %get3A_3202 = arith.index_cast %add3A_3199 : i32 to index
        %get3A_3203 = arith.constant 96 : index
        %get3A_3204 = tpu.vector_load %arg6[%get3A_3201, %get3A_3202, %get3A_3203] {strides = array<i32>} : memref<2x128x128xf32, #tpu.memory_space<vmem>>, vector<1x1x16xf32>,
        %get3A_3205 = vector.shape_cast %get3A_3204 : vector<1x1x16xf32> to vector<16xf32>
        %max3A_3206 = arith.maximumf %max3A_3132, %get3A_3205 : vector<16xf32>
        %add3A_3207 = arith.constant 96 : i32
        %add3A_3208 = arith.addi %add3A_3207, %scan3A_3143 : i32
        %get3A_3209 = arith.constant 0 : i32
        %get3A_3210 = arith.index_cast %get3A_3209 : i32 to index
        %get3A_3211 = arith.index_cast %add3A_3208 : i32 to index
        %get3A_3212 = arith.constant 112 : index
        %get3A_3213 = tpu.vector_load %arg6[%get3A_3210, %get3A_3211, %get3A_3212] {strides = array<i32>} : memref<2x128x128xf32, #tpu.memory_space<vmem>>, vector<1x1x16xf32>,
        %get3A_3214 = vector.shape_cast %get3A_3213 : vector<1x1x16xf32> to vector<16xf32>
        %max3A_3215 = arith.maximumf %max3A_3141, %get3A_3214 : vector<16xf32>
        scf.yield %max3A_3152, %max3A_3161, %max3A_3170, %max3A_3179, %max3A_3188, %max3A_3197, %max3A_3206, %max3A_3215 : vector<16xf32>, vector<16xf32>, vector<16xf32>, vector<16xf32>, vector<16xf32>, vector<16xf32>, vector<16xf32>, vector<16xf32>
      }
      %scan3A_1176 = arith.constant 28 : i32
      %scan3A_1177 = arith.addi %scan3A_1171, %scan3A_1176 : i32
      %add3A_1178 = arith.constant 96 : i32
      %add3A_1179 = arith.addi %add3A_1178, %scan3A_1177 : i32
      %get3A_1180 = arith.constant 0 : i32
      %get3A_1181 = arith.index_cast %get3A_1180 : i32 to index
      %get3A_1182 = arith.index_cast %add3A_1179 : i32 to index
      %get3A_1183 = arith.constant 0 : index
      %get3A_1184 = tpu.vector_load %arg6[%get3A_1181, %get3A_1182, %get3A_1183] {strides = array<i32>} : memref<2x128x128xf32, #tpu.memory_space<vmem>>, vector<1x1x16xf32>,
      %get3A_1185 = vector.shape_cast %get3A_1184 : vector<1x1x16xf32> to vector<16xf32>
      %max3A_1186 = arith.maximumf %scan3A_1175#0, %get3A_1185 : vector<16xf32>
      %add3A_1187 = arith.constant 96 : i32
      %add3A_1188 = arith.addi %add3A_1187, %scan3A_1177 : i32
      %get3A_1189 = arith.constant 0 : i32
      %get3A_1190 = arith.index_cast %get3A_1189 : i32 to index
      %get3A_1191 = arith.index_cast %add3A_1188 : i32 to index
      %get3A_1192 = arith.constant 16 : index
      %get3A_1193 = tpu.vector_load %arg6[%get3A_1190, %get3A_1191, %get3A_1192] {strides = array<i32>} : memref<2x128x128xf32, #tpu.memory_space<vmem>>, vector<1x1x16xf32>,
      %get3A_1194 = vector.shape_cast %get3A_1193 : vector<1x1x16xf32> to vector<16xf32>
      %max3A_1195 = arith.maximumf %scan3A_1175#1, %get3A_1194 : vector<16xf32>
      %add3A_1196 = arith.constant 96 : i32
      %add3A_1197 = arith.addi %add3A_1196, %scan3A_1177 : i32
      %get3A_1198 = arith.constant 0 : i32
      %get3A_1199 = arith.index_cast %get3A_1198 : i32 to index
      %get3A_1200 = arith.index_cast %add3A_1197 : i32 to index
      %get3A_1201 = arith.constant 32 : index
      %get3A_1202 = tpu.vector_load %arg6[%get3A_1199, %get3A_1200, %get3A_1201] {strides = array<i32>} : memref<2x128x128xf32, #tpu.memory_space<vmem>>, vector<1x1x16xf32>,
      %get3A_1203 = vector.shape_cast %get3A_1202 : vector<1x1x16xf32> to vector<16xf32>
      %max3A_1204 = arith.maximumf %scan3A_1175#2, %get3A_1203 : vector<16xf32>
      %add3A_1205 = arith.constant 96 : i32
      %add3A_1206 = arith.addi %add3A_1205, %scan3A_1177 : i32
      %get3A_1207 = arith.constant 0 : i32
      %get3A_1208 = arith.index_cast %get3A_1207 : i32 to index
      %get3A_1209 = arith.index_cast %add3A_1206 : i32 to index
      %get3A_1210 = arith.constant 48 : index
      %get3A_1211 = tpu.vector_load %arg6[%get3A_1208, %get3A_1209, %get3A_1210] {strides = array<i32>} : memref<2x128x128xf32, #tpu.memory_space<vmem>>, vector<1x1x16xf32>,
      %get3A_1212 = vector.shape_cast %get3A_1211 : vector<1x1x16xf32> to vector<16xf32>
      %max3A_1213 = arith.maximumf %scan3A_1175#3, %get3A_1212 : vector<16xf32>
      %add3A_1214 = arith.constant 96 : i32
      %add3A_1215 = arith.addi %add3A_1214, %scan3A_1177 : i32
      %get3A_1216 = arith.constant 0 : i32
      %get3A_1217 = arith.index_cast %get3A_1216 : i32 to index
      %get3A_1218 = arith.index_cast %add3A_1215 : i32 to index
      %get3A_1219 = arith.constant 64 : index
      %get3A_1220 = tpu.vector_load %arg6[%get3A_1217, %get3A_1218, %get3A_1219] {strides = array<i32>} : memref<2x128x128xf32, #tpu.memory_space<vmem>>, vector<1x1x16xf32>,
      %get3A_1221 = vector.shape_cast %get3A_1220 : vector<1x1x16xf32> to vector<16xf32>
      %max3A_1222 = arith.maximumf %scan3A_1175#4, %get3A_1221 : vector<16xf32>
      %add3A_1223 = arith.constant 96 : i32
      %add3A_1224 = arith.addi %add3A_1223, %scan3A_1177 : i32
      %get3A_1225 = arith.constant 0 : i32
      %get3A_1226 = arith.index_cast %get3A_1225 : i32 to index
      %get3A_1227 = arith.index_cast %add3A_1224 : i32 to index
      %get3A_1228 = arith.constant 80 : index
      %get3A_1229 = tpu.vector_load %arg6[%get3A_1226, %get3A_1227, %get3A_1228] {strides = array<i32>} : memref<2x128x128xf32, #tpu.memory_space<vmem>>, vector<1x1x16xf32>,
      %get3A_1230 = vector.shape_cast %get3A_1229 : vector<1x1x16xf32> to vector<16xf32>
      %max3A_1231 = arith.maximumf %scan3A_1175#5, %get3A_1230 : vector<16xf32>
      %add3A_1232 = arith.constant 96 : i32
      %add3A_1233 = arith.addi %add3A_1232, %scan3A_1177 : i32
      %get3A_1234 = arith.constant 0 : i32
      %get3A_1235 = arith.index_cast %get3A_1234 : i32 to index
      %get3A_1236 = arith.index_cast %add3A_1233 : i32 to index
      %get3A_1237 = arith.constant 96 : index
      %get3A_1238 = tpu.vector_load %arg6[%get3A_1235, %get3A_1236, %get3A_1237] {strides = array<i32>} : memref<2x128x128xf32, #tpu.memory_space<vmem>>, vector<1x1x16xf32>,
      %get3A_1239 = vector.shape_cast %get3A_1238 : vector<1x1x16xf32> to vector<16xf32>
      %max3A_1240 = arith.maximumf %scan3A_1175#6, %get3A_1239 : vector<16xf32>
      %add3A_1241 = arith.constant 96 : i32
      %add3A_1242 = arith.addi %add3A_1241, %scan3A_1177 : i32
      %get3A_1243 = arith.constant 0 : i32
      %get3A_1244 = arith.index_cast %get3A_1243 : i32 to index
      %get3A_1245 = arith.index_cast %add3A_1242 : i32 to index
      %get3A_1246 = arith.constant 112 : index
      %get3A_1247 = tpu.vector_load %arg6[%get3A_1244, %get3A_1245, %get3A_1246] {strides = array<i32>} : memref<2x128x128xf32, #tpu.memory_space<vmem>>, vector<1x1x16xf32>,
      %get3A_1248 = vector.shape_cast %get3A_1247 : vector<1x1x16xf32> to vector<16xf32>
      %max3A_1249 = arith.maximumf %scan3A_1175#7, %get3A_1248 : vector<16xf32>
      %scan3A_1250 = arith.constant 29 : i32
      %scan3A_1251 = arith.addi %scan3A_1171, %scan3A_1250 : i32
      %add3A_1252 = arith.constant 96 : i32
      %add3A_1253 = arith.addi %add3A_1252, %scan3A_1251 : i32
      %get3A_1254 = arith.constant 0 : i32
      %get3A_1255 = arith.index_cast %get3A_1254 : i32 to index
      %get3A_1256 = arith.index_cast %add3A_1253 : i32 to index
      %get3A_1257 = arith.constant 0 : index
      %get3A_1258 = tpu.vector_load %arg6[%get3A_1255, %get3A_1256, %get3A_1257] {strides = array<i32>} : memref<2x128x128xf32, #tpu.memory_space<vmem>>, vector<1x1x16xf32>,
      %get3A_1259 = vector.shape_cast %get3A_1258 : vector<1x1x16xf32> to vector<16xf32>
      %max3A_1260 = arith.maximumf %max3A_1186, %get3A_1259 : vector<16xf32>
      %add3A_1261 = arith.constant 96 : i32
      %add3A_1262 = arith.addi %add3A_1261, %scan3A_1251 : i32
      %get3A_1263 = arith.constant 0 : i32
      %get3A_1264 = arith.index_cast %get3A_1263 : i32 to index
      %get3A_1265 = arith.index_cast %add3A_1262 : i32 to index
      %get3A_1266 = arith.constant 16 : index
      %get3A_1267 = tpu.vector_load %arg6[%get3A_1264, %get3A_1265, %get3A_1266] {strides = array<i32>} : memref<2x128x128xf32, #tpu.memory_space<vmem>>, vector<1x1x16xf32>,
      %get3A_1268 = vector.shape_cast %get3A_1267 : vector<1x1x16xf32> to vector<16xf32>
      %max3A_1269 = arith.maximumf %max3A_1195, %get3A_1268 : vector<16xf32>
      %add3A_1270 = arith.constant 96 : i32
      %add3A_1271 = arith.addi %add3A_1270, %scan3A_1251 : i32
      %get3A_1272 = arith.constant 0 : i32
      %get3A_1273 = arith.index_cast %get3A_1272 : i32 to index
      %get3A_1274 = arith.index_cast %add3A_1271 : i32 to index
      %get3A_1275 = arith.constant 32 : index
      %get3A_1276 = tpu.vector_load %arg6[%get3A_1273, %get3A_1274, %get3A_1275] {strides = array<i32>} : memref<2x128x128xf32, #tpu.memory_space<vmem>>, vector<1x1x16xf32>,
      %get3A_1277 = vector.shape_cast %get3A_1276 : vector<1x1x16xf32> to vector<16xf32>
      %max3A_1278 = arith.maximumf %max3A_1204, %get3A_1277 : vector<16xf32>
      %add3A_1279 = arith.constant 96 : i32
      %add3A_1280 = arith.addi %add3A_1279, %scan3A_1251 : i32
      %get3A_1281 = arith.constant 0 : i32
      %get3A_1282 = arith.index_cast %get3A_1281 : i32 to index
      %get3A_1283 = arith.index_cast %add3A_1280 : i32 to index
      %get3A_1284 = arith.constant 48 : index
      %get3A_1285 = tpu.vector_load %arg6[%get3A_1282, %get3A_1283, %get3A_1284] {strides = array<i32>} : memref<2x128x128xf32, #tpu.memory_space<vmem>>, vector<1x1x16xf32>,
      %get3A_1286 = vector.shape_cast %get3A_1285 : vector<1x1x16xf32> to vector<16xf32>
      %max3A_1287 = arith.maximumf %max3A_1213, %get3A_1286 : vector<16xf32>
      %add3A_1288 = arith.constant 96 : i32
      %add3A_1289 = arith.addi %add3A_1288, %scan3A_1251 : i32
      %get3A_1290 = arith.constant 0 : i32
      %get3A_1291 = arith.index_cast %get3A_1290 : i32 to index
      %get3A_1292 = arith.index_cast %add3A_1289 : i32 to index
      %get3A_1293 = arith.constant 64 : index
      %get3A_1294 = tpu.vector_load %arg6[%get3A_1291, %get3A_1292, %get3A_1293] {strides = array<i32>} : memref<2x128x128xf32, #tpu.memory_space<vmem>>, vector<1x1x16xf32>,
      %get3A_1295 = vector.shape_cast %get3A_1294 : vector<1x1x16xf32> to vector<16xf32>
      %max3A_1296 = arith.maximumf %max3A_1222, %get3A_1295 : vector<16xf32>
      %add3A_1297 = arith.constant 96 : i32
      %add3A_1298 = arith.addi %add3A_1297, %scan3A_1251 : i32
      %get3A_1299 = arith.constant 0 : i32
      %get3A_1300 = arith.index_cast %get3A_1299 : i32 to index
      %get3A_1301 = arith.index_cast %add3A_1298 : i32 to index
      %get3A_1302 = arith.constant 80 : index
      %get3A_1303 = tpu.vector_load %arg6[%get3A_1300, %get3A_1301, %get3A_1302] {strides = array<i32>} : memref<2x128x128xf32, #tpu.memory_space<vmem>>, vector<1x1x16xf32>,
      %get3A_1304 = vector.shape_cast %get3A_1303 : vector<1x1x16xf32> to vector<16xf32>
      %max3A_1305 = arith.maximumf %max3A_1231, %get3A_1304 : vector<16xf32>
      %add3A_1306 = arith.constant 96 : i32
      %add3A_1307 = arith.addi %add3A_1306, %scan3A_1251 : i32
      %get3A_1308 = arith.constant 0 : i32
      %get3A_1309 = arith.index_cast %get3A_1308 : i32 to index
      %get3A_1310 = arith.index_cast %add3A_1307 : i32 to index
      %get3A_1311 = arith.constant 96 : index
      %get3A_1312 = tpu.vector_load %arg6[%get3A_1309, %get3A_1310, %get3A_1311] {strides = array<i32>} : memref<2x128x128xf32, #tpu.memory_space<vmem>>, vector<1x1x16xf32>,
      %get3A_1313 = vector.shape_cast %get3A_1312 : vector<1x1x16xf32> to vector<16xf32>
      %max3A_1314 = arith.maximumf %max3A_1240, %get3A_1313 : vector<16xf32>
      %add3A_1315 = arith.constant 96 : i32
      %add3A_1316 = arith.addi %add3A_1315, %scan3A_1251 : i32
      %get3A_1317 = arith.constant 0 : i32
      %get3A_1318 = arith.index_cast %get3A_1317 : i32 to index
      %get3A_1319 = arith.index_cast %add3A_1316 : i32 to index
      %get3A_1320 = arith.constant 112 : index
      %get3A_1321 = tpu.vector_load %arg6[%get3A_1318, %get3A_1319, %get3A_1320] {strides = array<i32>} : memref<2x128x128xf32, #tpu.memory_space<vmem>>, vector<1x1x16xf32>,
      %get3A_1322 = vector.shape_cast %get3A_1321 : vector<1x1x16xf32> to vector<16xf32>
      %max3A_1323 = arith.maximumf %max3A_1249, %get3A_1322 : vector<16xf32>
      %scan3A_1324 = arith.constant 30 : i32
      %scan3A_1325 = arith.addi %scan3A_1171, %scan3A_1324 : i32
      %add3A_1326 = arith.constant 96 : i32
      %add3A_1327 = arith.addi %add3A_1326, %scan3A_1325 : i32
      %get3A_1328 = arith.constant 0 : i32
      %get3A_1329 = arith.index_cast %get3A_1328 : i32 to index
      %get3A_1330 = arith.index_cast %add3A_1327 : i32 to index
      %get3A_1331 = arith.constant 0 : index
      %get3A_1332 = tpu.vector_load %arg6[%get3A_1329, %get3A_1330, %get3A_1331] {strides = array<i32>} : memref<2x128x128xf32, #tpu.memory_space<vmem>>, vector<1x1x16xf32>,
      %get3A_1333 = vector.shape_cast %get3A_1332 : vector<1x1x16xf32> to vector<16xf32>
      %max3A_1334 = arith.maximumf %max3A_1260, %get3A_1333 : vector<16xf32>
      %add3A_1335 = arith.constant 96 : i32
      %add3A_1336 = arith.addi %add3A_1335, %scan3A_1325 : i32
      %get3A_1337 = arith.constant 0 : i32
      %get3A_1338 = arith.index_cast %get3A_1337 : i32 to index
      %get3A_1339 = arith.index_cast %add3A_1336 : i32 to index
      %get3A_1340 = arith.constant 16 : index
      %get3A_1341 = tpu.vector_load %arg6[%get3A_1338, %get3A_1339, %get3A_1340] {strides = array<i32>} : memref<2x128x128xf32, #tpu.memory_space<vmem>>, vector<1x1x16xf32>,
      %get3A_1342 = vector.shape_cast %get3A_1341 : vector<1x1x16xf32> to vector<16xf32>
      %max3A_1343 = arith.maximumf %max3A_1269, %get3A_1342 : vector<16xf32>
      %add3A_1344 = arith.constant 96 : i32
      %add3A_1345 = arith.addi %add3A_1344, %scan3A_1325 : i32
      %get3A_1346 = arith.constant 0 : i32
      %get3A_1347 = arith.index_cast %get3A_1346 : i32 to index
      %get3A_1348 = arith.index_cast %add3A_1345 : i32 to index
      %get3A_1349 = arith.constant 32 : index
      %get3A_1350 = tpu.vector_load %arg6[%get3A_1347, %get3A_1348, %get3A_1349] {strides = array<i32>} : memref<2x128x128xf32, #tpu.memory_space<vmem>>, vector<1x1x16xf32>,
      %get3A_1351 = vector.shape_cast %get3A_1350 : vector<1x1x16xf32> to vector<16xf32>
      %max3A_1352 = arith.maximumf %max3A_1278, %get3A_1351 : vector<16xf32>
      %add3A_1353 = arith.constant 96 : i32
      %add3A_1354 = arith.addi %add3A_1353, %scan3A_1325 : i32
      %get3A_1355 = arith.constant 0 : i32
      %get3A_1356 = arith.index_cast %get3A_1355 : i32 to index
      %get3A_1357 = arith.index_cast %add3A_1354 : i32 to index
      %get3A_1358 = arith.constant 48 : index
      %get3A_1359 = tpu.vector_load %arg6[%get3A_1356, %get3A_1357, %get3A_1358] {strides = array<i32>} : memref<2x128x128xf32, #tpu.memory_space<vmem>>, vector<1x1x16xf32>,
      %get3A_1360 = vector.shape_cast %get3A_1359 : vector<1x1x16xf32> to vector<16xf32>
      %max3A_1361 = arith.maximumf %max3A_1287, %get3A_1360 : vector<16xf32>
      %add3A_1362 = arith.constant 96 : i32
      %add3A_1363 = arith.addi %add3A_1362, %scan3A_1325 : i32
      %get3A_1364 = arith.constant 0 : i32
      %get3A_1365 = arith.index_cast %get3A_1364 : i32 to index
      %get3A_1366 = arith.index_cast %add3A_1363 : i32 to index
      %get3A_1367 = arith.constant 64 : index
      %get3A_1368 = tpu.vector_load %arg6[%get3A_1365, %get3A_1366, %get3A_1367] {strides = array<i32>} : memref<2x128x128xf32, #tpu.memory_space<vmem>>, vector<1x1x16xf32>,
      %get3A_1369 = vector.shape_cast %get3A_1368 : vector<1x1x16xf32> to vector<16xf32>
      %max3A_1370 = arith.maximumf %max3A_1296, %get3A_1369 : vector<16xf32>
      %add3A_1371 = arith.constant 96 : i32
      %add3A_1372 = arith.addi %add3A_1371, %scan3A_1325 : i32
      %get3A_1373 = arith.constant 0 : i32
      %get3A_1374 = arith.index_cast %get3A_1373 : i32 to index
      %get3A_1375 = arith.index_cast %add3A_1372 : i32 to index
      %get3A_1376 = arith.constant 80 : index
      %get3A_1377 = tpu.vector_load %arg6[%get3A_1374, %get3A_1375, %get3A_1376] {strides = array<i32>} : memref<2x128x128xf32, #tpu.memory_space<vmem>>, vector<1x1x16xf32>,
      %get3A_1378 = vector.shape_cast %get3A_1377 : vector<1x1x16xf32> to vector<16xf32>
      %max3A_1379 = arith.maximumf %max3A_1305, %get3A_1378 : vector<16xf32>
      %add3A_1380 = arith.constant 96 : i32
      %add3A_1381 = arith.addi %add3A_1380, %scan3A_1325 : i32
      %get3A_1382 = arith.constant 0 : i32
      %get3A_1383 = arith.index_cast %get3A_1382 : i32 to index
      %get3A_1384 = arith.index_cast %add3A_1381 : i32 to index
      %get3A_1385 = arith.constant 96 : index
      %get3A_1386 = tpu.vector_load %arg6[%get3A_1383, %get3A_1384, %get3A_1385] {strides = array<i32>} : memref<2x128x128xf32, #tpu.memory_space<vmem>>, vector<1x1x16xf32>,
      %get3A_1387 = vector.shape_cast %get3A_1386 : vector<1x1x16xf32> to vector<16xf32>
      %max3A_1388 = arith.maximumf %max3A_1314, %get3A_1387 : vector<16xf32>
      %add3A_1389 = arith.constant 96 : i32
      %add3A_1390 = arith.addi %add3A_1389, %scan3A_1325 : i32
      %get3A_1391 = arith.constant 0 : i32
      %get3A_1392 = arith.index_cast %get3A_1391 : i32 to index
      %get3A_1393 = arith.index_cast %add3A_1390 : i32 to index
      %get3A_1394 = arith.constant 112 : index
      %get3A_1395 = tpu.vector_load %arg6[%get3A_1392, %get3A_1393, %get3A_1394] {strides = array<i32>} : memref<2x128x128xf32, #tpu.memory_space<vmem>>, vector<1x1x16xf32>,
      %get3A_1396 = vector.shape_cast %get3A_1395 : vector<1x1x16xf32> to vector<16xf32>
      %max3A_1397 = arith.maximumf %max3A_1323, %get3A_1396 : vector<16xf32>
      %scan3A_1398 = arith.constant 31 : i32
      %swap3A_1399 = arith.constant 0 : i32
      %swap3A_1400 = arith.constant 3 : i32
      %swap3A_1401 = arith.index_cast %swap3A_1399 : i32 to index
      %swap3A_1402 = arith.index_cast %swap3A_1400 : i32 to index
      %swap3A_1403 = arith.constant 0 : index
      %swap3A_1404 = tpu.vector_load %arg7[%swap3A_1401, %swap3A_1402, %swap3A_1403] {strides = array<i32>} : memref<2x4x128xf32, #tpu.memory_space<vmem>>, vector<1x1x16xf32>,
      %swap3A_1405 = vector.shape_cast %swap3A_1404 : vector<1x1x16xf32> to vector<16xf32>
      %swap3A_1406 = vector.shape_cast %max3A_1334 : vector<16xf32> to vector<1x1x16xf32>
      tpu.vector_store %arg7[%swap3A_1401, %swap3A_1402, %swap3A_1403], %swap3A_1406 {strides = array<i32>} : memref<2x4x128xf32, #tpu.memory_space<vmem>>, vector<1x1x16xf32>,
      %swap3A_1407 = arith.constant 0 : i32
      %swap3A_1408 = arith.constant 3 : i32
      %swap3A_1409 = arith.index_cast %swap3A_1407 : i32 to index
      %swap3A_1410 = arith.index_cast %swap3A_1408 : i32 to index
      %swap3A_1411 = arith.constant 16 : index
      %swap3A_1412 = tpu.vector_load %arg7[%swap3A_1409, %swap3A_1410, %swap3A_1411] {strides = array<i32>} : memref<2x4x128xf32, #tpu.memory_space<vmem>>, vector<1x1x16xf32>,
      %swap3A_1413 = vector.shape_cast %swap3A_1412 : vector<1x1x16xf32> to vector<16xf32>
      %swap3A_1414 = vector.shape_cast %max3A_1343 : vector<16xf32> to vector<1x1x16xf32>
      tpu.vector_store %arg7[%swap3A_1409, %swap3A_1410, %swap3A_1411], %swap3A_1414 {strides = array<i32>} : memref<2x4x128xf32, #tpu.memory_space<vmem>>, vector<1x1x16xf32>,
      %swap3A_1415 = arith.constant 0 : i32
      %swap3A_1416 = arith.constant 3 : i32
      %swap3A_1417 = arith.index_cast %swap3A_1415 : i32 to index
      %swap3A_1418 = arith.index_cast %swap3A_1416 : i32 to index
      %swap3A_1419 = arith.constant 32 : index
      %swap3A_1420 = tpu.vector_load %arg7[%swap3A_1417, %swap3A_1418, %swap3A_1419] {strides = array<i32>} : memref<2x4x128xf32, #tpu.memory_space<vmem>>, vector<1x1x16xf32>,
      %swap3A_1421 = vector.shape_cast %swap3A_1420 : vector<1x1x16xf32> to vector<16xf32>
      %swap3A_1422 = vector.shape_cast %max3A_1352 : vector<16xf32> to vector<1x1x16xf32>
      tpu.vector_store %arg7[%swap3A_1417, %swap3A_1418, %swap3A_1419], %swap3A_1422 {strides = array<i32>} : memref<2x4x128xf32, #tpu.memory_space<vmem>>, vector<1x1x16xf32>,
      %swap3A_1423 = arith.constant 0 : i32
      %swap3A_1424 = arith.constant 3 : i32
      %swap3A_1425 = arith.index_cast %swap3A_1423 : i32 to index
      %swap3A_1426 = arith.index_cast %swap3A_1424 : i32 to index
      %swap3A_1427 = arith.constant 48 : index
      %swap3A_1428 = tpu.vector_load %arg7[%swap3A_1425, %swap3A_1426, %swap3A_1427] {strides = array<i32>} : memref<2x4x128xf32, #tpu.memory_space<vmem>>, vector<1x1x16xf32>,
      %swap3A_1429 = vector.shape_cast %swap3A_1428 : vector<1x1x16xf32> to vector<16xf32>
      %swap3A_1430 = vector.shape_cast %max3A_1361 : vector<16xf32> to vector<1x1x16xf32>
      tpu.vector_store %arg7[%swap3A_1425, %swap3A_1426, %swap3A_1427], %swap3A_1430 {strides = array<i32>} : memref<2x4x128xf32, #tpu.memory_space<vmem>>, vector<1x1x16xf32>,
      %swap3A_1431 = arith.constant 0 : i32
      %swap3A_1432 = arith.constant 3 : i32
      %swap3A_1433 = arith.index_cast %swap3A_1431 : i32 to index
      %swap3A_1434 = arith.index_cast %swap3A_1432 : i32 to index
      %swap3A_1435 = arith.constant 64 : index
      %swap3A_1436 = tpu.vector_load %arg7[%swap3A_1433, %swap3A_1434, %swap3A_1435] {strides = array<i32>} : memref<2x4x128xf32, #tpu.memory_space<vmem>>, vector<1x1x16xf32>,
      %swap3A_1437 = vector.shape_cast %swap3A_1436 : vector<1x1x16xf32> to vector<16xf32>
      %swap3A_1438 = vector.shape_cast %max3A_1370 : vector<16xf32> to vector<1x1x16xf32>
      tpu.vector_store %arg7[%swap3A_1433, %swap3A_1434, %swap3A_1435], %swap3A_1438 {strides = array<i32>} : memref<2x4x128xf32, #tpu.memory_space<vmem>>, vector<1x1x16xf32>,
      %swap3A_1439 = arith.constant 0 : i32
      %swap3A_1440 = arith.constant 3 : i32
      %swap3A_1441 = arith.index_cast %swap3A_1439 : i32 to index
      %swap3A_1442 = arith.index_cast %swap3A_1440 : i32 to index
      %swap3A_1443 = arith.constant 80 : index
      %swap3A_1444 = tpu.vector_load %arg7[%swap3A_1441, %swap3A_1442, %swap3A_1443] {strides = array<i32>} : memref<2x4x128xf32, #tpu.memory_space<vmem>>, vector<1x1x16xf32>,
      %swap3A_1445 = vector.shape_cast %swap3A_1444 : vector<1x1x16xf32> to vector<16xf32>
      %swap3A_1446 = vector.shape_cast %max3A_1379 : vector<16xf32> to vector<1x1x16xf32>
      tpu.vector_store %arg7[%swap3A_1441, %swap3A_1442, %swap3A_1443], %swap3A_1446 {strides = array<i32>} : memref<2x4x128xf32, #tpu.memory_space<vmem>>, vector<1x1x16xf32>,
      %swap3A_1447 = arith.constant 0 : i32
      %swap3A_1448 = arith.constant 3 : i32
      %swap3A_1449 = arith.index_cast %swap3A_1447 : i32 to index
      %swap3A_1450 = arith.index_cast %swap3A_1448 : i32 to index
      %swap3A_1451 = arith.constant 96 : index
      %swap3A_1452 = tpu.vector_load %arg7[%swap3A_1449, %swap3A_1450, %swap3A_1451] {strides = array<i32>} : memref<2x4x128xf32, #tpu.memory_space<vmem>>, vector<1x1x16xf32>,
      %swap3A_1453 = vector.shape_cast %swap3A_1452 : vector<1x1x16xf32> to vector<16xf32>
      %swap3A_1454 = vector.shape_cast %max3A_1388 : vector<16xf32> to vector<1x1x16xf32>
      tpu.vector_store %arg7[%swap3A_1449, %swap3A_1450, %swap3A_1451], %swap3A_1454 {strides = array<i32>} : memref<2x4x128xf32, #tpu.memory_space<vmem>>, vector<1x1x16xf32>,
      %swap3A_1455 = arith.constant 0 : i32
      %swap3A_1456 = arith.constant 3 : i32
      %swap3A_1457 = arith.index_cast %swap3A_1455 : i32 to index
      %swap3A_1458 = arith.index_cast %swap3A_1456 : i32 to index
      %swap3A_1459 = arith.constant 112 : index
      %swap3A_1460 = tpu.vector_load %arg7[%swap3A_1457, %swap3A_1458, %swap3A_1459] {strides = array<i32>} : memref<2x4x128xf32, #tpu.memory_space<vmem>>, vector<1x1x16xf32>,
      %swap3A_1461 = vector.shape_cast %swap3A_1460 : vector<1x1x16xf32> to vector<16xf32>
      %swap3A_1462 = vector.shape_cast %max3A_1397 : vector<16xf32> to vector<1x1x16xf32>
      tpu.vector_store %arg7[%swap3A_1457, %swap3A_1458, %swap3A_1459], %swap3A_1462 {strides = array<i32>} : memref<2x4x128xf32, #tpu.memory_space<vmem>>, vector<1x1x16xf32>,
      %add3A_1463 = arith.addi %mul3A_2, %add3A_53 : i32
      %mul3A_1464 = arith.constant 4 : i32
      %mul3A_1465 = arith.muli %add3A_1463, %mul3A_1464 : i32
      %dma_start3A_1466 = arith.constant 0 : i32
      %dma_start3A_1467 = arith.constant 0 : i32
      %dma_start3A_1468 = arith.constant 0 : i32
      %dma_start3A_1469 = tpu.memref_slice %arg7[%dma_start3A_1466, %dma_start3A_1467, %dma_start3A_1468] : memref<2x4x128xf32, #tpu.memory_space<vmem>> -> memref<1x4x128xf32, #tpu.memory_space<vmem>>
      %dma_start3A_1470 = tpu.memref_squeeze %dma_start3A_1469 : memref<1x4x128xf32, #tpu.memory_space<vmem>> -> memref<4x128xf32, #tpu.memory_space<vmem>>
      %dma_start3A_1471 = arith.constant 0 : i32
      %dma_start3A_1472 = tpu.memref_slice %arg4[%mul3A_1465, %dma_start3A_1471] : memref<10240x128xf32, #tpu.memory_space<hbm>> -> memref<4x128xf32, #tpu.memory_space<hbm>>
      %dma_start3A_1473 = arith.constant 0 : i32
      %dma_start3A_1474 = tpu.memref_slice %arg4[%mul3A_1465, %dma_start3A_1473] : memref<10240x128xf32, #tpu.memory_space<hbm>> -> memref<4x128xf32, #tpu.memory_space<hbm>>
      %dma_start3A_1475 = arith.constant 0 : i32
      %dma_start3A_1476 = arith.constant 0 : i32
      %dma_start3A_1477 = tpu.memref_slice %arg7[%dma_start3A_1466, %dma_start3A_1475, %dma_start3A_1476] : memref<2x4x128xf32, #tpu.memory_space<vmem>> -> memref<1x4x128xf32, #tpu.memory_space<vmem>>
      %dma_start3A_1478 = tpu.memref_squeeze %dma_start3A_1477 : memref<1x4x128xf32, #tpu.memory_space<vmem>> -> memref<4x128xf32, #tpu.memory_space<vmem>>
      tpu.enqueue_dma source(%dma_start3A_1478 : memref<4x128xf32, #tpu.memory_space<vmem>>) target(%dma_start3A_1474 : memref<4x128xf32, #tpu.memory_space<hbm>>) target_semaphore(%arg10 : memref<!tpu.dma_semaphore, #tpu.memory_space<semaphore_mem>>)
      %add3A_1479 = arith.constant 1 : i32
      %add3A_1480 = arith.addi %add3A_51, %add3A_1479 : i32
      %add3A_1481 = arith.constant 1 : i32
      %add3A_1482 = arith.addi %add3A_1480, %add3A_1481 : i32
      %lt3A_1483 = arith.constant 80 : i32
      %lt3A_1484 = arith.cmpi slt, %add3A_1482, %lt3A_1483 : i32
      %convert_element_type3A_1485 = arith.extui %lt3A_1484 : i1 to i32
      %cond3A_1486 = arith.constant 0 : i32
      %cond3A_1487 = arith.cmpi ne, %convert_element_type3A_1485, %cond3A_1486 : i32
      scf.if %cond3A_1487 {
        %add3A_2913 = arith.constant 1 : i32
        %add3A_2914 = arith.addi %add3A_1480, %add3A_2913 : i32
        %dma_start3A_2915 = arith.constant 0 : i32
        %dma_start3A_2916 = arith.constant 0 : i32
        %dma_start3A_2917 = arith.constant 0 : i32
        %dma_start3A_2918 = tpu.memref_slice %arg6[%dma_start3A_2915, %dma_start3A_2916, %dma_start3A_2917] : memref<2x128x128xf32, #tpu.memory_space<vmem>> -> memref<1x128x128xf32, #tpu.memory_space<vmem>>
        %dma_start3A_2919 = tpu.memref_squeeze %dma_start3A_2918 : memref<1x128x128xf32, #tpu.memory_space<vmem>> -> memref<128x128xf32, #tpu.memory_space<vmem>>
        %dma_start3A_2920 = arith.constant 0 : i32
        %dma_start3A_2921 = tpu.memref_slice %arg5[%add3A_2914, %dma_start3A_2920] : memref<80x128xi32, #tpu.memory_space<vmem>> -> memref<1x128xi32, #tpu.memory_space<vmem>>
        %dma_start3A_2922 = tpu.memref_squeeze %dma_start3A_2921 : memref<1x128xi32, #tpu.memory_space<vmem>> -> memref<128xi32, #tpu.memory_space<vmem>>
        %dma_start3A_2923 = arith.constant 0 : i32
        %dma_start3A_2924 = arith.constant 0 : i32
        %dma_start3A_2925 = tpu.memref_slice %arg2[%dma_start3A_2923, %dma_start3A_2924] : memref<10000x128xf32, #tpu.memory_space<hbm>> -> memref<10000x128xf32, #tpu.memory_space<hbm>>
        tpu.enqueue_indirect_dma source(%dma_start3A_2925 : memref<10000x128xf32, #tpu.memory_space<hbm>>) target(%dma_start3A_2919 : memref<128x128xf32, #tpu.memory_space<vmem>>) offsets(%dma_start3A_2922 : memref<128xi32, #tpu.memory_space<vmem>>) semaphore(%arg8 : memref<!tpu.dma_semaphore, #tpu.memory_space<semaphore_mem>>)
      } else {
      }
      %dma_wait3A_1488 = arith.constant 0 : i32
      %dma_wait3A_1489 = arith.constant 1 : i32
      %dma_wait3A_1490 = arith.constant 0 : i32
      %dma_wait3A_1491 = arith.constant 0 : i32
      %dma_wait3A_1492 = tpu.memref_slice %arg6[%dma_wait3A_1489, %dma_wait3A_1490, %dma_wait3A_1491] : memref<2x128x128xf32, #tpu.memory_space<vmem>> -> memref<1x128x128xf32, #tpu.memory_space<vmem>>
      %dma_wait3A_1493 = tpu.memref_squeeze %dma_wait3A_1492 : memref<1x128x128xf32, #tpu.memory_space<vmem>> -> memref<128x128xf32, #tpu.memory_space<vmem>>
      %dma_wait3A_1494 = arith.constant 0 : i32
      %dma_wait3A_1495 = tpu.memref_slice %arg5[%dma_wait3A_1488, %dma_wait3A_1494] : memref<80x128xi32, #tpu.memory_space<vmem>> -> memref<1x128xi32, #tpu.memory_space<vmem>>
      %dma_wait3A_1496 = tpu.memref_squeeze %dma_wait3A_1495 : memref<1x128xi32, #tpu.memory_space<vmem>> -> memref<128xi32, #tpu.memory_space<vmem>>
      %dma_wait3A_1497 = arith.constant 0 : i32
      %dma_wait3A_1498 = arith.constant 0 : i32
      %dma_wait3A_1499 = tpu.memref_slice %arg2[%dma_wait3A_1497, %dma_wait3A_1498] : memref<10000x128xf32, #tpu.memory_space<hbm>> -> memref<10000x128xf32, #tpu.memory_space<hbm>>
      tpu.wait_indirect_dma semaphore(%arg9 : memref<!tpu.dma_semaphore, #tpu.memory_space<semaphore_mem>>) src(%dma_wait3A_1499 : memref<10000x128xf32, #tpu.memory_space<hbm>>) dst(%dma_wait3A_1493 : memref<128x128xf32, #tpu.memory_space<vmem>>)
      %ge3A_1500 = arith.constant 2 : i32
      %ge3A_1501 = arith.cmpi sge, %add3A_1480, %ge3A_1500 : i32
      %convert_element_type3A_1502 = arith.extui %ge3A_1501 : i1 to i32
      %cond3A_1503 = arith.constant 0 : i32
      %cond3A_1504 = arith.cmpi ne, %convert_element_type3A_1502, %cond3A_1503 : i32
      scf.if %cond3A_1504 {
        %dma_wait3A_2913 = arith.constant 1 : i32
        %dma_wait3A_2914 = arith.constant 0 : i32
        %dma_wait3A_2915 = arith.constant 0 : i32
        %dma_wait3A_2916 = tpu.memref_slice %arg7[%dma_wait3A_2913, %dma_wait3A_2914, %dma_wait3A_2915] : memref<2x4x128xf32, #tpu.memory_space<vmem>> -> memref<1x4x128xf32, #tpu.memory_space<vmem>>
        %dma_wait3A_2917 = tpu.memref_squeeze %dma_wait3A_2916 : memref<1x4x128xf32, #tpu.memory_space<vmem>> -> memref<4x128xf32, #tpu.memory_space<vmem>>
        %dma_wait3A_2918 = arith.constant 0 : i32
        %dma_wait3A_2919 = arith.constant 0 : i32
        %dma_wait3A_2920 = tpu.memref_slice %arg4[%dma_wait3A_2918, %dma_wait3A_2919] : memref<10240x128xf32, #tpu.memory_space<hbm>> -> memref<4x128xf32, #tpu.memory_space<hbm>>
        %dma_wait3A_2921 = arith.constant 0 : i32
        %dma_wait3A_2922 = arith.constant 0 : i32
        %dma_wait3A_2923 = tpu.memref_slice %arg4[%dma_wait3A_2921, %dma_wait3A_2922] : memref<10240x128xf32, #tpu.memory_space<hbm>> -> memref<4x128xf32, #tpu.memory_space<hbm>>
        %dma_wait3A_2924 = arith.constant 0 : i32
        %dma_wait3A_2925 = arith.constant 0 : i32
        %dma_wait3A_2926 = tpu.memref_slice %arg7[%dma_wait3A_2913, %dma_wait3A_2924, %dma_wait3A_2925] : memref<2x4x128xf32, #tpu.memory_space<vmem>> -> memref<1x4x128xf32, #tpu.memory_space<vmem>>
        %dma_wait3A_2927 = tpu.memref_squeeze %dma_wait3A_2926 : memref<1x4x128xf32, #tpu.memory_space<vmem>> -> memref<4x128xf32, #tpu.memory_space<vmem>>
        tpu.wait_dma2 semaphore(%arg11 : memref<!tpu.dma_semaphore, #tpu.memory_space<semaphore_mem>>) src(%dma_wait3A_2927 : memref<4x128xf32, #tpu.memory_space<vmem>>) dst(%dma_wait3A_2923 : memref<4x128xf32, #tpu.memory_space<hbm>>)
      } else {
      }
      %get3A_1505 = arith.constant 1 : i32
      %get3A_1506 = arith.constant 0 : i32
      %get3A_1507 = arith.index_cast %get3A_1505 : i32 to index
      %get3A_1508 = arith.index_cast %get3A_1506 : i32 to index
      %get3A_1509 = arith.constant 0 : index
      %get3A_1510 = tpu.vector_load %arg6[%get3A_1507, %get3A_1508, %get3A_1509] {strides = array<i32>} : memref<2x128x128xf32, #tpu.memory_space<vmem>>, vector<1x1x16xf32>,
      %get3A_1511 = vector.shape_cast %get3A_1510 : vector<1x1x16xf32> to vector<16xf32>
      %get3A_1512 = arith.constant 1 : i32
      %get3A_1513 = arith.constant 0 : i32
      %get3A_1514 = arith.index_cast %get3A_1512 : i32 to index
      %get3A_1515 = arith.index_cast %get3A_1513 : i32 to index
      %get3A_1516 = arith.constant 16 : index
      %get3A_1517 = tpu.vector_load %arg6[%get3A_1514, %get3A_1515, %get3A_1516] {strides = array<i32>} : memref<2x128x128xf32, #tpu.memory_space<vmem>>, vector<1x1x16xf32>,
      %get3A_1518 = vector.shape_cast %get3A_1517 : vector<1x1x16xf32> to vector<16xf32>
      %get3A_1519 = arith.constant 1 : i32
      %get3A_1520 = arith.constant 0 : i32
      %get3A_1521 = arith.index_cast %get3A_1519 : i32 to index
      %get3A_1522 = arith.index_cast %get3A_1520 : i32 to index
      %get3A_1523 = arith.constant 32 : index
      %get3A_1524 = tpu.vector_load %arg6[%get3A_1521, %get3A_1522, %get3A_1523] {strides = array<i32>} : memref<2x128x128xf32, #tpu.memory_space<vmem>>, vector<1x1x16xf32>,
      %get3A_1525 = vector.shape_cast %get3A_1524 : vector<1x1x16xf32> to vector<16xf32>
      %get3A_1526 = arith.constant 1 : i32
      %get3A_1527 = arith.constant 0 : i32
      %get3A_1528 = arith.index_cast %get3A_1526 : i32 to index
      %get3A_1529 = arith.index_cast %get3A_1527 : i32 to index
      %get3A_1530 = arith.constant 48 : index
      %get3A_1531 = tpu.vector_load %arg6[%get3A_1528, %get3A_1529, %get3A_1530] {strides = array<i32>} : memref<2x128x128xf32, #tpu.memory_space<vmem>>, vector<1x1x16xf32>,
      %get3A_1532 = vector.shape_cast %get3A_1531 : vector<1x1x16xf32> to vector<16xf32>
      %get3A_1533 = arith.constant 1 : i32
      %get3A_1534 = arith.constant 0 : i32
      %get3A_1535 = arith.index_cast %get3A_1533 : i32 to index
      %get3A_1536 = arith.index_cast %get3A_1534 : i32 to index
      %get3A_1537 = arith.constant 64 : index
      %get3A_1538 = tpu.vector_load %arg6[%get3A_1535, %get3A_1536, %get3A_1537] {strides = array<i32>} : memref<2x128x128xf32, #tpu.memory_space<vmem>>, vector<1x1x16xf32>,
      %get3A_1539 = vector.shape_cast %get3A_1538 : vector<1x1x16xf32> to vector<16xf32>
      %get3A_1540 = arith.constant 1 : i32
      %get3A_1541 = arith.constant 0 : i32
      %get3A_1542 = arith.index_cast %get3A_1540 : i32 to index
      %get3A_1543 = arith.index_cast %get3A_1541 : i32 to index
      %get3A_1544 = arith.constant 80 : index
      %get3A_1545 = tpu.vector_load %arg6[%get3A_1542, %get3A_1543, %get3A_1544] {strides = array<i32>} : memref<2x128x128xf32, #tpu.memory_space<vmem>>, vector<1x1x16xf32>,
      %get3A_1546 = vector.shape_cast %get3A_1545 : vector<1x1x16xf32> to vector<16xf32>
      %get3A_1547 = arith.constant 1 : i32
      %get3A_1548 = arith.constant 0 : i32
      %get3A_1549 = arith.index_cast %get3A_1547 : i32 to index
      %get3A_1550 = arith.index_cast %get3A_1548 : i32 to index
      %get3A_1551 = arith.constant 96 : index
      %get3A_1552 = tpu.vector_load %arg6[%get3A_1549, %get3A_1550, %get3A_1551] {strides = array<i32>} : memref<2x128x128xf32, #tpu.memory_space<vmem>>, vector<1x1x16xf32>,
      %get3A_1553 = vector.shape_cast %get3A_1552 : vector<1x1x16xf32> to vector<16xf32>
      %get3A_1554 = arith.constant 1 : i32
      %get3A_1555 = arith.constant 0 : i32
      %get3A_1556 = arith.index_cast %get3A_1554 : i32 to index
      %get3A_1557 = arith.index_cast %get3A_1555 : i32 to index
      %get3A_1558 = arith.constant 112 : index
      %get3A_1559 = tpu.vector_load %arg6[%get3A_1556, %get3A_1557, %get3A_1558] {strides = array<i32>} : memref<2x128x128xf32, #tpu.memory_space<vmem>>, vector<1x1x16xf32>,
      %get3A_1560 = vector.shape_cast %get3A_1559 : vector<1x1x16xf32> to vector<16xf32>
      %scan3A_1561 = arith.constant 1 : i32
      %scan3A_1562 = arith.constant 28 : i32
      %scan3A_1563 = arith.addi %scan3A_1561, %scan3A_1562 : i32
      %scan3A_1564 = arith.constant 4 : i32
      %scan3A_1565:8 = scf.for %scan3A_2913 = %scan3A_1561 to %scan3A_1563 step %scan3A_1564 iter_args(%scan3A_2914 = %get3A_1511, %scan3A_2915 = %get3A_1518, %scan3A_2916 = %get3A_1525, %scan3A_2917 = %get3A_1532, %scan3A_2918 = %get3A_1539, %scan3A_2919 = %get3A_1546, %scan3A_2920 = %get3A_1553, %scan3A_2921 = %get3A_1560) -> (vector<16xf32>, vector<16xf32>, vector<16xf32>, vector<16xf32>, vector<16xf32>, vector<16xf32>, vector<16xf32>, vector<16xf32>)  : i32 {
        %add3A_2922 = arith.constant 0 : i32
        %add3A_2923 = arith.addi %add3A_2922, %scan3A_2913 : i32
        %get3A_2924 = arith.constant 1 : i32
        %get3A_2925 = arith.index_cast %get3A_2924 : i32 to index
        %get3A_2926 = arith.index_cast %add3A_2923 : i32 to index
        %get3A_2927 = arith.constant 0 : index
        %get3A_2928 = tpu.vector_load %arg6[%get3A_2925, %get3A_2926, %get3A_2927] {strides = array<i32>} : memref<2x128x128xf32, #tpu.memory_space<vmem>>, vector<1x1x16xf32>,
        %get3A_2929 = vector.shape_cast %get3A_2928 : vector<1x1x16xf32> to vector<16xf32>
        %max3A_2930 = arith.maximumf %scan3A_2914, %get3A_2929 : vector<16xf32>
        %add3A_2931 = arith.constant 0 : i32
        %add3A_2932 = arith.addi %add3A_2931, %scan3A_2913 : i32
        %get3A_2933 = arith.constant 1 : i32
        %get3A_2934 = arith.index_cast %get3A_2933 : i32 to index
        %get3A_2935 = arith.index_cast %add3A_2932 : i32 to index
        %get3A_2936 = arith.constant 16 : index
        %get3A_2937 = tpu.vector_load %arg6[%get3A_2934, %get3A_2935, %get3A_2936] {strides = array<i32>} : memref<2x128x128xf32, #tpu.memory_space<vmem>>, vector<1x1x16xf32>,
        %get3A_2938 = vector.shape_cast %get3A_2937 : vector<1x1x16xf32> to vector<16xf32>
        %max3A_2939 = arith.maximumf %scan3A_2915, %get3A_2938 : vector<16xf32>
        %add3A_2940 = arith.constant 0 : i32
        %add3A_2941 = arith.addi %add3A_2940, %scan3A_2913 : i32
        %get3A_2942 = arith.constant 1 : i32
        %get3A_2943 = arith.index_cast %get3A_2942 : i32 to index
        %get3A_2944 = arith.index_cast %add3A_2941 : i32 to index
        %get3A_2945 = arith.constant 32 : index
        %get3A_2946 = tpu.vector_load %arg6[%get3A_2943, %get3A_2944, %get3A_2945] {strides = array<i32>} : memref<2x128x128xf32, #tpu.memory_space<vmem>>, vector<1x1x16xf32>,
        %get3A_2947 = vector.shape_cast %get3A_2946 : vector<1x1x16xf32> to vector<16xf32>
        %max3A_2948 = arith.maximumf %scan3A_2916, %get3A_2947 : vector<16xf32>
        %add3A_2949 = arith.constant 0 : i32
        %add3A_2950 = arith.addi %add3A_2949, %scan3A_2913 : i32
        %get3A_2951 = arith.constant 1 : i32
        %get3A_2952 = arith.index_cast %get3A_2951 : i32 to index
        %get3A_2953 = arith.index_cast %add3A_2950 : i32 to index
        %get3A_2954 = arith.constant 48 : index
        %get3A_2955 = tpu.vector_load %arg6[%get3A_2952, %get3A_2953, %get3A_2954] {strides = array<i32>} : memref<2x128x128xf32, #tpu.memory_space<vmem>>, vector<1x1x16xf32>,
        %get3A_2956 = vector.shape_cast %get3A_2955 : vector<1x1x16xf32> to vector<16xf32>
        %max3A_2957 = arith.maximumf %scan3A_2917, %get3A_2956 : vector<16xf32>
        %add3A_2958 = arith.constant 0 : i32
        %add3A_2959 = arith.addi %add3A_2958, %scan3A_2913 : i32
        %get3A_2960 = arith.constant 1 : i32
        %get3A_2961 = arith.index_cast %get3A_2960 : i32 to index
        %get3A_2962 = arith.index_cast %add3A_2959 : i32 to index
        %get3A_2963 = arith.constant 64 : index
        %get3A_2964 = tpu.vector_load %arg6[%get3A_2961, %get3A_2962, %get3A_2963] {strides = array<i32>} : memref<2x128x128xf32, #tpu.memory_space<vmem>>, vector<1x1x16xf32>,
        %get3A_2965 = vector.shape_cast %get3A_2964 : vector<1x1x16xf32> to vector<16xf32>
        %max3A_2966 = arith.maximumf %scan3A_2918, %get3A_2965 : vector<16xf32>
        %add3A_2967 = arith.constant 0 : i32
        %add3A_2968 = arith.addi %add3A_2967, %scan3A_2913 : i32
        %get3A_2969 = arith.constant 1 : i32
        %get3A_2970 = arith.index_cast %get3A_2969 : i32 to index
        %get3A_2971 = arith.index_cast %add3A_2968 : i32 to index
        %get3A_2972 = arith.constant 80 : index
        %get3A_2973 = tpu.vector_load %arg6[%get3A_2970, %get3A_2971, %get3A_2972] {strides = array<i32>} : memref<2x128x128xf32, #tpu.memory_space<vmem>>, vector<1x1x16xf32>,
        %get3A_2974 = vector.shape_cast %get3A_2973 : vector<1x1x16xf32> to vector<16xf32>
        %max3A_2975 = arith.maximumf %scan3A_2919, %get3A_2974 : vector<16xf32>
        %add3A_2976 = arith.constant 0 : i32
        %add3A_2977 = arith.addi %add3A_2976, %scan3A_2913 : i32
        %get3A_2978 = arith.constant 1 : i32
        %get3A_2979 = arith.index_cast %get3A_2978 : i32 to index
        %get3A_2980 = arith.index_cast %add3A_2977 : i32 to index
        %get3A_2981 = arith.constant 96 : index
        %get3A_2982 = tpu.vector_load %arg6[%get3A_2979, %get3A_2980, %get3A_2981] {strides = array<i32>} : memref<2x128x128xf32, #tpu.memory_space<vmem>>, vector<1x1x16xf32>,
        %get3A_2983 = vector.shape_cast %get3A_2982 : vector<1x1x16xf32> to vector<16xf32>
        %max3A_2984 = arith.maximumf %scan3A_2920, %get3A_2983 : vector<16xf32>
        %add3A_2985 = arith.constant 0 : i32
        %add3A_2986 = arith.addi %add3A_2985, %scan3A_2913 : i32
        %get3A_2987 = arith.constant 1 : i32
        %get3A_2988 = arith.index_cast %get3A_2987 : i32 to index
        %get3A_2989 = arith.index_cast %add3A_2986 : i32 to index
        %get3A_2990 = arith.constant 112 : index
        %get3A_2991 = tpu.vector_load %arg6[%get3A_2988, %get3A_2989, %get3A_2990] {strides = array<i32>} : memref<2x128x128xf32, #tpu.memory_space<vmem>>, vector<1x1x16xf32>,
        %get3A_2992 = vector.shape_cast %get3A_2991 : vector<1x1x16xf32> to vector<16xf32>
        %max3A_2993 = arith.maximumf %scan3A_2921, %get3A_2992 : vector<16xf32>
        %scan3A_2994 = arith.constant 1 : i32
        %scan3A_2995 = arith.addi %scan3A_2913, %scan3A_2994 : i32
        %add3A_2996 = arith.constant 0 : i32
        %add3A_2997 = arith.addi %add3A_2996, %scan3A_2995 : i32
        %get3A_2998 = arith.constant 1 : i32
        %get3A_2999 = arith.index_cast %get3A_2998 : i32 to index
        %get3A_3000 = arith.index_cast %add3A_2997 : i32 to index
        %get3A_3001 = arith.constant 0 : index
        %get3A_3002 = tpu.vector_load %arg6[%get3A_2999, %get3A_3000, %get3A_3001] {strides = array<i32>} : memref<2x128x128xf32, #tpu.memory_space<vmem>>, vector<1x1x16xf32>,
        %get3A_3003 = vector.shape_cast %get3A_3002 : vector<1x1x16xf32> to vector<16xf32>
        %max3A_3004 = arith.maximumf %max3A_2930, %get3A_3003 : vector<16xf32>
        %add3A_3005 = arith.constant 0 : i32
        %add3A_3006 = arith.addi %add3A_3005, %scan3A_2995 : i32
        %get3A_3007 = arith.constant 1 : i32
        %get3A_3008 = arith.index_cast %get3A_3007 : i32 to index
        %get3A_3009 = arith.index_cast %add3A_3006 : i32 to index
        %get3A_3010 = arith.constant 16 : index
        %get3A_3011 = tpu.vector_load %arg6[%get3A_3008, %get3A_3009, %get3A_3010] {strides = array<i32>} : memref<2x128x128xf32, #tpu.memory_space<vmem>>, vector<1x1x16xf32>,
        %get3A_3012 = vector.shape_cast %get3A_3011 : vector<1x1x16xf32> to vector<16xf32>
        %max3A_3013 = arith.maximumf %max3A_2939, %get3A_3012 : vector<16xf32>
        %add3A_3014 = arith.constant 0 : i32
        %add3A_3015 = arith.addi %add3A_3014, %scan3A_2995 : i32
        %get3A_3016 = arith.constant 1 : i32
        %get3A_3017 = arith.index_cast %get3A_3016 : i32 to index
        %get3A_3018 = arith.index_cast %add3A_3015 : i32 to index
        %get3A_3019 = arith.constant 32 : index
        %get3A_3020 = tpu.vector_load %arg6[%get3A_3017, %get3A_3018, %get3A_3019] {strides = array<i32>} : memref<2x128x128xf32, #tpu.memory_space<vmem>>, vector<1x1x16xf32>,
        %get3A_3021 = vector.shape_cast %get3A_3020 : vector<1x1x16xf32> to vector<16xf32>
        %max3A_3022 = arith.maximumf %max3A_2948, %get3A_3021 : vector<16xf32>
        %add3A_3023 = arith.constant 0 : i32
        %add3A_3024 = arith.addi %add3A_3023, %scan3A_2995 : i32
        %get3A_3025 = arith.constant 1 : i32
        %get3A_3026 = arith.index_cast %get3A_3025 : i32 to index
        %get3A_3027 = arith.index_cast %add3A_3024 : i32 to index
        %get3A_3028 = arith.constant 48 : index
        %get3A_3029 = tpu.vector_load %arg6[%get3A_3026, %get3A_3027, %get3A_3028] {strides = array<i32>} : memref<2x128x128xf32, #tpu.memory_space<vmem>>, vector<1x1x16xf32>,
        %get3A_3030 = vector.shape_cast %get3A_3029 : vector<1x1x16xf32> to vector<16xf32>
        %max3A_3031 = arith.maximumf %max3A_2957, %get3A_3030 : vector<16xf32>
        %add3A_3032 = arith.constant 0 : i32
        %add3A_3033 = arith.addi %add3A_3032, %scan3A_2995 : i32
        %get3A_3034 = arith.constant 1 : i32
        %get3A_3035 = arith.index_cast %get3A_3034 : i32 to index
        %get3A_3036 = arith.index_cast %add3A_3033 : i32 to index
        %get3A_3037 = arith.constant 64 : index
        %get3A_3038 = tpu.vector_load %arg6[%get3A_3035, %get3A_3036, %get3A_3037] {strides = array<i32>} : memref<2x128x128xf32, #tpu.memory_space<vmem>>, vector<1x1x16xf32>,
        %get3A_3039 = vector.shape_cast %get3A_3038 : vector<1x1x16xf32> to vector<16xf32>
        %max3A_3040 = arith.maximumf %max3A_2966, %get3A_3039 : vector<16xf32>
        %add3A_3041 = arith.constant 0 : i32
        %add3A_3042 = arith.addi %add3A_3041, %scan3A_2995 : i32
        %get3A_3043 = arith.constant 1 : i32
        %get3A_3044 = arith.index_cast %get3A_3043 : i32 to index
        %get3A_3045 = arith.index_cast %add3A_3042 : i32 to index
        %get3A_3046 = arith.constant 80 : index
        %get3A_3047 = tpu.vector_load %arg6[%get3A_3044, %get3A_3045, %get3A_3046] {strides = array<i32>} : memref<2x128x128xf32, #tpu.memory_space<vmem>>, vector<1x1x16xf32>,
        %get3A_3048 = vector.shape_cast %get3A_3047 : vector<1x1x16xf32> to vector<16xf32>
        %max3A_3049 = arith.maximumf %max3A_2975, %get3A_3048 : vector<16xf32>
        %add3A_3050 = arith.constant 0 : i32
        %add3A_3051 = arith.addi %add3A_3050, %scan3A_2995 : i32
        %get3A_3052 = arith.constant 1 : i32
        %get3A_3053 = arith.index_cast %get3A_3052 : i32 to index
        %get3A_3054 = arith.index_cast %add3A_3051 : i32 to index
        %get3A_3055 = arith.constant 96 : index
        %get3A_3056 = tpu.vector_load %arg6[%get3A_3053, %get3A_3054, %get3A_3055] {strides = array<i32>} : memref<2x128x128xf32, #tpu.memory_space<vmem>>, vector<1x1x16xf32>,
        %get3A_3057 = vector.shape_cast %get3A_3056 : vector<1x1x16xf32> to vector<16xf32>
        %max3A_3058 = arith.maximumf %max3A_2984, %get3A_3057 : vector<16xf32>
        %add3A_3059 = arith.constant 0 : i32
        %add3A_3060 = arith.addi %add3A_3059, %scan3A_2995 : i32
        %get3A_3061 = arith.constant 1 : i32
        %get3A_3062 = arith.index_cast %get3A_3061 : i32 to index
        %get3A_3063 = arith.index_cast %add3A_3060 : i32 to index
        %get3A_3064 = arith.constant 112 : index
        %get3A_3065 = tpu.vector_load %arg6[%get3A_3062, %get3A_3063, %get3A_3064] {strides = array<i32>} : memref<2x128x128xf32, #tpu.memory_space<vmem>>, vector<1x1x16xf32>,
        %get3A_3066 = vector.shape_cast %get3A_3065 : vector<1x1x16xf32> to vector<16xf32>
        %max3A_3067 = arith.maximumf %max3A_2993, %get3A_3066 : vector<16xf32>
        %scan3A_3068 = arith.constant 2 : i32
        %scan3A_3069 = arith.addi %scan3A_2913, %scan3A_3068 : i32
        %add3A_3070 = arith.constant 0 : i32
        %add3A_3071 = arith.addi %add3A_3070, %scan3A_3069 : i32
        %get3A_3072 = arith.constant 1 : i32
        %get3A_3073 = arith.index_cast %get3A_3072 : i32 to index
        %get3A_3074 = arith.index_cast %add3A_3071 : i32 to index
        %get3A_3075 = arith.constant 0 : index
        %get3A_3076 = tpu.vector_load %arg6[%get3A_3073, %get3A_3074, %get3A_3075] {strides = array<i32>} : memref<2x128x128xf32, #tpu.memory_space<vmem>>, vector<1x1x16xf32>,
        %get3A_3077 = vector.shape_cast %get3A_3076 : vector<1x1x16xf32> to vector<16xf32>
        %max3A_3078 = arith.maximumf %max3A_3004, %get3A_3077 : vector<16xf32>
        %add3A_3079 = arith.constant 0 : i32
        %add3A_3080 = arith.addi %add3A_3079, %scan3A_3069 : i32
        %get3A_3081 = arith.constant 1 : i32
        %get3A_3082 = arith.index_cast %get3A_3081 : i32 to index
        %get3A_3083 = arith.index_cast %add3A_3080 : i32 to index
        %get3A_3084 = arith.constant 16 : index
        %get3A_3085 = tpu.vector_load %arg6[%get3A_3082, %get3A_3083, %get3A_3084] {strides = array<i32>} : memref<2x128x128xf32, #tpu.memory_space<vmem>>, vector<1x1x16xf32>,
        %get3A_3086 = vector.shape_cast %get3A_3085 : vector<1x1x16xf32> to vector<16xf32>
        %max3A_3087 = arith.maximumf %max3A_3013, %get3A_3086 : vector<16xf32>
        %add3A_3088 = arith.constant 0 : i32
        %add3A_3089 = arith.addi %add3A_3088, %scan3A_3069 : i32
        %get3A_3090 = arith.constant 1 : i32
        %get3A_3091 = arith.index_cast %get3A_3090 : i32 to index
        %get3A_3092 = arith.index_cast %add3A_3089 : i32 to index
        %get3A_3093 = arith.constant 32 : index
        %get3A_3094 = tpu.vector_load %arg6[%get3A_3091, %get3A_3092, %get3A_3093] {strides = array<i32>} : memref<2x128x128xf32, #tpu.memory_space<vmem>>, vector<1x1x16xf32>,
        %get3A_3095 = vector.shape_cast %get3A_3094 : vector<1x1x16xf32> to vector<16xf32>
        %max3A_3096 = arith.maximumf %max3A_3022, %get3A_3095 : vector<16xf32>
        %add3A_3097 = arith.constant 0 : i32
        %add3A_3098 = arith.addi %add3A_3097, %scan3A_3069 : i32
        %get3A_3099 = arith.constant 1 : i32
        %get3A_3100 = arith.index_cast %get3A_3099 : i32 to index
        %get3A_3101 = arith.index_cast %add3A_3098 : i32 to index
        %get3A_3102 = arith.constant 48 : index
        %get3A_3103 = tpu.vector_load %arg6[%get3A_3100, %get3A_3101, %get3A_3102] {strides = array<i32>} : memref<2x128x128xf32, #tpu.memory_space<vmem>>, vector<1x1x16xf32>,
        %get3A_3104 = vector.shape_cast %get3A_3103 : vector<1x1x16xf32> to vector<16xf32>
        %max3A_3105 = arith.maximumf %max3A_3031, %get3A_3104 : vector<16xf32>
        %add3A_3106 = arith.constant 0 : i32
        %add3A_3107 = arith.addi %add3A_3106, %scan3A_3069 : i32
        %get3A_3108 = arith.constant 1 : i32
        %get3A_3109 = arith.index_cast %get3A_3108 : i32 to index
        %get3A_3110 = arith.index_cast %add3A_3107 : i32 to index
        %get3A_3111 = arith.constant 64 : index
        %get3A_3112 = tpu.vector_load %arg6[%get3A_3109, %get3A_3110, %get3A_3111] {strides = array<i32>} : memref<2x128x128xf32, #tpu.memory_space<vmem>>, vector<1x1x16xf32>,
        %get3A_3113 = vector.shape_cast %get3A_3112 : vector<1x1x16xf32> to vector<16xf32>
        %max3A_3114 = arith.maximumf %max3A_3040, %get3A_3113 : vector<16xf32>
        %add3A_3115 = arith.constant 0 : i32
        %add3A_3116 = arith.addi %add3A_3115, %scan3A_3069 : i32
        %get3A_3117 = arith.constant 1 : i32
        %get3A_3118 = arith.index_cast %get3A_3117 : i32 to index
        %get3A_3119 = arith.index_cast %add3A_3116 : i32 to index
        %get3A_3120 = arith.constant 80 : index
        %get3A_3121 = tpu.vector_load %arg6[%get3A_3118, %get3A_3119, %get3A_3120] {strides = array<i32>} : memref<2x128x128xf32, #tpu.memory_space<vmem>>, vector<1x1x16xf32>,
        %get3A_3122 = vector.shape_cast %get3A_3121 : vector<1x1x16xf32> to vector<16xf32>
        %max3A_3123 = arith.maximumf %max3A_3049, %get3A_3122 : vector<16xf32>
        %add3A_3124 = arith.constant 0 : i32
        %add3A_3125 = arith.addi %add3A_3124, %scan3A_3069 : i32
        %get3A_3126 = arith.constant 1 : i32
        %get3A_3127 = arith.index_cast %get3A_3126 : i32 to index
        %get3A_3128 = arith.index_cast %add3A_3125 : i32 to index
        %get3A_3129 = arith.constant 96 : index
        %get3A_3130 = tpu.vector_load %arg6[%get3A_3127, %get3A_3128, %get3A_3129] {strides = array<i32>} : memref<2x128x128xf32, #tpu.memory_space<vmem>>, vector<1x1x16xf32>,
        %get3A_3131 = vector.shape_cast %get3A_3130 : vector<1x1x16xf32> to vector<16xf32>
        %max3A_3132 = arith.maximumf %max3A_3058, %get3A_3131 : vector<16xf32>
        %add3A_3133 = arith.constant 0 : i32
        %add3A_3134 = arith.addi %add3A_3133, %scan3A_3069 : i32
        %get3A_3135 = arith.constant 1 : i32
        %get3A_3136 = arith.index_cast %get3A_3135 : i32 to index
        %get3A_3137 = arith.index_cast %add3A_3134 : i32 to index
        %get3A_3138 = arith.constant 112 : index
        %get3A_3139 = tpu.vector_load %arg6[%get3A_3136, %get3A_3137, %get3A_3138] {strides = array<i32>} : memref<2x128x128xf32, #tpu.memory_space<vmem>>, vector<1x1x16xf32>,
        %get3A_3140 = vector.shape_cast %get3A_3139 : vector<1x1x16xf32> to vector<16xf32>
        %max3A_3141 = arith.maximumf %max3A_3067, %get3A_3140 : vector<16xf32>
        %scan3A_3142 = arith.constant 3 : i32
        %scan3A_3143 = arith.addi %scan3A_2913, %scan3A_3142 : i32
        %add3A_3144 = arith.constant 0 : i32
        %add3A_3145 = arith.addi %add3A_3144, %scan3A_3143 : i32
        %get3A_3146 = arith.constant 1 : i32
        %get3A_3147 = arith.index_cast %get3A_3146 : i32 to index
        %get3A_3148 = arith.index_cast %add3A_3145 : i32 to index
        %get3A_3149 = arith.constant 0 : index
        %get3A_3150 = tpu.vector_load %arg6[%get3A_3147, %get3A_3148, %get3A_3149] {strides = array<i32>} : memref<2x128x128xf32, #tpu.memory_space<vmem>>, vector<1x1x16xf32>,
        %get3A_3151 = vector.shape_cast %get3A_3150 : vector<1x1x16xf32> to vector<16xf32>
        %max3A_3152 = arith.maximumf %max3A_3078, %get3A_3151 : vector<16xf32>
        %add3A_3153 = arith.constant 0 : i32
        %add3A_3154 = arith.addi %add3A_3153, %scan3A_3143 : i32
        %get3A_3155 = arith.constant 1 : i32
        %get3A_3156 = arith.index_cast %get3A_3155 : i32 to index
        %get3A_3157 = arith.index_cast %add3A_3154 : i32 to index
        %get3A_3158 = arith.constant 16 : index
        %get3A_3159 = tpu.vector_load %arg6[%get3A_3156, %get3A_3157, %get3A_3158] {strides = array<i32>} : memref<2x128x128xf32, #tpu.memory_space<vmem>>, vector<1x1x16xf32>,
        %get3A_3160 = vector.shape_cast %get3A_3159 : vector<1x1x16xf32> to vector<16xf32>
        %max3A_3161 = arith.maximumf %max3A_3087, %get3A_3160 : vector<16xf32>
        %add3A_3162 = arith.constant 0 : i32
        %add3A_3163 = arith.addi %add3A_3162, %scan3A_3143 : i32
        %get3A_3164 = arith.constant 1 : i32
        %get3A_3165 = arith.index_cast %get3A_3164 : i32 to index
        %get3A_3166 = arith.index_cast %add3A_3163 : i32 to index
        %get3A_3167 = arith.constant 32 : index
        %get3A_3168 = tpu.vector_load %arg6[%get3A_3165, %get3A_3166, %get3A_3167] {strides = array<i32>} : memref<2x128x128xf32, #tpu.memory_space<vmem>>, vector<1x1x16xf32>,
        %get3A_3169 = vector.shape_cast %get3A_3168 : vector<1x1x16xf32> to vector<16xf32>
        %max3A_3170 = arith.maximumf %max3A_3096, %get3A_3169 : vector<16xf32>
        %add3A_3171 = arith.constant 0 : i32
        %add3A_3172 = arith.addi %add3A_3171, %scan3A_3143 : i32
        %get3A_3173 = arith.constant 1 : i32
        %get3A_3174 = arith.index_cast %get3A_3173 : i32 to index
        %get3A_3175 = arith.index_cast %add3A_3172 : i32 to index
        %get3A_3176 = arith.constant 48 : index
        %get3A_3177 = tpu.vector_load %arg6[%get3A_3174, %get3A_3175, %get3A_3176] {strides = array<i32>} : memref<2x128x128xf32, #tpu.memory_space<vmem>>, vector<1x1x16xf32>,
        %get3A_3178 = vector.shape_cast %get3A_3177 : vector<1x1x16xf32> to vector<16xf32>
        %max3A_3179 = arith.maximumf %max3A_3105, %get3A_3178 : vector<16xf32>
        %add3A_3180 = arith.constant 0 : i32
        %add3A_3181 = arith.addi %add3A_3180, %scan3A_3143 : i32
        %get3A_3182 = arith.constant 1 : i32
        %get3A_3183 = arith.index_cast %get3A_3182 : i32 to index
        %get3A_3184 = arith.index_cast %add3A_3181 : i32 to index
        %get3A_3185 = arith.constant 64 : index
        %get3A_3186 = tpu.vector_load %arg6[%get3A_3183, %get3A_3184, %get3A_3185] {strides = array<i32>} : memref<2x128x128xf32, #tpu.memory_space<vmem>>, vector<1x1x16xf32>,
        %get3A_3187 = vector.shape_cast %get3A_3186 : vector<1x1x16xf32> to vector<16xf32>
        %max3A_3188 = arith.maximumf %max3A_3114, %get3A_3187 : vector<16xf32>
        %add3A_3189 = arith.constant 0 : i32
        %add3A_3190 = arith.addi %add3A_3189, %scan3A_3143 : i32
        %get3A_3191 = arith.constant 1 : i32
        %get3A_3192 = arith.index_cast %get3A_3191 : i32 to index
        %get3A_3193 = arith.index_cast %add3A_3190 : i32 to index
        %get3A_3194 = arith.constant 80 : index
        %get3A_3195 = tpu.vector_load %arg6[%get3A_3192, %get3A_3193, %get3A_3194] {strides = array<i32>} : memref<2x128x128xf32, #tpu.memory_space<vmem>>, vector<1x1x16xf32>,
        %get3A_3196 = vector.shape_cast %get3A_3195 : vector<1x1x16xf32> to vector<16xf32>
        %max3A_3197 = arith.maximumf %max3A_3123, %get3A_3196 : vector<16xf32>
        %add3A_3198 = arith.constant 0 : i32
        %add3A_3199 = arith.addi %add3A_3198, %scan3A_3143 : i32
        %get3A_3200 = arith.constant 1 : i32
        %get3A_3201 = arith.index_cast %get3A_3200 : i32 to index
        %get3A_3202 = arith.index_cast %add3A_3199 : i32 to index
        %get3A_3203 = arith.constant 96 : index
        %get3A_3204 = tpu.vector_load %arg6[%get3A_3201, %get3A_3202, %get3A_3203] {strides = array<i32>} : memref<2x128x128xf32, #tpu.memory_space<vmem>>, vector<1x1x16xf32>,
        %get3A_3205 = vector.shape_cast %get3A_3204 : vector<1x1x16xf32> to vector<16xf32>
        %max3A_3206 = arith.maximumf %max3A_3132, %get3A_3205 : vector<16xf32>
        %add3A_3207 = arith.constant 0 : i32
        %add3A_3208 = arith.addi %add3A_3207, %scan3A_3143 : i32
        %get3A_3209 = arith.constant 1 : i32
        %get3A_3210 = arith.index_cast %get3A_3209 : i32 to index
        %get3A_3211 = arith.index_cast %add3A_3208 : i32 to index
        %get3A_3212 = arith.constant 112 : index
        %get3A_3213 = tpu.vector_load %arg6[%get3A_3210, %get3A_3211, %get3A_3212] {strides = array<i32>} : memref<2x128x128xf32, #tpu.memory_space<vmem>>, vector<1x1x16xf32>,
        %get3A_3214 = vector.shape_cast %get3A_3213 : vector<1x1x16xf32> to vector<16xf32>
        %max3A_3215 = arith.maximumf %max3A_3141, %get3A_3214 : vector<16xf32>
        scf.yield %max3A_3152, %max3A_3161, %max3A_3170, %max3A_3179, %max3A_3188, %max3A_3197, %max3A_3206, %max3A_3215 : vector<16xf32>, vector<16xf32>, vector<16xf32>, vector<16xf32>, vector<16xf32>, vector<16xf32>, vector<16xf32>, vector<16xf32>
      }
      %scan3A_1566 = arith.constant 28 : i32
      %scan3A_1567 = arith.addi %scan3A_1561, %scan3A_1566 : i32
      %add3A_1568 = arith.constant 0 : i32
      %add3A_1569 = arith.addi %add3A_1568, %scan3A_1567 : i32
      %get3A_1570 = arith.constant 1 : i32
      %get3A_1571 = arith.index_cast %get3A_1570 : i32 to index
      %get3A_1572 = arith.index_cast %add3A_1569 : i32 to index
      %get3A_1573 = arith.constant 0 : index
      %get3A_1574 = tpu.vector_load %arg6[%get3A_1571, %get3A_1572, %get3A_1573] {strides = array<i32>} : memref<2x128x128xf32, #tpu.memory_space<vmem>>, vector<1x1x16xf32>,
      %get3A_1575 = vector.shape_cast %get3A_1574 : vector<1x1x16xf32> to vector<16xf32>
      %max3A_1576 = arith.maximumf %scan3A_1565#0, %get3A_1575 : vector<16xf32>
      %add3A_1577 = arith.constant 0 : i32
      %add3A_1578 = arith.addi %add3A_1577, %scan3A_1567 : i32
      %get3A_1579 = arith.constant 1 : i32
      %get3A_1580 = arith.index_cast %get3A_1579 : i32 to index
      %get3A_1581 = arith.index_cast %add3A_1578 : i32 to index
      %get3A_1582 = arith.constant 16 : index
      %get3A_1583 = tpu.vector_load %arg6[%get3A_1580, %get3A_1581, %get3A_1582] {strides = array<i32>} : memref<2x128x128xf32, #tpu.memory_space<vmem>>, vector<1x1x16xf32>,
      %get3A_1584 = vector.shape_cast %get3A_1583 : vector<1x1x16xf32> to vector<16xf32>
      %max3A_1585 = arith.maximumf %scan3A_1565#1, %get3A_1584 : vector<16xf32>
      %add3A_1586 = arith.constant 0 : i32
      %add3A_1587 = arith.addi %add3A_1586, %scan3A_1567 : i32
      %get3A_1588 = arith.constant 1 : i32
      %get3A_1589 = arith.index_cast %get3A_1588 : i32 to index
      %get3A_1590 = arith.index_cast %add3A_1587 : i32 to index
      %get3A_1591 = arith.constant 32 : index
      %get3A_1592 = tpu.vector_load %arg6[%get3A_1589, %get3A_1590, %get3A_1591] {strides = array<i32>} : memref<2x128x128xf32, #tpu.memory_space<vmem>>, vector<1x1x16xf32>,
      %get3A_1593 = vector.shape_cast %get3A_1592 : vector<1x1x16xf32> to vector<16xf32>
      %max3A_1594 = arith.maximumf %scan3A_1565#2, %get3A_1593 : vector<16xf32>
      %add3A_1595 = arith.constant 0 : i32
      %add3A_1596 = arith.addi %add3A_1595, %scan3A_1567 : i32
      %get3A_1597 = arith.constant 1 : i32
      %get3A_1598 = arith.index_cast %get3A_1597 : i32 to index
      %get3A_1599 = arith.index_cast %add3A_1596 : i32 to index
      %get3A_1600 = arith.constant 48 : index
      %get3A_1601 = tpu.vector_load %arg6[%get3A_1598, %get3A_1599, %get3A_1600] {strides = array<i32>} : memref<2x128x128xf32, #tpu.memory_space<vmem>>, vector<1x1x16xf32>,
      %get3A_1602 = vector.shape_cast %get3A_1601 : vector<1x1x16xf32> to vector<16xf32>
      %max3A_1603 = arith.maximumf %scan3A_1565#3, %get3A_1602 : vector<16xf32>
      %add3A_1604 = arith.constant 0 : i32
      %add3A_1605 = arith.addi %add3A_1604, %scan3A_1567 : i32
      %get3A_1606 = arith.constant 1 : i32
      %get3A_1607 = arith.index_cast %get3A_1606 : i32 to index
      %get3A_1608 = arith.index_cast %add3A_1605 : i32 to index
      %get3A_1609 = arith.constant 64 : index
      %get3A_1610 = tpu.vector_load %arg6[%get3A_1607, %get3A_1608, %get3A_1609] {strides = array<i32>} : memref<2x128x128xf32, #tpu.memory_space<vmem>>, vector<1x1x16xf32>,
      %get3A_1611 = vector.shape_cast %get3A_1610 : vector<1x1x16xf32> to vector<16xf32>
      %max3A_1612 = arith.maximumf %scan3A_1565#4, %get3A_1611 : vector<16xf32>
      %add3A_1613 = arith.constant 0 : i32
      %add3A_1614 = arith.addi %add3A_1613, %scan3A_1567 : i32
      %get3A_1615 = arith.constant 1 : i32
      %get3A_1616 = arith.index_cast %get3A_1615 : i32 to index
      %get3A_1617 = arith.index_cast %add3A_1614 : i32 to index
      %get3A_1618 = arith.constant 80 : index
      %get3A_1619 = tpu.vector_load %arg6[%get3A_1616, %get3A_1617, %get3A_1618] {strides = array<i32>} : memref<2x128x128xf32, #tpu.memory_space<vmem>>, vector<1x1x16xf32>,
      %get3A_1620 = vector.shape_cast %get3A_1619 : vector<1x1x16xf32> to vector<16xf32>
      %max3A_1621 = arith.maximumf %scan3A_1565#5, %get3A_1620 : vector<16xf32>
      %add3A_1622 = arith.constant 0 : i32
      %add3A_1623 = arith.addi %add3A_1622, %scan3A_1567 : i32
      %get3A_1624 = arith.constant 1 : i32
      %get3A_1625 = arith.index_cast %get3A_1624 : i32 to index
      %get3A_1626 = arith.index_cast %add3A_1623 : i32 to index
      %get3A_1627 = arith.constant 96 : index
      %get3A_1628 = tpu.vector_load %arg6[%get3A_1625, %get3A_1626, %get3A_1627] {strides = array<i32>} : memref<2x128x128xf32, #tpu.memory_space<vmem>>, vector<1x1x16xf32>,
      %get3A_1629 = vector.shape_cast %get3A_1628 : vector<1x1x16xf32> to vector<16xf32>
      %max3A_1630 = arith.maximumf %scan3A_1565#6, %get3A_1629 : vector<16xf32>
      %add3A_1631 = arith.constant 0 : i32
      %add3A_1632 = arith.addi %add3A_1631, %scan3A_1567 : i32
      %get3A_1633 = arith.constant 1 : i32
      %get3A_1634 = arith.index_cast %get3A_1633 : i32 to index
      %get3A_1635 = arith.index_cast %add3A_1632 : i32 to index
      %get3A_1636 = arith.constant 112 : index
      %get3A_1637 = tpu.vector_load %arg6[%get3A_1634, %get3A_1635, %get3A_1636] {strides = array<i32>} : memref<2x128x128xf32, #tpu.memory_space<vmem>>, vector<1x1x16xf32>,
      %get3A_1638 = vector.shape_cast %get3A_1637 : vector<1x1x16xf32> to vector<16xf32>
      %max3A_1639 = arith.maximumf %scan3A_1565#7, %get3A_1638 : vector<16xf32>
      %scan3A_1640 = arith.constant 29 : i32
      %scan3A_1641 = arith.addi %scan3A_1561, %scan3A_1640 : i32
      %add3A_1642 = arith.constant 0 : i32
      %add3A_1643 = arith.addi %add3A_1642, %scan3A_1641 : i32
      %get3A_1644 = arith.constant 1 : i32
      %get3A_1645 = arith.index_cast %get3A_1644 : i32 to index
      %get3A_1646 = arith.index_cast %add3A_1643 : i32 to index
      %get3A_1647 = arith.constant 0 : index
      %get3A_1648 = tpu.vector_load %arg6[%get3A_1645, %get3A_1646, %get3A_1647] {strides = array<i32>} : memref<2x128x128xf32, #tpu.memory_space<vmem>>, vector<1x1x16xf32>,
      %get3A_1649 = vector.shape_cast %get3A_1648 : vector<1x1x16xf32> to vector<16xf32>
      %max3A_1650 = arith.maximumf %max3A_1576, %get3A_1649 : vector<16xf32>
      %add3A_1651 = arith.constant 0 : i32
      %add3A_1652 = arith.addi %add3A_1651, %scan3A_1641 : i32
      %get3A_1653 = arith.constant 1 : i32
      %get3A_1654 = arith.index_cast %get3A_1653 : i32 to index
      %get3A_1655 = arith.index_cast %add3A_1652 : i32 to index
      %get3A_1656 = arith.constant 16 : index
      %get3A_1657 = tpu.vector_load %arg6[%get3A_1654, %get3A_1655, %get3A_1656] {strides = array<i32>} : memref<2x128x128xf32, #tpu.memory_space<vmem>>, vector<1x1x16xf32>,
      %get3A_1658 = vector.shape_cast %get3A_1657 : vector<1x1x16xf32> to vector<16xf32>
      %max3A_1659 = arith.maximumf %max3A_1585, %get3A_1658 : vector<16xf32>
      %add3A_1660 = arith.constant 0 : i32
      %add3A_1661 = arith.addi %add3A_1660, %scan3A_1641 : i32
      %get3A_1662 = arith.constant 1 : i32
      %get3A_1663 = arith.index_cast %get3A_1662 : i32 to index
      %get3A_1664 = arith.index_cast %add3A_1661 : i32 to index
      %get3A_1665 = arith.constant 32 : index
      %get3A_1666 = tpu.vector_load %arg6[%get3A_1663, %get3A_1664, %get3A_1665] {strides = array<i32>} : memref<2x128x128xf32, #tpu.memory_space<vmem>>, vector<1x1x16xf32>,
      %get3A_1667 = vector.shape_cast %get3A_1666 : vector<1x1x16xf32> to vector<16xf32>
      %max3A_1668 = arith.maximumf %max3A_1594, %get3A_1667 : vector<16xf32>
      %add3A_1669 = arith.constant 0 : i32
      %add3A_1670 = arith.addi %add3A_1669, %scan3A_1641 : i32
      %get3A_1671 = arith.constant 1 : i32
      %get3A_1672 = arith.index_cast %get3A_1671 : i32 to index
      %get3A_1673 = arith.index_cast %add3A_1670 : i32 to index
      %get3A_1674 = arith.constant 48 : index
      %get3A_1675 = tpu.vector_load %arg6[%get3A_1672, %get3A_1673, %get3A_1674] {strides = array<i32>} : memref<2x128x128xf32, #tpu.memory_space<vmem>>, vector<1x1x16xf32>,
      %get3A_1676 = vector.shape_cast %get3A_1675 : vector<1x1x16xf32> to vector<16xf32>
      %max3A_1677 = arith.maximumf %max3A_1603, %get3A_1676 : vector<16xf32>
      %add3A_1678 = arith.constant 0 : i32
      %add3A_1679 = arith.addi %add3A_1678, %scan3A_1641 : i32
      %get3A_1680 = arith.constant 1 : i32
      %get3A_1681 = arith.index_cast %get3A_1680 : i32 to index
      %get3A_1682 = arith.index_cast %add3A_1679 : i32 to index
      %get3A_1683 = arith.constant 64 : index
      %get3A_1684 = tpu.vector_load %arg6[%get3A_1681, %get3A_1682, %get3A_1683] {strides = array<i32>} : memref<2x128x128xf32, #tpu.memory_space<vmem>>, vector<1x1x16xf32>,
      %get3A_1685 = vector.shape_cast %get3A_1684 : vector<1x1x16xf32> to vector<16xf32>
      %max3A_1686 = arith.maximumf %max3A_1612, %get3A_1685 : vector<16xf32>
      %add3A_1687 = arith.constant 0 : i32
      %add3A_1688 = arith.addi %add3A_1687, %scan3A_1641 : i32
      %get3A_1689 = arith.constant 1 : i32
      %get3A_1690 = arith.index_cast %get3A_1689 : i32 to index
      %get3A_1691 = arith.index_cast %add3A_1688 : i32 to index
      %get3A_1692 = arith.constant 80 : index
      %get3A_1693 = tpu.vector_load %arg6[%get3A_1690, %get3A_1691, %get3A_1692] {strides = array<i32>} : memref<2x128x128xf32, #tpu.memory_space<vmem>>, vector<1x1x16xf32>,
      %get3A_1694 = vector.shape_cast %get3A_1693 : vector<1x1x16xf32> to vector<16xf32>
      %max3A_1695 = arith.maximumf %max3A_1621, %get3A_1694 : vector<16xf32>
      %add3A_1696 = arith.constant 0 : i32
      %add3A_1697 = arith.addi %add3A_1696, %scan3A_1641 : i32
      %get3A_1698 = arith.constant 1 : i32
      %get3A_1699 = arith.index_cast %get3A_1698 : i32 to index
      %get3A_1700 = arith.index_cast %add3A_1697 : i32 to index
      %get3A_1701 = arith.constant 96 : index
      %get3A_1702 = tpu.vector_load %arg6[%get3A_1699, %get3A_1700, %get3A_1701] {strides = array<i32>} : memref<2x128x128xf32, #tpu.memory_space<vmem>>, vector<1x1x16xf32>,
      %get3A_1703 = vector.shape_cast %get3A_1702 : vector<1x1x16xf32> to vector<16xf32>
      %max3A_1704 = arith.maximumf %max3A_1630, %get3A_1703 : vector<16xf32>
      %add3A_1705 = arith.constant 0 : i32
      %add3A_1706 = arith.addi %add3A_1705, %scan3A_1641 : i32
      %get3A_1707 = arith.constant 1 : i32
      %get3A_1708 = arith.index_cast %get3A_1707 : i32 to index
      %get3A_1709 = arith.index_cast %add3A_1706 : i32 to index
      %get3A_1710 = arith.constant 112 : index
      %get3A_1711 = tpu.vector_load %arg6[%get3A_1708, %get3A_1709, %get3A_1710] {strides = array<i32>} : memref<2x128x128xf32, #tpu.memory_space<vmem>>, vector<1x1x16xf32>,
      %get3A_1712 = vector.shape_cast %get3A_1711 : vector<1x1x16xf32> to vector<16xf32>
      %max3A_1713 = arith.maximumf %max3A_1639, %get3A_1712 : vector<16xf32>
      %scan3A_1714 = arith.constant 30 : i32
      %scan3A_1715 = arith.addi %scan3A_1561, %scan3A_1714 : i32
      %add3A_1716 = arith.constant 0 : i32
      %add3A_1717 = arith.addi %add3A_1716, %scan3A_1715 : i32
      %get3A_1718 = arith.constant 1 : i32
      %get3A_1719 = arith.index_cast %get3A_1718 : i32 to index
      %get3A_1720 = arith.index_cast %add3A_1717 : i32 to index
      %get3A_1721 = arith.constant 0 : index
      %get3A_1722 = tpu.vector_load %arg6[%get3A_1719, %get3A_1720, %get3A_1721] {strides = array<i32>} : memref<2x128x128xf32, #tpu.memory_space<vmem>>, vector<1x1x16xf32>,
      %get3A_1723 = vector.shape_cast %get3A_1722 : vector<1x1x16xf32> to vector<16xf32>
      %max3A_1724 = arith.maximumf %max3A_1650, %get3A_1723 : vector<16xf32>
      %add3A_1725 = arith.constant 0 : i32
      %add3A_1726 = arith.addi %add3A_1725, %scan3A_1715 : i32
      %get3A_1727 = arith.constant 1 : i32
      %get3A_1728 = arith.index_cast %get3A_1727 : i32 to index
      %get3A_1729 = arith.index_cast %add3A_1726 : i32 to index
      %get3A_1730 = arith.constant 16 : index
      %get3A_1731 = tpu.vector_load %arg6[%get3A_1728, %get3A_1729, %get3A_1730] {strides = array<i32>} : memref<2x128x128xf32, #tpu.memory_space<vmem>>, vector<1x1x16xf32>,
      %get3A_1732 = vector.shape_cast %get3A_1731 : vector<1x1x16xf32> to vector<16xf32>
      %max3A_1733 = arith.maximumf %max3A_1659, %get3A_1732 : vector<16xf32>
      %add3A_1734 = arith.constant 0 : i32
      %add3A_1735 = arith.addi %add3A_1734, %scan3A_1715 : i32
      %get3A_1736 = arith.constant 1 : i32
      %get3A_1737 = arith.index_cast %get3A_1736 : i32 to index
      %get3A_1738 = arith.index_cast %add3A_1735 : i32 to index
      %get3A_1739 = arith.constant 32 : index
      %get3A_1740 = tpu.vector_load %arg6[%get3A_1737, %get3A_1738, %get3A_1739] {strides = array<i32>} : memref<2x128x128xf32, #tpu.memory_space<vmem>>, vector<1x1x16xf32>,
      %get3A_1741 = vector.shape_cast %get3A_1740 : vector<1x1x16xf32> to vector<16xf32>
      %max3A_1742 = arith.maximumf %max3A_1668, %get3A_1741 : vector<16xf32>
      %add3A_1743 = arith.constant 0 : i32
      %add3A_1744 = arith.addi %add3A_1743, %scan3A_1715 : i32
      %get3A_1745 = arith.constant 1 : i32
      %get3A_1746 = arith.index_cast %get3A_1745 : i32 to index
      %get3A_1747 = arith.index_cast %add3A_1744 : i32 to index
      %get3A_1748 = arith.constant 48 : index
      %get3A_1749 = tpu.vector_load %arg6[%get3A_1746, %get3A_1747, %get3A_1748] {strides = array<i32>} : memref<2x128x128xf32, #tpu.memory_space<vmem>>, vector<1x1x16xf32>,
      %get3A_1750 = vector.shape_cast %get3A_1749 : vector<1x1x16xf32> to vector<16xf32>
      %max3A_1751 = arith.maximumf %max3A_1677, %get3A_1750 : vector<16xf32>
      %add3A_1752 = arith.constant 0 : i32
      %add3A_1753 = arith.addi %add3A_1752, %scan3A_1715 : i32
      %get3A_1754 = arith.constant 1 : i32
      %get3A_1755 = arith.index_cast %get3A_1754 : i32 to index
      %get3A_1756 = arith.index_cast %add3A_1753 : i32 to index
      %get3A_1757 = arith.constant 64 : index
      %get3A_1758 = tpu.vector_load %arg6[%get3A_1755, %get3A_1756, %get3A_1757] {strides = array<i32>} : memref<2x128x128xf32, #tpu.memory_space<vmem>>, vector<1x1x16xf32>,
      %get3A_1759 = vector.shape_cast %get3A_1758 : vector<1x1x16xf32> to vector<16xf32>
      %max3A_1760 = arith.maximumf %max3A_1686, %get3A_1759 : vector<16xf32>
      %add3A_1761 = arith.constant 0 : i32
      %add3A_1762 = arith.addi %add3A_1761, %scan3A_1715 : i32
      %get3A_1763 = arith.constant 1 : i32
      %get3A_1764 = arith.index_cast %get3A_1763 : i32 to index
      %get3A_1765 = arith.index_cast %add3A_1762 : i32 to index
      %get3A_1766 = arith.constant 80 : index
      %get3A_1767 = tpu.vector_load %arg6[%get3A_1764, %get3A_1765, %get3A_1766] {strides = array<i32>} : memref<2x128x128xf32, #tpu.memory_space<vmem>>, vector<1x1x16xf32>,
      %get3A_1768 = vector.shape_cast %get3A_1767 : vector<1x1x16xf32> to vector<16xf32>
      %max3A_1769 = arith.maximumf %max3A_1695, %get3A_1768 : vector<16xf32>
      %add3A_1770 = arith.constant 0 : i32
      %add3A_1771 = arith.addi %add3A_1770, %scan3A_1715 : i32
      %get3A_1772 = arith.constant 1 : i32
      %get3A_1773 = arith.index_cast %get3A_1772 : i32 to index
      %get3A_1774 = arith.index_cast %add3A_1771 : i32 to index
      %get3A_1775 = arith.constant 96 : index
      %get3A_1776 = tpu.vector_load %arg6[%get3A_1773, %get3A_1774, %get3A_1775] {strides = array<i32>} : memref<2x128x128xf32, #tpu.memory_space<vmem>>, vector<1x1x16xf32>,
      %get3A_1777 = vector.shape_cast %get3A_1776 : vector<1x1x16xf32> to vector<16xf32>
      %max3A_1778 = arith.maximumf %max3A_1704, %get3A_1777 : vector<16xf32>
      %add3A_1779 = arith.constant 0 : i32
      %add3A_1780 = arith.addi %add3A_1779, %scan3A_1715 : i32
      %get3A_1781 = arith.constant 1 : i32
      %get3A_1782 = arith.index_cast %get3A_1781 : i32 to index
      %get3A_1783 = arith.index_cast %add3A_1780 : i32 to index
      %get3A_1784 = arith.constant 112 : index
      %get3A_1785 = tpu.vector_load %arg6[%get3A_1782, %get3A_1783, %get3A_1784] {strides = array<i32>} : memref<2x128x128xf32, #tpu.memory_space<vmem>>, vector<1x1x16xf32>,
      %get3A_1786 = vector.shape_cast %get3A_1785 : vector<1x1x16xf32> to vector<16xf32>
      %max3A_1787 = arith.maximumf %max3A_1713, %get3A_1786 : vector<16xf32>
      %scan3A_1788 = arith.constant 31 : i32
      %swap3A_1789 = arith.constant 1 : i32
      %swap3A_1790 = arith.constant 0 : i32
      %swap3A_1791 = arith.index_cast %swap3A_1789 : i32 to index
      %swap3A_1792 = arith.index_cast %swap3A_1790 : i32 to index
      %swap3A_1793 = arith.constant 0 : index
      %swap3A_1794 = tpu.vector_load %arg7[%swap3A_1791, %swap3A_1792, %swap3A_1793] {strides = array<i32>} : memref<2x4x128xf32, #tpu.memory_space<vmem>>, vector<1x1x16xf32>,
      %swap3A_1795 = vector.shape_cast %swap3A_1794 : vector<1x1x16xf32> to vector<16xf32>
      %swap3A_1796 = vector.shape_cast %max3A_1724 : vector<16xf32> to vector<1x1x16xf32>
      tpu.vector_store %arg7[%swap3A_1791, %swap3A_1792, %swap3A_1793], %swap3A_1796 {strides = array<i32>} : memref<2x4x128xf32, #tpu.memory_space<vmem>>, vector<1x1x16xf32>,
      %swap3A_1797 = arith.constant 1 : i32
      %swap3A_1798 = arith.constant 0 : i32
      %swap3A_1799 = arith.index_cast %swap3A_1797 : i32 to index
      %swap3A_1800 = arith.index_cast %swap3A_1798 : i32 to index
      %swap3A_1801 = arith.constant 16 : index
      %swap3A_1802 = tpu.vector_load %arg7[%swap3A_1799, %swap3A_1800, %swap3A_1801] {strides = array<i32>} : memref<2x4x128xf32, #tpu.memory_space<vmem>>, vector<1x1x16xf32>,
      %swap3A_1803 = vector.shape_cast %swap3A_1802 : vector<1x1x16xf32> to vector<16xf32>
      %swap3A_1804 = vector.shape_cast %max3A_1733 : vector<16xf32> to vector<1x1x16xf32>
      tpu.vector_store %arg7[%swap3A_1799, %swap3A_1800, %swap3A_1801], %swap3A_1804 {strides = array<i32>} : memref<2x4x128xf32, #tpu.memory_space<vmem>>, vector<1x1x16xf32>,
      %swap3A_1805 = arith.constant 1 : i32
      %swap3A_1806 = arith.constant 0 : i32
      %swap3A_1807 = arith.index_cast %swap3A_1805 : i32 to index
      %swap3A_1808 = arith.index_cast %swap3A_1806 : i32 to index
      %swap3A_1809 = arith.constant 32 : index
      %swap3A_1810 = tpu.vector_load %arg7[%swap3A_1807, %swap3A_1808, %swap3A_1809] {strides = array<i32>} : memref<2x4x128xf32, #tpu.memory_space<vmem>>, vector<1x1x16xf32>,
      %swap3A_1811 = vector.shape_cast %swap3A_1810 : vector<1x1x16xf32> to vector<16xf32>
      %swap3A_1812 = vector.shape_cast %max3A_1742 : vector<16xf32> to vector<1x1x16xf32>
      tpu.vector_store %arg7[%swap3A_1807, %swap3A_1808, %swap3A_1809], %swap3A_1812 {strides = array<i32>} : memref<2x4x128xf32, #tpu.memory_space<vmem>>, vector<1x1x16xf32>,
      %swap3A_1813 = arith.constant 1 : i32
      %swap3A_1814 = arith.constant 0 : i32
      %swap3A_1815 = arith.index_cast %swap3A_1813 : i32 to index
      %swap3A_1816 = arith.index_cast %swap3A_1814 : i32 to index
      %swap3A_1817 = arith.constant 48 : index
      %swap3A_1818 = tpu.vector_load %arg7[%swap3A_1815, %swap3A_1816, %swap3A_1817] {strides = array<i32>} : memref<2x4x128xf32, #tpu.memory_space<vmem>>, vector<1x1x16xf32>,
      %swap3A_1819 = vector.shape_cast %swap3A_1818 : vector<1x1x16xf32> to vector<16xf32>
      %swap3A_1820 = vector.shape_cast %max3A_1751 : vector<16xf32> to vector<1x1x16xf32>
      tpu.vector_store %arg7[%swap3A_1815, %swap3A_1816, %swap3A_1817], %swap3A_1820 {strides = array<i32>} : memref<2x4x128xf32, #tpu.memory_space<vmem>>, vector<1x1x16xf32>,
      %swap3A_1821 = arith.constant 1 : i32
      %swap3A_1822 = arith.constant 0 : i32
      %swap3A_1823 = arith.index_cast %swap3A_1821 : i32 to index
      %swap3A_1824 = arith.index_cast %swap3A_1822 : i32 to index
      %swap3A_1825 = arith.constant 64 : index
      %swap3A_1826 = tpu.vector_load %arg7[%swap3A_1823, %swap3A_1824, %swap3A_1825] {strides = array<i32>} : memref<2x4x128xf32, #tpu.memory_space<vmem>>, vector<1x1x16xf32>,
      %swap3A_1827 = vector.shape_cast %swap3A_1826 : vector<1x1x16xf32> to vector<16xf32>
      %swap3A_1828 = vector.shape_cast %max3A_1760 : vector<16xf32> to vector<1x1x16xf32>
      tpu.vector_store %arg7[%swap3A_1823, %swap3A_1824, %swap3A_1825], %swap3A_1828 {strides = array<i32>} : memref<2x4x128xf32, #tpu.memory_space<vmem>>, vector<1x1x16xf32>,
      %swap3A_1829 = arith.constant 1 : i32
      %swap3A_1830 = arith.constant 0 : i32
      %swap3A_1831 = arith.index_cast %swap3A_1829 : i32 to index
      %swap3A_1832 = arith.index_cast %swap3A_1830 : i32 to index
      %swap3A_1833 = arith.constant 80 : index
      %swap3A_1834 = tpu.vector_load %arg7[%swap3A_1831, %swap3A_1832, %swap3A_1833] {strides = array<i32>} : memref<2x4x128xf32, #tpu.memory_space<vmem>>, vector<1x1x16xf32>,
      %swap3A_1835 = vector.shape_cast %swap3A_1834 : vector<1x1x16xf32> to vector<16xf32>
      %swap3A_1836 = vector.shape_cast %max3A_1769 : vector<16xf32> to vector<1x1x16xf32>
      tpu.vector_store %arg7[%swap3A_1831, %swap3A_1832, %swap3A_1833], %swap3A_1836 {strides = array<i32>} : memref<2x4x128xf32, #tpu.memory_space<vmem>>, vector<1x1x16xf32>,
      %swap3A_1837 = arith.constant 1 : i32
      %swap3A_1838 = arith.constant 0 : i32
      %swap3A_1839 = arith.index_cast %swap3A_1837 : i32 to index
      %swap3A_1840 = arith.index_cast %swap3A_1838 : i32 to index
      %swap3A_1841 = arith.constant 96 : index
      %swap3A_1842 = tpu.vector_load %arg7[%swap3A_1839, %swap3A_1840, %swap3A_1841] {strides = array<i32>} : memref<2x4x128xf32, #tpu.memory_space<vmem>>, vector<1x1x16xf32>,
      %swap3A_1843 = vector.shape_cast %swap3A_1842 : vector<1x1x16xf32> to vector<16xf32>
      %swap3A_1844 = vector.shape_cast %max3A_1778 : vector<16xf32> to vector<1x1x16xf32>
      tpu.vector_store %arg7[%swap3A_1839, %swap3A_1840, %swap3A_1841], %swap3A_1844 {strides = array<i32>} : memref<2x4x128xf32, #tpu.memory_space<vmem>>, vector<1x1x16xf32>,
      %swap3A_1845 = arith.constant 1 : i32
      %swap3A_1846 = arith.constant 0 : i32
      %swap3A_1847 = arith.index_cast %swap3A_1845 : i32 to index
      %swap3A_1848 = arith.index_cast %swap3A_1846 : i32 to index
      %swap3A_1849 = arith.constant 112 : index
      %swap3A_1850 = tpu.vector_load %arg7[%swap3A_1847, %swap3A_1848, %swap3A_1849] {strides = array<i32>} : memref<2x4x128xf32, #tpu.memory_space<vmem>>, vector<1x1x16xf32>,
      %swap3A_1851 = vector.shape_cast %swap3A_1850 : vector<1x1x16xf32> to vector<16xf32>
      %swap3A_1852 = vector.shape_cast %max3A_1787 : vector<16xf32> to vector<1x1x16xf32>
      tpu.vector_store %arg7[%swap3A_1847, %swap3A_1848, %swap3A_1849], %swap3A_1852 {strides = array<i32>} : memref<2x4x128xf32, #tpu.memory_space<vmem>>, vector<1x1x16xf32>,
      %get3A_1853 = arith.constant 1 : i32
      %get3A_1854 = arith.constant 32 : i32
      %get3A_1855 = arith.index_cast %get3A_1853 : i32 to index
      %get3A_1856 = arith.index_cast %get3A_1854 : i32 to index
      %get3A_1857 = arith.constant 0 : index
      %get3A_1858 = tpu.vector_load %arg6[%get3A_1855, %get3A_1856, %get3A_1857] {strides = array<i32>} : memref<2x128x128xf32, #tpu.memory_space<vmem>>, vector<1x1x16xf32>,
      %get3A_1859 = vector.shape_cast %get3A_1858 : vector<1x1x16xf32> to vector<16xf32>
      %get3A_1860 = arith.constant 1 : i32
      %get3A_1861 = arith.constant 32 : i32
      %get3A_1862 = arith.index_cast %get3A_1860 : i32 to index
      %get3A_1863 = arith.index_cast %get3A_1861 : i32 to index
      %get3A_1864 = arith.constant 16 : index
      %get3A_1865 = tpu.vector_load %arg6[%get3A_1862, %get3A_1863, %get3A_1864] {strides = array<i32>} : memref<2x128x128xf32, #tpu.memory_space<vmem>>, vector<1x1x16xf32>,
      %get3A_1866 = vector.shape_cast %get3A_1865 : vector<1x1x16xf32> to vector<16xf32>
      %get3A_1867 = arith.constant 1 : i32
      %get3A_1868 = arith.constant 32 : i32
      %get3A_1869 = arith.index_cast %get3A_1867 : i32 to index
      %get3A_1870 = arith.index_cast %get3A_1868 : i32 to index
      %get3A_1871 = arith.constant 32 : index
      %get3A_1872 = tpu.vector_load %arg6[%get3A_1869, %get3A_1870, %get3A_1871] {strides = array<i32>} : memref<2x128x128xf32, #tpu.memory_space<vmem>>, vector<1x1x16xf32>,
      %get3A_1873 = vector.shape_cast %get3A_1872 : vector<1x1x16xf32> to vector<16xf32>
      %get3A_1874 = arith.constant 1 : i32
      %get3A_1875 = arith.constant 32 : i32
      %get3A_1876 = arith.index_cast %get3A_1874 : i32 to index
      %get3A_1877 = arith.index_cast %get3A_1875 : i32 to index
      %get3A_1878 = arith.constant 48 : index
      %get3A_1879 = tpu.vector_load %arg6[%get3A_1876, %get3A_1877, %get3A_1878] {strides = array<i32>} : memref<2x128x128xf32, #tpu.memory_space<vmem>>, vector<1x1x16xf32>,
      %get3A_1880 = vector.shape_cast %get3A_1879 : vector<1x1x16xf32> to vector<16xf32>
      %get3A_1881 = arith.constant 1 : i32
      %get3A_1882 = arith.constant 32 : i32
      %get3A_1883 = arith.index_cast %get3A_1881 : i32 to index
      %get3A_1884 = arith.index_cast %get3A_1882 : i32 to index
      %get3A_1885 = arith.constant 64 : index
      %get3A_1886 = tpu.vector_load %arg6[%get3A_1883, %get3A_1884, %get3A_1885] {strides = array<i32>} : memref<2x128x128xf32, #tpu.memory_space<vmem>>, vector<1x1x16xf32>,
      %get3A_1887 = vector.shape_cast %get3A_1886 : vector<1x1x16xf32> to vector<16xf32>
      %get3A_1888 = arith.constant 1 : i32
      %get3A_1889 = arith.constant 32 : i32
      %get3A_1890 = arith.index_cast %get3A_1888 : i32 to index
      %get3A_1891 = arith.index_cast %get3A_1889 : i32 to index
      %get3A_1892 = arith.constant 80 : index
      %get3A_1893 = tpu.vector_load %arg6[%get3A_1890, %get3A_1891, %get3A_1892] {strides = array<i32>} : memref<2x128x128xf32, #tpu.memory_space<vmem>>, vector<1x1x16xf32>,
      %get3A_1894 = vector.shape_cast %get3A_1893 : vector<1x1x16xf32> to vector<16xf32>
      %get3A_1895 = arith.constant 1 : i32
      %get3A_1896 = arith.constant 32 : i32
      %get3A_1897 = arith.index_cast %get3A_1895 : i32 to index
      %get3A_1898 = arith.index_cast %get3A_1896 : i32 to index
      %get3A_1899 = arith.constant 96 : index
      %get3A_1900 = tpu.vector_load %arg6[%get3A_1897, %get3A_1898, %get3A_1899] {strides = array<i32>} : memref<2x128x128xf32, #tpu.memory_space<vmem>>, vector<1x1x16xf32>,
      %get3A_1901 = vector.shape_cast %get3A_1900 : vector<1x1x16xf32> to vector<16xf32>
      %get3A_1902 = arith.constant 1 : i32
      %get3A_1903 = arith.constant 32 : i32
      %get3A_1904 = arith.index_cast %get3A_1902 : i32 to index
      %get3A_1905 = arith.index_cast %get3A_1903 : i32 to index
      %get3A_1906 = arith.constant 112 : index
      %get3A_1907 = tpu.vector_load %arg6[%get3A_1904, %get3A_1905, %get3A_1906] {strides = array<i32>} : memref<2x128x128xf32, #tpu.memory_space<vmem>>, vector<1x1x16xf32>,
      %get3A_1908 = vector.shape_cast %get3A_1907 : vector<1x1x16xf32> to vector<16xf32>
      %scan3A_1909 = arith.constant 1 : i32
      %scan3A_1910 = arith.constant 28 : i32
      %scan3A_1911 = arith.addi %scan3A_1909, %scan3A_1910 : i32
      %scan3A_1912 = arith.constant 4 : i32
      %scan3A_1913:8 = scf.for %scan3A_2913 = %scan3A_1909 to %scan3A_1911 step %scan3A_1912 iter_args(%scan3A_2914 = %get3A_1859, %scan3A_2915 = %get3A_1866, %scan3A_2916 = %get3A_1873, %scan3A_2917 = %get3A_1880, %scan3A_2918 = %get3A_1887, %scan3A_2919 = %get3A_1894, %scan3A_2920 = %get3A_1901, %scan3A_2921 = %get3A_1908) -> (vector<16xf32>, vector<16xf32>, vector<16xf32>, vector<16xf32>, vector<16xf32>, vector<16xf32>, vector<16xf32>, vector<16xf32>)  : i32 {
        %add3A_2922 = arith.constant 32 : i32
        %add3A_2923 = arith.addi %add3A_2922, %scan3A_2913 : i32
        %get3A_2924 = arith.constant 1 : i32
        %get3A_2925 = arith.index_cast %get3A_2924 : i32 to index
        %get3A_2926 = arith.index_cast %add3A_2923 : i32 to index
        %get3A_2927 = arith.constant 0 : index
        %get3A_2928 = tpu.vector_load %arg6[%get3A_2925, %get3A_2926, %get3A_2927] {strides = array<i32>} : memref<2x128x128xf32, #tpu.memory_space<vmem>>, vector<1x1x16xf32>,
        %get3A_2929 = vector.shape_cast %get3A_2928 : vector<1x1x16xf32> to vector<16xf32>
        %max3A_2930 = arith.maximumf %scan3A_2914, %get3A_2929 : vector<16xf32>
        %add3A_2931 = arith.constant 32 : i32
        %add3A_2932 = arith.addi %add3A_2931, %scan3A_2913 : i32
        %get3A_2933 = arith.constant 1 : i32
        %get3A_2934 = arith.index_cast %get3A_2933 : i32 to index
        %get3A_2935 = arith.index_cast %add3A_2932 : i32 to index
        %get3A_2936 = arith.constant 16 : index
        %get3A_2937 = tpu.vector_load %arg6[%get3A_2934, %get3A_2935, %get3A_2936] {strides = array<i32>} : memref<2x128x128xf32, #tpu.memory_space<vmem>>, vector<1x1x16xf32>,
        %get3A_2938 = vector.shape_cast %get3A_2937 : vector<1x1x16xf32> to vector<16xf32>
        %max3A_2939 = arith.maximumf %scan3A_2915, %get3A_2938 : vector<16xf32>
        %add3A_2940 = arith.constant 32 : i32
        %add3A_2941 = arith.addi %add3A_2940, %scan3A_2913 : i32
        %get3A_2942 = arith.constant 1 : i32
        %get3A_2943 = arith.index_cast %get3A_2942 : i32 to index
        %get3A_2944 = arith.index_cast %add3A_2941 : i32 to index
        %get3A_2945 = arith.constant 32 : index
        %get3A_2946 = tpu.vector_load %arg6[%get3A_2943, %get3A_2944, %get3A_2945] {strides = array<i32>} : memref<2x128x128xf32, #tpu.memory_space<vmem>>, vector<1x1x16xf32>,
        %get3A_2947 = vector.shape_cast %get3A_2946 : vector<1x1x16xf32> to vector<16xf32>
        %max3A_2948 = arith.maximumf %scan3A_2916, %get3A_2947 : vector<16xf32>
        %add3A_2949 = arith.constant 32 : i32
        %add3A_2950 = arith.addi %add3A_2949, %scan3A_2913 : i32
        %get3A_2951 = arith.constant 1 : i32
        %get3A_2952 = arith.index_cast %get3A_2951 : i32 to index
        %get3A_2953 = arith.index_cast %add3A_2950 : i32 to index
        %get3A_2954 = arith.constant 48 : index
        %get3A_2955 = tpu.vector_load %arg6[%get3A_2952, %get3A_2953, %get3A_2954] {strides = array<i32>} : memref<2x128x128xf32, #tpu.memory_space<vmem>>, vector<1x1x16xf32>,
        %get3A_2956 = vector.shape_cast %get3A_2955 : vector<1x1x16xf32> to vector<16xf32>
        %max3A_2957 = arith.maximumf %scan3A_2917, %get3A_2956 : vector<16xf32>
        %add3A_2958 = arith.constant 32 : i32
        %add3A_2959 = arith.addi %add3A_2958, %scan3A_2913 : i32
        %get3A_2960 = arith.constant 1 : i32
        %get3A_2961 = arith.index_cast %get3A_2960 : i32 to index
        %get3A_2962 = arith.index_cast %add3A_2959 : i32 to index
        %get3A_2963 = arith.constant 64 : index
        %get3A_2964 = tpu.vector_load %arg6[%get3A_2961, %get3A_2962, %get3A_2963] {strides = array<i32>} : memref<2x128x128xf32, #tpu.memory_space<vmem>>, vector<1x1x16xf32>,
        %get3A_2965 = vector.shape_cast %get3A_2964 : vector<1x1x16xf32> to vector<16xf32>
        %max3A_2966 = arith.maximumf %scan3A_2918, %get3A_2965 : vector<16xf32>
        %add3A_2967 = arith.constant 32 : i32
        %add3A_2968 = arith.addi %add3A_2967, %scan3A_2913 : i32
        %get3A_2969 = arith.constant 1 : i32
        %get3A_2970 = arith.index_cast %get3A_2969 : i32 to index
        %get3A_2971 = arith.index_cast %add3A_2968 : i32 to index
        %get3A_2972 = arith.constant 80 : index
        %get3A_2973 = tpu.vector_load %arg6[%get3A_2970, %get3A_2971, %get3A_2972] {strides = array<i32>} : memref<2x128x128xf32, #tpu.memory_space<vmem>>, vector<1x1x16xf32>,
        %get3A_2974 = vector.shape_cast %get3A_2973 : vector<1x1x16xf32> to vector<16xf32>
        %max3A_2975 = arith.maximumf %scan3A_2919, %get3A_2974 : vector<16xf32>
        %add3A_2976 = arith.constant 32 : i32
        %add3A_2977 = arith.addi %add3A_2976, %scan3A_2913 : i32
        %get3A_2978 = arith.constant 1 : i32
        %get3A_2979 = arith.index_cast %get3A_2978 : i32 to index
        %get3A_2980 = arith.index_cast %add3A_2977 : i32 to index
        %get3A_2981 = arith.constant 96 : index
        %get3A_2982 = tpu.vector_load %arg6[%get3A_2979, %get3A_2980, %get3A_2981] {strides = array<i32>} : memref<2x128x128xf32, #tpu.memory_space<vmem>>, vector<1x1x16xf32>,
        %get3A_2983 = vector.shape_cast %get3A_2982 : vector<1x1x16xf32> to vector<16xf32>
        %max3A_2984 = arith.maximumf %scan3A_2920, %get3A_2983 : vector<16xf32>
        %add3A_2985 = arith.constant 32 : i32
        %add3A_2986 = arith.addi %add3A_2985, %scan3A_2913 : i32
        %get3A_2987 = arith.constant 1 : i32
        %get3A_2988 = arith.index_cast %get3A_2987 : i32 to index
        %get3A_2989 = arith.index_cast %add3A_2986 : i32 to index
        %get3A_2990 = arith.constant 112 : index
        %get3A_2991 = tpu.vector_load %arg6[%get3A_2988, %get3A_2989, %get3A_2990] {strides = array<i32>} : memref<2x128x128xf32, #tpu.memory_space<vmem>>, vector<1x1x16xf32>,
        %get3A_2992 = vector.shape_cast %get3A_2991 : vector<1x1x16xf32> to vector<16xf32>
        %max3A_2993 = arith.maximumf %scan3A_2921, %get3A_2992 : vector<16xf32>
        %scan3A_2994 = arith.constant 1 : i32
        %scan3A_2995 = arith.addi %scan3A_2913, %scan3A_2994 : i32
        %add3A_2996 = arith.constant 32 : i32
        %add3A_2997 = arith.addi %add3A_2996, %scan3A_2995 : i32
        %get3A_2998 = arith.constant 1 : i32
        %get3A_2999 = arith.index_cast %get3A_2998 : i32 to index
        %get3A_3000 = arith.index_cast %add3A_2997 : i32 to index
        %get3A_3001 = arith.constant 0 : index
        %get3A_3002 = tpu.vector_load %arg6[%get3A_2999, %get3A_3000, %get3A_3001] {strides = array<i32>} : memref<2x128x128xf32, #tpu.memory_space<vmem>>, vector<1x1x16xf32>,
        %get3A_3003 = vector.shape_cast %get3A_3002 : vector<1x1x16xf32> to vector<16xf32>
        %max3A_3004 = arith.maximumf %max3A_2930, %get3A_3003 : vector<16xf32>
        %add3A_3005 = arith.constant 32 : i32
        %add3A_3006 = arith.addi %add3A_3005, %scan3A_2995 : i32
        %get3A_3007 = arith.constant 1 : i32
        %get3A_3008 = arith.index_cast %get3A_3007 : i32 to index
        %get3A_3009 = arith.index_cast %add3A_3006 : i32 to index
        %get3A_3010 = arith.constant 16 : index
        %get3A_3011 = tpu.vector_load %arg6[%get3A_3008, %get3A_3009, %get3A_3010] {strides = array<i32>} : memref<2x128x128xf32, #tpu.memory_space<vmem>>, vector<1x1x16xf32>,
        %get3A_3012 = vector.shape_cast %get3A_3011 : vector<1x1x16xf32> to vector<16xf32>
        %max3A_3013 = arith.maximumf %max3A_2939, %get3A_3012 : vector<16xf32>
        %add3A_3014 = arith.constant 32 : i32
        %add3A_3015 = arith.addi %add3A_3014, %scan3A_2995 : i32
        %get3A_3016 = arith.constant 1 : i32
        %get3A_3017 = arith.index_cast %get3A_3016 : i32 to index
        %get3A_3018 = arith.index_cast %add3A_3015 : i32 to index
        %get3A_3019 = arith.constant 32 : index
        %get3A_3020 = tpu.vector_load %arg6[%get3A_3017, %get3A_3018, %get3A_3019] {strides = array<i32>} : memref<2x128x128xf32, #tpu.memory_space<vmem>>, vector<1x1x16xf32>,
        %get3A_3021 = vector.shape_cast %get3A_3020 : vector<1x1x16xf32> to vector<16xf32>
        %max3A_3022 = arith.maximumf %max3A_2948, %get3A_3021 : vector<16xf32>
        %add3A_3023 = arith.constant 32 : i32
        %add3A_3024 = arith.addi %add3A_3023, %scan3A_2995 : i32
        %get3A_3025 = arith.constant 1 : i32
        %get3A_3026 = arith.index_cast %get3A_3025 : i32 to index
        %get3A_3027 = arith.index_cast %add3A_3024 : i32 to index
        %get3A_3028 = arith.constant 48 : index
        %get3A_3029 = tpu.vector_load %arg6[%get3A_3026, %get3A_3027, %get3A_3028] {strides = array<i32>} : memref<2x128x128xf32, #tpu.memory_space<vmem>>, vector<1x1x16xf32>,
        %get3A_3030 = vector.shape_cast %get3A_3029 : vector<1x1x16xf32> to vector<16xf32>
        %max3A_3031 = arith.maximumf %max3A_2957, %get3A_3030 : vector<16xf32>
        %add3A_3032 = arith.constant 32 : i32
        %add3A_3033 = arith.addi %add3A_3032, %scan3A_2995 : i32
        %get3A_3034 = arith.constant 1 : i32
        %get3A_3035 = arith.index_cast %get3A_3034 : i32 to index
        %get3A_3036 = arith.index_cast %add3A_3033 : i32 to index
        %get3A_3037 = arith.constant 64 : index
        %get3A_3038 = tpu.vector_load %arg6[%get3A_3035, %get3A_3036, %get3A_3037] {strides = array<i32>} : memref<2x128x128xf32, #tpu.memory_space<vmem>>, vector<1x1x16xf32>,
        %get3A_3039 = vector.shape_cast %get3A_3038 : vector<1x1x16xf32> to vector<16xf32>
        %max3A_3040 = arith.maximumf %max3A_2966, %get3A_3039 : vector<16xf32>
        %add3A_3041 = arith.constant 32 : i32
        %add3A_3042 = arith.addi %add3A_3041, %scan3A_2995 : i32
        %get3A_3043 = arith.constant 1 : i32
        %get3A_3044 = arith.index_cast %get3A_3043 : i32 to index
        %get3A_3045 = arith.index_cast %add3A_3042 : i32 to index
        %get3A_3046 = arith.constant 80 : index
        %get3A_3047 = tpu.vector_load %arg6[%get3A_3044, %get3A_3045, %get3A_3046] {strides = array<i32>} : memref<2x128x128xf32, #tpu.memory_space<vmem>>, vector<1x1x16xf32>,
        %get3A_3048 = vector.shape_cast %get3A_3047 : vector<1x1x16xf32> to vector<16xf32>
        %max3A_3049 = arith.maximumf %max3A_2975, %get3A_3048 : vector<16xf32>
        %add3A_3050 = arith.constant 32 : i32
        %add3A_3051 = arith.addi %add3A_3050, %scan3A_2995 : i32
        %get3A_3052 = arith.constant 1 : i32
        %get3A_3053 = arith.index_cast %get3A_3052 : i32 to index
        %get3A_3054 = arith.index_cast %add3A_3051 : i32 to index
        %get3A_3055 = arith.constant 96 : index
        %get3A_3056 = tpu.vector_load %arg6[%get3A_3053, %get3A_3054, %get3A_3055] {strides = array<i32>} : memref<2x128x128xf32, #tpu.memory_space<vmem>>, vector<1x1x16xf32>,
        %get3A_3057 = vector.shape_cast %get3A_3056 : vector<1x1x16xf32> to vector<16xf32>
        %max3A_3058 = arith.maximumf %max3A_2984, %get3A_3057 : vector<16xf32>
        %add3A_3059 = arith.constant 32 : i32
        %add3A_3060 = arith.addi %add3A_3059, %scan3A_2995 : i32
        %get3A_3061 = arith.constant 1 : i32
        %get3A_3062 = arith.index_cast %get3A_3061 : i32 to index
        %get3A_3063 = arith.index_cast %add3A_3060 : i32 to index
        %get3A_3064 = arith.constant 112 : index
        %get3A_3065 = tpu.vector_load %arg6[%get3A_3062, %get3A_3063, %get3A_3064] {strides = array<i32>} : memref<2x128x128xf32, #tpu.memory_space<vmem>>, vector<1x1x16xf32>,
        %get3A_3066 = vector.shape_cast %get3A_3065 : vector<1x1x16xf32> to vector<16xf32>
        %max3A_3067 = arith.maximumf %max3A_2993, %get3A_3066 : vector<16xf32>
        %scan3A_3068 = arith.constant 2 : i32
        %scan3A_3069 = arith.addi %scan3A_2913, %scan3A_3068 : i32
        %add3A_3070 = arith.constant 32 : i32
        %add3A_3071 = arith.addi %add3A_3070, %scan3A_3069 : i32
        %get3A_3072 = arith.constant 1 : i32
        %get3A_3073 = arith.index_cast %get3A_3072 : i32 to index
        %get3A_3074 = arith.index_cast %add3A_3071 : i32 to index
        %get3A_3075 = arith.constant 0 : index
        %get3A_3076 = tpu.vector_load %arg6[%get3A_3073, %get3A_3074, %get3A_3075] {strides = array<i32>} : memref<2x128x128xf32, #tpu.memory_space<vmem>>, vector<1x1x16xf32>,
        %get3A_3077 = vector.shape_cast %get3A_3076 : vector<1x1x16xf32> to vector<16xf32>
        %max3A_3078 = arith.maximumf %max3A_3004, %get3A_3077 : vector<16xf32>
        %add3A_3079 = arith.constant 32 : i32
        %add3A_3080 = arith.addi %add3A_3079, %scan3A_3069 : i32
        %get3A_3081 = arith.constant 1 : i32
        %get3A_3082 = arith.index_cast %get3A_3081 : i32 to index
        %get3A_3083 = arith.index_cast %add3A_3080 : i32 to index
        %get3A_3084 = arith.constant 16 : index
        %get3A_3085 = tpu.vector_load %arg6[%get3A_3082, %get3A_3083, %get3A_3084] {strides = array<i32>} : memref<2x128x128xf32, #tpu.memory_space<vmem>>, vector<1x1x16xf32>,
        %get3A_3086 = vector.shape_cast %get3A_3085 : vector<1x1x16xf32> to vector<16xf32>
        %max3A_3087 = arith.maximumf %max3A_3013, %get3A_3086 : vector<16xf32>
        %add3A_3088 = arith.constant 32 : i32
        %add3A_3089 = arith.addi %add3A_3088, %scan3A_3069 : i32
        %get3A_3090 = arith.constant 1 : i32
        %get3A_3091 = arith.index_cast %get3A_3090 : i32 to index
        %get3A_3092 = arith.index_cast %add3A_3089 : i32 to index
        %get3A_3093 = arith.constant 32 : index
        %get3A_3094 = tpu.vector_load %arg6[%get3A_3091, %get3A_3092, %get3A_3093] {strides = array<i32>} : memref<2x128x128xf32, #tpu.memory_space<vmem>>, vector<1x1x16xf32>,
        %get3A_3095 = vector.shape_cast %get3A_3094 : vector<1x1x16xf32> to vector<16xf32>
        %max3A_3096 = arith.maximumf %max3A_3022, %get3A_3095 : vector<16xf32>
        %add3A_3097 = arith.constant 32 : i32
        %add3A_3098 = arith.addi %add3A_3097, %scan3A_3069 : i32
        %get3A_3099 = arith.constant 1 : i32
        %get3A_3100 = arith.index_cast %get3A_3099 : i32 to index
        %get3A_3101 = arith.index_cast %add3A_3098 : i32 to index
        %get3A_3102 = arith.constant 48 : index
        %get3A_3103 = tpu.vector_load %arg6[%get3A_3100, %get3A_3101, %get3A_3102] {strides = array<i32>} : memref<2x128x128xf32, #tpu.memory_space<vmem>>, vector<1x1x16xf32>,
        %get3A_3104 = vector.shape_cast %get3A_3103 : vector<1x1x16xf32> to vector<16xf32>
        %max3A_3105 = arith.maximumf %max3A_3031, %get3A_3104 : vector<16xf32>
        %add3A_3106 = arith.constant 32 : i32
        %add3A_3107 = arith.addi %add3A_3106, %scan3A_3069 : i32
        %get3A_3108 = arith.constant 1 : i32
        %get3A_3109 = arith.index_cast %get3A_3108 : i32 to index
        %get3A_3110 = arith.index_cast %add3A_3107 : i32 to index
        %get3A_3111 = arith.constant 64 : index
        %get3A_3112 = tpu.vector_load %arg6[%get3A_3109, %get3A_3110, %get3A_3111] {strides = array<i32>} : memref<2x128x128xf32, #tpu.memory_space<vmem>>, vector<1x1x16xf32>,
        %get3A_3113 = vector.shape_cast %get3A_3112 : vector<1x1x16xf32> to vector<16xf32>
        %max3A_3114 = arith.maximumf %max3A_3040, %get3A_3113 : vector<16xf32>
        %add3A_3115 = arith.constant 32 : i32
        %add3A_3116 = arith.addi %add3A_3115, %scan3A_3069 : i32
        %get3A_3117 = arith.constant 1 : i32
        %get3A_3118 = arith.index_cast %get3A_3117 : i32 to index
        %get3A_3119 = arith.index_cast %add3A_3116 : i32 to index
        %get3A_3120 = arith.constant 80 : index
        %get3A_3121 = tpu.vector_load %arg6[%get3A_3118, %get3A_3119, %get3A_3120] {strides = array<i32>} : memref<2x128x128xf32, #tpu.memory_space<vmem>>, vector<1x1x16xf32>,
        %get3A_3122 = vector.shape_cast %get3A_3121 : vector<1x1x16xf32> to vector<16xf32>
        %max3A_3123 = arith.maximumf %max3A_3049, %get3A_3122 : vector<16xf32>
        %add3A_3124 = arith.constant 32 : i32
        %add3A_3125 = arith.addi %add3A_3124, %scan3A_3069 : i32
        %get3A_3126 = arith.constant 1 : i32
        %get3A_3127 = arith.index_cast %get3A_3126 : i32 to index
        %get3A_3128 = arith.index_cast %add3A_3125 : i32 to index
        %get3A_3129 = arith.constant 96 : index
        %get3A_3130 = tpu.vector_load %arg6[%get3A_3127, %get3A_3128, %get3A_3129] {strides = array<i32>} : memref<2x128x128xf32, #tpu.memory_space<vmem>>, vector<1x1x16xf32>,
        %get3A_3131 = vector.shape_cast %get3A_3130 : vector<1x1x16xf32> to vector<16xf32>
        %max3A_3132 = arith.maximumf %max3A_3058, %get3A_3131 : vector<16xf32>
        %add3A_3133 = arith.constant 32 : i32
        %add3A_3134 = arith.addi %add3A_3133, %scan3A_3069 : i32
        %get3A_3135 = arith.constant 1 : i32
        %get3A_3136 = arith.index_cast %get3A_3135 : i32 to index
        %get3A_3137 = arith.index_cast %add3A_3134 : i32 to index
        %get3A_3138 = arith.constant 112 : index
        %get3A_3139 = tpu.vector_load %arg6[%get3A_3136, %get3A_3137, %get3A_3138] {strides = array<i32>} : memref<2x128x128xf32, #tpu.memory_space<vmem>>, vector<1x1x16xf32>,
        %get3A_3140 = vector.shape_cast %get3A_3139 : vector<1x1x16xf32> to vector<16xf32>
        %max3A_3141 = arith.maximumf %max3A_3067, %get3A_3140 : vector<16xf32>
        %scan3A_3142 = arith.constant 3 : i32
        %scan3A_3143 = arith.addi %scan3A_2913, %scan3A_3142 : i32
        %add3A_3144 = arith.constant 32 : i32
        %add3A_3145 = arith.addi %add3A_3144, %scan3A_3143 : i32
        %get3A_3146 = arith.constant 1 : i32
        %get3A_3147 = arith.index_cast %get3A_3146 : i32 to index
        %get3A_3148 = arith.index_cast %add3A_3145 : i32 to index
        %get3A_3149 = arith.constant 0 : index
        %get3A_3150 = tpu.vector_load %arg6[%get3A_3147, %get3A_3148, %get3A_3149] {strides = array<i32>} : memref<2x128x128xf32, #tpu.memory_space<vmem>>, vector<1x1x16xf32>,
        %get3A_3151 = vector.shape_cast %get3A_3150 : vector<1x1x16xf32> to vector<16xf32>
        %max3A_3152 = arith.maximumf %max3A_3078, %get3A_3151 : vector<16xf32>
        %add3A_3153 = arith.constant 32 : i32
        %add3A_3154 = arith.addi %add3A_3153, %scan3A_3143 : i32
        %get3A_3155 = arith.constant 1 : i32
        %get3A_3156 = arith.index_cast %get3A_3155 : i32 to index
        %get3A_3157 = arith.index_cast %add3A_3154 : i32 to index
        %get3A_3158 = arith.constant 16 : index
        %get3A_3159 = tpu.vector_load %arg6[%get3A_3156, %get3A_3157, %get3A_3158] {strides = array<i32>} : memref<2x128x128xf32, #tpu.memory_space<vmem>>, vector<1x1x16xf32>,
        %get3A_3160 = vector.shape_cast %get3A_3159 : vector<1x1x16xf32> to vector<16xf32>
        %max3A_3161 = arith.maximumf %max3A_3087, %get3A_3160 : vector<16xf32>
        %add3A_3162 = arith.constant 32 : i32
        %add3A_3163 = arith.addi %add3A_3162, %scan3A_3143 : i32
        %get3A_3164 = arith.constant 1 : i32
        %get3A_3165 = arith.index_cast %get3A_3164 : i32 to index
        %get3A_3166 = arith.index_cast %add3A_3163 : i32 to index
        %get3A_3167 = arith.constant 32 : index
        %get3A_3168 = tpu.vector_load %arg6[%get3A_3165, %get3A_3166, %get3A_3167] {strides = array<i32>} : memref<2x128x128xf32, #tpu.memory_space<vmem>>, vector<1x1x16xf32>,
        %get3A_3169 = vector.shape_cast %get3A_3168 : vector<1x1x16xf32> to vector<16xf32>
        %max3A_3170 = arith.maximumf %max3A_3096, %get3A_3169 : vector<16xf32>
        %add3A_3171 = arith.constant 32 : i32
        %add3A_3172 = arith.addi %add3A_3171, %scan3A_3143 : i32
        %get3A_3173 = arith.constant 1 : i32
        %get3A_3174 = arith.index_cast %get3A_3173 : i32 to index
        %get3A_3175 = arith.index_cast %add3A_3172 : i32 to index
        %get3A_3176 = arith.constant 48 : index
        %get3A_3177 = tpu.vector_load %arg6[%get3A_3174, %get3A_3175, %get3A_3176] {strides = array<i32>} : memref<2x128x128xf32, #tpu.memory_space<vmem>>, vector<1x1x16xf32>,
        %get3A_3178 = vector.shape_cast %get3A_3177 : vector<1x1x16xf32> to vector<16xf32>
        %max3A_3179 = arith.maximumf %max3A_3105, %get3A_3178 : vector<16xf32>
        %add3A_3180 = arith.constant 32 : i32
        %add3A_3181 = arith.addi %add3A_3180, %scan3A_3143 : i32
        %get3A_3182 = arith.constant 1 : i32
        %get3A_3183 = arith.index_cast %get3A_3182 : i32 to index
        %get3A_3184 = arith.index_cast %add3A_3181 : i32 to index
        %get3A_3185 = arith.constant 64 : index
        %get3A_3186 = tpu.vector_load %arg6[%get3A_3183, %get3A_3184, %get3A_3185] {strides = array<i32>} : memref<2x128x128xf32, #tpu.memory_space<vmem>>, vector<1x1x16xf32>,
        %get3A_3187 = vector.shape_cast %get3A_3186 : vector<1x1x16xf32> to vector<16xf32>
        %max3A_3188 = arith.maximumf %max3A_3114, %get3A_3187 : vector<16xf32>
        %add3A_3189 = arith.constant 32 : i32
        %add3A_3190 = arith.addi %add3A_3189, %scan3A_3143 : i32
        %get3A_3191 = arith.constant 1 : i32
        %get3A_3192 = arith.index_cast %get3A_3191 : i32 to index
        %get3A_3193 = arith.index_cast %add3A_3190 : i32 to index
        %get3A_3194 = arith.constant 80 : index
        %get3A_3195 = tpu.vector_load %arg6[%get3A_3192, %get3A_3193, %get3A_3194] {strides = array<i32>} : memref<2x128x128xf32, #tpu.memory_space<vmem>>, vector<1x1x16xf32>,
        %get3A_3196 = vector.shape_cast %get3A_3195 : vector<1x1x16xf32> to vector<16xf32>
        %max3A_3197 = arith.maximumf %max3A_3123, %get3A_3196 : vector<16xf32>
        %add3A_3198 = arith.constant 32 : i32
        %add3A_3199 = arith.addi %add3A_3198, %scan3A_3143 : i32
        %get3A_3200 = arith.constant 1 : i32
        %get3A_3201 = arith.index_cast %get3A_3200 : i32 to index
        %get3A_3202 = arith.index_cast %add3A_3199 : i32 to index
        %get3A_3203 = arith.constant 96 : index
        %get3A_3204 = tpu.vector_load %arg6[%get3A_3201, %get3A_3202, %get3A_3203] {strides = array<i32>} : memref<2x128x128xf32, #tpu.memory_space<vmem>>, vector<1x1x16xf32>,
        %get3A_3205 = vector.shape_cast %get3A_3204 : vector<1x1x16xf32> to vector<16xf32>
        %max3A_3206 = arith.maximumf %max3A_3132, %get3A_3205 : vector<16xf32>
        %add3A_3207 = arith.constant 32 : i32
        %add3A_3208 = arith.addi %add3A_3207, %scan3A_3143 : i32
        %get3A_3209 = arith.constant 1 : i32
        %get3A_3210 = arith.index_cast %get3A_3209 : i32 to index
        %get3A_3211 = arith.index_cast %add3A_3208 : i32 to index
        %get3A_3212 = arith.constant 112 : index
        %get3A_3213 = tpu.vector_load %arg6[%get3A_3210, %get3A_3211, %get3A_3212] {strides = array<i32>} : memref<2x128x128xf32, #tpu.memory_space<vmem>>, vector<1x1x16xf32>,
        %get3A_3214 = vector.shape_cast %get3A_3213 : vector<1x1x16xf32> to vector<16xf32>
        %max3A_3215 = arith.maximumf %max3A_3141, %get3A_3214 : vector<16xf32>
        scf.yield %max3A_3152, %max3A_3161, %max3A_3170, %max3A_3179, %max3A_3188, %max3A_3197, %max3A_3206, %max3A_3215 : vector<16xf32>, vector<16xf32>, vector<16xf32>, vector<16xf32>, vector<16xf32>, vector<16xf32>, vector<16xf32>, vector<16xf32>
      }
      %scan3A_1914 = arith.constant 28 : i32
      %scan3A_1915 = arith.addi %scan3A_1909, %scan3A_1914 : i32
      %add3A_1916 = arith.constant 32 : i32
      %add3A_1917 = arith.addi %add3A_1916, %scan3A_1915 : i32
      %get3A_1918 = arith.constant 1 : i32
      %get3A_1919 = arith.index_cast %get3A_1918 : i32 to index
      %get3A_1920 = arith.index_cast %add3A_1917 : i32 to index
      %get3A_1921 = arith.constant 0 : index
      %get3A_1922 = tpu.vector_load %arg6[%get3A_1919, %get3A_1920, %get3A_1921] {strides = array<i32>} : memref<2x128x128xf32, #tpu.memory_space<vmem>>, vector<1x1x16xf32>,
      %get3A_1923 = vector.shape_cast %get3A_1922 : vector<1x1x16xf32> to vector<16xf32>
      %max3A_1924 = arith.maximumf %scan3A_1913#0, %get3A_1923 : vector<16xf32>
      %add3A_1925 = arith.constant 32 : i32
      %add3A_1926 = arith.addi %add3A_1925, %scan3A_1915 : i32
      %get3A_1927 = arith.constant 1 : i32
      %get3A_1928 = arith.index_cast %get3A_1927 : i32 to index
      %get3A_1929 = arith.index_cast %add3A_1926 : i32 to index
      %get3A_1930 = arith.constant 16 : index
      %get3A_1931 = tpu.vector_load %arg6[%get3A_1928, %get3A_1929, %get3A_1930] {strides = array<i32>} : memref<2x128x128xf32, #tpu.memory_space<vmem>>, vector<1x1x16xf32>,
      %get3A_1932 = vector.shape_cast %get3A_1931 : vector<1x1x16xf32> to vector<16xf32>
      %max3A_1933 = arith.maximumf %scan3A_1913#1, %get3A_1932 : vector<16xf32>
      %add3A_1934 = arith.constant 32 : i32
      %add3A_1935 = arith.addi %add3A_1934, %scan3A_1915 : i32
      %get3A_1936 = arith.constant 1 : i32
      %get3A_1937 = arith.index_cast %get3A_1936 : i32 to index
      %get3A_1938 = arith.index_cast %add3A_1935 : i32 to index
      %get3A_1939 = arith.constant 32 : index
      %get3A_1940 = tpu.vector_load %arg6[%get3A_1937, %get3A_1938, %get3A_1939] {strides = array<i32>} : memref<2x128x128xf32, #tpu.memory_space<vmem>>, vector<1x1x16xf32>,
      %get3A_1941 = vector.shape_cast %get3A_1940 : vector<1x1x16xf32> to vector<16xf32>
      %max3A_1942 = arith.maximumf %scan3A_1913#2, %get3A_1941 : vector<16xf32>
      %add3A_1943 = arith.constant 32 : i32
      %add3A_1944 = arith.addi %add3A_1943, %scan3A_1915 : i32
      %get3A_1945 = arith.constant 1 : i32
      %get3A_1946 = arith.index_cast %get3A_1945 : i32 to index
      %get3A_1947 = arith.index_cast %add3A_1944 : i32 to index
      %get3A_1948 = arith.constant 48 : index
      %get3A_1949 = tpu.vector_load %arg6[%get3A_1946, %get3A_1947, %get3A_1948] {strides = array<i32>} : memref<2x128x128xf32, #tpu.memory_space<vmem>>, vector<1x1x16xf32>,
      %get3A_1950 = vector.shape_cast %get3A_1949 : vector<1x1x16xf32> to vector<16xf32>
      %max3A_1951 = arith.maximumf %scan3A_1913#3, %get3A_1950 : vector<16xf32>
      %add3A_1952 = arith.constant 32 : i32
      %add3A_1953 = arith.addi %add3A_1952, %scan3A_1915 : i32
      %get3A_1954 = arith.constant 1 : i32
      %get3A_1955 = arith.index_cast %get3A_1954 : i32 to index
      %get3A_1956 = arith.index_cast %add3A_1953 : i32 to index
      %get3A_1957 = arith.constant 64 : index
      %get3A_1958 = tpu.vector_load %arg6[%get3A_1955, %get3A_1956, %get3A_1957] {strides = array<i32>} : memref<2x128x128xf32, #tpu.memory_space<vmem>>, vector<1x1x16xf32>,
      %get3A_1959 = vector.shape_cast %get3A_1958 : vector<1x1x16xf32> to vector<16xf32>
      %max3A_1960 = arith.maximumf %scan3A_1913#4, %get3A_1959 : vector<16xf32>
      %add3A_1961 = arith.constant 32 : i32
      %add3A_1962 = arith.addi %add3A_1961, %scan3A_1915 : i32
      %get3A_1963 = arith.constant 1 : i32
      %get3A_1964 = arith.index_cast %get3A_1963 : i32 to index
      %get3A_1965 = arith.index_cast %add3A_1962 : i32 to index
      %get3A_1966 = arith.constant 80 : index
      %get3A_1967 = tpu.vector_load %arg6[%get3A_1964, %get3A_1965, %get3A_1966] {strides = array<i32>} : memref<2x128x128xf32, #tpu.memory_space<vmem>>, vector<1x1x16xf32>,
      %get3A_1968 = vector.shape_cast %get3A_1967 : vector<1x1x16xf32> to vector<16xf32>
      %max3A_1969 = arith.maximumf %scan3A_1913#5, %get3A_1968 : vector<16xf32>
      %add3A_1970 = arith.constant 32 : i32
      %add3A_1971 = arith.addi %add3A_1970, %scan3A_1915 : i32
      %get3A_1972 = arith.constant 1 : i32
      %get3A_1973 = arith.index_cast %get3A_1972 : i32 to index
      %get3A_1974 = arith.index_cast %add3A_1971 : i32 to index
      %get3A_1975 = arith.constant 96 : index
      %get3A_1976 = tpu.vector_load %arg6[%get3A_1973, %get3A_1974, %get3A_1975] {strides = array<i32>} : memref<2x128x128xf32, #tpu.memory_space<vmem>>, vector<1x1x16xf32>,
      %get3A_1977 = vector.shape_cast %get3A_1976 : vector<1x1x16xf32> to vector<16xf32>
      %max3A_1978 = arith.maximumf %scan3A_1913#6, %get3A_1977 : vector<16xf32>
      %add3A_1979 = arith.constant 32 : i32
      %add3A_1980 = arith.addi %add3A_1979, %scan3A_1915 : i32
      %get3A_1981 = arith.constant 1 : i32
      %get3A_1982 = arith.index_cast %get3A_1981 : i32 to index
      %get3A_1983 = arith.index_cast %add3A_1980 : i32 to index
      %get3A_1984 = arith.constant 112 : index
      %get3A_1985 = tpu.vector_load %arg6[%get3A_1982, %get3A_1983, %get3A_1984] {strides = array<i32>} : memref<2x128x128xf32, #tpu.memory_space<vmem>>, vector<1x1x16xf32>,
      %get3A_1986 = vector.shape_cast %get3A_1985 : vector<1x1x16xf32> to vector<16xf32>
      %max3A_1987 = arith.maximumf %scan3A_1913#7, %get3A_1986 : vector<16xf32>
      %scan3A_1988 = arith.constant 29 : i32
      %scan3A_1989 = arith.addi %scan3A_1909, %scan3A_1988 : i32
      %add3A_1990 = arith.constant 32 : i32
      %add3A_1991 = arith.addi %add3A_1990, %scan3A_1989 : i32
      %get3A_1992 = arith.constant 1 : i32
      %get3A_1993 = arith.index_cast %get3A_1992 : i32 to index
      %get3A_1994 = arith.index_cast %add3A_1991 : i32 to index
      %get3A_1995 = arith.constant 0 : index
      %get3A_1996 = tpu.vector_load %arg6[%get3A_1993, %get3A_1994, %get3A_1995] {strides = array<i32>} : memref<2x128x128xf32, #tpu.memory_space<vmem>>, vector<1x1x16xf32>,
      %get3A_1997 = vector.shape_cast %get3A_1996 : vector<1x1x16xf32> to vector<16xf32>
      %max3A_1998 = arith.maximumf %max3A_1924, %get3A_1997 : vector<16xf32>
      %add3A_1999 = arith.constant 32 : i32
      %add3A_2000 = arith.addi %add3A_1999, %scan3A_1989 : i32
      %get3A_2001 = arith.constant 1 : i32
      %get3A_2002 = arith.index_cast %get3A_2001 : i32 to index
      %get3A_2003 = arith.index_cast %add3A_2000 : i32 to index
      %get3A_2004 = arith.constant 16 : index
      %get3A_2005 = tpu.vector_load %arg6[%get3A_2002, %get3A_2003, %get3A_2004] {strides = array<i32>} : memref<2x128x128xf32, #tpu.memory_space<vmem>>, vector<1x1x16xf32>,
      %get3A_2006 = vector.shape_cast %get3A_2005 : vector<1x1x16xf32> to vector<16xf32>
      %max3A_2007 = arith.maximumf %max3A_1933, %get3A_2006 : vector<16xf32>
      %add3A_2008 = arith.constant 32 : i32
      %add3A_2009 = arith.addi %add3A_2008, %scan3A_1989 : i32
      %get3A_2010 = arith.constant 1 : i32
      %get3A_2011 = arith.index_cast %get3A_2010 : i32 to index
      %get3A_2012 = arith.index_cast %add3A_2009 : i32 to index
      %get3A_2013 = arith.constant 32 : index
      %get3A_2014 = tpu.vector_load %arg6[%get3A_2011, %get3A_2012, %get3A_2013] {strides = array<i32>} : memref<2x128x128xf32, #tpu.memory_space<vmem>>, vector<1x1x16xf32>,
      %get3A_2015 = vector.shape_cast %get3A_2014 : vector<1x1x16xf32> to vector<16xf32>
      %max3A_2016 = arith.maximumf %max3A_1942, %get3A_2015 : vector<16xf32>
      %add3A_2017 = arith.constant 32 : i32
      %add3A_2018 = arith.addi %add3A_2017, %scan3A_1989 : i32
      %get3A_2019 = arith.constant 1 : i32
      %get3A_2020 = arith.index_cast %get3A_2019 : i32 to index
      %get3A_2021 = arith.index_cast %add3A_2018 : i32 to index
      %get3A_2022 = arith.constant 48 : index
      %get3A_2023 = tpu.vector_load %arg6[%get3A_2020, %get3A_2021, %get3A_2022] {strides = array<i32>} : memref<2x128x128xf32, #tpu.memory_space<vmem>>, vector<1x1x16xf32>,
      %get3A_2024 = vector.shape_cast %get3A_2023 : vector<1x1x16xf32> to vector<16xf32>
      %max3A_2025 = arith.maximumf %max3A_1951, %get3A_2024 : vector<16xf32>
      %add3A_2026 = arith.constant 32 : i32
      %add3A_2027 = arith.addi %add3A_2026, %scan3A_1989 : i32
      %get3A_2028 = arith.constant 1 : i32
      %get3A_2029 = arith.index_cast %get3A_2028 : i32 to index
      %get3A_2030 = arith.index_cast %add3A_2027 : i32 to index
      %get3A_2031 = arith.constant 64 : index
      %get3A_2032 = tpu.vector_load %arg6[%get3A_2029, %get3A_2030, %get3A_2031] {strides = array<i32>} : memref<2x128x128xf32, #tpu.memory_space<vmem>>, vector<1x1x16xf32>,
      %get3A_2033 = vector.shape_cast %get3A_2032 : vector<1x1x16xf32> to vector<16xf32>
      %max3A_2034 = arith.maximumf %max3A_1960, %get3A_2033 : vector<16xf32>
      %add3A_2035 = arith.constant 32 : i32
      %add3A_2036 = arith.addi %add3A_2035, %scan3A_1989 : i32
      %get3A_2037 = arith.constant 1 : i32
      %get3A_2038 = arith.index_cast %get3A_2037 : i32 to index
      %get3A_2039 = arith.index_cast %add3A_2036 : i32 to index
      %get3A_2040 = arith.constant 80 : index
      %get3A_2041 = tpu.vector_load %arg6[%get3A_2038, %get3A_2039, %get3A_2040] {strides = array<i32>} : memref<2x128x128xf32, #tpu.memory_space<vmem>>, vector<1x1x16xf32>,
      %get3A_2042 = vector.shape_cast %get3A_2041 : vector<1x1x16xf32> to vector<16xf32>
      %max3A_2043 = arith.maximumf %max3A_1969, %get3A_2042 : vector<16xf32>
      %add3A_2044 = arith.constant 32 : i32
      %add3A_2045 = arith.addi %add3A_2044, %scan3A_1989 : i32
      %get3A_2046 = arith.constant 1 : i32
      %get3A_2047 = arith.index_cast %get3A_2046 : i32 to index
      %get3A_2048 = arith.index_cast %add3A_2045 : i32 to index
      %get3A_2049 = arith.constant 96 : index
      %get3A_2050 = tpu.vector_load %arg6[%get3A_2047, %get3A_2048, %get3A_2049] {strides = array<i32>} : memref<2x128x128xf32, #tpu.memory_space<vmem>>, vector<1x1x16xf32>,
      %get3A_2051 = vector.shape_cast %get3A_2050 : vector<1x1x16xf32> to vector<16xf32>
      %max3A_2052 = arith.maximumf %max3A_1978, %get3A_2051 : vector<16xf32>
      %add3A_2053 = arith.constant 32 : i32
      %add3A_2054 = arith.addi %add3A_2053, %scan3A_1989 : i32
      %get3A_2055 = arith.constant 1 : i32
      %get3A_2056 = arith.index_cast %get3A_2055 : i32 to index
      %get3A_2057 = arith.index_cast %add3A_2054 : i32 to index
      %get3A_2058 = arith.constant 112 : index
      %get3A_2059 = tpu.vector_load %arg6[%get3A_2056, %get3A_2057, %get3A_2058] {strides = array<i32>} : memref<2x128x128xf32, #tpu.memory_space<vmem>>, vector<1x1x16xf32>,
      %get3A_2060 = vector.shape_cast %get3A_2059 : vector<1x1x16xf32> to vector<16xf32>
      %max3A_2061 = arith.maximumf %max3A_1987, %get3A_2060 : vector<16xf32>
      %scan3A_2062 = arith.constant 30 : i32
      %scan3A_2063 = arith.addi %scan3A_1909, %scan3A_2062 : i32
      %add3A_2064 = arith.constant 32 : i32
      %add3A_2065 = arith.addi %add3A_2064, %scan3A_2063 : i32
      %get3A_2066 = arith.constant 1 : i32
      %get3A_2067 = arith.index_cast %get3A_2066 : i32 to index
      %get3A_2068 = arith.index_cast %add3A_2065 : i32 to index
      %get3A_2069 = arith.constant 0 : index
      %get3A_2070 = tpu.vector_load %arg6[%get3A_2067, %get3A_2068, %get3A_2069] {strides = array<i32>} : memref<2x128x128xf32, #tpu.memory_space<vmem>>, vector<1x1x16xf32>,
      %get3A_2071 = vector.shape_cast %get3A_2070 : vector<1x1x16xf32> to vector<16xf32>
      %max3A_2072 = arith.maximumf %max3A_1998, %get3A_2071 : vector<16xf32>
      %add3A_2073 = arith.constant 32 : i32
      %add3A_2074 = arith.addi %add3A_2073, %scan3A_2063 : i32
      %get3A_2075 = arith.constant 1 : i32
      %get3A_2076 = arith.index_cast %get3A_2075 : i32 to index
      %get3A_2077 = arith.index_cast %add3A_2074 : i32 to index
      %get3A_2078 = arith.constant 16 : index
      %get3A_2079 = tpu.vector_load %arg6[%get3A_2076, %get3A_2077, %get3A_2078] {strides = array<i32>} : memref<2x128x128xf32, #tpu.memory_space<vmem>>, vector<1x1x16xf32>,
      %get3A_2080 = vector.shape_cast %get3A_2079 : vector<1x1x16xf32> to vector<16xf32>
      %max3A_2081 = arith.maximumf %max3A_2007, %get3A_2080 : vector<16xf32>
      %add3A_2082 = arith.constant 32 : i32
      %add3A_2083 = arith.addi %add3A_2082, %scan3A_2063 : i32
      %get3A_2084 = arith.constant 1 : i32
      %get3A_2085 = arith.index_cast %get3A_2084 : i32 to index
      %get3A_2086 = arith.index_cast %add3A_2083 : i32 to index
      %get3A_2087 = arith.constant 32 : index
      %get3A_2088 = tpu.vector_load %arg6[%get3A_2085, %get3A_2086, %get3A_2087] {strides = array<i32>} : memref<2x128x128xf32, #tpu.memory_space<vmem>>, vector<1x1x16xf32>,
      %get3A_2089 = vector.shape_cast %get3A_2088 : vector<1x1x16xf32> to vector<16xf32>
      %max3A_2090 = arith.maximumf %max3A_2016, %get3A_2089 : vector<16xf32>
      %add3A_2091 = arith.constant 32 : i32
      %add3A_2092 = arith.addi %add3A_2091, %scan3A_2063 : i32
      %get3A_2093 = arith.constant 1 : i32
      %get3A_2094 = arith.index_cast %get3A_2093 : i32 to index
      %get3A_2095 = arith.index_cast %add3A_2092 : i32 to index
      %get3A_2096 = arith.constant 48 : index
      %get3A_2097 = tpu.vector_load %arg6[%get3A_2094, %get3A_2095, %get3A_2096] {strides = array<i32>} : memref<2x128x128xf32, #tpu.memory_space<vmem>>, vector<1x1x16xf32>,
      %get3A_2098 = vector.shape_cast %get3A_2097 : vector<1x1x16xf32> to vector<16xf32>
      %max3A_2099 = arith.maximumf %max3A_2025, %get3A_2098 : vector<16xf32>
      %add3A_2100 = arith.constant 32 : i32
      %add3A_2101 = arith.addi %add3A_2100, %scan3A_2063 : i32
      %get3A_2102 = arith.constant 1 : i32
      %get3A_2103 = arith.index_cast %get3A_2102 : i32 to index
      %get3A_2104 = arith.index_cast %add3A_2101 : i32 to index
      %get3A_2105 = arith.constant 64 : index
      %get3A_2106 = tpu.vector_load %arg6[%get3A_2103, %get3A_2104, %get3A_2105] {strides = array<i32>} : memref<2x128x128xf32, #tpu.memory_space<vmem>>, vector<1x1x16xf32>,
      %get3A_2107 = vector.shape_cast %get3A_2106 : vector<1x1x16xf32> to vector<16xf32>
      %max3A_2108 = arith.maximumf %max3A_2034, %get3A_2107 : vector<16xf32>
      %add3A_2109 = arith.constant 32 : i32
      %add3A_2110 = arith.addi %add3A_2109, %scan3A_2063 : i32
      %get3A_2111 = arith.constant 1 : i32
      %get3A_2112 = arith.index_cast %get3A_2111 : i32 to index
      %get3A_2113 = arith.index_cast %add3A_2110 : i32 to index
      %get3A_2114 = arith.constant 80 : index
      %get3A_2115 = tpu.vector_load %arg6[%get3A_2112, %get3A_2113, %get3A_2114] {strides = array<i32>} : memref<2x128x128xf32, #tpu.memory_space<vmem>>, vector<1x1x16xf32>,
      %get3A_2116 = vector.shape_cast %get3A_2115 : vector<1x1x16xf32> to vector<16xf32>
      %max3A_2117 = arith.maximumf %max3A_2043, %get3A_2116 : vector<16xf32>
      %add3A_2118 = arith.constant 32 : i32
      %add3A_2119 = arith.addi %add3A_2118, %scan3A_2063 : i32
      %get3A_2120 = arith.constant 1 : i32
      %get3A_2121 = arith.index_cast %get3A_2120 : i32 to index
      %get3A_2122 = arith.index_cast %add3A_2119 : i32 to index
      %get3A_2123 = arith.constant 96 : index
      %get3A_2124 = tpu.vector_load %arg6[%get3A_2121, %get3A_2122, %get3A_2123] {strides = array<i32>} : memref<2x128x128xf32, #tpu.memory_space<vmem>>, vector<1x1x16xf32>,
      %get3A_2125 = vector.shape_cast %get3A_2124 : vector<1x1x16xf32> to vector<16xf32>
      %max3A_2126 = arith.maximumf %max3A_2052, %get3A_2125 : vector<16xf32>
      %add3A_2127 = arith.constant 32 : i32
      %add3A_2128 = arith.addi %add3A_2127, %scan3A_2063 : i32
      %get3A_2129 = arith.constant 1 : i32
      %get3A_2130 = arith.index_cast %get3A_2129 : i32 to index
      %get3A_2131 = arith.index_cast %add3A_2128 : i32 to index
      %get3A_2132 = arith.constant 112 : index
      %get3A_2133 = tpu.vector_load %arg6[%get3A_2130, %get3A_2131, %get3A_2132] {strides = array<i32>} : memref<2x128x128xf32, #tpu.memory_space<vmem>>, vector<1x1x16xf32>,
      %get3A_2134 = vector.shape_cast %get3A_2133 : vector<1x1x16xf32> to vector<16xf32>
      %max3A_2135 = arith.maximumf %max3A_2061, %get3A_2134 : vector<16xf32>
      %scan3A_2136 = arith.constant 31 : i32
      %swap3A_2137 = arith.constant 1 : i32
      %swap3A_2138 = arith.constant 1 : i32
      %swap3A_2139 = arith.index_cast %swap3A_2137 : i32 to index
      %swap3A_2140 = arith.index_cast %swap3A_2138 : i32 to index
      %swap3A_2141 = arith.constant 0 : index
      %swap3A_2142 = tpu.vector_load %arg7[%swap3A_2139, %swap3A_2140, %swap3A_2141] {strides = array<i32>} : memref<2x4x128xf32, #tpu.memory_space<vmem>>, vector<1x1x16xf32>,
      %swap3A_2143 = vector.shape_cast %swap3A_2142 : vector<1x1x16xf32> to vector<16xf32>
      %swap3A_2144 = vector.shape_cast %max3A_2072 : vector<16xf32> to vector<1x1x16xf32>
      tpu.vector_store %arg7[%swap3A_2139, %swap3A_2140, %swap3A_2141], %swap3A_2144 {strides = array<i32>} : memref<2x4x128xf32, #tpu.memory_space<vmem>>, vector<1x1x16xf32>,
      %swap3A_2145 = arith.constant 1 : i32
      %swap3A_2146 = arith.constant 1 : i32
      %swap3A_2147 = arith.index_cast %swap3A_2145 : i32 to index
      %swap3A_2148 = arith.index_cast %swap3A_2146 : i32 to index
      %swap3A_2149 = arith.constant 16 : index
      %swap3A_2150 = tpu.vector_load %arg7[%swap3A_2147, %swap3A_2148, %swap3A_2149] {strides = array<i32>} : memref<2x4x128xf32, #tpu.memory_space<vmem>>, vector<1x1x16xf32>,
      %swap3A_2151 = vector.shape_cast %swap3A_2150 : vector<1x1x16xf32> to vector<16xf32>
      %swap3A_2152 = vector.shape_cast %max3A_2081 : vector<16xf32> to vector<1x1x16xf32>
      tpu.vector_store %arg7[%swap3A_2147, %swap3A_2148, %swap3A_2149], %swap3A_2152 {strides = array<i32>} : memref<2x4x128xf32, #tpu.memory_space<vmem>>, vector<1x1x16xf32>,
      %swap3A_2153 = arith.constant 1 : i32
      %swap3A_2154 = arith.constant 1 : i32
      %swap3A_2155 = arith.index_cast %swap3A_2153 : i32 to index
      %swap3A_2156 = arith.index_cast %swap3A_2154 : i32 to index
      %swap3A_2157 = arith.constant 32 : index
      %swap3A_2158 = tpu.vector_load %arg7[%swap3A_2155, %swap3A_2156, %swap3A_2157] {strides = array<i32>} : memref<2x4x128xf32, #tpu.memory_space<vmem>>, vector<1x1x16xf32>,
      %swap3A_2159 = vector.shape_cast %swap3A_2158 : vector<1x1x16xf32> to vector<16xf32>
      %swap3A_2160 = vector.shape_cast %max3A_2090 : vector<16xf32> to vector<1x1x16xf32>
      tpu.vector_store %arg7[%swap3A_2155, %swap3A_2156, %swap3A_2157], %swap3A_2160 {strides = array<i32>} : memref<2x4x128xf32, #tpu.memory_space<vmem>>, vector<1x1x16xf32>,
      %swap3A_2161 = arith.constant 1 : i32
      %swap3A_2162 = arith.constant 1 : i32
      %swap3A_2163 = arith.index_cast %swap3A_2161 : i32 to index
      %swap3A_2164 = arith.index_cast %swap3A_2162 : i32 to index
      %swap3A_2165 = arith.constant 48 : index
      %swap3A_2166 = tpu.vector_load %arg7[%swap3A_2163, %swap3A_2164, %swap3A_2165] {strides = array<i32>} : memref<2x4x128xf32, #tpu.memory_space<vmem>>, vector<1x1x16xf32>,
      %swap3A_2167 = vector.shape_cast %swap3A_2166 : vector<1x1x16xf32> to vector<16xf32>
      %swap3A_2168 = vector.shape_cast %max3A_2099 : vector<16xf32> to vector<1x1x16xf32>
      tpu.vector_store %arg7[%swap3A_2163, %swap3A_2164, %swap3A_2165], %swap3A_2168 {strides = array<i32>} : memref<2x4x128xf32, #tpu.memory_space<vmem>>, vector<1x1x16xf32>,
      %swap3A_2169 = arith.constant 1 : i32
      %swap3A_2170 = arith.constant 1 : i32
      %swap3A_2171 = arith.index_cast %swap3A_2169 : i32 to index
      %swap3A_2172 = arith.index_cast %swap3A_2170 : i32 to index
      %swap3A_2173 = arith.constant 64 : index
      %swap3A_2174 = tpu.vector_load %arg7[%swap3A_2171, %swap3A_2172, %swap3A_2173] {strides = array<i32>} : memref<2x4x128xf32, #tpu.memory_space<vmem>>, vector<1x1x16xf32>,
      %swap3A_2175 = vector.shape_cast %swap3A_2174 : vector<1x1x16xf32> to vector<16xf32>
      %swap3A_2176 = vector.shape_cast %max3A_2108 : vector<16xf32> to vector<1x1x16xf32>
      tpu.vector_store %arg7[%swap3A_2171, %swap3A_2172, %swap3A_2173], %swap3A_2176 {strides = array<i32>} : memref<2x4x128xf32, #tpu.memory_space<vmem>>, vector<1x1x16xf32>,
      %swap3A_2177 = arith.constant 1 : i32
      %swap3A_2178 = arith.constant 1 : i32
      %swap3A_2179 = arith.index_cast %swap3A_2177 : i32 to index
      %swap3A_2180 = arith.index_cast %swap3A_2178 : i32 to index
      %swap3A_2181 = arith.constant 80 : index
      %swap3A_2182 = tpu.vector_load %arg7[%swap3A_2179, %swap3A_2180, %swap3A_2181] {strides = array<i32>} : memref<2x4x128xf32, #tpu.memory_space<vmem>>, vector<1x1x16xf32>,
      %swap3A_2183 = vector.shape_cast %swap3A_2182 : vector<1x1x16xf32> to vector<16xf32>
      %swap3A_2184 = vector.shape_cast %max3A_2117 : vector<16xf32> to vector<1x1x16xf32>
      tpu.vector_store %arg7[%swap3A_2179, %swap3A_2180, %swap3A_2181], %swap3A_2184 {strides = array<i32>} : memref<2x4x128xf32, #tpu.memory_space<vmem>>, vector<1x1x16xf32>,
      %swap3A_2185 = arith.constant 1 : i32
      %swap3A_2186 = arith.constant 1 : i32
      %swap3A_2187 = arith.index_cast %swap3A_2185 : i32 to index
      %swap3A_2188 = arith.index_cast %swap3A_2186 : i32 to index
      %swap3A_2189 = arith.constant 96 : index
      %swap3A_2190 = tpu.vector_load %arg7[%swap3A_2187, %swap3A_2188, %swap3A_2189] {strides = array<i32>} : memref<2x4x128xf32, #tpu.memory_space<vmem>>, vector<1x1x16xf32>,
      %swap3A_2191 = vector.shape_cast %swap3A_2190 : vector<1x1x16xf32> to vector<16xf32>
      %swap3A_2192 = vector.shape_cast %max3A_2126 : vector<16xf32> to vector<1x1x16xf32>
      tpu.vector_store %arg7[%swap3A_2187, %swap3A_2188, %swap3A_2189], %swap3A_2192 {strides = array<i32>} : memref<2x4x128xf32, #tpu.memory_space<vmem>>, vector<1x1x16xf32>,
      %swap3A_2193 = arith.constant 1 : i32
      %swap3A_2194 = arith.constant 1 : i32
      %swap3A_2195 = arith.index_cast %swap3A_2193 : i32 to index
      %swap3A_2196 = arith.index_cast %swap3A_2194 : i32 to index
      %swap3A_2197 = arith.constant 112 : index
      %swap3A_2198 = tpu.vector_load %arg7[%swap3A_2195, %swap3A_2196, %swap3A_2197] {strides = array<i32>} : memref<2x4x128xf32, #tpu.memory_space<vmem>>, vector<1x1x16xf32>,
      %swap3A_2199 = vector.shape_cast %swap3A_2198 : vector<1x1x16xf32> to vector<16xf32>
      %swap3A_2200 = vector.shape_cast %max3A_2135 : vector<16xf32> to vector<1x1x16xf32>
      tpu.vector_store %arg7[%swap3A_2195, %swap3A_2196, %swap3A_2197], %swap3A_2200 {strides = array<i32>} : memref<2x4x128xf32, #tpu.memory_space<vmem>>, vector<1x1x16xf32>,
      %get3A_2201 = arith.constant 1 : i32
      %get3A_2202 = arith.constant 64 : i32
      %get3A_2203 = arith.index_cast %get3A_2201 : i32 to index
      %get3A_2204 = arith.index_cast %get3A_2202 : i32 to index
      %get3A_2205 = arith.constant 0 : index
      %get3A_2206 = tpu.vector_load %arg6[%get3A_2203, %get3A_2204, %get3A_2205] {strides = array<i32>} : memref<2x128x128xf32, #tpu.memory_space<vmem>>, vector<1x1x16xf32>,
      %get3A_2207 = vector.shape_cast %get3A_2206 : vector<1x1x16xf32> to vector<16xf32>
      %get3A_2208 = arith.constant 1 : i32
      %get3A_2209 = arith.constant 64 : i32
      %get3A_2210 = arith.index_cast %get3A_2208 : i32 to index
      %get3A_2211 = arith.index_cast %get3A_2209 : i32 to index
      %get3A_2212 = arith.constant 16 : index
      %get3A_2213 = tpu.vector_load %arg6[%get3A_2210, %get3A_2211, %get3A_2212] {strides = array<i32>} : memref<2x128x128xf32, #tpu.memory_space<vmem>>, vector<1x1x16xf32>,
      %get3A_2214 = vector.shape_cast %get3A_2213 : vector<1x1x16xf32> to vector<16xf32>
      %get3A_2215 = arith.constant 1 : i32
      %get3A_2216 = arith.constant 64 : i32
      %get3A_2217 = arith.index_cast %get3A_2215 : i32 to index
      %get3A_2218 = arith.index_cast %get3A_2216 : i32 to index
      %get3A_2219 = arith.constant 32 : index
      %get3A_2220 = tpu.vector_load %arg6[%get3A_2217, %get3A_2218, %get3A_2219] {strides = array<i32>} : memref<2x128x128xf32, #tpu.memory_space<vmem>>, vector<1x1x16xf32>,
      %get3A_2221 = vector.shape_cast %get3A_2220 : vector<1x1x16xf32> to vector<16xf32>
      %get3A_2222 = arith.constant 1 : i32
      %get3A_2223 = arith.constant 64 : i32
      %get3A_2224 = arith.index_cast %get3A_2222 : i32 to index
      %get3A_2225 = arith.index_cast %get3A_2223 : i32 to index
      %get3A_2226 = arith.constant 48 : index
      %get3A_2227 = tpu.vector_load %arg6[%get3A_2224, %get3A_2225, %get3A_2226] {strides = array<i32>} : memref<2x128x128xf32, #tpu.memory_space<vmem>>, vector<1x1x16xf32>,
      %get3A_2228 = vector.shape_cast %get3A_2227 : vector<1x1x16xf32> to vector<16xf32>
      %get3A_2229 = arith.constant 1 : i32
      %get3A_2230 = arith.constant 64 : i32
      %get3A_2231 = arith.index_cast %get3A_2229 : i32 to index
      %get3A_2232 = arith.index_cast %get3A_2230 : i32 to index
      %get3A_2233 = arith.constant 64 : index
      %get3A_2234 = tpu.vector_load %arg6[%get3A_2231, %get3A_2232, %get3A_2233] {strides = array<i32>} : memref<2x128x128xf32, #tpu.memory_space<vmem>>, vector<1x1x16xf32>,
      %get3A_2235 = vector.shape_cast %get3A_2234 : vector<1x1x16xf32> to vector<16xf32>
      %get3A_2236 = arith.constant 1 : i32
      %get3A_2237 = arith.constant 64 : i32
      %get3A_2238 = arith.index_cast %get3A_2236 : i32 to index
      %get3A_2239 = arith.index_cast %get3A_2237 : i32 to index
      %get3A_2240 = arith.constant 80 : index
      %get3A_2241 = tpu.vector_load %arg6[%get3A_2238, %get3A_2239, %get3A_2240] {strides = array<i32>} : memref<2x128x128xf32, #tpu.memory_space<vmem>>, vector<1x1x16xf32>,
      %get3A_2242 = vector.shape_cast %get3A_2241 : vector<1x1x16xf32> to vector<16xf32>
      %get3A_2243 = arith.constant 1 : i32
      %get3A_2244 = arith.constant 64 : i32
      %get3A_2245 = arith.index_cast %get3A_2243 : i32 to index
      %get3A_2246 = arith.index_cast %get3A_2244 : i32 to index
      %get3A_2247 = arith.constant 96 : index
      %get3A_2248 = tpu.vector_load %arg6[%get3A_2245, %get3A_2246, %get3A_2247] {strides = array<i32>} : memref<2x128x128xf32, #tpu.memory_space<vmem>>, vector<1x1x16xf32>,
      %get3A_2249 = vector.shape_cast %get3A_2248 : vector<1x1x16xf32> to vector<16xf32>
      %get3A_2250 = arith.constant 1 : i32
      %get3A_2251 = arith.constant 64 : i32
      %get3A_2252 = arith.index_cast %get3A_2250 : i32 to index
      %get3A_2253 = arith.index_cast %get3A_2251 : i32 to index
      %get3A_2254 = arith.constant 112 : index
      %get3A_2255 = tpu.vector_load %arg6[%get3A_2252, %get3A_2253, %get3A_2254] {strides = array<i32>} : memref<2x128x128xf32, #tpu.memory_space<vmem>>, vector<1x1x16xf32>,
      %get3A_2256 = vector.shape_cast %get3A_2255 : vector<1x1x16xf32> to vector<16xf32>
      %scan3A_2257 = arith.constant 1 : i32
      %scan3A_2258 = arith.constant 28 : i32
      %scan3A_2259 = arith.addi %scan3A_2257, %scan3A_2258 : i32
      %scan3A_2260 = arith.constant 4 : i32
      %scan3A_2261:8 = scf.for %scan3A_2913 = %scan3A_2257 to %scan3A_2259 step %scan3A_2260 iter_args(%scan3A_2914 = %get3A_2207, %scan3A_2915 = %get3A_2214, %scan3A_2916 = %get3A_2221, %scan3A_2917 = %get3A_2228, %scan3A_2918 = %get3A_2235, %scan3A_2919 = %get3A_2242, %scan3A_2920 = %get3A_2249, %scan3A_2921 = %get3A_2256) -> (vector<16xf32>, vector<16xf32>, vector<16xf32>, vector<16xf32>, vector<16xf32>, vector<16xf32>, vector<16xf32>, vector<16xf32>)  : i32 {
        %add3A_2922 = arith.constant 64 : i32
        %add3A_2923 = arith.addi %add3A_2922, %scan3A_2913 : i32
        %get3A_2924 = arith.constant 1 : i32
        %get3A_2925 = arith.index_cast %get3A_2924 : i32 to index
        %get3A_2926 = arith.index_cast %add3A_2923 : i32 to index
        %get3A_2927 = arith.constant 0 : index
        %get3A_2928 = tpu.vector_load %arg6[%get3A_2925, %get3A_2926, %get3A_2927] {strides = array<i32>} : memref<2x128x128xf32, #tpu.memory_space<vmem>>, vector<1x1x16xf32>,
        %get3A_2929 = vector.shape_cast %get3A_2928 : vector<1x1x16xf32> to vector<16xf32>
        %max3A_2930 = arith.maximumf %scan3A_2914, %get3A_2929 : vector<16xf32>
        %add3A_2931 = arith.constant 64 : i32
        %add3A_2932 = arith.addi %add3A_2931, %scan3A_2913 : i32
        %get3A_2933 = arith.constant 1 : i32
        %get3A_2934 = arith.index_cast %get3A_2933 : i32 to index
        %get3A_2935 = arith.index_cast %add3A_2932 : i32 to index
        %get3A_2936 = arith.constant 16 : index
        %get3A_2937 = tpu.vector_load %arg6[%get3A_2934, %get3A_2935, %get3A_2936] {strides = array<i32>} : memref<2x128x128xf32, #tpu.memory_space<vmem>>, vector<1x1x16xf32>,
        %get3A_2938 = vector.shape_cast %get3A_2937 : vector<1x1x16xf32> to vector<16xf32>
        %max3A_2939 = arith.maximumf %scan3A_2915, %get3A_2938 : vector<16xf32>
        %add3A_2940 = arith.constant 64 : i32
        %add3A_2941 = arith.addi %add3A_2940, %scan3A_2913 : i32
        %get3A_2942 = arith.constant 1 : i32
        %get3A_2943 = arith.index_cast %get3A_2942 : i32 to index
        %get3A_2944 = arith.index_cast %add3A_2941 : i32 to index
        %get3A_2945 = arith.constant 32 : index
        %get3A_2946 = tpu.vector_load %arg6[%get3A_2943, %get3A_2944, %get3A_2945] {strides = array<i32>} : memref<2x128x128xf32, #tpu.memory_space<vmem>>, vector<1x1x16xf32>,
        %get3A_2947 = vector.shape_cast %get3A_2946 : vector<1x1x16xf32> to vector<16xf32>
        %max3A_2948 = arith.maximumf %scan3A_2916, %get3A_2947 : vector<16xf32>
        %add3A_2949 = arith.constant 64 : i32
        %add3A_2950 = arith.addi %add3A_2949, %scan3A_2913 : i32
        %get3A_2951 = arith.constant 1 : i32
        %get3A_2952 = arith.index_cast %get3A_2951 : i32 to index
        %get3A_2953 = arith.index_cast %add3A_2950 : i32 to index
        %get3A_2954 = arith.constant 48 : index
        %get3A_2955 = tpu.vector_load %arg6[%get3A_2952, %get3A_2953, %get3A_2954] {strides = array<i32>} : memref<2x128x128xf32, #tpu.memory_space<vmem>>, vector<1x1x16xf32>,
        %get3A_2956 = vector.shape_cast %get3A_2955 : vector<1x1x16xf32> to vector<16xf32>
        %max3A_2957 = arith.maximumf %scan3A_2917, %get3A_2956 : vector<16xf32>
        %add3A_2958 = arith.constant 64 : i32
        %add3A_2959 = arith.addi %add3A_2958, %scan3A_2913 : i32
        %get3A_2960 = arith.constant 1 : i32
        %get3A_2961 = arith.index_cast %get3A_2960 : i32 to index
        %get3A_2962 = arith.index_cast %add3A_2959 : i32 to index
        %get3A_2963 = arith.constant 64 : index
        %get3A_2964 = tpu.vector_load %arg6[%get3A_2961, %get3A_2962, %get3A_2963] {strides = array<i32>} : memref<2x128x128xf32, #tpu.memory_space<vmem>>, vector<1x1x16xf32>,
        %get3A_2965 = vector.shape_cast %get3A_2964 : vector<1x1x16xf32> to vector<16xf32>
        %max3A_2966 = arith.maximumf %scan3A_2918, %get3A_2965 : vector<16xf32>
        %add3A_2967 = arith.constant 64 : i32
        %add3A_2968 = arith.addi %add3A_2967, %scan3A_2913 : i32
        %get3A_2969 = arith.constant 1 : i32
        %get3A_2970 = arith.index_cast %get3A_2969 : i32 to index
        %get3A_2971 = arith.index_cast %add3A_2968 : i32 to index
        %get3A_2972 = arith.constant 80 : index
        %get3A_2973 = tpu.vector_load %arg6[%get3A_2970, %get3A_2971, %get3A_2972] {strides = array<i32>} : memref<2x128x128xf32, #tpu.memory_space<vmem>>, vector<1x1x16xf32>,
        %get3A_2974 = vector.shape_cast %get3A_2973 : vector<1x1x16xf32> to vector<16xf32>
        %max3A_2975 = arith.maximumf %scan3A_2919, %get3A_2974 : vector<16xf32>
        %add3A_2976 = arith.constant 64 : i32
        %add3A_2977 = arith.addi %add3A_2976, %scan3A_2913 : i32
        %get3A_2978 = arith.constant 1 : i32
        %get3A_2979 = arith.index_cast %get3A_2978 : i32 to index
        %get3A_2980 = arith.index_cast %add3A_2977 : i32 to index
        %get3A_2981 = arith.constant 96 : index
        %get3A_2982 = tpu.vector_load %arg6[%get3A_2979, %get3A_2980, %get3A_2981] {strides = array<i32>} : memref<2x128x128xf32, #tpu.memory_space<vmem>>, vector<1x1x16xf32>,
        %get3A_2983 = vector.shape_cast %get3A_2982 : vector<1x1x16xf32> to vector<16xf32>
        %max3A_2984 = arith.maximumf %scan3A_2920, %get3A_2983 : vector<16xf32>
        %add3A_2985 = arith.constant 64 : i32
        %add3A_2986 = arith.addi %add3A_2985, %scan3A_2913 : i32
        %get3A_2987 = arith.constant 1 : i32
        %get3A_2988 = arith.index_cast %get3A_2987 : i32 to index
        %get3A_2989 = arith.index_cast %add3A_2986 : i32 to index
        %get3A_2990 = arith.constant 112 : index
        %get3A_2991 = tpu.vector_load %arg6[%get3A_2988, %get3A_2989, %get3A_2990] {strides = array<i32>} : memref<2x128x128xf32, #tpu.memory_space<vmem>>, vector<1x1x16xf32>,
        %get3A_2992 = vector.shape_cast %get3A_2991 : vector<1x1x16xf32> to vector<16xf32>
        %max3A_2993 = arith.maximumf %scan3A_2921, %get3A_2992 : vector<16xf32>
        %scan3A_2994 = arith.constant 1 : i32
        %scan3A_2995 = arith.addi %scan3A_2913, %scan3A_2994 : i32
        %add3A_2996 = arith.constant 64 : i32
        %add3A_2997 = arith.addi %add3A_2996, %scan3A_2995 : i32
        %get3A_2998 = arith.constant 1 : i32
        %get3A_2999 = arith.index_cast %get3A_2998 : i32 to index
        %get3A_3000 = arith.index_cast %add3A_2997 : i32 to index
        %get3A_3001 = arith.constant 0 : index
        %get3A_3002 = tpu.vector_load %arg6[%get3A_2999, %get3A_3000, %get3A_3001] {strides = array<i32>} : memref<2x128x128xf32, #tpu.memory_space<vmem>>, vector<1x1x16xf32>,
        %get3A_3003 = vector.shape_cast %get3A_3002 : vector<1x1x16xf32> to vector<16xf32>
        %max3A_3004 = arith.maximumf %max3A_2930, %get3A_3003 : vector<16xf32>
        %add3A_3005 = arith.constant 64 : i32
        %add3A_3006 = arith.addi %add3A_3005, %scan3A_2995 : i32
        %get3A_3007 = arith.constant 1 : i32
        %get3A_3008 = arith.index_cast %get3A_3007 : i32 to index
        %get3A_3009 = arith.index_cast %add3A_3006 : i32 to index
        %get3A_3010 = arith.constant 16 : index
        %get3A_3011 = tpu.vector_load %arg6[%get3A_3008, %get3A_3009, %get3A_3010] {strides = array<i32>} : memref<2x128x128xf32, #tpu.memory_space<vmem>>, vector<1x1x16xf32>,
        %get3A_3012 = vector.shape_cast %get3A_3011 : vector<1x1x16xf32> to vector<16xf32>
        %max3A_3013 = arith.maximumf %max3A_2939, %get3A_3012 : vector<16xf32>
        %add3A_3014 = arith.constant 64 : i32
        %add3A_3015 = arith.addi %add3A_3014, %scan3A_2995 : i32
        %get3A_3016 = arith.constant 1 : i32
        %get3A_3017 = arith.index_cast %get3A_3016 : i32 to index
        %get3A_3018 = arith.index_cast %add3A_3015 : i32 to index
        %get3A_3019 = arith.constant 32 : index
        %get3A_3020 = tpu.vector_load %arg6[%get3A_3017, %get3A_3018, %get3A_3019] {strides = array<i32>} : memref<2x128x128xf32, #tpu.memory_space<vmem>>, vector<1x1x16xf32>,
        %get3A_3021 = vector.shape_cast %get3A_3020 : vector<1x1x16xf32> to vector<16xf32>
        %max3A_3022 = arith.maximumf %max3A_2948, %get3A_3021 : vector<16xf32>
        %add3A_3023 = arith.constant 64 : i32
        %add3A_3024 = arith.addi %add3A_3023, %scan3A_2995 : i32
        %get3A_3025 = arith.constant 1 : i32
        %get3A_3026 = arith.index_cast %get3A_3025 : i32 to index
        %get3A_3027 = arith.index_cast %add3A_3024 : i32 to index
        %get3A_3028 = arith.constant 48 : index
        %get3A_3029 = tpu.vector_load %arg6[%get3A_3026, %get3A_3027, %get3A_3028] {strides = array<i32>} : memref<2x128x128xf32, #tpu.memory_space<vmem>>, vector<1x1x16xf32>,
        %get3A_3030 = vector.shape_cast %get3A_3029 : vector<1x1x16xf32> to vector<16xf32>
        %max3A_3031 = arith.maximumf %max3A_2957, %get3A_3030 : vector<16xf32>
        %add3A_3032 = arith.constant 64 : i32
        %add3A_3033 = arith.addi %add3A_3032, %scan3A_2995 : i32
        %get3A_3034 = arith.constant 1 : i32
        %get3A_3035 = arith.index_cast %get3A_3034 : i32 to index
        %get3A_3036 = arith.index_cast %add3A_3033 : i32 to index
        %get3A_3037 = arith.constant 64 : index
        %get3A_3038 = tpu.vector_load %arg6[%get3A_3035, %get3A_3036, %get3A_3037] {strides = array<i32>} : memref<2x128x128xf32, #tpu.memory_space<vmem>>, vector<1x1x16xf32>,
        %get3A_3039 = vector.shape_cast %get3A_3038 : vector<1x1x16xf32> to vector<16xf32>
        %max3A_3040 = arith.maximumf %max3A_2966, %get3A_3039 : vector<16xf32>
        %add3A_3041 = arith.constant 64 : i32
        %add3A_3042 = arith.addi %add3A_3041, %scan3A_2995 : i32
        %get3A_3043 = arith.constant 1 : i32
        %get3A_3044 = arith.index_cast %get3A_3043 : i32 to index
        %get3A_3045 = arith.index_cast %add3A_3042 : i32 to index
        %get3A_3046 = arith.constant 80 : index
        %get3A_3047 = tpu.vector_load %arg6[%get3A_3044, %get3A_3045, %get3A_3046] {strides = array<i32>} : memref<2x128x128xf32, #tpu.memory_space<vmem>>, vector<1x1x16xf32>,
        %get3A_3048 = vector.shape_cast %get3A_3047 : vector<1x1x16xf32> to vector<16xf32>
        %max3A_3049 = arith.maximumf %max3A_2975, %get3A_3048 : vector<16xf32>
        %add3A_3050 = arith.constant 64 : i32
        %add3A_3051 = arith.addi %add3A_3050, %scan3A_2995 : i32
        %get3A_3052 = arith.constant 1 : i32
        %get3A_3053 = arith.index_cast %get3A_3052 : i32 to index
        %get3A_3054 = arith.index_cast %add3A_3051 : i32 to index
        %get3A_3055 = arith.constant 96 : index
        %get3A_3056 = tpu.vector_load %arg6[%get3A_3053, %get3A_3054, %get3A_3055] {strides = array<i32>} : memref<2x128x128xf32, #tpu.memory_space<vmem>>, vector<1x1x16xf32>,
        %get3A_3057 = vector.shape_cast %get3A_3056 : vector<1x1x16xf32> to vector<16xf32>
        %max3A_3058 = arith.maximumf %max3A_2984, %get3A_3057 : vector<16xf32>
        %add3A_3059 = arith.constant 64 : i32
        %add3A_3060 = arith.addi %add3A_3059, %scan3A_2995 : i32
        %get3A_3061 = arith.constant 1 : i32
        %get3A_3062 = arith.index_cast %get3A_3061 : i32 to index
        %get3A_3063 = arith.index_cast %add3A_3060 : i32 to index
        %get3A_3064 = arith.constant 112 : index
        %get3A_3065 = tpu.vector_load %arg6[%get3A_3062, %get3A_3063, %get3A_3064] {strides = array<i32>} : memref<2x128x128xf32, #tpu.memory_space<vmem>>, vector<1x1x16xf32>,
        %get3A_3066 = vector.shape_cast %get3A_3065 : vector<1x1x16xf32> to vector<16xf32>
        %max3A_3067 = arith.maximumf %max3A_2993, %get3A_3066 : vector<16xf32>
        %scan3A_3068 = arith.constant 2 : i32
        %scan3A_3069 = arith.addi %scan3A_2913, %scan3A_3068 : i32
        %add3A_3070 = arith.constant 64 : i32
        %add3A_3071 = arith.addi %add3A_3070, %scan3A_3069 : i32
        %get3A_3072 = arith.constant 1 : i32
        %get3A_3073 = arith.index_cast %get3A_3072 : i32 to index
        %get3A_3074 = arith.index_cast %add3A_3071 : i32 to index
        %get3A_3075 = arith.constant 0 : index
        %get3A_3076 = tpu.vector_load %arg6[%get3A_3073, %get3A_3074, %get3A_3075] {strides = array<i32>} : memref<2x128x128xf32, #tpu.memory_space<vmem>>, vector<1x1x16xf32>,
        %get3A_3077 = vector.shape_cast %get3A_3076 : vector<1x1x16xf32> to vector<16xf32>
        %max3A_3078 = arith.maximumf %max3A_3004, %get3A_3077 : vector<16xf32>
        %add3A_3079 = arith.constant 64 : i32
        %add3A_3080 = arith.addi %add3A_3079, %scan3A_3069 : i32
        %get3A_3081 = arith.constant 1 : i32
        %get3A_3082 = arith.index_cast %get3A_3081 : i32 to index
        %get3A_3083 = arith.index_cast %add3A_3080 : i32 to index
        %get3A_3084 = arith.constant 16 : index
        %get3A_3085 = tpu.vector_load %arg6[%get3A_3082, %get3A_3083, %get3A_3084] {strides = array<i32>} : memref<2x128x128xf32, #tpu.memory_space<vmem>>, vector<1x1x16xf32>,
        %get3A_3086 = vector.shape_cast %get3A_3085 : vector<1x1x16xf32> to vector<16xf32>
        %max3A_3087 = arith.maximumf %max3A_3013, %get3A_3086 : vector<16xf32>
        %add3A_3088 = arith.constant 64 : i32
        %add3A_3089 = arith.addi %add3A_3088, %scan3A_3069 : i32
        %get3A_3090 = arith.constant 1 : i32
        %get3A_3091 = arith.index_cast %get3A_3090 : i32 to index
        %get3A_3092 = arith.index_cast %add3A_3089 : i32 to index
        %get3A_3093 = arith.constant 32 : index
        %get3A_3094 = tpu.vector_load %arg6[%get3A_3091, %get3A_3092, %get3A_3093] {strides = array<i32>} : memref<2x128x128xf32, #tpu.memory_space<vmem>>, vector<1x1x16xf32>,
        %get3A_3095 = vector.shape_cast %get3A_3094 : vector<1x1x16xf32> to vector<16xf32>
        %max3A_3096 = arith.maximumf %max3A_3022, %get3A_3095 : vector<16xf32>
        %add3A_3097 = arith.constant 64 : i32
        %add3A_3098 = arith.addi %add3A_3097, %scan3A_3069 : i32
        %get3A_3099 = arith.constant 1 : i32
        %get3A_3100 = arith.index_cast %get3A_3099 : i32 to index
        %get3A_3101 = arith.index_cast %add3A_3098 : i32 to index
        %get3A_3102 = arith.constant 48 : index
        %get3A_3103 = tpu.vector_load %arg6[%get3A_3100, %get3A_3101, %get3A_3102] {strides = array<i32>} : memref<2x128x128xf32, #tpu.memory_space<vmem>>, vector<1x1x16xf32>,
        %get3A_3104 = vector.shape_cast %get3A_3103 : vector<1x1x16xf32> to vector<16xf32>
        %max3A_3105 = arith.maximumf %max3A_3031, %get3A_3104 : vector<16xf32>
        %add3A_3106 = arith.constant 64 : i32
        %add3A_3107 = arith.addi %add3A_3106, %scan3A_3069 : i32
        %get3A_3108 = arith.constant 1 : i32
        %get3A_3109 = arith.index_cast %get3A_3108 : i32 to index
        %get3A_3110 = arith.index_cast %add3A_3107 : i32 to index
        %get3A_3111 = arith.constant 64 : index
        %get3A_3112 = tpu.vector_load %arg6[%get3A_3109, %get3A_3110, %get3A_3111] {strides = array<i32>} : memref<2x128x128xf32, #tpu.memory_space<vmem>>, vector<1x1x16xf32>,
        %get3A_3113 = vector.shape_cast %get3A_3112 : vector<1x1x16xf32> to vector<16xf32>
        %max3A_3114 = arith.maximumf %max3A_3040, %get3A_3113 : vector<16xf32>
        %add3A_3115 = arith.constant 64 : i32
        %add3A_3116 = arith.addi %add3A_3115, %scan3A_3069 : i32
        %get3A_3117 = arith.constant 1 : i32
        %get3A_3118 = arith.index_cast %get3A_3117 : i32 to index
        %get3A_3119 = arith.index_cast %add3A_3116 : i32 to index
        %get3A_3120 = arith.constant 80 : index
        %get3A_3121 = tpu.vector_load %arg6[%get3A_3118, %get3A_3119, %get3A_3120] {strides = array<i32>} : memref<2x128x128xf32, #tpu.memory_space<vmem>>, vector<1x1x16xf32>,
        %get3A_3122 = vector.shape_cast %get3A_3121 : vector<1x1x16xf32> to vector<16xf32>
        %max3A_3123 = arith.maximumf %max3A_3049, %get3A_3122 : vector<16xf32>
        %add3A_3124 = arith.constant 64 : i32
        %add3A_3125 = arith.addi %add3A_3124, %scan3A_3069 : i32
        %get3A_3126 = arith.constant 1 : i32
        %get3A_3127 = arith.index_cast %get3A_3126 : i32 to index
        %get3A_3128 = arith.index_cast %add3A_3125 : i32 to index
        %get3A_3129 = arith.constant 96 : index
        %get3A_3130 = tpu.vector_load %arg6[%get3A_3127, %get3A_3128, %get3A_3129] {strides = array<i32>} : memref<2x128x128xf32, #tpu.memory_space<vmem>>, vector<1x1x16xf32>,
        %get3A_3131 = vector.shape_cast %get3A_3130 : vector<1x1x16xf32> to vector<16xf32>
        %max3A_3132 = arith.maximumf %max3A_3058, %get3A_3131 : vector<16xf32>
        %add3A_3133 = arith.constant 64 : i32
        %add3A_3134 = arith.addi %add3A_3133, %scan3A_3069 : i32
        %get3A_3135 = arith.constant 1 : i32
        %get3A_3136 = arith.index_cast %get3A_3135 : i32 to index
        %get3A_3137 = arith.index_cast %add3A_3134 : i32 to index
        %get3A_3138 = arith.constant 112 : index
        %get3A_3139 = tpu.vector_load %arg6[%get3A_3136, %get3A_3137, %get3A_3138] {strides = array<i32>} : memref<2x128x128xf32, #tpu.memory_space<vmem>>, vector<1x1x16xf32>,
        %get3A_3140 = vector.shape_cast %get3A_3139 : vector<1x1x16xf32> to vector<16xf32>
        %max3A_3141 = arith.maximumf %max3A_3067, %get3A_3140 : vector<16xf32>
        %scan3A_3142 = arith.constant 3 : i32
        %scan3A_3143 = arith.addi %scan3A_2913, %scan3A_3142 : i32
        %add3A_3144 = arith.constant 64 : i32
        %add3A_3145 = arith.addi %add3A_3144, %scan3A_3143 : i32
        %get3A_3146 = arith.constant 1 : i32
        %get3A_3147 = arith.index_cast %get3A_3146 : i32 to index
        %get3A_3148 = arith.index_cast %add3A_3145 : i32 to index
        %get3A_3149 = arith.constant 0 : index
        %get3A_3150 = tpu.vector_load %arg6[%get3A_3147, %get3A_3148, %get3A_3149] {strides = array<i32>} : memref<2x128x128xf32, #tpu.memory_space<vmem>>, vector<1x1x16xf32>,
        %get3A_3151 = vector.shape_cast %get3A_3150 : vector<1x1x16xf32> to vector<16xf32>
        %max3A_3152 = arith.maximumf %max3A_3078, %get3A_3151 : vector<16xf32>
        %add3A_3153 = arith.constant 64 : i32
        %add3A_3154 = arith.addi %add3A_3153, %scan3A_3143 : i32
        %get3A_3155 = arith.constant 1 : i32
        %get3A_3156 = arith.index_cast %get3A_3155 : i32 to index
        %get3A_3157 = arith.index_cast %add3A_3154 : i32 to index
        %get3A_3158 = arith.constant 16 : index
        %get3A_3159 = tpu.vector_load %arg6[%get3A_3156, %get3A_3157, %get3A_3158] {strides = array<i32>} : memref<2x128x128xf32, #tpu.memory_space<vmem>>, vector<1x1x16xf32>,
        %get3A_3160 = vector.shape_cast %get3A_3159 : vector<1x1x16xf32> to vector<16xf32>
        %max3A_3161 = arith.maximumf %max3A_3087, %get3A_3160 : vector<16xf32>
        %add3A_3162 = arith.constant 64 : i32
        %add3A_3163 = arith.addi %add3A_3162, %scan3A_3143 : i32
        %get3A_3164 = arith.constant 1 : i32
        %get3A_3165 = arith.index_cast %get3A_3164 : i32 to index
        %get3A_3166 = arith.index_cast %add3A_3163 : i32 to index
        %get3A_3167 = arith.constant 32 : index
        %get3A_3168 = tpu.vector_load %arg6[%get3A_3165, %get3A_3166, %get3A_3167] {strides = array<i32>} : memref<2x128x128xf32, #tpu.memory_space<vmem>>, vector<1x1x16xf32>,
        %get3A_3169 = vector.shape_cast %get3A_3168 : vector<1x1x16xf32> to vector<16xf32>
        %max3A_3170 = arith.maximumf %max3A_3096, %get3A_3169 : vector<16xf32>
        %add3A_3171 = arith.constant 64 : i32
        %add3A_3172 = arith.addi %add3A_3171, %scan3A_3143 : i32
        %get3A_3173 = arith.constant 1 : i32
        %get3A_3174 = arith.index_cast %get3A_3173 : i32 to index
        %get3A_3175 = arith.index_cast %add3A_3172 : i32 to index
        %get3A_3176 = arith.constant 48 : index
        %get3A_3177 = tpu.vector_load %arg6[%get3A_3174, %get3A_3175, %get3A_3176] {strides = array<i32>} : memref<2x128x128xf32, #tpu.memory_space<vmem>>, vector<1x1x16xf32>,
        %get3A_3178 = vector.shape_cast %get3A_3177 : vector<1x1x16xf32> to vector<16xf32>
        %max3A_3179 = arith.maximumf %max3A_3105, %get3A_3178 : vector<16xf32>
        %add3A_3180 = arith.constant 64 : i32
        %add3A_3181 = arith.addi %add3A_3180, %scan3A_3143 : i32
        %get3A_3182 = arith.constant 1 : i32
        %get3A_3183 = arith.index_cast %get3A_3182 : i32 to index
        %get3A_3184 = arith.index_cast %add3A_3181 : i32 to index
        %get3A_3185 = arith.constant 64 : index
        %get3A_3186 = tpu.vector_load %arg6[%get3A_3183, %get3A_3184, %get3A_3185] {strides = array<i32>} : memref<2x128x128xf32, #tpu.memory_space<vmem>>, vector<1x1x16xf32>,
        %get3A_3187 = vector.shape_cast %get3A_3186 : vector<1x1x16xf32> to vector<16xf32>
        %max3A_3188 = arith.maximumf %max3A_3114, %get3A_3187 : vector<16xf32>
        %add3A_3189 = arith.constant 64 : i32
        %add3A_3190 = arith.addi %add3A_3189, %scan3A_3143 : i32
        %get3A_3191 = arith.constant 1 : i32
        %get3A_3192 = arith.index_cast %get3A_3191 : i32 to index
        %get3A_3193 = arith.index_cast %add3A_3190 : i32 to index
        %get3A_3194 = arith.constant 80 : index
        %get3A_3195 = tpu.vector_load %arg6[%get3A_3192, %get3A_3193, %get3A_3194] {strides = array<i32>} : memref<2x128x128xf32, #tpu.memory_space<vmem>>, vector<1x1x16xf32>,
        %get3A_3196 = vector.shape_cast %get3A_3195 : vector<1x1x16xf32> to vector<16xf32>
        %max3A_3197 = arith.maximumf %max3A_3123, %get3A_3196 : vector<16xf32>
        %add3A_3198 = arith.constant 64 : i32
        %add3A_3199 = arith.addi %add3A_3198, %scan3A_3143 : i32
        %get3A_3200 = arith.constant 1 : i32
        %get3A_3201 = arith.index_cast %get3A_3200 : i32 to index
        %get3A_3202 = arith.index_cast %add3A_3199 : i32 to index
        %get3A_3203 = arith.constant 96 : index
        %get3A_3204 = tpu.vector_load %arg6[%get3A_3201, %get3A_3202, %get3A_3203] {strides = array<i32>} : memref<2x128x128xf32, #tpu.memory_space<vmem>>, vector<1x1x16xf32>,
        %get3A_3205 = vector.shape_cast %get3A_3204 : vector<1x1x16xf32> to vector<16xf32>
        %max3A_3206 = arith.maximumf %max3A_3132, %get3A_3205 : vector<16xf32>
        %add3A_3207 = arith.constant 64 : i32
        %add3A_3208 = arith.addi %add3A_3207, %scan3A_3143 : i32
        %get3A_3209 = arith.constant 1 : i32
        %get3A_3210 = arith.index_cast %get3A_3209 : i32 to index
        %get3A_3211 = arith.index_cast %add3A_3208 : i32 to index
        %get3A_3212 = arith.constant 112 : index
        %get3A_3213 = tpu.vector_load %arg6[%get3A_3210, %get3A_3211, %get3A_3212] {strides = array<i32>} : memref<2x128x128xf32, #tpu.memory_space<vmem>>, vector<1x1x16xf32>,
        %get3A_3214 = vector.shape_cast %get3A_3213 : vector<1x1x16xf32> to vector<16xf32>
        %max3A_3215 = arith.maximumf %max3A_3141, %get3A_3214 : vector<16xf32>
        scf.yield %max3A_3152, %max3A_3161, %max3A_3170, %max3A_3179, %max3A_3188, %max3A_3197, %max3A_3206, %max3A_3215 : vector<16xf32>, vector<16xf32>, vector<16xf32>, vector<16xf32>, vector<16xf32>, vector<16xf32>, vector<16xf32>, vector<16xf32>
      }
      %scan3A_2262 = arith.constant 28 : i32
      %scan3A_2263 = arith.addi %scan3A_2257, %scan3A_2262 : i32
      %add3A_2264 = arith.constant 64 : i32
      %add3A_2265 = arith.addi %add3A_2264, %scan3A_2263 : i32
      %get3A_2266 = arith.constant 1 : i32
      %get3A_2267 = arith.index_cast %get3A_2266 : i32 to index
      %get3A_2268 = arith.index_cast %add3A_2265 : i32 to index
      %get3A_2269 = arith.constant 0 : index
      %get3A_2270 = tpu.vector_load %arg6[%get3A_2267, %get3A_2268, %get3A_2269] {strides = array<i32>} : memref<2x128x128xf32, #tpu.memory_space<vmem>>, vector<1x1x16xf32>,
      %get3A_2271 = vector.shape_cast %get3A_2270 : vector<1x1x16xf32> to vector<16xf32>
      %max3A_2272 = arith.maximumf %scan3A_2261#0, %get3A_2271 : vector<16xf32>
      %add3A_2273 = arith.constant 64 : i32
      %add3A_2274 = arith.addi %add3A_2273, %scan3A_2263 : i32
      %get3A_2275 = arith.constant 1 : i32
      %get3A_2276 = arith.index_cast %get3A_2275 : i32 to index
      %get3A_2277 = arith.index_cast %add3A_2274 : i32 to index
      %get3A_2278 = arith.constant 16 : index
      %get3A_2279 = tpu.vector_load %arg6[%get3A_2276, %get3A_2277, %get3A_2278] {strides = array<i32>} : memref<2x128x128xf32, #tpu.memory_space<vmem>>, vector<1x1x16xf32>,
      %get3A_2280 = vector.shape_cast %get3A_2279 : vector<1x1x16xf32> to vector<16xf32>
      %max3A_2281 = arith.maximumf %scan3A_2261#1, %get3A_2280 : vector<16xf32>
      %add3A_2282 = arith.constant 64 : i32
      %add3A_2283 = arith.addi %add3A_2282, %scan3A_2263 : i32
      %get3A_2284 = arith.constant 1 : i32
      %get3A_2285 = arith.index_cast %get3A_2284 : i32 to index
      %get3A_2286 = arith.index_cast %add3A_2283 : i32 to index
      %get3A_2287 = arith.constant 32 : index
      %get3A_2288 = tpu.vector_load %arg6[%get3A_2285, %get3A_2286, %get3A_2287] {strides = array<i32>} : memref<2x128x128xf32, #tpu.memory_space<vmem>>, vector<1x1x16xf32>,
      %get3A_2289 = vector.shape_cast %get3A_2288 : vector<1x1x16xf32> to vector<16xf32>
      %max3A_2290 = arith.maximumf %scan3A_2261#2, %get3A_2289 : vector<16xf32>
      %add3A_2291 = arith.constant 64 : i32
      %add3A_2292 = arith.addi %add3A_2291, %scan3A_2263 : i32
      %get3A_2293 = arith.constant 1 : i32
      %get3A_2294 = arith.index_cast %get3A_2293 : i32 to index
      %get3A_2295 = arith.index_cast %add3A_2292 : i32 to index
      %get3A_2296 = arith.constant 48 : index
      %get3A_2297 = tpu.vector_load %arg6[%get3A_2294, %get3A_2295, %get3A_2296] {strides = array<i32>} : memref<2x128x128xf32, #tpu.memory_space<vmem>>, vector<1x1x16xf32>,
      %get3A_2298 = vector.shape_cast %get3A_2297 : vector<1x1x16xf32> to vector<16xf32>
      %max3A_2299 = arith.maximumf %scan3A_2261#3, %get3A_2298 : vector<16xf32>
      %add3A_2300 = arith.constant 64 : i32
      %add3A_2301 = arith.addi %add3A_2300, %scan3A_2263 : i32
      %get3A_2302 = arith.constant 1 : i32
      %get3A_2303 = arith.index_cast %get3A_2302 : i32 to index
      %get3A_2304 = arith.index_cast %add3A_2301 : i32 to index
      %get3A_2305 = arith.constant 64 : index
      %get3A_2306 = tpu.vector_load %arg6[%get3A_2303, %get3A_2304, %get3A_2305] {strides = array<i32>} : memref<2x128x128xf32, #tpu.memory_space<vmem>>, vector<1x1x16xf32>,
      %get3A_2307 = vector.shape_cast %get3A_2306 : vector<1x1x16xf32> to vector<16xf32>
      %max3A_2308 = arith.maximumf %scan3A_2261#4, %get3A_2307 : vector<16xf32>
      %add3A_2309 = arith.constant 64 : i32
      %add3A_2310 = arith.addi %add3A_2309, %scan3A_2263 : i32
      %get3A_2311 = arith.constant 1 : i32
      %get3A_2312 = arith.index_cast %get3A_2311 : i32 to index
      %get3A_2313 = arith.index_cast %add3A_2310 : i32 to index
      %get3A_2314 = arith.constant 80 : index
      %get3A_2315 = tpu.vector_load %arg6[%get3A_2312, %get3A_2313, %get3A_2314] {strides = array<i32>} : memref<2x128x128xf32, #tpu.memory_space<vmem>>, vector<1x1x16xf32>,
      %get3A_2316 = vector.shape_cast %get3A_2315 : vector<1x1x16xf32> to vector<16xf32>
      %max3A_2317 = arith.maximumf %scan3A_2261#5, %get3A_2316 : vector<16xf32>
      %add3A_2318 = arith.constant 64 : i32
      %add3A_2319 = arith.addi %add3A_2318, %scan3A_2263 : i32
      %get3A_2320 = arith.constant 1 : i32
      %get3A_2321 = arith.index_cast %get3A_2320 : i32 to index
      %get3A_2322 = arith.index_cast %add3A_2319 : i32 to index
      %get3A_2323 = arith.constant 96 : index
      %get3A_2324 = tpu.vector_load %arg6[%get3A_2321, %get3A_2322, %get3A_2323] {strides = array<i32>} : memref<2x128x128xf32, #tpu.memory_space<vmem>>, vector<1x1x16xf32>,
      %get3A_2325 = vector.shape_cast %get3A_2324 : vector<1x1x16xf32> to vector<16xf32>
      %max3A_2326 = arith.maximumf %scan3A_2261#6, %get3A_2325 : vector<16xf32>
      %add3A_2327 = arith.constant 64 : i32
      %add3A_2328 = arith.addi %add3A_2327, %scan3A_2263 : i32
      %get3A_2329 = arith.constant 1 : i32
      %get3A_2330 = arith.index_cast %get3A_2329 : i32 to index
      %get3A_2331 = arith.index_cast %add3A_2328 : i32 to index
      %get3A_2332 = arith.constant 112 : index
      %get3A_2333 = tpu.vector_load %arg6[%get3A_2330, %get3A_2331, %get3A_2332] {strides = array<i32>} : memref<2x128x128xf32, #tpu.memory_space<vmem>>, vector<1x1x16xf32>,
      %get3A_2334 = vector.shape_cast %get3A_2333 : vector<1x1x16xf32> to vector<16xf32>
      %max3A_2335 = arith.maximumf %scan3A_2261#7, %get3A_2334 : vector<16xf32>
      %scan3A_2336 = arith.constant 29 : i32
      %scan3A_2337 = arith.addi %scan3A_2257, %scan3A_2336 : i32
      %add3A_2338 = arith.constant 64 : i32
      %add3A_2339 = arith.addi %add3A_2338, %scan3A_2337 : i32
      %get3A_2340 = arith.constant 1 : i32
      %get3A_2341 = arith.index_cast %get3A_2340 : i32 to index
      %get3A_2342 = arith.index_cast %add3A_2339 : i32 to index
      %get3A_2343 = arith.constant 0 : index
      %get3A_2344 = tpu.vector_load %arg6[%get3A_2341, %get3A_2342, %get3A_2343] {strides = array<i32>} : memref<2x128x128xf32, #tpu.memory_space<vmem>>, vector<1x1x16xf32>,
      %get3A_2345 = vector.shape_cast %get3A_2344 : vector<1x1x16xf32> to vector<16xf32>
      %max3A_2346 = arith.maximumf %max3A_2272, %get3A_2345 : vector<16xf32>
      %add3A_2347 = arith.constant 64 : i32
      %add3A_2348 = arith.addi %add3A_2347, %scan3A_2337 : i32
      %get3A_2349 = arith.constant 1 : i32
      %get3A_2350 = arith.index_cast %get3A_2349 : i32 to index
      %get3A_2351 = arith.index_cast %add3A_2348 : i32 to index
      %get3A_2352 = arith.constant 16 : index
      %get3A_2353 = tpu.vector_load %arg6[%get3A_2350, %get3A_2351, %get3A_2352] {strides = array<i32>} : memref<2x128x128xf32, #tpu.memory_space<vmem>>, vector<1x1x16xf32>,
      %get3A_2354 = vector.shape_cast %get3A_2353 : vector<1x1x16xf32> to vector<16xf32>
      %max3A_2355 = arith.maximumf %max3A_2281, %get3A_2354 : vector<16xf32>
      %add3A_2356 = arith.constant 64 : i32
      %add3A_2357 = arith.addi %add3A_2356, %scan3A_2337 : i32
      %get3A_2358 = arith.constant 1 : i32
      %get3A_2359 = arith.index_cast %get3A_2358 : i32 to index
      %get3A_2360 = arith.index_cast %add3A_2357 : i32 to index
      %get3A_2361 = arith.constant 32 : index
      %get3A_2362 = tpu.vector_load %arg6[%get3A_2359, %get3A_2360, %get3A_2361] {strides = array<i32>} : memref<2x128x128xf32, #tpu.memory_space<vmem>>, vector<1x1x16xf32>,
      %get3A_2363 = vector.shape_cast %get3A_2362 : vector<1x1x16xf32> to vector<16xf32>
      %max3A_2364 = arith.maximumf %max3A_2290, %get3A_2363 : vector<16xf32>
      %add3A_2365 = arith.constant 64 : i32
      %add3A_2366 = arith.addi %add3A_2365, %scan3A_2337 : i32
      %get3A_2367 = arith.constant 1 : i32
      %get3A_2368 = arith.index_cast %get3A_2367 : i32 to index
      %get3A_2369 = arith.index_cast %add3A_2366 : i32 to index
      %get3A_2370 = arith.constant 48 : index
      %get3A_2371 = tpu.vector_load %arg6[%get3A_2368, %get3A_2369, %get3A_2370] {strides = array<i32>} : memref<2x128x128xf32, #tpu.memory_space<vmem>>, vector<1x1x16xf32>,
      %get3A_2372 = vector.shape_cast %get3A_2371 : vector<1x1x16xf32> to vector<16xf32>
      %max3A_2373 = arith.maximumf %max3A_2299, %get3A_2372 : vector<16xf32>
      %add3A_2374 = arith.constant 64 : i32
      %add3A_2375 = arith.addi %add3A_2374, %scan3A_2337 : i32
      %get3A_2376 = arith.constant 1 : i32
      %get3A_2377 = arith.index_cast %get3A_2376 : i32 to index
      %get3A_2378 = arith.index_cast %add3A_2375 : i32 to index
      %get3A_2379 = arith.constant 64 : index
      %get3A_2380 = tpu.vector_load %arg6[%get3A_2377, %get3A_2378, %get3A_2379] {strides = array<i32>} : memref<2x128x128xf32, #tpu.memory_space<vmem>>, vector<1x1x16xf32>,
      %get3A_2381 = vector.shape_cast %get3A_2380 : vector<1x1x16xf32> to vector<16xf32>
      %max3A_2382 = arith.maximumf %max3A_2308, %get3A_2381 : vector<16xf32>
      %add3A_2383 = arith.constant 64 : i32
      %add3A_2384 = arith.addi %add3A_2383, %scan3A_2337 : i32
      %get3A_2385 = arith.constant 1 : i32
      %get3A_2386 = arith.index_cast %get3A_2385 : i32 to index
      %get3A_2387 = arith.index_cast %add3A_2384 : i32 to index
      %get3A_2388 = arith.constant 80 : index
      %get3A_2389 = tpu.vector_load %arg6[%get3A_2386, %get3A_2387, %get3A_2388] {strides = array<i32>} : memref<2x128x128xf32, #tpu.memory_space<vmem>>, vector<1x1x16xf32>,
      %get3A_2390 = vector.shape_cast %get3A_2389 : vector<1x1x16xf32> to vector<16xf32>
      %max3A_2391 = arith.maximumf %max3A_2317, %get3A_2390 : vector<16xf32>
      %add3A_2392 = arith.constant 64 : i32
      %add3A_2393 = arith.addi %add3A_2392, %scan3A_2337 : i32
      %get3A_2394 = arith.constant 1 : i32
      %get3A_2395 = arith.index_cast %get3A_2394 : i32 to index
      %get3A_2396 = arith.index_cast %add3A_2393 : i32 to index
      %get3A_2397 = arith.constant 96 : index
      %get3A_2398 = tpu.vector_load %arg6[%get3A_2395, %get3A_2396, %get3A_2397] {strides = array<i32>} : memref<2x128x128xf32, #tpu.memory_space<vmem>>, vector<1x1x16xf32>,
      %get3A_2399 = vector.shape_cast %get3A_2398 : vector<1x1x16xf32> to vector<16xf32>
      %max3A_2400 = arith.maximumf %max3A_2326, %get3A_2399 : vector<16xf32>
      %add3A_2401 = arith.constant 64 : i32
      %add3A_2402 = arith.addi %add3A_2401, %scan3A_2337 : i32
      %get3A_2403 = arith.constant 1 : i32
      %get3A_2404 = arith.index_cast %get3A_2403 : i32 to index
      %get3A_2405 = arith.index_cast %add3A_2402 : i32 to index
      %get3A_2406 = arith.constant 112 : index
      %get3A_2407 = tpu.vector_load %arg6[%get3A_2404, %get3A_2405, %get3A_2406] {strides = array<i32>} : memref<2x128x128xf32, #tpu.memory_space<vmem>>, vector<1x1x16xf32>,
      %get3A_2408 = vector.shape_cast %get3A_2407 : vector<1x1x16xf32> to vector<16xf32>
      %max3A_2409 = arith.maximumf %max3A_2335, %get3A_2408 : vector<16xf32>
      %scan3A_2410 = arith.constant 30 : i32
      %scan3A_2411 = arith.addi %scan3A_2257, %scan3A_2410 : i32
      %add3A_2412 = arith.constant 64 : i32
      %add3A_2413 = arith.addi %add3A_2412, %scan3A_2411 : i32
      %get3A_2414 = arith.constant 1 : i32
      %get3A_2415 = arith.index_cast %get3A_2414 : i32 to index
      %get3A_2416 = arith.index_cast %add3A_2413 : i32 to index
      %get3A_2417 = arith.constant 0 : index
      %get3A_2418 = tpu.vector_load %arg6[%get3A_2415, %get3A_2416, %get3A_2417] {strides = array<i32>} : memref<2x128x128xf32, #tpu.memory_space<vmem>>, vector<1x1x16xf32>,
      %get3A_2419 = vector.shape_cast %get3A_2418 : vector<1x1x16xf32> to vector<16xf32>
      %max3A_2420 = arith.maximumf %max3A_2346, %get3A_2419 : vector<16xf32>
      %add3A_2421 = arith.constant 64 : i32
      %add3A_2422 = arith.addi %add3A_2421, %scan3A_2411 : i32
      %get3A_2423 = arith.constant 1 : i32
      %get3A_2424 = arith.index_cast %get3A_2423 : i32 to index
      %get3A_2425 = arith.index_cast %add3A_2422 : i32 to index
      %get3A_2426 = arith.constant 16 : index
      %get3A_2427 = tpu.vector_load %arg6[%get3A_2424, %get3A_2425, %get3A_2426] {strides = array<i32>} : memref<2x128x128xf32, #tpu.memory_space<vmem>>, vector<1x1x16xf32>,
      %get3A_2428 = vector.shape_cast %get3A_2427 : vector<1x1x16xf32> to vector<16xf32>
      %max3A_2429 = arith.maximumf %max3A_2355, %get3A_2428 : vector<16xf32>
      %add3A_2430 = arith.constant 64 : i32
      %add3A_2431 = arith.addi %add3A_2430, %scan3A_2411 : i32
      %get3A_2432 = arith.constant 1 : i32
      %get3A_2433 = arith.index_cast %get3A_2432 : i32 to index
      %get3A_2434 = arith.index_cast %add3A_2431 : i32 to index
      %get3A_2435 = arith.constant 32 : index
      %get3A_2436 = tpu.vector_load %arg6[%get3A_2433, %get3A_2434, %get3A_2435] {strides = array<i32>} : memref<2x128x128xf32, #tpu.memory_space<vmem>>, vector<1x1x16xf32>,
      %get3A_2437 = vector.shape_cast %get3A_2436 : vector<1x1x16xf32> to vector<16xf32>
      %max3A_2438 = arith.maximumf %max3A_2364, %get3A_2437 : vector<16xf32>
      %add3A_2439 = arith.constant 64 : i32
      %add3A_2440 = arith.addi %add3A_2439, %scan3A_2411 : i32
      %get3A_2441 = arith.constant 1 : i32
      %get3A_2442 = arith.index_cast %get3A_2441 : i32 to index
      %get3A_2443 = arith.index_cast %add3A_2440 : i32 to index
      %get3A_2444 = arith.constant 48 : index
      %get3A_2445 = tpu.vector_load %arg6[%get3A_2442, %get3A_2443, %get3A_2444] {strides = array<i32>} : memref<2x128x128xf32, #tpu.memory_space<vmem>>, vector<1x1x16xf32>,
      %get3A_2446 = vector.shape_cast %get3A_2445 : vector<1x1x16xf32> to vector<16xf32>
      %max3A_2447 = arith.maximumf %max3A_2373, %get3A_2446 : vector<16xf32>
      %add3A_2448 = arith.constant 64 : i32
      %add3A_2449 = arith.addi %add3A_2448, %scan3A_2411 : i32
      %get3A_2450 = arith.constant 1 : i32
      %get3A_2451 = arith.index_cast %get3A_2450 : i32 to index
      %get3A_2452 = arith.index_cast %add3A_2449 : i32 to index
      %get3A_2453 = arith.constant 64 : index
      %get3A_2454 = tpu.vector_load %arg6[%get3A_2451, %get3A_2452, %get3A_2453] {strides = array<i32>} : memref<2x128x128xf32, #tpu.memory_space<vmem>>, vector<1x1x16xf32>,
      %get3A_2455 = vector.shape_cast %get3A_2454 : vector<1x1x16xf32> to vector<16xf32>
      %max3A_2456 = arith.maximumf %max3A_2382, %get3A_2455 : vector<16xf32>
      %add3A_2457 = arith.constant 64 : i32
      %add3A_2458 = arith.addi %add3A_2457, %scan3A_2411 : i32
      %get3A_2459 = arith.constant 1 : i32
      %get3A_2460 = arith.index_cast %get3A_2459 : i32 to index
      %get3A_2461 = arith.index_cast %add3A_2458 : i32 to index
      %get3A_2462 = arith.constant 80 : index
      %get3A_2463 = tpu.vector_load %arg6[%get3A_2460, %get3A_2461, %get3A_2462] {strides = array<i32>} : memref<2x128x128xf32, #tpu.memory_space<vmem>>, vector<1x1x16xf32>,
      %get3A_2464 = vector.shape_cast %get3A_2463 : vector<1x1x16xf32> to vector<16xf32>
      %max3A_2465 = arith.maximumf %max3A_2391, %get3A_2464 : vector<16xf32>
      %add3A_2466 = arith.constant 64 : i32
      %add3A_2467 = arith.addi %add3A_2466, %scan3A_2411 : i32
      %get3A_2468 = arith.constant 1 : i32
      %get3A_2469 = arith.index_cast %get3A_2468 : i32 to index
      %get3A_2470 = arith.index_cast %add3A_2467 : i32 to index
      %get3A_2471 = arith.constant 96 : index
      %get3A_2472 = tpu.vector_load %arg6[%get3A_2469, %get3A_2470, %get3A_2471] {strides = array<i32>} : memref<2x128x128xf32, #tpu.memory_space<vmem>>, vector<1x1x16xf32>,
      %get3A_2473 = vector.shape_cast %get3A_2472 : vector<1x1x16xf32> to vector<16xf32>
      %max3A_2474 = arith.maximumf %max3A_2400, %get3A_2473 : vector<16xf32>
      %add3A_2475 = arith.constant 64 : i32
      %add3A_2476 = arith.addi %add3A_2475, %scan3A_2411 : i32
      %get3A_2477 = arith.constant 1 : i32
      %get3A_2478 = arith.index_cast %get3A_2477 : i32 to index
      %get3A_2479 = arith.index_cast %add3A_2476 : i32 to index
      %get3A_2480 = arith.constant 112 : index
      %get3A_2481 = tpu.vector_load %arg6[%get3A_2478, %get3A_2479, %get3A_2480] {strides = array<i32>} : memref<2x128x128xf32, #tpu.memory_space<vmem>>, vector<1x1x16xf32>,
      %get3A_2482 = vector.shape_cast %get3A_2481 : vector<1x1x16xf32> to vector<16xf32>
      %max3A_2483 = arith.maximumf %max3A_2409, %get3A_2482 : vector<16xf32>
      %scan3A_2484 = arith.constant 31 : i32
      %swap3A_2485 = arith.constant 1 : i32
      %swap3A_2486 = arith.constant 2 : i32
      %swap3A_2487 = arith.index_cast %swap3A_2485 : i32 to index
      %swap3A_2488 = arith.index_cast %swap3A_2486 : i32 to index
      %swap3A_2489 = arith.constant 0 : index
      %swap3A_2490 = tpu.vector_load %arg7[%swap3A_2487, %swap3A_2488, %swap3A_2489] {strides = array<i32>} : memref<2x4x128xf32, #tpu.memory_space<vmem>>, vector<1x1x16xf32>,
      %swap3A_2491 = vector.shape_cast %swap3A_2490 : vector<1x1x16xf32> to vector<16xf32>
      %swap3A_2492 = vector.shape_cast %max3A_2420 : vector<16xf32> to vector<1x1x16xf32>
      tpu.vector_store %arg7[%swap3A_2487, %swap3A_2488, %swap3A_2489], %swap3A_2492 {strides = array<i32>} : memref<2x4x128xf32, #tpu.memory_space<vmem>>, vector<1x1x16xf32>,
      %swap3A_2493 = arith.constant 1 : i32
      %swap3A_2494 = arith.constant 2 : i32
      %swap3A_2495 = arith.index_cast %swap3A_2493 : i32 to index
      %swap3A_2496 = arith.index_cast %swap3A_2494 : i32 to index
      %swap3A_2497 = arith.constant 16 : index
      %swap3A_2498 = tpu.vector_load %arg7[%swap3A_2495, %swap3A_2496, %swap3A_2497] {strides = array<i32>} : memref<2x4x128xf32, #tpu.memory_space<vmem>>, vector<1x1x16xf32>,
      %swap3A_2499 = vector.shape_cast %swap3A_2498 : vector<1x1x16xf32> to vector<16xf32>
      %swap3A_2500 = vector.shape_cast %max3A_2429 : vector<16xf32> to vector<1x1x16xf32>
      tpu.vector_store %arg7[%swap3A_2495, %swap3A_2496, %swap3A_2497], %swap3A_2500 {strides = array<i32>} : memref<2x4x128xf32, #tpu.memory_space<vmem>>, vector<1x1x16xf32>,
      %swap3A_2501 = arith.constant 1 : i32
      %swap3A_2502 = arith.constant 2 : i32
      %swap3A_2503 = arith.index_cast %swap3A_2501 : i32 to index
      %swap3A_2504 = arith.index_cast %swap3A_2502 : i32 to index
      %swap3A_2505 = arith.constant 32 : index
      %swap3A_2506 = tpu.vector_load %arg7[%swap3A_2503, %swap3A_2504, %swap3A_2505] {strides = array<i32>} : memref<2x4x128xf32, #tpu.memory_space<vmem>>, vector<1x1x16xf32>,
      %swap3A_2507 = vector.shape_cast %swap3A_2506 : vector<1x1x16xf32> to vector<16xf32>
      %swap3A_2508 = vector.shape_cast %max3A_2438 : vector<16xf32> to vector<1x1x16xf32>
      tpu.vector_store %arg7[%swap3A_2503, %swap3A_2504, %swap3A_2505], %swap3A_2508 {strides = array<i32>} : memref<2x4x128xf32, #tpu.memory_space<vmem>>, vector<1x1x16xf32>,
      %swap3A_2509 = arith.constant 1 : i32
      %swap3A_2510 = arith.constant 2 : i32
      %swap3A_2511 = arith.index_cast %swap3A_2509 : i32 to index
      %swap3A_2512 = arith.index_cast %swap3A_2510 : i32 to index
      %swap3A_2513 = arith.constant 48 : index
      %swap3A_2514 = tpu.vector_load %arg7[%swap3A_2511, %swap3A_2512, %swap3A_2513] {strides = array<i32>} : memref<2x4x128xf32, #tpu.memory_space<vmem>>, vector<1x1x16xf32>,
      %swap3A_2515 = vector.shape_cast %swap3A_2514 : vector<1x1x16xf32> to vector<16xf32>
      %swap3A_2516 = vector.shape_cast %max3A_2447 : vector<16xf32> to vector<1x1x16xf32>
      tpu.vector_store %arg7[%swap3A_2511, %swap3A_2512, %swap3A_2513], %swap3A_2516 {strides = array<i32>} : memref<2x4x128xf32, #tpu.memory_space<vmem>>, vector<1x1x16xf32>,
      %swap3A_2517 = arith.constant 1 : i32
      %swap3A_2518 = arith.constant 2 : i32
      %swap3A_2519 = arith.index_cast %swap3A_2517 : i32 to index
      %swap3A_2520 = arith.index_cast %swap3A_2518 : i32 to index
      %swap3A_2521 = arith.constant 64 : index
      %swap3A_2522 = tpu.vector_load %arg7[%swap3A_2519, %swap3A_2520, %swap3A_2521] {strides = array<i32>} : memref<2x4x128xf32, #tpu.memory_space<vmem>>, vector<1x1x16xf32>,
      %swap3A_2523 = vector.shape_cast %swap3A_2522 : vector<1x1x16xf32> to vector<16xf32>
      %swap3A_2524 = vector.shape_cast %max3A_2456 : vector<16xf32> to vector<1x1x16xf32>
      tpu.vector_store %arg7[%swap3A_2519, %swap3A_2520, %swap3A_2521], %swap3A_2524 {strides = array<i32>} : memref<2x4x128xf32, #tpu.memory_space<vmem>>, vector<1x1x16xf32>,
      %swap3A_2525 = arith.constant 1 : i32
      %swap3A_2526 = arith.constant 2 : i32
      %swap3A_2527 = arith.index_cast %swap3A_2525 : i32 to index
      %swap3A_2528 = arith.index_cast %swap3A_2526 : i32 to index
      %swap3A_2529 = arith.constant 80 : index
      %swap3A_2530 = tpu.vector_load %arg7[%swap3A_2527, %swap3A_2528, %swap3A_2529] {strides = array<i32>} : memref<2x4x128xf32, #tpu.memory_space<vmem>>, vector<1x1x16xf32>,
      %swap3A_2531 = vector.shape_cast %swap3A_2530 : vector<1x1x16xf32> to vector<16xf32>
      %swap3A_2532 = vector.shape_cast %max3A_2465 : vector<16xf32> to vector<1x1x16xf32>
      tpu.vector_store %arg7[%swap3A_2527, %swap3A_2528, %swap3A_2529], %swap3A_2532 {strides = array<i32>} : memref<2x4x128xf32, #tpu.memory_space<vmem>>, vector<1x1x16xf32>,
      %swap3A_2533 = arith.constant 1 : i32
      %swap3A_2534 = arith.constant 2 : i32
      %swap3A_2535 = arith.index_cast %swap3A_2533 : i32 to index
      %swap3A_2536 = arith.index_cast %swap3A_2534 : i32 to index
      %swap3A_2537 = arith.constant 96 : index
      %swap3A_2538 = tpu.vector_load %arg7[%swap3A_2535, %swap3A_2536, %swap3A_2537] {strides = array<i32>} : memref<2x4x128xf32, #tpu.memory_space<vmem>>, vector<1x1x16xf32>,
      %swap3A_2539 = vector.shape_cast %swap3A_2538 : vector<1x1x16xf32> to vector<16xf32>
      %swap3A_2540 = vector.shape_cast %max3A_2474 : vector<16xf32> to vector<1x1x16xf32>
      tpu.vector_store %arg7[%swap3A_2535, %swap3A_2536, %swap3A_2537], %swap3A_2540 {strides = array<i32>} : memref<2x4x128xf32, #tpu.memory_space<vmem>>, vector<1x1x16xf32>,
      %swap3A_2541 = arith.constant 1 : i32
      %swap3A_2542 = arith.constant 2 : i32
      %swap3A_2543 = arith.index_cast %swap3A_2541 : i32 to index
      %swap3A_2544 = arith.index_cast %swap3A_2542 : i32 to index
      %swap3A_2545 = arith.constant 112 : index
      %swap3A_2546 = tpu.vector_load %arg7[%swap3A_2543, %swap3A_2544, %swap3A_2545] {strides = array<i32>} : memref<2x4x128xf32, #tpu.memory_space<vmem>>, vector<1x1x16xf32>,
      %swap3A_2547 = vector.shape_cast %swap3A_2546 : vector<1x1x16xf32> to vector<16xf32>
      %swap3A_2548 = vector.shape_cast %max3A_2483 : vector<16xf32> to vector<1x1x16xf32>
      tpu.vector_store %arg7[%swap3A_2543, %swap3A_2544, %swap3A_2545], %swap3A_2548 {strides = array<i32>} : memref<2x4x128xf32, #tpu.memory_space<vmem>>, vector<1x1x16xf32>,
      %get3A_2549 = arith.constant 1 : i32
      %get3A_2550 = arith.constant 96 : i32
      %get3A_2551 = arith.index_cast %get3A_2549 : i32 to index
      %get3A_2552 = arith.index_cast %get3A_2550 : i32 to index
      %get3A_2553 = arith.constant 0 : index
      %get3A_2554 = tpu.vector_load %arg6[%get3A_2551, %get3A_2552, %get3A_2553] {strides = array<i32>} : memref<2x128x128xf32, #tpu.memory_space<vmem>>, vector<1x1x16xf32>,
      %get3A_2555 = vector.shape_cast %get3A_2554 : vector<1x1x16xf32> to vector<16xf32>
      %get3A_2556 = arith.constant 1 : i32
      %get3A_2557 = arith.constant 96 : i32
      %get3A_2558 = arith.index_cast %get3A_2556 : i32 to index
      %get3A_2559 = arith.index_cast %get3A_2557 : i32 to index
      %get3A_2560 = arith.constant 16 : index
      %get3A_2561 = tpu.vector_load %arg6[%get3A_2558, %get3A_2559, %get3A_2560] {strides = array<i32>} : memref<2x128x128xf32, #tpu.memory_space<vmem>>, vector<1x1x16xf32>,
      %get3A_2562 = vector.shape_cast %get3A_2561 : vector<1x1x16xf32> to vector<16xf32>
      %get3A_2563 = arith.constant 1 : i32
      %get3A_2564 = arith.constant 96 : i32
      %get3A_2565 = arith.index_cast %get3A_2563 : i32 to index
      %get3A_2566 = arith.index_cast %get3A_2564 : i32 to index
      %get3A_2567 = arith.constant 32 : index
      %get3A_2568 = tpu.vector_load %arg6[%get3A_2565, %get3A_2566, %get3A_2567] {strides = array<i32>} : memref<2x128x128xf32, #tpu.memory_space<vmem>>, vector<1x1x16xf32>,
      %get3A_2569 = vector.shape_cast %get3A_2568 : vector<1x1x16xf32> to vector<16xf32>
      %get3A_2570 = arith.constant 1 : i32
      %get3A_2571 = arith.constant 96 : i32
      %get3A_2572 = arith.index_cast %get3A_2570 : i32 to index
      %get3A_2573 = arith.index_cast %get3A_2571 : i32 to index
      %get3A_2574 = arith.constant 48 : index
      %get3A_2575 = tpu.vector_load %arg6[%get3A_2572, %get3A_2573, %get3A_2574] {strides = array<i32>} : memref<2x128x128xf32, #tpu.memory_space<vmem>>, vector<1x1x16xf32>,
      %get3A_2576 = vector.shape_cast %get3A_2575 : vector<1x1x16xf32> to vector<16xf32>
      %get3A_2577 = arith.constant 1 : i32
      %get3A_2578 = arith.constant 96 : i32
      %get3A_2579 = arith.index_cast %get3A_2577 : i32 to index
      %get3A_2580 = arith.index_cast %get3A_2578 : i32 to index
      %get3A_2581 = arith.constant 64 : index
      %get3A_2582 = tpu.vector_load %arg6[%get3A_2579, %get3A_2580, %get3A_2581] {strides = array<i32>} : memref<2x128x128xf32, #tpu.memory_space<vmem>>, vector<1x1x16xf32>,
      %get3A_2583 = vector.shape_cast %get3A_2582 : vector<1x1x16xf32> to vector<16xf32>
      %get3A_2584 = arith.constant 1 : i32
      %get3A_2585 = arith.constant 96 : i32
      %get3A_2586 = arith.index_cast %get3A_2584 : i32 to index
      %get3A_2587 = arith.index_cast %get3A_2585 : i32 to index
      %get3A_2588 = arith.constant 80 : index
      %get3A_2589 = tpu.vector_load %arg6[%get3A_2586, %get3A_2587, %get3A_2588] {strides = array<i32>} : memref<2x128x128xf32, #tpu.memory_space<vmem>>, vector<1x1x16xf32>,
      %get3A_2590 = vector.shape_cast %get3A_2589 : vector<1x1x16xf32> to vector<16xf32>
      %get3A_2591 = arith.constant 1 : i32
      %get3A_2592 = arith.constant 96 : i32
      %get3A_2593 = arith.index_cast %get3A_2591 : i32 to index
      %get3A_2594 = arith.index_cast %get3A_2592 : i32 to index
      %get3A_2595 = arith.constant 96 : index
      %get3A_2596 = tpu.vector_load %arg6[%get3A_2593, %get3A_2594, %get3A_2595] {strides = array<i32>} : memref<2x128x128xf32, #tpu.memory_space<vmem>>, vector<1x1x16xf32>,
      %get3A_2597 = vector.shape_cast %get3A_2596 : vector<1x1x16xf32> to vector<16xf32>
      %get3A_2598 = arith.constant 1 : i32
      %get3A_2599 = arith.constant 96 : i32
      %get3A_2600 = arith.index_cast %get3A_2598 : i32 to index
      %get3A_2601 = arith.index_cast %get3A_2599 : i32 to index
      %get3A_2602 = arith.constant 112 : index
      %get3A_2603 = tpu.vector_load %arg6[%get3A_2600, %get3A_2601, %get3A_2602] {strides = array<i32>} : memref<2x128x128xf32, #tpu.memory_space<vmem>>, vector<1x1x16xf32>,
      %get3A_2604 = vector.shape_cast %get3A_2603 : vector<1x1x16xf32> to vector<16xf32>
      %scan3A_2605 = arith.constant 1 : i32
      %scan3A_2606 = arith.constant 28 : i32
      %scan3A_2607 = arith.addi %scan3A_2605, %scan3A_2606 : i32
      %scan3A_2608 = arith.constant 4 : i32
      %scan3A_2609:8 = scf.for %scan3A_2913 = %scan3A_2605 to %scan3A_2607 step %scan3A_2608 iter_args(%scan3A_2914 = %get3A_2555, %scan3A_2915 = %get3A_2562, %scan3A_2916 = %get3A_2569, %scan3A_2917 = %get3A_2576, %scan3A_2918 = %get3A_2583, %scan3A_2919 = %get3A_2590, %scan3A_2920 = %get3A_2597, %scan3A_2921 = %get3A_2604) -> (vector<16xf32>, vector<16xf32>, vector<16xf32>, vector<16xf32>, vector<16xf32>, vector<16xf32>, vector<16xf32>, vector<16xf32>)  : i32 {
        %add3A_2922 = arith.constant 96 : i32
        %add3A_2923 = arith.addi %add3A_2922, %scan3A_2913 : i32
        %get3A_2924 = arith.constant 1 : i32
        %get3A_2925 = arith.index_cast %get3A_2924 : i32 to index
        %get3A_2926 = arith.index_cast %add3A_2923 : i32 to index
        %get3A_2927 = arith.constant 0 : index
        %get3A_2928 = tpu.vector_load %arg6[%get3A_2925, %get3A_2926, %get3A_2927] {strides = array<i32>} : memref<2x128x128xf32, #tpu.memory_space<vmem>>, vector<1x1x16xf32>,
        %get3A_2929 = vector.shape_cast %get3A_2928 : vector<1x1x16xf32> to vector<16xf32>
        %max3A_2930 = arith.maximumf %scan3A_2914, %get3A_2929 : vector<16xf32>
        %add3A_2931 = arith.constant 96 : i32
        %add3A_2932 = arith.addi %add3A_2931, %scan3A_2913 : i32
        %get3A_2933 = arith.constant 1 : i32
        %get3A_2934 = arith.index_cast %get3A_2933 : i32 to index
        %get3A_2935 = arith.index_cast %add3A_2932 : i32 to index
        %get3A_2936 = arith.constant 16 : index
        %get3A_2937 = tpu.vector_load %arg6[%get3A_2934, %get3A_2935, %get3A_2936] {strides = array<i32>} : memref<2x128x128xf32, #tpu.memory_space<vmem>>, vector<1x1x16xf32>,
        %get3A_2938 = vector.shape_cast %get3A_2937 : vector<1x1x16xf32> to vector<16xf32>
        %max3A_2939 = arith.maximumf %scan3A_2915, %get3A_2938 : vector<16xf32>
        %add3A_2940 = arith.constant 96 : i32
        %add3A_2941 = arith.addi %add3A_2940, %scan3A_2913 : i32
        %get3A_2942 = arith.constant 1 : i32
        %get3A_2943 = arith.index_cast %get3A_2942 : i32 to index
        %get3A_2944 = arith.index_cast %add3A_2941 : i32 to index
        %get3A_2945 = arith.constant 32 : index
        %get3A_2946 = tpu.vector_load %arg6[%get3A_2943, %get3A_2944, %get3A_2945] {strides = array<i32>} : memref<2x128x128xf32, #tpu.memory_space<vmem>>, vector<1x1x16xf32>,
        %get3A_2947 = vector.shape_cast %get3A_2946 : vector<1x1x16xf32> to vector<16xf32>
        %max3A_2948 = arith.maximumf %scan3A_2916, %get3A_2947 : vector<16xf32>
        %add3A_2949 = arith.constant 96 : i32
        %add3A_2950 = arith.addi %add3A_2949, %scan3A_2913 : i32
        %get3A_2951 = arith.constant 1 : i32
        %get3A_2952 = arith.index_cast %get3A_2951 : i32 to index
        %get3A_2953 = arith.index_cast %add3A_2950 : i32 to index
        %get3A_2954 = arith.constant 48 : index
        %get3A_2955 = tpu.vector_load %arg6[%get3A_2952, %get3A_2953, %get3A_2954] {strides = array<i32>} : memref<2x128x128xf32, #tpu.memory_space<vmem>>, vector<1x1x16xf32>,
        %get3A_2956 = vector.shape_cast %get3A_2955 : vector<1x1x16xf32> to vector<16xf32>
        %max3A_2957 = arith.maximumf %scan3A_2917, %get3A_2956 : vector<16xf32>
        %add3A_2958 = arith.constant 96 : i32
        %add3A_2959 = arith.addi %add3A_2958, %scan3A_2913 : i32
        %get3A_2960 = arith.constant 1 : i32
        %get3A_2961 = arith.index_cast %get3A_2960 : i32 to index
        %get3A_2962 = arith.index_cast %add3A_2959 : i32 to index
        %get3A_2963 = arith.constant 64 : index
        %get3A_2964 = tpu.vector_load %arg6[%get3A_2961, %get3A_2962, %get3A_2963] {strides = array<i32>} : memref<2x128x128xf32, #tpu.memory_space<vmem>>, vector<1x1x16xf32>,
        %get3A_2965 = vector.shape_cast %get3A_2964 : vector<1x1x16xf32> to vector<16xf32>
        %max3A_2966 = arith.maximumf %scan3A_2918, %get3A_2965 : vector<16xf32>
        %add3A_2967 = arith.constant 96 : i32
        %add3A_2968 = arith.addi %add3A_2967, %scan3A_2913 : i32
        %get3A_2969 = arith.constant 1 : i32
        %get3A_2970 = arith.index_cast %get3A_2969 : i32 to index
        %get3A_2971 = arith.index_cast %add3A_2968 : i32 to index
        %get3A_2972 = arith.constant 80 : index
        %get3A_2973 = tpu.vector_load %arg6[%get3A_2970, %get3A_2971, %get3A_2972] {strides = array<i32>} : memref<2x128x128xf32, #tpu.memory_space<vmem>>, vector<1x1x16xf32>,
        %get3A_2974 = vector.shape_cast %get3A_2973 : vector<1x1x16xf32> to vector<16xf32>
        %max3A_2975 = arith.maximumf %scan3A_2919, %get3A_2974 : vector<16xf32>
        %add3A_2976 = arith.constant 96 : i32
        %add3A_2977 = arith.addi %add3A_2976, %scan3A_2913 : i32
        %get3A_2978 = arith.constant 1 : i32
        %get3A_2979 = arith.index_cast %get3A_2978 : i32 to index
        %get3A_2980 = arith.index_cast %add3A_2977 : i32 to index
        %get3A_2981 = arith.constant 96 : index
        %get3A_2982 = tpu.vector_load %arg6[%get3A_2979, %get3A_2980, %get3A_2981] {strides = array<i32>} : memref<2x128x128xf32, #tpu.memory_space<vmem>>, vector<1x1x16xf32>,
        %get3A_2983 = vector.shape_cast %get3A_2982 : vector<1x1x16xf32> to vector<16xf32>
        %max3A_2984 = arith.maximumf %scan3A_2920, %get3A_2983 : vector<16xf32>
        %add3A_2985 = arith.constant 96 : i32
        %add3A_2986 = arith.addi %add3A_2985, %scan3A_2913 : i32
        %get3A_2987 = arith.constant 1 : i32
        %get3A_2988 = arith.index_cast %get3A_2987 : i32 to index
        %get3A_2989 = arith.index_cast %add3A_2986 : i32 to index
        %get3A_2990 = arith.constant 112 : index
        %get3A_2991 = tpu.vector_load %arg6[%get3A_2988, %get3A_2989, %get3A_2990] {strides = array<i32>} : memref<2x128x128xf32, #tpu.memory_space<vmem>>, vector<1x1x16xf32>,
        %get3A_2992 = vector.shape_cast %get3A_2991 : vector<1x1x16xf32> to vector<16xf32>
        %max3A_2993 = arith.maximumf %scan3A_2921, %get3A_2992 : vector<16xf32>
        %scan3A_2994 = arith.constant 1 : i32
        %scan3A_2995 = arith.addi %scan3A_2913, %scan3A_2994 : i32
        %add3A_2996 = arith.constant 96 : i32
        %add3A_2997 = arith.addi %add3A_2996, %scan3A_2995 : i32
        %get3A_2998 = arith.constant 1 : i32
        %get3A_2999 = arith.index_cast %get3A_2998 : i32 to index
        %get3A_3000 = arith.index_cast %add3A_2997 : i32 to index
        %get3A_3001 = arith.constant 0 : index
        %get3A_3002 = tpu.vector_load %arg6[%get3A_2999, %get3A_3000, %get3A_3001] {strides = array<i32>} : memref<2x128x128xf32, #tpu.memory_space<vmem>>, vector<1x1x16xf32>,
        %get3A_3003 = vector.shape_cast %get3A_3002 : vector<1x1x16xf32> to vector<16xf32>
        %max3A_3004 = arith.maximumf %max3A_2930, %get3A_3003 : vector<16xf32>
        %add3A_3005 = arith.constant 96 : i32
        %add3A_3006 = arith.addi %add3A_3005, %scan3A_2995 : i32
        %get3A_3007 = arith.constant 1 : i32
        %get3A_3008 = arith.index_cast %get3A_3007 : i32 to index
        %get3A_3009 = arith.index_cast %add3A_3006 : i32 to index
        %get3A_3010 = arith.constant 16 : index
        %get3A_3011 = tpu.vector_load %arg6[%get3A_3008, %get3A_3009, %get3A_3010] {strides = array<i32>} : memref<2x128x128xf32, #tpu.memory_space<vmem>>, vector<1x1x16xf32>,
        %get3A_3012 = vector.shape_cast %get3A_3011 : vector<1x1x16xf32> to vector<16xf32>
        %max3A_3013 = arith.maximumf %max3A_2939, %get3A_3012 : vector<16xf32>
        %add3A_3014 = arith.constant 96 : i32
        %add3A_3015 = arith.addi %add3A_3014, %scan3A_2995 : i32
        %get3A_3016 = arith.constant 1 : i32
        %get3A_3017 = arith.index_cast %get3A_3016 : i32 to index
        %get3A_3018 = arith.index_cast %add3A_3015 : i32 to index
        %get3A_3019 = arith.constant 32 : index
        %get3A_3020 = tpu.vector_load %arg6[%get3A_3017, %get3A_3018, %get3A_3019] {strides = array<i32>} : memref<2x128x128xf32, #tpu.memory_space<vmem>>, vector<1x1x16xf32>,
        %get3A_3021 = vector.shape_cast %get3A_3020 : vector<1x1x16xf32> to vector<16xf32>
        %max3A_3022 = arith.maximumf %max3A_2948, %get3A_3021 : vector<16xf32>
        %add3A_3023 = arith.constant 96 : i32
        %add3A_3024 = arith.addi %add3A_3023, %scan3A_2995 : i32
        %get3A_3025 = arith.constant 1 : i32
        %get3A_3026 = arith.index_cast %get3A_3025 : i32 to index
        %get3A_3027 = arith.index_cast %add3A_3024 : i32 to index
        %get3A_3028 = arith.constant 48 : index
        %get3A_3029 = tpu.vector_load %arg6[%get3A_3026, %get3A_3027, %get3A_3028] {strides = array<i32>} : memref<2x128x128xf32, #tpu.memory_space<vmem>>, vector<1x1x16xf32>,
        %get3A_3030 = vector.shape_cast %get3A_3029 : vector<1x1x16xf32> to vector<16xf32>
        %max3A_3031 = arith.maximumf %max3A_2957, %get3A_3030 : vector<16xf32>
        %add3A_3032 = arith.constant 96 : i32
        %add3A_3033 = arith.addi %add3A_3032, %scan3A_2995 : i32
        %get3A_3034 = arith.constant 1 : i32
        %get3A_3035 = arith.index_cast %get3A_3034 : i32 to index
        %get3A_3036 = arith.index_cast %add3A_3033 : i32 to index
        %get3A_3037 = arith.constant 64 : index
        %get3A_3038 = tpu.vector_load %arg6[%get3A_3035, %get3A_3036, %get3A_3037] {strides = array<i32>} : memref<2x128x128xf32, #tpu.memory_space<vmem>>, vector<1x1x16xf32>,
        %get3A_3039 = vector.shape_cast %get3A_3038 : vector<1x1x16xf32> to vector<16xf32>
        %max3A_3040 = arith.maximumf %max3A_2966, %get3A_3039 : vector<16xf32>
        %add3A_3041 = arith.constant 96 : i32
        %add3A_3042 = arith.addi %add3A_3041, %scan3A_2995 : i32
        %get3A_3043 = arith.constant 1 : i32
        %get3A_3044 = arith.index_cast %get3A_3043 : i32 to index
        %get3A_3045 = arith.index_cast %add3A_3042 : i32 to index
        %get3A_3046 = arith.constant 80 : index
        %get3A_3047 = tpu.vector_load %arg6[%get3A_3044, %get3A_3045, %get3A_3046] {strides = array<i32>} : memref<2x128x128xf32, #tpu.memory_space<vmem>>, vector<1x1x16xf32>,
        %get3A_3048 = vector.shape_cast %get3A_3047 : vector<1x1x16xf32> to vector<16xf32>
        %max3A_3049 = arith.maximumf %max3A_2975, %get3A_3048 : vector<16xf32>
        %add3A_3050 = arith.constant 96 : i32
        %add3A_3051 = arith.addi %add3A_3050, %scan3A_2995 : i32
        %get3A_3052 = arith.constant 1 : i32
        %get3A_3053 = arith.index_cast %get3A_3052 : i32 to index
        %get3A_3054 = arith.index_cast %add3A_3051 : i32 to index
        %get3A_3055 = arith.constant 96 : index
        %get3A_3056 = tpu.vector_load %arg6[%get3A_3053, %get3A_3054, %get3A_3055] {strides = array<i32>} : memref<2x128x128xf32, #tpu.memory_space<vmem>>, vector<1x1x16xf32>,
        %get3A_3057 = vector.shape_cast %get3A_3056 : vector<1x1x16xf32> to vector<16xf32>
        %max3A_3058 = arith.maximumf %max3A_2984, %get3A_3057 : vector<16xf32>
        %add3A_3059 = arith.constant 96 : i32
        %add3A_3060 = arith.addi %add3A_3059, %scan3A_2995 : i32
        %get3A_3061 = arith.constant 1 : i32
        %get3A_3062 = arith.index_cast %get3A_3061 : i32 to index
        %get3A_3063 = arith.index_cast %add3A_3060 : i32 to index
        %get3A_3064 = arith.constant 112 : index
        %get3A_3065 = tpu.vector_load %arg6[%get3A_3062, %get3A_3063, %get3A_3064] {strides = array<i32>} : memref<2x128x128xf32, #tpu.memory_space<vmem>>, vector<1x1x16xf32>,
        %get3A_3066 = vector.shape_cast %get3A_3065 : vector<1x1x16xf32> to vector<16xf32>
        %max3A_3067 = arith.maximumf %max3A_2993, %get3A_3066 : vector<16xf32>
        %scan3A_3068 = arith.constant 2 : i32
        %scan3A_3069 = arith.addi %scan3A_2913, %scan3A_3068 : i32
        %add3A_3070 = arith.constant 96 : i32
        %add3A_3071 = arith.addi %add3A_3070, %scan3A_3069 : i32
        %get3A_3072 = arith.constant 1 : i32
        %get3A_3073 = arith.index_cast %get3A_3072 : i32 to index
        %get3A_3074 = arith.index_cast %add3A_3071 : i32 to index
        %get3A_3075 = arith.constant 0 : index
        %get3A_3076 = tpu.vector_load %arg6[%get3A_3073, %get3A_3074, %get3A_3075] {strides = array<i32>} : memref<2x128x128xf32, #tpu.memory_space<vmem>>, vector<1x1x16xf32>,
        %get3A_3077 = vector.shape_cast %get3A_3076 : vector<1x1x16xf32> to vector<16xf32>
        %max3A_3078 = arith.maximumf %max3A_3004, %get3A_3077 : vector<16xf32>
        %add3A_3079 = arith.constant 96 : i32
        %add3A_3080 = arith.addi %add3A_3079, %scan3A_3069 : i32
        %get3A_3081 = arith.constant 1 : i32
        %get3A_3082 = arith.index_cast %get3A_3081 : i32 to index
        %get3A_3083 = arith.index_cast %add3A_3080 : i32 to index
        %get3A_3084 = arith.constant 16 : index
        %get3A_3085 = tpu.vector_load %arg6[%get3A_3082, %get3A_3083, %get3A_3084] {strides = array<i32>} : memref<2x128x128xf32, #tpu.memory_space<vmem>>, vector<1x1x16xf32>,
        %get3A_3086 = vector.shape_cast %get3A_3085 : vector<1x1x16xf32> to vector<16xf32>
        %max3A_3087 = arith.maximumf %max3A_3013, %get3A_3086 : vector<16xf32>
        %add3A_3088 = arith.constant 96 : i32
        %add3A_3089 = arith.addi %add3A_3088, %scan3A_3069 : i32
        %get3A_3090 = arith.constant 1 : i32
        %get3A_3091 = arith.index_cast %get3A_3090 : i32 to index
        %get3A_3092 = arith.index_cast %add3A_3089 : i32 to index
        %get3A_3093 = arith.constant 32 : index
        %get3A_3094 = tpu.vector_load %arg6[%get3A_3091, %get3A_3092, %get3A_3093] {strides = array<i32>} : memref<2x128x128xf32, #tpu.memory_space<vmem>>, vector<1x1x16xf32>,
        %get3A_3095 = vector.shape_cast %get3A_3094 : vector<1x1x16xf32> to vector<16xf32>
        %max3A_3096 = arith.maximumf %max3A_3022, %get3A_3095 : vector<16xf32>
        %add3A_3097 = arith.constant 96 : i32
        %add3A_3098 = arith.addi %add3A_3097, %scan3A_3069 : i32
        %get3A_3099 = arith.constant 1 : i32
        %get3A_3100 = arith.index_cast %get3A_3099 : i32 to index
        %get3A_3101 = arith.index_cast %add3A_3098 : i32 to index
        %get3A_3102 = arith.constant 48 : index
        %get3A_3103 = tpu.vector_load %arg6[%get3A_3100, %get3A_3101, %get3A_3102] {strides = array<i32>} : memref<2x128x128xf32, #tpu.memory_space<vmem>>, vector<1x1x16xf32>,
        %get3A_3104 = vector.shape_cast %get3A_3103 : vector<1x1x16xf32> to vector<16xf32>
        %max3A_3105 = arith.maximumf %max3A_3031, %get3A_3104 : vector<16xf32>
        %add3A_3106 = arith.constant 96 : i32
        %add3A_3107 = arith.addi %add3A_3106, %scan3A_3069 : i32
        %get3A_3108 = arith.constant 1 : i32
        %get3A_3109 = arith.index_cast %get3A_3108 : i32 to index
        %get3A_3110 = arith.index_cast %add3A_3107 : i32 to index
        %get3A_3111 = arith.constant 64 : index
        %get3A_3112 = tpu.vector_load %arg6[%get3A_3109, %get3A_3110, %get3A_3111] {strides = array<i32>} : memref<2x128x128xf32, #tpu.memory_space<vmem>>, vector<1x1x16xf32>,
        %get3A_3113 = vector.shape_cast %get3A_3112 : vector<1x1x16xf32> to vector<16xf32>
        %max3A_3114 = arith.maximumf %max3A_3040, %get3A_3113 : vector<16xf32>
        %add3A_3115 = arith.constant 96 : i32
        %add3A_3116 = arith.addi %add3A_3115, %scan3A_3069 : i32
        %get3A_3117 = arith.constant 1 : i32
        %get3A_3118 = arith.index_cast %get3A_3117 : i32 to index
        %get3A_3119 = arith.index_cast %add3A_3116 : i32 to index
        %get3A_3120 = arith.constant 80 : index
        %get3A_3121 = tpu.vector_load %arg6[%get3A_3118, %get3A_3119, %get3A_3120] {strides = array<i32>} : memref<2x128x128xf32, #tpu.memory_space<vmem>>, vector<1x1x16xf32>,
        %get3A_3122 = vector.shape_cast %get3A_3121 : vector<1x1x16xf32> to vector<16xf32>
        %max3A_3123 = arith.maximumf %max3A_3049, %get3A_3122 : vector<16xf32>
        %add3A_3124 = arith.constant 96 : i32
        %add3A_3125 = arith.addi %add3A_3124, %scan3A_3069 : i32
        %get3A_3126 = arith.constant 1 : i32
        %get3A_3127 = arith.index_cast %get3A_3126 : i32 to index
        %get3A_3128 = arith.index_cast %add3A_3125 : i32 to index
        %get3A_3129 = arith.constant 96 : index
        %get3A_3130 = tpu.vector_load %arg6[%get3A_3127, %get3A_3128, %get3A_3129] {strides = array<i32>} : memref<2x128x128xf32, #tpu.memory_space<vmem>>, vector<1x1x16xf32>,
        %get3A_3131 = vector.shape_cast %get3A_3130 : vector<1x1x16xf32> to vector<16xf32>
        %max3A_3132 = arith.maximumf %max3A_3058, %get3A_3131 : vector<16xf32>
        %add3A_3133 = arith.constant 96 : i32
        %add3A_3134 = arith.addi %add3A_3133, %scan3A_3069 : i32
        %get3A_3135 = arith.constant 1 : i32
        %get3A_3136 = arith.index_cast %get3A_3135 : i32 to index
        %get3A_3137 = arith.index_cast %add3A_3134 : i32 to index
        %get3A_3138 = arith.constant 112 : index
        %get3A_3139 = tpu.vector_load %arg6[%get3A_3136, %get3A_3137, %get3A_3138] {strides = array<i32>} : memref<2x128x128xf32, #tpu.memory_space<vmem>>, vector<1x1x16xf32>,
        %get3A_3140 = vector.shape_cast %get3A_3139 : vector<1x1x16xf32> to vector<16xf32>
        %max3A_3141 = arith.maximumf %max3A_3067, %get3A_3140 : vector<16xf32>
        %scan3A_3142 = arith.constant 3 : i32
        %scan3A_3143 = arith.addi %scan3A_2913, %scan3A_3142 : i32
        %add3A_3144 = arith.constant 96 : i32
        %add3A_3145 = arith.addi %add3A_3144, %scan3A_3143 : i32
        %get3A_3146 = arith.constant 1 : i32
        %get3A_3147 = arith.index_cast %get3A_3146 : i32 to index
        %get3A_3148 = arith.index_cast %add3A_3145 : i32 to index
        %get3A_3149 = arith.constant 0 : index
        %get3A_3150 = tpu.vector_load %arg6[%get3A_3147, %get3A_3148, %get3A_3149] {strides = array<i32>} : memref<2x128x128xf32, #tpu.memory_space<vmem>>, vector<1x1x16xf32>,
        %get3A_3151 = vector.shape_cast %get3A_3150 : vector<1x1x16xf32> to vector<16xf32>
        %max3A_3152 = arith.maximumf %max3A_3078, %get3A_3151 : vector<16xf32>
        %add3A_3153 = arith.constant 96 : i32
        %add3A_3154 = arith.addi %add3A_3153, %scan3A_3143 : i32
        %get3A_3155 = arith.constant 1 : i32
        %get3A_3156 = arith.index_cast %get3A_3155 : i32 to index
        %get3A_3157 = arith.index_cast %add3A_3154 : i32 to index
        %get3A_3158 = arith.constant 16 : index
        %get3A_3159 = tpu.vector_load %arg6[%get3A_3156, %get3A_3157, %get3A_3158] {strides = array<i32>} : memref<2x128x128xf32, #tpu.memory_space<vmem>>, vector<1x1x16xf32>,
        %get3A_3160 = vector.shape_cast %get3A_3159 : vector<1x1x16xf32> to vector<16xf32>
        %max3A_3161 = arith.maximumf %max3A_3087, %get3A_3160 : vector<16xf32>
        %add3A_3162 = arith.constant 96 : i32
        %add3A_3163 = arith.addi %add3A_3162, %scan3A_3143 : i32
        %get3A_3164 = arith.constant 1 : i32
        %get3A_3165 = arith.index_cast %get3A_3164 : i32 to index
        %get3A_3166 = arith.index_cast %add3A_3163 : i32 to index
        %get3A_3167 = arith.constant 32 : index
        %get3A_3168 = tpu.vector_load %arg6[%get3A_3165, %get3A_3166, %get3A_3167] {strides = array<i32>} : memref<2x128x128xf32, #tpu.memory_space<vmem>>, vector<1x1x16xf32>,
        %get3A_3169 = vector.shape_cast %get3A_3168 : vector<1x1x16xf32> to vector<16xf32>
        %max3A_3170 = arith.maximumf %max3A_3096, %get3A_3169 : vector<16xf32>
        %add3A_3171 = arith.constant 96 : i32
        %add3A_3172 = arith.addi %add3A_3171, %scan3A_3143 : i32
        %get3A_3173 = arith.constant 1 : i32
        %get3A_3174 = arith.index_cast %get3A_3173 : i32 to index
        %get3A_3175 = arith.index_cast %add3A_3172 : i32 to index
        %get3A_3176 = arith.constant 48 : index
        %get3A_3177 = tpu.vector_load %arg6[%get3A_3174, %get3A_3175, %get3A_3176] {strides = array<i32>} : memref<2x128x128xf32, #tpu.memory_space<vmem>>, vector<1x1x16xf32>,
        %get3A_3178 = vector.shape_cast %get3A_3177 : vector<1x1x16xf32> to vector<16xf32>
        %max3A_3179 = arith.maximumf %max3A_3105, %get3A_3178 : vector<16xf32>
        %add3A_3180 = arith.constant 96 : i32
        %add3A_3181 = arith.addi %add3A_3180, %scan3A_3143 : i32
        %get3A_3182 = arith.constant 1 : i32
        %get3A_3183 = arith.index_cast %get3A_3182 : i32 to index
        %get3A_3184 = arith.index_cast %add3A_3181 : i32 to index
        %get3A_3185 = arith.constant 64 : index
        %get3A_3186 = tpu.vector_load %arg6[%get3A_3183, %get3A_3184, %get3A_3185] {strides = array<i32>} : memref<2x128x128xf32, #tpu.memory_space<vmem>>, vector<1x1x16xf32>,
        %get3A_3187 = vector.shape_cast %get3A_3186 : vector<1x1x16xf32> to vector<16xf32>
        %max3A_3188 = arith.maximumf %max3A_3114, %get3A_3187 : vector<16xf32>
        %add3A_3189 = arith.constant 96 : i32
        %add3A_3190 = arith.addi %add3A_3189, %scan3A_3143 : i32
        %get3A_3191 = arith.constant 1 : i32
        %get3A_3192 = arith.index_cast %get3A_3191 : i32 to index
        %get3A_3193 = arith.index_cast %add3A_3190 : i32 to index
        %get3A_3194 = arith.constant 80 : index
        %get3A_3195 = tpu.vector_load %arg6[%get3A_3192, %get3A_3193, %get3A_3194] {strides = array<i32>} : memref<2x128x128xf32, #tpu.memory_space<vmem>>, vector<1x1x16xf32>,
        %get3A_3196 = vector.shape_cast %get3A_3195 : vector<1x1x16xf32> to vector<16xf32>
        %max3A_3197 = arith.maximumf %max3A_3123, %get3A_3196 : vector<16xf32>
        %add3A_3198 = arith.constant 96 : i32
        %add3A_3199 = arith.addi %add3A_3198, %scan3A_3143 : i32
        %get3A_3200 = arith.constant 1 : i32
        %get3A_3201 = arith.index_cast %get3A_3200 : i32 to index
        %get3A_3202 = arith.index_cast %add3A_3199 : i32 to index
        %get3A_3203 = arith.constant 96 : index
        %get3A_3204 = tpu.vector_load %arg6[%get3A_3201, %get3A_3202, %get3A_3203] {strides = array<i32>} : memref<2x128x128xf32, #tpu.memory_space<vmem>>, vector<1x1x16xf32>,
        %get3A_3205 = vector.shape_cast %get3A_3204 : vector<1x1x16xf32> to vector<16xf32>
        %max3A_3206 = arith.maximumf %max3A_3132, %get3A_3205 : vector<16xf32>
        %add3A_3207 = arith.constant 96 : i32
        %add3A_3208 = arith.addi %add3A_3207, %scan3A_3143 : i32
        %get3A_3209 = arith.constant 1 : i32
        %get3A_3210 = arith.index_cast %get3A_3209 : i32 to index
        %get3A_3211 = arith.index_cast %add3A_3208 : i32 to index
        %get3A_3212 = arith.constant 112 : index
        %get3A_3213 = tpu.vector_load %arg6[%get3A_3210, %get3A_3211, %get3A_3212] {strides = array<i32>} : memref<2x128x128xf32, #tpu.memory_space<vmem>>, vector<1x1x16xf32>,
        %get3A_3214 = vector.shape_cast %get3A_3213 : vector<1x1x16xf32> to vector<16xf32>
        %max3A_3215 = arith.maximumf %max3A_3141, %get3A_3214 : vector<16xf32>
        scf.yield %max3A_3152, %max3A_3161, %max3A_3170, %max3A_3179, %max3A_3188, %max3A_3197, %max3A_3206, %max3A_3215 : vector<16xf32>, vector<16xf32>, vector<16xf32>, vector<16xf32>, vector<16xf32>, vector<16xf32>, vector<16xf32>, vector<16xf32>
      }
      %scan3A_2610 = arith.constant 28 : i32
      %scan3A_2611 = arith.addi %scan3A_2605, %scan3A_2610 : i32
      %add3A_2612 = arith.constant 96 : i32
      %add3A_2613 = arith.addi %add3A_2612, %scan3A_2611 : i32
      %get3A_2614 = arith.constant 1 : i32
      %get3A_2615 = arith.index_cast %get3A_2614 : i32 to index
      %get3A_2616 = arith.index_cast %add3A_2613 : i32 to index
      %get3A_2617 = arith.constant 0 : index
      %get3A_2618 = tpu.vector_load %arg6[%get3A_2615, %get3A_2616, %get3A_2617] {strides = array<i32>} : memref<2x128x128xf32, #tpu.memory_space<vmem>>, vector<1x1x16xf32>,
      %get3A_2619 = vector.shape_cast %get3A_2618 : vector<1x1x16xf32> to vector<16xf32>
      %max3A_2620 = arith.maximumf %scan3A_2609#0, %get3A_2619 : vector<16xf32>
      %add3A_2621 = arith.constant 96 : i32
      %add3A_2622 = arith.addi %add3A_2621, %scan3A_2611 : i32
      %get3A_2623 = arith.constant 1 : i32
      %get3A_2624 = arith.index_cast %get3A_2623 : i32 to index
      %get3A_2625 = arith.index_cast %add3A_2622 : i32 to index
      %get3A_2626 = arith.constant 16 : index
      %get3A_2627 = tpu.vector_load %arg6[%get3A_2624, %get3A_2625, %get3A_2626] {strides = array<i32>} : memref<2x128x128xf32, #tpu.memory_space<vmem>>, vector<1x1x16xf32>,
      %get3A_2628 = vector.shape_cast %get3A_2627 : vector<1x1x16xf32> to vector<16xf32>
      %max3A_2629 = arith.maximumf %scan3A_2609#1, %get3A_2628 : vector<16xf32>
      %add3A_2630 = arith.constant 96 : i32
      %add3A_2631 = arith.addi %add3A_2630, %scan3A_2611 : i32
      %get3A_2632 = arith.constant 1 : i32
      %get3A_2633 = arith.index_cast %get3A_2632 : i32 to index
      %get3A_2634 = arith.index_cast %add3A_2631 : i32 to index
      %get3A_2635 = arith.constant 32 : index
      %get3A_2636 = tpu.vector_load %arg6[%get3A_2633, %get3A_2634, %get3A_2635] {strides = array<i32>} : memref<2x128x128xf32, #tpu.memory_space<vmem>>, vector<1x1x16xf32>,
      %get3A_2637 = vector.shape_cast %get3A_2636 : vector<1x1x16xf32> to vector<16xf32>
      %max3A_2638 = arith.maximumf %scan3A_2609#2, %get3A_2637 : vector<16xf32>
      %add3A_2639 = arith.constant 96 : i32
      %add3A_2640 = arith.addi %add3A_2639, %scan3A_2611 : i32
      %get3A_2641 = arith.constant 1 : i32
      %get3A_2642 = arith.index_cast %get3A_2641 : i32 to index
      %get3A_2643 = arith.index_cast %add3A_2640 : i32 to index
      %get3A_2644 = arith.constant 48 : index
      %get3A_2645 = tpu.vector_load %arg6[%get3A_2642, %get3A_2643, %get3A_2644] {strides = array<i32>} : memref<2x128x128xf32, #tpu.memory_space<vmem>>, vector<1x1x16xf32>,
      %get3A_2646 = vector.shape_cast %get3A_2645 : vector<1x1x16xf32> to vector<16xf32>
      %max3A_2647 = arith.maximumf %scan3A_2609#3, %get3A_2646 : vector<16xf32>
      %add3A_2648 = arith.constant 96 : i32
      %add3A_2649 = arith.addi %add3A_2648, %scan3A_2611 : i32
      %get3A_2650 = arith.constant 1 : i32
      %get3A_2651 = arith.index_cast %get3A_2650 : i32 to index
      %get3A_2652 = arith.index_cast %add3A_2649 : i32 to index
      %get3A_2653 = arith.constant 64 : index
      %get3A_2654 = tpu.vector_load %arg6[%get3A_2651, %get3A_2652, %get3A_2653] {strides = array<i32>} : memref<2x128x128xf32, #tpu.memory_space<vmem>>, vector<1x1x16xf32>,
      %get3A_2655 = vector.shape_cast %get3A_2654 : vector<1x1x16xf32> to vector<16xf32>
      %max3A_2656 = arith.maximumf %scan3A_2609#4, %get3A_2655 : vector<16xf32>
      %add3A_2657 = arith.constant 96 : i32
      %add3A_2658 = arith.addi %add3A_2657, %scan3A_2611 : i32
      %get3A_2659 = arith.constant 1 : i32
      %get3A_2660 = arith.index_cast %get3A_2659 : i32 to index
      %get3A_2661 = arith.index_cast %add3A_2658 : i32 to index
      %get3A_2662 = arith.constant 80 : index
      %get3A_2663 = tpu.vector_load %arg6[%get3A_2660, %get3A_2661, %get3A_2662] {strides = array<i32>} : memref<2x128x128xf32, #tpu.memory_space<vmem>>, vector<1x1x16xf32>,
      %get3A_2664 = vector.shape_cast %get3A_2663 : vector<1x1x16xf32> to vector<16xf32>
      %max3A_2665 = arith.maximumf %scan3A_2609#5, %get3A_2664 : vector<16xf32>
      %add3A_2666 = arith.constant 96 : i32
      %add3A_2667 = arith.addi %add3A_2666, %scan3A_2611 : i32
      %get3A_2668 = arith.constant 1 : i32
      %get3A_2669 = arith.index_cast %get3A_2668 : i32 to index
      %get3A_2670 = arith.index_cast %add3A_2667 : i32 to index
      %get3A_2671 = arith.constant 96 : index
      %get3A_2672 = tpu.vector_load %arg6[%get3A_2669, %get3A_2670, %get3A_2671] {strides = array<i32>} : memref<2x128x128xf32, #tpu.memory_space<vmem>>, vector<1x1x16xf32>,
      %get3A_2673 = vector.shape_cast %get3A_2672 : vector<1x1x16xf32> to vector<16xf32>
      %max3A_2674 = arith.maximumf %scan3A_2609#6, %get3A_2673 : vector<16xf32>
      %add3A_2675 = arith.constant 96 : i32
      %add3A_2676 = arith.addi %add3A_2675, %scan3A_2611 : i32
      %get3A_2677 = arith.constant 1 : i32
      %get3A_2678 = arith.index_cast %get3A_2677 : i32 to index
      %get3A_2679 = arith.index_cast %add3A_2676 : i32 to index
      %get3A_2680 = arith.constant 112 : index
      %get3A_2681 = tpu.vector_load %arg6[%get3A_2678, %get3A_2679, %get3A_2680] {strides = array<i32>} : memref<2x128x128xf32, #tpu.memory_space<vmem>>, vector<1x1x16xf32>,
      %get3A_2682 = vector.shape_cast %get3A_2681 : vector<1x1x16xf32> to vector<16xf32>
      %max3A_2683 = arith.maximumf %scan3A_2609#7, %get3A_2682 : vector<16xf32>
      %scan3A_2684 = arith.constant 29 : i32
      %scan3A_2685 = arith.addi %scan3A_2605, %scan3A_2684 : i32
      %add3A_2686 = arith.constant 96 : i32
      %add3A_2687 = arith.addi %add3A_2686, %scan3A_2685 : i32
      %get3A_2688 = arith.constant 1 : i32
      %get3A_2689 = arith.index_cast %get3A_2688 : i32 to index
      %get3A_2690 = arith.index_cast %add3A_2687 : i32 to index
      %get3A_2691 = arith.constant 0 : index
      %get3A_2692 = tpu.vector_load %arg6[%get3A_2689, %get3A_2690, %get3A_2691] {strides = array<i32>} : memref<2x128x128xf32, #tpu.memory_space<vmem>>, vector<1x1x16xf32>,
      %get3A_2693 = vector.shape_cast %get3A_2692 : vector<1x1x16xf32> to vector<16xf32>
      %max3A_2694 = arith.maximumf %max3A_2620, %get3A_2693 : vector<16xf32>
      %add3A_2695 = arith.constant 96 : i32
      %add3A_2696 = arith.addi %add3A_2695, %scan3A_2685 : i32
      %get3A_2697 = arith.constant 1 : i32
      %get3A_2698 = arith.index_cast %get3A_2697 : i32 to index
      %get3A_2699 = arith.index_cast %add3A_2696 : i32 to index
      %get3A_2700 = arith.constant 16 : index
      %get3A_2701 = tpu.vector_load %arg6[%get3A_2698, %get3A_2699, %get3A_2700] {strides = array<i32>} : memref<2x128x128xf32, #tpu.memory_space<vmem>>, vector<1x1x16xf32>,
      %get3A_2702 = vector.shape_cast %get3A_2701 : vector<1x1x16xf32> to vector<16xf32>
      %max3A_2703 = arith.maximumf %max3A_2629, %get3A_2702 : vector<16xf32>
      %add3A_2704 = arith.constant 96 : i32
      %add3A_2705 = arith.addi %add3A_2704, %scan3A_2685 : i32
      %get3A_2706 = arith.constant 1 : i32
      %get3A_2707 = arith.index_cast %get3A_2706 : i32 to index
      %get3A_2708 = arith.index_cast %add3A_2705 : i32 to index
      %get3A_2709 = arith.constant 32 : index
      %get3A_2710 = tpu.vector_load %arg6[%get3A_2707, %get3A_2708, %get3A_2709] {strides = array<i32>} : memref<2x128x128xf32, #tpu.memory_space<vmem>>, vector<1x1x16xf32>,
      %get3A_2711 = vector.shape_cast %get3A_2710 : vector<1x1x16xf32> to vector<16xf32>
      %max3A_2712 = arith.maximumf %max3A_2638, %get3A_2711 : vector<16xf32>
      %add3A_2713 = arith.constant 96 : i32
      %add3A_2714 = arith.addi %add3A_2713, %scan3A_2685 : i32
      %get3A_2715 = arith.constant 1 : i32
      %get3A_2716 = arith.index_cast %get3A_2715 : i32 to index
      %get3A_2717 = arith.index_cast %add3A_2714 : i32 to index
      %get3A_2718 = arith.constant 48 : index
      %get3A_2719 = tpu.vector_load %arg6[%get3A_2716, %get3A_2717, %get3A_2718] {strides = array<i32>} : memref<2x128x128xf32, #tpu.memory_space<vmem>>, vector<1x1x16xf32>,
      %get3A_2720 = vector.shape_cast %get3A_2719 : vector<1x1x16xf32> to vector<16xf32>
      %max3A_2721 = arith.maximumf %max3A_2647, %get3A_2720 : vector<16xf32>
      %add3A_2722 = arith.constant 96 : i32
      %add3A_2723 = arith.addi %add3A_2722, %scan3A_2685 : i32
      %get3A_2724 = arith.constant 1 : i32
      %get3A_2725 = arith.index_cast %get3A_2724 : i32 to index
      %get3A_2726 = arith.index_cast %add3A_2723 : i32 to index
      %get3A_2727 = arith.constant 64 : index
      %get3A_2728 = tpu.vector_load %arg6[%get3A_2725, %get3A_2726, %get3A_2727] {strides = array<i32>} : memref<2x128x128xf32, #tpu.memory_space<vmem>>, vector<1x1x16xf32>,
      %get3A_2729 = vector.shape_cast %get3A_2728 : vector<1x1x16xf32> to vector<16xf32>
      %max3A_2730 = arith.maximumf %max3A_2656, %get3A_2729 : vector<16xf32>
      %add3A_2731 = arith.constant 96 : i32
      %add3A_2732 = arith.addi %add3A_2731, %scan3A_2685 : i32
      %get3A_2733 = arith.constant 1 : i32
      %get3A_2734 = arith.index_cast %get3A_2733 : i32 to index
      %get3A_2735 = arith.index_cast %add3A_2732 : i32 to index
      %get3A_2736 = arith.constant 80 : index
      %get3A_2737 = tpu.vector_load %arg6[%get3A_2734, %get3A_2735, %get3A_2736] {strides = array<i32>} : memref<2x128x128xf32, #tpu.memory_space<vmem>>, vector<1x1x16xf32>,
      %get3A_2738 = vector.shape_cast %get3A_2737 : vector<1x1x16xf32> to vector<16xf32>
      %max3A_2739 = arith.maximumf %max3A_2665, %get3A_2738 : vector<16xf32>
      %add3A_2740 = arith.constant 96 : i32
      %add3A_2741 = arith.addi %add3A_2740, %scan3A_2685 : i32
      %get3A_2742 = arith.constant 1 : i32
      %get3A_2743 = arith.index_cast %get3A_2742 : i32 to index
      %get3A_2744 = arith.index_cast %add3A_2741 : i32 to index
      %get3A_2745 = arith.constant 96 : index
      %get3A_2746 = tpu.vector_load %arg6[%get3A_2743, %get3A_2744, %get3A_2745] {strides = array<i32>} : memref<2x128x128xf32, #tpu.memory_space<vmem>>, vector<1x1x16xf32>,
      %get3A_2747 = vector.shape_cast %get3A_2746 : vector<1x1x16xf32> to vector<16xf32>
      %max3A_2748 = arith.maximumf %max3A_2674, %get3A_2747 : vector<16xf32>
      %add3A_2749 = arith.constant 96 : i32
      %add3A_2750 = arith.addi %add3A_2749, %scan3A_2685 : i32
      %get3A_2751 = arith.constant 1 : i32
      %get3A_2752 = arith.index_cast %get3A_2751 : i32 to index
      %get3A_2753 = arith.index_cast %add3A_2750 : i32 to index
      %get3A_2754 = arith.constant 112 : index
      %get3A_2755 = tpu.vector_load %arg6[%get3A_2752, %get3A_2753, %get3A_2754] {strides = array<i32>} : memref<2x128x128xf32, #tpu.memory_space<vmem>>, vector<1x1x16xf32>,
      %get3A_2756 = vector.shape_cast %get3A_2755 : vector<1x1x16xf32> to vector<16xf32>
      %max3A_2757 = arith.maximumf %max3A_2683, %get3A_2756 : vector<16xf32>
      %scan3A_2758 = arith.constant 30 : i32
      %scan3A_2759 = arith.addi %scan3A_2605, %scan3A_2758 : i32
      %add3A_2760 = arith.constant 96 : i32
      %add3A_2761 = arith.addi %add3A_2760, %scan3A_2759 : i32
      %get3A_2762 = arith.constant 1 : i32
      %get3A_2763 = arith.index_cast %get3A_2762 : i32 to index
      %get3A_2764 = arith.index_cast %add3A_2761 : i32 to index
      %get3A_2765 = arith.constant 0 : index
      %get3A_2766 = tpu.vector_load %arg6[%get3A_2763, %get3A_2764, %get3A_2765] {strides = array<i32>} : memref<2x128x128xf32, #tpu.memory_space<vmem>>, vector<1x1x16xf32>,
      %get3A_2767 = vector.shape_cast %get3A_2766 : vector<1x1x16xf32> to vector<16xf32>
      %max3A_2768 = arith.maximumf %max3A_2694, %get3A_2767 : vector<16xf32>
      %add3A_2769 = arith.constant 96 : i32
      %add3A_2770 = arith.addi %add3A_2769, %scan3A_2759 : i32
      %get3A_2771 = arith.constant 1 : i32
      %get3A_2772 = arith.index_cast %get3A_2771 : i32 to index
      %get3A_2773 = arith.index_cast %add3A_2770 : i32 to index
      %get3A_2774 = arith.constant 16 : index
      %get3A_2775 = tpu.vector_load %arg6[%get3A_2772, %get3A_2773, %get3A_2774] {strides = array<i32>} : memref<2x128x128xf32, #tpu.memory_space<vmem>>, vector<1x1x16xf32>,
      %get3A_2776 = vector.shape_cast %get3A_2775 : vector<1x1x16xf32> to vector<16xf32>
      %max3A_2777 = arith.maximumf %max3A_2703, %get3A_2776 : vector<16xf32>
      %add3A_2778 = arith.constant 96 : i32
      %add3A_2779 = arith.addi %add3A_2778, %scan3A_2759 : i32
      %get3A_2780 = arith.constant 1 : i32
      %get3A_2781 = arith.index_cast %get3A_2780 : i32 to index
      %get3A_2782 = arith.index_cast %add3A_2779 : i32 to index
      %get3A_2783 = arith.constant 32 : index
      %get3A_2784 = tpu.vector_load %arg6[%get3A_2781, %get3A_2782, %get3A_2783] {strides = array<i32>} : memref<2x128x128xf32, #tpu.memory_space<vmem>>, vector<1x1x16xf32>,
      %get3A_2785 = vector.shape_cast %get3A_2784 : vector<1x1x16xf32> to vector<16xf32>
      %max3A_2786 = arith.maximumf %max3A_2712, %get3A_2785 : vector<16xf32>
      %add3A_2787 = arith.constant 96 : i32
      %add3A_2788 = arith.addi %add3A_2787, %scan3A_2759 : i32
      %get3A_2789 = arith.constant 1 : i32
      %get3A_2790 = arith.index_cast %get3A_2789 : i32 to index
      %get3A_2791 = arith.index_cast %add3A_2788 : i32 to index
      %get3A_2792 = arith.constant 48 : index
      %get3A_2793 = tpu.vector_load %arg6[%get3A_2790, %get3A_2791, %get3A_2792] {strides = array<i32>} : memref<2x128x128xf32, #tpu.memory_space<vmem>>, vector<1x1x16xf32>,
      %get3A_2794 = vector.shape_cast %get3A_2793 : vector<1x1x16xf32> to vector<16xf32>
      %max3A_2795 = arith.maximumf %max3A_2721, %get3A_2794 : vector<16xf32>
      %add3A_2796 = arith.constant 96 : i32
      %add3A_2797 = arith.addi %add3A_2796, %scan3A_2759 : i32
      %get3A_2798 = arith.constant 1 : i32
      %get3A_2799 = arith.index_cast %get3A_2798 : i32 to index
      %get3A_2800 = arith.index_cast %add3A_2797 : i32 to index
      %get3A_2801 = arith.constant 64 : index
      %get3A_2802 = tpu.vector_load %arg6[%get3A_2799, %get3A_2800, %get3A_2801] {strides = array<i32>} : memref<2x128x128xf32, #tpu.memory_space<vmem>>, vector<1x1x16xf32>,
      %get3A_2803 = vector.shape_cast %get3A_2802 : vector<1x1x16xf32> to vector<16xf32>
      %max3A_2804 = arith.maximumf %max3A_2730, %get3A_2803 : vector<16xf32>
      %add3A_2805 = arith.constant 96 : i32
      %add3A_2806 = arith.addi %add3A_2805, %scan3A_2759 : i32
      %get3A_2807 = arith.constant 1 : i32
      %get3A_2808 = arith.index_cast %get3A_2807 : i32 to index
      %get3A_2809 = arith.index_cast %add3A_2806 : i32 to index
      %get3A_2810 = arith.constant 80 : index
      %get3A_2811 = tpu.vector_load %arg6[%get3A_2808, %get3A_2809, %get3A_2810] {strides = array<i32>} : memref<2x128x128xf32, #tpu.memory_space<vmem>>, vector<1x1x16xf32>,
      %get3A_2812 = vector.shape_cast %get3A_2811 : vector<1x1x16xf32> to vector<16xf32>
      %max3A_2813 = arith.maximumf %max3A_2739, %get3A_2812 : vector<16xf32>
      %add3A_2814 = arith.constant 96 : i32
      %add3A_2815 = arith.addi %add3A_2814, %scan3A_2759 : i32
      %get3A_2816 = arith.constant 1 : i32
      %get3A_2817 = arith.index_cast %get3A_2816 : i32 to index
      %get3A_2818 = arith.index_cast %add3A_2815 : i32 to index
      %get3A_2819 = arith.constant 96 : index
      %get3A_2820 = tpu.vector_load %arg6[%get3A_2817, %get3A_2818, %get3A_2819] {strides = array<i32>} : memref<2x128x128xf32, #tpu.memory_space<vmem>>, vector<1x1x16xf32>,
      %get3A_2821 = vector.shape_cast %get3A_2820 : vector<1x1x16xf32> to vector<16xf32>
      %max3A_2822 = arith.maximumf %max3A_2748, %get3A_2821 : vector<16xf32>
      %add3A_2823 = arith.constant 96 : i32
      %add3A_2824 = arith.addi %add3A_2823, %scan3A_2759 : i32
      %get3A_2825 = arith.constant 1 : i32
      %get3A_2826 = arith.index_cast %get3A_2825 : i32 to index
      %get3A_2827 = arith.index_cast %add3A_2824 : i32 to index
      %get3A_2828 = arith.constant 112 : index
      %get3A_2829 = tpu.vector_load %arg6[%get3A_2826, %get3A_2827, %get3A_2828] {strides = array<i32>} : memref<2x128x128xf32, #tpu.memory_space<vmem>>, vector<1x1x16xf32>,
      %get3A_2830 = vector.shape_cast %get3A_2829 : vector<1x1x16xf32> to vector<16xf32>
      %max3A_2831 = arith.maximumf %max3A_2757, %get3A_2830 : vector<16xf32>
      %scan3A_2832 = arith.constant 31 : i32
      %swap3A_2833 = arith.constant 1 : i32
      %swap3A_2834 = arith.constant 3 : i32
      %swap3A_2835 = arith.index_cast %swap3A_2833 : i32 to index
      %swap3A_2836 = arith.index_cast %swap3A_2834 : i32 to index
      %swap3A_2837 = arith.constant 0 : index
      %swap3A_2838 = tpu.vector_load %arg7[%swap3A_2835, %swap3A_2836, %swap3A_2837] {strides = array<i32>} : memref<2x4x128xf32, #tpu.memory_space<vmem>>, vector<1x1x16xf32>,
      %swap3A_2839 = vector.shape_cast %swap3A_2838 : vector<1x1x16xf32> to vector<16xf32>
      %swap3A_2840 = vector.shape_cast %max3A_2768 : vector<16xf32> to vector<1x1x16xf32>
      tpu.vector_store %arg7[%swap3A_2835, %swap3A_2836, %swap3A_2837], %swap3A_2840 {strides = array<i32>} : memref<2x4x128xf32, #tpu.memory_space<vmem>>, vector<1x1x16xf32>,
      %swap3A_2841 = arith.constant 1 : i32
      %swap3A_2842 = arith.constant 3 : i32
      %swap3A_2843 = arith.index_cast %swap3A_2841 : i32 to index
      %swap3A_2844 = arith.index_cast %swap3A_2842 : i32 to index
      %swap3A_2845 = arith.constant 16 : index
      %swap3A_2846 = tpu.vector_load %arg7[%swap3A_2843, %swap3A_2844, %swap3A_2845] {strides = array<i32>} : memref<2x4x128xf32, #tpu.memory_space<vmem>>, vector<1x1x16xf32>,
      %swap3A_2847 = vector.shape_cast %swap3A_2846 : vector<1x1x16xf32> to vector<16xf32>
      %swap3A_2848 = vector.shape_cast %max3A_2777 : vector<16xf32> to vector<1x1x16xf32>
      tpu.vector_store %arg7[%swap3A_2843, %swap3A_2844, %swap3A_2845], %swap3A_2848 {strides = array<i32>} : memref<2x4x128xf32, #tpu.memory_space<vmem>>, vector<1x1x16xf32>,
      %swap3A_2849 = arith.constant 1 : i32
      %swap3A_2850 = arith.constant 3 : i32
      %swap3A_2851 = arith.index_cast %swap3A_2849 : i32 to index
      %swap3A_2852 = arith.index_cast %swap3A_2850 : i32 to index
      %swap3A_2853 = arith.constant 32 : index
      %swap3A_2854 = tpu.vector_load %arg7[%swap3A_2851, %swap3A_2852, %swap3A_2853] {strides = array<i32>} : memref<2x4x128xf32, #tpu.memory_space<vmem>>, vector<1x1x16xf32>,
      %swap3A_2855 = vector.shape_cast %swap3A_2854 : vector<1x1x16xf32> to vector<16xf32>
      %swap3A_2856 = vector.shape_cast %max3A_2786 : vector<16xf32> to vector<1x1x16xf32>
      tpu.vector_store %arg7[%swap3A_2851, %swap3A_2852, %swap3A_2853], %swap3A_2856 {strides = array<i32>} : memref<2x4x128xf32, #tpu.memory_space<vmem>>, vector<1x1x16xf32>,
      %swap3A_2857 = arith.constant 1 : i32
      %swap3A_2858 = arith.constant 3 : i32
      %swap3A_2859 = arith.index_cast %swap3A_2857 : i32 to index
      %swap3A_2860 = arith.index_cast %swap3A_2858 : i32 to index
      %swap3A_2861 = arith.constant 48 : index
      %swap3A_2862 = tpu.vector_load %arg7[%swap3A_2859, %swap3A_2860, %swap3A_2861] {strides = array<i32>} : memref<2x4x128xf32, #tpu.memory_space<vmem>>, vector<1x1x16xf32>,
      %swap3A_2863 = vector.shape_cast %swap3A_2862 : vector<1x1x16xf32> to vector<16xf32>
      %swap3A_2864 = vector.shape_cast %max3A_2795 : vector<16xf32> to vector<1x1x16xf32>
      tpu.vector_store %arg7[%swap3A_2859, %swap3A_2860, %swap3A_2861], %swap3A_2864 {strides = array<i32>} : memref<2x4x128xf32, #tpu.memory_space<vmem>>, vector<1x1x16xf32>,
      %swap3A_2865 = arith.constant 1 : i32
      %swap3A_2866 = arith.constant 3 : i32
      %swap3A_2867 = arith.index_cast %swap3A_2865 : i32 to index
      %swap3A_2868 = arith.index_cast %swap3A_2866 : i32 to index
      %swap3A_2869 = arith.constant 64 : index
      %swap3A_2870 = tpu.vector_load %arg7[%swap3A_2867, %swap3A_2868, %swap3A_2869] {strides = array<i32>} : memref<2x4x128xf32, #tpu.memory_space<vmem>>, vector<1x1x16xf32>,
      %swap3A_2871 = vector.shape_cast %swap3A_2870 : vector<1x1x16xf32> to vector<16xf32>
      %swap3A_2872 = vector.shape_cast %max3A_2804 : vector<16xf32> to vector<1x1x16xf32>
      tpu.vector_store %arg7[%swap3A_2867, %swap3A_2868, %swap3A_2869], %swap3A_2872 {strides = array<i32>} : memref<2x4x128xf32, #tpu.memory_space<vmem>>, vector<1x1x16xf32>,
      %swap3A_2873 = arith.constant 1 : i32
      %swap3A_2874 = arith.constant 3 : i32
      %swap3A_2875 = arith.index_cast %swap3A_2873 : i32 to index
      %swap3A_2876 = arith.index_cast %swap3A_2874 : i32 to index
      %swap3A_2877 = arith.constant 80 : index
      %swap3A_2878 = tpu.vector_load %arg7[%swap3A_2875, %swap3A_2876, %swap3A_2877] {strides = array<i32>} : memref<2x4x128xf32, #tpu.memory_space<vmem>>, vector<1x1x16xf32>,
      %swap3A_2879 = vector.shape_cast %swap3A_2878 : vector<1x1x16xf32> to vector<16xf32>
      %swap3A_2880 = vector.shape_cast %max3A_2813 : vector<16xf32> to vector<1x1x16xf32>
      tpu.vector_store %arg7[%swap3A_2875, %swap3A_2876, %swap3A_2877], %swap3A_2880 {strides = array<i32>} : memref<2x4x128xf32, #tpu.memory_space<vmem>>, vector<1x1x16xf32>,
      %swap3A_2881 = arith.constant 1 : i32
      %swap3A_2882 = arith.constant 3 : i32
      %swap3A_2883 = arith.index_cast %swap3A_2881 : i32 to index
      %swap3A_2884 = arith.index_cast %swap3A_2882 : i32 to index
      %swap3A_2885 = arith.constant 96 : index
      %swap3A_2886 = tpu.vector_load %arg7[%swap3A_2883, %swap3A_2884, %swap3A_2885] {strides = array<i32>} : memref<2x4x128xf32, #tpu.memory_space<vmem>>, vector<1x1x16xf32>,
      %swap3A_2887 = vector.shape_cast %swap3A_2886 : vector<1x1x16xf32> to vector<16xf32>
      %swap3A_2888 = vector.shape_cast %max3A_2822 : vector<16xf32> to vector<1x1x16xf32>
      tpu.vector_store %arg7[%swap3A_2883, %swap3A_2884, %swap3A_2885], %swap3A_2888 {strides = array<i32>} : memref<2x4x128xf32, #tpu.memory_space<vmem>>, vector<1x1x16xf32>,
      %swap3A_2889 = arith.constant 1 : i32
      %swap3A_2890 = arith.constant 3 : i32
      %swap3A_2891 = arith.index_cast %swap3A_2889 : i32 to index
      %swap3A_2892 = arith.index_cast %swap3A_2890 : i32 to index
      %swap3A_2893 = arith.constant 112 : index
      %swap3A_2894 = tpu.vector_load %arg7[%swap3A_2891, %swap3A_2892, %swap3A_2893] {strides = array<i32>} : memref<2x4x128xf32, #tpu.memory_space<vmem>>, vector<1x1x16xf32>,
      %swap3A_2895 = vector.shape_cast %swap3A_2894 : vector<1x1x16xf32> to vector<16xf32>
      %swap3A_2896 = vector.shape_cast %max3A_2831 : vector<16xf32> to vector<1x1x16xf32>
      tpu.vector_store %arg7[%swap3A_2891, %swap3A_2892, %swap3A_2893], %swap3A_2896 {strides = array<i32>} : memref<2x4x128xf32, #tpu.memory_space<vmem>>, vector<1x1x16xf32>,
      %add3A_2897 = arith.addi %mul3A_2, %add3A_1480 : i32
      %mul3A_2898 = arith.constant 4 : i32
      %mul3A_2899 = arith.muli %add3A_2897, %mul3A_2898 : i32
      %dma_start3A_2900 = arith.constant 1 : i32
      %dma_start3A_2901 = arith.constant 0 : i32
      %dma_start3A_2902 = arith.constant 0 : i32
      %dma_start3A_2903 = tpu.memref_slice %arg7[%dma_start3A_2900, %dma_start3A_2901, %dma_start3A_2902] : memref<2x4x128xf32, #tpu.memory_space<vmem>> -> memref<1x4x128xf32, #tpu.memory_space<vmem>>
      %dma_start3A_2904 = tpu.memref_squeeze %dma_start3A_2903 : memref<1x4x128xf32, #tpu.memory_space<vmem>> -> memref<4x128xf32, #tpu.memory_space<vmem>>
      %dma_start3A_2905 = arith.constant 0 : i32
      %dma_start3A_2906 = tpu.memref_slice %arg4[%mul3A_2899, %dma_start3A_2905] : memref<10240x128xf32, #tpu.memory_space<hbm>> -> memref<4x128xf32, #tpu.memory_space<hbm>>
      %dma_start3A_2907 = arith.constant 0 : i32
      %dma_start3A_2908 = tpu.memref_slice %arg4[%mul3A_2899, %dma_start3A_2907] : memref<10240x128xf32, #tpu.memory_space<hbm>> -> memref<4x128xf32, #tpu.memory_space<hbm>>
      %dma_start3A_2909 = arith.constant 0 : i32
      %dma_start3A_2910 = arith.constant 0 : i32
      %dma_start3A_2911 = tpu.memref_slice %arg7[%dma_start3A_2900, %dma_start3A_2909, %dma_start3A_2910] : memref<2x4x128xf32, #tpu.memory_space<vmem>> -> memref<1x4x128xf32, #tpu.memory_space<vmem>>
      %dma_start3A_2912 = tpu.memref_squeeze %dma_start3A_2911 : memref<1x4x128xf32, #tpu.memory_space<vmem>> -> memref<4x128xf32, #tpu.memory_space<vmem>>
      tpu.enqueue_dma source(%dma_start3A_2912 : memref<4x128xf32, #tpu.memory_space<vmem>>) target(%dma_start3A_2908 : memref<4x128xf32, #tpu.memory_space<hbm>>) target_semaphore(%arg11 : memref<!tpu.dma_semaphore, #tpu.memory_space<semaphore_mem>>)
    }
    %scan3A_17 = arith.constant 40 : i32
    %dma_wait3A = arith.constant 0 : i32
    %dma_wait3A_18 = arith.constant 0 : i32
    %dma_wait3A_19 = arith.constant 0 : i32
    %dma_wait3A_20 = tpu.memref_slice %arg7[%dma_wait3A, %dma_wait3A_18, %dma_wait3A_19] : memref<2x4x128xf32, #tpu.memory_space<vmem>> -> memref<1x4x128xf32, #tpu.memory_space<vmem>>
    %dma_wait3A_21 = tpu.memref_squeeze %dma_wait3A_20 : memref<1x4x128xf32, #tpu.memory_space<vmem>> -> memref<4x128xf32, #tpu.memory_space<vmem>>
    %dma_wait3A_22 = arith.constant 0 : i32
    %dma_wait3A_23 = arith.constant 0 : i32
    %dma_wait3A_24 = tpu.memref_slice %arg4[%dma_wait3A_22, %dma_wait3A_23] : memref<10240x128xf32, #tpu.memory_space<hbm>> -> memref<4x128xf32, #tpu.memory_space<hbm>>
    %dma_wait3A_25 = arith.constant 0 : i32
    %dma_wait3A_26 = arith.constant 0 : i32
    %dma_wait3A_27 = tpu.memref_slice %arg4[%dma_wait3A_25, %dma_wait3A_26] : memref<10240x128xf32, #tpu.memory_space<hbm>> -> memref<4x128xf32, #tpu.memory_space<hbm>>
    %dma_wait3A_28 = arith.constant 0 : i32
    %dma_wait3A_29 = arith.constant 0 : i32
    %dma_wait3A_30 = tpu.memref_slice %arg7[%dma_wait3A, %dma_wait3A_28, %dma_wait3A_29] : memref<2x4x128xf32, #tpu.memory_space<vmem>> -> memref<1x4x128xf32, #tpu.memory_space<vmem>>
    %dma_wait3A_31 = tpu.memref_squeeze %dma_wait3A_30 : memref<1x4x128xf32, #tpu.memory_space<vmem>> -> memref<4x128xf32, #tpu.memory_space<vmem>>
    tpu.wait_dma2 semaphore(%arg10 : memref<!tpu.dma_semaphore, #tpu.memory_space<semaphore_mem>>) src(%dma_wait3A_31 : memref<4x128xf32, #tpu.memory_space<vmem>>) dst(%dma_wait3A_27 : memref<4x128xf32, #tpu.memory_space<hbm>>)
    %dma_wait3A_32 = arith.constant 1 : i32
    %dma_wait3A_33 = arith.constant 0 : i32
    %dma_wait3A_34 = arith.constant 0 : i32
    %dma_wait3A_35 = tpu.memref_slice %arg7[%dma_wait3A_32, %dma_wait3A_33, %dma_wait3A_34] : memref<2x4x128xf32, #tpu.memory_space<vmem>> -> memref<1x4x128xf32, #tpu.memory_space<vmem>>
    %dma_wait3A_36 = tpu.memref_squeeze %dma_wait3A_35 : memref<1x4x128xf32, #tpu.memory_space<vmem>> -> memref<4x128xf32, #tpu.memory_space<vmem>>
    %dma_wait3A_37 = arith.constant 0 : i32
    %dma_wait3A_38 = arith.constant 0 : i32
    %dma_wait3A_39 = tpu.memref_slice %arg4[%dma_wait3A_37, %dma_wait3A_38] : memref<10240x128xf32, #tpu.memory_space<hbm>> -> memref<4x128xf32, #tpu.memory_space<hbm>>
    %dma_wait3A_40 = arith.constant 0 : i32
    %dma_wait3A_41 = arith.constant 0 : i32
    %dma_wait3A_42 = tpu.memref_slice %arg4[%dma_wait3A_40, %dma_wait3A_41] : memref<10240x128xf32, #tpu.memory_space<hbm>> -> memref<4x128xf32, #tpu.memory_space<hbm>>
    %dma_wait3A_43 = arith.constant 0 : i32
    %dma_wait3A_44 = arith.constant 0 : i32
    %dma_wait3A_45 = tpu.memref_slice %arg7[%dma_wait3A_32, %dma_wait3A_43, %dma_wait3A_44] : memref<2x4x128xf32, #tpu.memory_space<vmem>> -> memref<1x4x128xf32, #tpu.memory_space<vmem>>
    %dma_wait3A_46 = tpu.memref_squeeze %dma_wait3A_45 : memref<1x4x128xf32, #tpu.memory_space<vmem>> -> memref<4x128xf32, #tpu.memory_space<vmem>>
    tpu.wait_dma2 semaphore(%arg11 : memref<!tpu.dma_semaphore, #tpu.memory_space<semaphore_mem>>) src(%dma_wait3A_46 : memref<4x128xf32, #tpu.memory_space<vmem>>) dst(%dma_wait3A_42 : memref<4x128xf32, #tpu.memory_space<hbm>>)
    return
  }
}

</mosaic_0001>

<sc_bundles>
// kernel: kernel.3.cloned.1.call-start
scs
__scs_entry_jumppad:
0x0: {  	(pc) =	sbr.rel $0x88, $3  }
0x1: {  	(tag) =	ssettag $0x0;
	lr =	simm.s32 $0x1  }
0x2: {  	[smem:$0x3F9F] =	sst lr;
	_ =	strace $0xD0000000  }
0x3: {  	_ = 	snop  }
0x4: {  	_ = 	snop  }
0x5: {  	_ = 	snop  }
0x6: {  	_ = 	snop  }
0x7: {  	_ = 	snop  }
__scs_overlays_trampoline_lowered:
0x8: {  	[smem:$0x3FAE] =	sst s0  }
0x9: {  	[smem:$0x3FAF] =	sst s1  }
0xa: {  	[smem:$0x3FB0] =	sst s2  }
0xb: {  	[smem:$0x3FB1] =	sst s3  }
0xc: {  	[smem:$0x3FB2] =	sst s4  }
0xd: {  	[smem:$0x3FB3] =	sst s5  }
0xe: {  	[smem:$0x3FB4] =	sst s6  }
0xf: {  	[smem:$0x3FB5] =	sst s7  }
0x10: {  	[smem:$0x3FB6] =	sst s8  }
0x11: {  	[smem:$0x3FB7] =	sst s9;
	s0 =	simm.s32 @!p0 $0x0  }
0x12: {  	s1 =	sld [smem:$0x3F9D];
	s0 =	simm.s32 @p0 $0x1  }
0x13: {  	[smem:$0x3FB8] =	sst s0;
	s0 =	simm.s32 @!p1 $0x0  }
0x14: {  	s2 =	sld [smem:$0x3F9C];
	s0 =	simm.s32 @p1 $0x1  }
0x15: {  	[smem:$0x3FB9] =	sst s0;
	s0 =	simm.s32 @!p2 $0x0  }
0x16: {  	s3 =	sld [smem:$0x3FDB];
	s0 =	simm.s32 @p2 $0x1  }
0x17: {  	s4 =	simm.s32 $0x1BF5;
	[smem:$0x3FBB] =	sst s0  }
0x18: {  	s0 =	sld [smem:$0x3F9E];
	_ =	swait.ge [sflag:s4], $0x0  }
0x19: {  	s7 =	sld [smem:$0x3F9F]  }
0x1a: {  	s8 =	sadd.s32 $0xFFFFE003, lr  }
0x1b: {  	s9 =	sadd.s32 $0xFFFFFEF7, lr;
	s5 =	simm.s32 $0xFFFFFFFF;
	p2 =	slt.u32 s8, $0xFFFFF086  }
0x1c: {  	p1 =	slt.u32 s9, $0xF7A;
	s5 =	simm.s32 @!p2 $0x0  }
0x1d: {  	s5 =	simm.s32 @p1 $0x1;
	p0 =	seq.s32 s7, s2  }
0x1e: {  	s7 =	smul.u32 @!p0 $0xF7A, s2;
	p2 =	seq.s32 @!p0 s5, $0x0  }
0x1f: {  	s9 =	smul.u32 $0xF7A, s1;
	s8 =	simm.s32 @!p0 $0x1BF5;
	p2 =	por !p2, p0  }
0x20: {  	[sflag:s8] =	ssyncset.s32 @!p0 $0xFFFFF086;
	s6 =	sadd.s32 @!p0 s3, s7;
	s7 =	simm.s32 @!p0 $0x108  }
0x21: {  	s3 =	sadd.s32 s3, s9;
	s6 =	sadd.s32 @!p0 $0x88, s6;
	s7 =	simm.s32 @p2 $0x1082  }
0x22: {  	[simem:s7], [sflag:s8] =	dma.local @!p0 [hbm:s6], $0xF7A  }
0x23: {  	s9 =	sor.u32 $0xD0000000, s2;
	s6 =	simm.s32 $0x108;
	_ =	swait.ge @!p0 [sflag:s8], $0x0  }
0x24: {  	s3 =	sadd.s32 $0x88, s3;
	s6 =	simm.s32 @!p1 $0x1082;
	[sflag:s4] =	ssyncset.s32 $0xFFFFF086  }
0x25: {  	[simem:s6], [sflag:s4] =	dma.local [hbm:s3], $0xF7A  }
0x26: {  	[smem:$0x3F9F] =	sst s1;
	(tag) =	ssettag s2;
	_ =	strace s9  }
0x27: {  	s1 =	sld [smem:$0x3FAF]  }
0x28: {  	s2 =	sld [smem:$0x3FB0]  }
0x29: {  	s4 =	sld [smem:$0x3FB2]  }
0x2a: {  	p0 =	seq.s32 s5, $0x0;
	s5 =	sld [smem:$0x3FB3]  }
0x2b: {  	s6 =	sld [smem:$0x3FB4]  }
0x2c: {  	s7 =	sld [smem:$0x3FB5]  }
0x2d: {  	s3 =	simm.s32 $0x108;
	s8 =	sld [smem:$0x3FB6]  }
0x2e: {  	s3 =	simm.s32 @!p0 $0x1082;
	s9 =	sld [smem:$0x3FB7]  }
0x2f: {  	lr =	sadd.s32 s0, s3;
	s0 =	sld [smem:$0x3FAE]  }
0x30: {  	s3 =	sld [smem:$0x3FB1]  }
0x31: {  	[smem:$0x3FBA] =	sst s10  }
0x32: {  	s10 =	sld [smem:$0x3FB8];
	_ =	sdelay $0x3  }
0x33: {  	p0 =	seq.s32 s10, $0x1;
	s10 =	sld [smem:$0x3FBA];
	_ =	sdelay $0x3  }
0x34: {  	[smem:$0x3FBA] =	sst s10  }
0x35: {  	s10 =	sld [smem:$0x3FB9];
	_ =	sdelay $0x3  }
0x36: {  	p1 =	seq.s32 s10, $0x1;
	s10 =	sld [smem:$0x3FBA];
	_ =	sdelay $0x3  }
0x37: {  	[smem:$0x3FBA] =	sst s10  }
0x38: {  	s10 =	sld [smem:$0x3FBB]  }
0x39: {  	_ = 	snop;
	(pc) =	sbr.ind lr, $3  }
0x3a: {  	_ = 	snop  }
0x3b: {  	_ = 	snop  }
0x3c: {  	p2 =	seq.s32 s10, $0x1;
	s10 =	sld [smem:$0x3FBA]  }
0x3d: {  	_ =	shalt  }
0x3e: {  	_ =	shalt  }
0x3f: {  	_ =	shalt  }
0x40: {  	_ =	shalt  }
0x41: {  	_ =	shalt  }
0x42: {  	_ =	shalt  }
0x43: {  	_ =	shalt  }
0x44: {  	_ =	shalt  }
0x45: {  	_ =	shalt  }
0x46: {  	_ =	shalt  }
0x47: {  	_ =	shalt  }
0x48: {  	_ =	shalt  }
0x49: {  	_ =	shalt  }
0x4a: {  	_ =	shalt  }
0x4b: {  	_ =	shalt  }
0x4c: {  	_ =	shalt  }
0x4d: {  	_ =	shalt  }
0x4e: {  	_ =	shalt  }
0x4f: {  	_ =	shalt  }
0x50: {  	_ =	shalt  }
0x51: {  	_ =	shalt  }
0x52: {  	_ =	shalt  }
0x53: {  	_ =	shalt  }
0x54: {  	_ =	shalt  }
0x55: {  	_ =	shalt  }
0x56: {  	_ =	shalt  }
0x57: {  	_ =	shalt  }
0x58: {  	_ =	shalt  }
0x59: {  	_ =	shalt  }
0x5a: {  	_ =	shalt  }
0x5b: {  	_ =	shalt  }
0x5c: {  	_ =	shalt  }
0x5d: {  	_ =	shalt  }
0x5e: {  	_ =	shalt  }
0x5f: {  	_ =	shalt  }
0x60: {  	_ =	shalt  }
0x61: {  	_ =	shalt  }
0x62: {  	_ =	shalt  }
0x63: {  	_ =	shalt  }
0x64: {  	_ =	shalt  }
0x65: {  	_ =	shalt  }
0x66: {  	_ =	shalt  }
0x67: {  	_ =	shalt  }
0x68: {  	_ =	shalt  }
0x69: {  	_ =	shalt  }
0x6a: {  	_ =	shalt  }
0x6b: {  	_ =	shalt  }
0x6c: {  	_ =	shalt  }
0x6d: {  	_ =	shalt  }
0x6e: {  	_ =	shalt  }
0x6f: {  	_ =	shalt  }
0x70: {  	_ =	shalt  }
0x71: {  	_ =	shalt  }
0x72: {  	_ =	shalt  }
0x73: {  	_ =	shalt  }
0x74: {  	_ =	shalt  }
0x75: {  	_ =	shalt  }
0x76: {  	_ =	shalt  }
0x77: {  	_ =	shalt  }
0x78: {  	_ =	shalt  }
0x79: {  	_ =	shalt  }
0x7a: {  	_ =	shalt  }
0x7b: {  	_ =	shalt  }
0x7c: {  	_ =	shalt  }
0x7d: {  	_ =	shalt  }
0x7e: {  	_ =	shalt  }
0x7f: {  	_ =	shalt  }
0x80: {  	_ =	shalt  }
0x81: {  	_ =	shalt  }
0x82: {  	_ =	shalt  }
0x83: {  	_ =	shalt  }
0x84: {  	_ =	shalt  }
0x85: {  	_ =	shalt  }
0x86: {  	_ =	shalt  }
0x87: {  	_ =	shalt  }
.Lfunc_end0:
.L_simem_size_0:
called_computation_lowered:
.L_overlay_start_0:
0x88: {  	s2 =	sld [smem:$0x3FD9]  }
0x89: {  	s3 =	sld [smem:$0x3FFE];
	_ =	sdelay $0x1  }
0x8a: {  	s1 =	srdreg.scid  }
0x8b: {  	s0 =	sand.u32 $0x1, s1  }
0x8c: {  	s17 =	sshll.u32 s0, $0xA;
	s2 =	sadd.s32 s3, s2  }
0x8d: {  	s2 =	sadd.s32 s2, s17  }
0x8e: {  	[smem:$0x3FC6] =	sst s2  }
0x8f: {  	_ = 	snop  }
0x90: {  	s2 =	sld [smem:$0x3FC9]  }
0x91: {  	s18 =	sld [smem:$0x3FD0];
	(tm) =	ssettm $0x1  }
0x92: {  	s4 =	sld [smem:$0x3FFB];
	_ =	sdelay $0x3  }
0x93: {  	_ =	strace s4  }
0x94: {  	s4 =	sld [smem:$0x3FFC];
	_ =	sdelay $0x3  }
0x95: {  	_ =	strace s4  }
0x96: {  	s4 =	sld [smem:$0x3FFD];
	_ =	sdelay $0x3  }
0x97: {  	_ =	strace s4  }
0x98: {  	_ =	strace $0x8FFFFFFF  }
0x99: {  	s19 =	sld [smem:$0x3FDB];
	_ =	sdelay $0x1  }
0x9a: {  	s5 =	simm.s32 $_scs_section_size  }
0x9b: {  	s6 =	simm.s32 $_size__tile_overlayer_lowered;
	s7 =	simm.s32 $_tile_overlayer_lowered  }
0x9c: {  	s22 =	simm.s32 $0x1BFF;
	s21 =	sshll.u32 s7, $0x1;
	s4 =	sadd.s32 s5, s19  }
0x9d: {  	s8 =	simm.s32 $0x0;
	s20 =	sshll.u32 s6, $0x1;
	s6 =	sadd.s32 s21, s4  }
0x9e: {  	[timem:s8], [sflag:s22] =	dma.local [hbm:s6], s20  }
0x9f: {  	_ =	swait.ge [sflag:s22], s20  }
0xa0: {  	s5 =	ssub.s32 $0x0, s20;
	[sflag:s22] =	ssyncset.done $0x0  }
0xa1: {  	[sflag:s22] =	ssyncadd.s32 s5;
	_ =	sdelay $0x1  }
0xa2: {  	s23 =	simm.s32 $0x1B8B  }
0xa3: {  	_ =	swait.ge [sflag:s23], $0x1  }
0xa4: {  	[sflag:s23] =	ssyncset.done $0x0  }
0xa5: {  	s25 =	simm.s32 $0x1B8E;
	s24 =	sld [smem:$0x3FFE];
	[sflag:s23] =	ssyncadd.s32 $0xFFFFFFFF  }
0xa6: {  	s26 =	simm.s32 $execute0_lowered;
	[smem:$0x3FD2] =	sst s25  }
0xa7: {  	s6 =	sshll.u32 s26, $0x1;
	_ =	strace $0x80000046;
	[dreg:$0x1] =	wrdreg $0xFFFFFFFF  }
0xa8: {  	s28 =	simm.s32 $_size_execute0_lowered;
	s4 =	sadd.s32 s4, s6;
	[dreg:$0x0] =	wrdreg $0x0  }
0xa9: {  	s6 =	sshll.u32 s28, $0x1;
	[dreg:$0x2] =	wrdreg s4  }
0xaa: {  	[dreg:$0x3] =	wrdreg s6  }
0xab: {  	[dreg:$0x4] =	wrdreg $0xC0  }
0xac: {  	_ =	task [dreg:s8], $0x5FFFF  }
0xad: {  	[dreg:$0x1] =	wrdreg $0xFFFFFFFF  }
0xae: {  	[dreg:$0x0] =	wrdreg $0x60  }
0xaf: {  	[dreg:$0x2] =	wrdreg s2  }
0xb0: {  	[dreg:$0x3] =	wrdreg s18  }
0xb1: {  	[dreg:$0x4] =	wrdreg s24  }
0xb2: {  	[dreg:$0x5] =	wrdreg $0x9  }
0xb3: {  	_ =	task.clear_ibuf [dreg:s8], $0x6FFFF;
	_ =	strace $0x90000046  }
0xb4: {  	s29 =	simm.s32 $0x9;
	_ =	strace $0x80000048  }
0xb5: {  	_ =	swait.ge [sflag:s29], $0x1  }
0xb6: {  	[sflag:s29] =	ssyncadd.s32 $0xFFFFFFFF  }
0xb7: {  	_ =	strace $0x90000048  }
0xb8: {  	_ =	sfence  }
0xb9: {  	s30 =	sld [smem:$0x0];
	_ =	sdelay $0x2  }
0xba: {  	s31 =	sshll.u32 s1, $0xD;
	s1 =	sshrl.u32 s1, $0x2  }
0xbb: {  	s3 =	sand.u32 $0x4000, s31;
	s1 =	sadd.s32 s1, s30  }
0xbc: {  	s0 =	sor.u32 s3, s0;
	s1 =	sshll.u32 s1, $0x11  }
0xbd: {  	s0 =	sor.u32 s1, s0  }
0xbe: {  	s0 =	sadd.s32 $0x8F2B, s0  }
0xbf: {  	[sflag:s0] =	ssyncadd.remote.s32 $0x1  }
0xc0: {  	_ =	sfence.sel $0xFFFF  }
0xc1: {  	[dreg:$0x0] =	wrdreg $0xFFFFFFFF;
	(pc) =	sbr.abs _section_cstart, $3  }
0xc2: {  	[dreg:$0x1] =	wrdreg $0xFFFFFFFF  }
0xc3: {  	_ =	task.clear_ibuf [dreg:s8], $0x2FFFF;
	_ =	strace $0x9FFFFFFF  }
0xc4: {  	(tm) =	ssettm $0x7FFFFFFF  }
0xc5: {  	_ =	shalt  }
tec
execute0_lowered:
.L_overlay_start_1:
0x0: {  	(tag) =	ssettag $0x1  }
0x1: {  	s1 =	rddreg [dreg:$0x0]  }
0x2: {  	s6 =	rddreg [dreg:$0x1]  }
0x3: {  	s2 =	srdreg.scid;
	s0 =	stileid.u32  }
0x4: {  	s4 =	rddreg [dreg:$0x2];
	s3 =	simm.s32 $0x0;
	s10 =	simm.s32 $0x2800  }
0x5: {  	s11 =	simm.s32 $0x6800;
	s12 =	simm.s32 $0x1;
	s13 =	simm.s32 $0xA800  }
0x6: {  	s14 =	simm.s32 $0x2;
	s15 =	simm.s32 $0x4;
	s16 =	simm.s32 $0xAA00  }
0x7: {  	s17 =	simm.s32 $0x3;
	s5 =	sand.u32 $0x1, s2;
	s7 =	sshll.u32 s0, $0x1  }
0x8: {  	s18 =	simm.s32 $0x0;
	s2 =	rddreg [dreg:$0x3];
	s7 =	sor.u32 s5, s7  }
0x9: {  	[smem:$0x7FF] =	sst s3;
	s5 =	ssub.s32 $0x2, s5;
	s8 =	smul.u32 $0x500, s7  }
0xa: {  	s4 =	sadd.s32 $0x400, s4;
	_ =	strace $0x80000047;
	s9 =	sshrl.u32 s5, $0x1  }
0xb: {  	s9 =	ssub.s32 s5, s9;
	s5 =	smul.u32 $0x50, s7;
	s6 =	sadd.s32 s6, s8  }
0xc: {  	s7 =	smax.u32 s9, $0x1;
	s8 =	simm.s32 $0x5;
	s9 =	simm.s32 $0x80  }
.LBB2_1:
0xd: {  	[tilespmem:s3], [sflag:$0x5] =	stream.linear.gather [hbm4b:s6+s3], $0x2800, $0x38;
	[tilespmem:$0xAC00] =	vst v63  }
0xe: {  	_ =	swait.ge [sflag:s8], $0x2800  }
0xf: {  	[sflag:s8] =	ssyncset.done $0x0  }
0x10: {  	s19 =	simm.s32 $0x0;
	[sflag:s8] =	ssyncadd.s32 $0xFFFFD800  }
0x11: {  	[tilespmem:s10], [sflag:$0x1] =	stream.indirect.gather [hbm4b:s1+s9], $0x80, s3, s9, $0xb8;
	[tilespmem:$0xAC00] =	vst v63  }
.LBB2_2:
0x12: {  	s20 =	sshllo.u32 s19, $0x1  }
0x13: {  	s21 =	sshll.u32 s20, $0x7  }
0x14: {  	s21 =	sand.u32 $0x3FFFFF80, s21  }
0x15: {  	[tilespmem:s11], [sflag:$0x2] =	stream.indirect.gather [hbm4b:s1+s9], $0x80, s21, s9, $0xb8;
	[tilespmem:$0xAC00] =	vst v63  }
0x16: {  	_ =	swait.ge [sflag:s12], $0x4000  }
0x17: {  	p0 =	seq.s32 s19, $0x0;
	[sflag:s12] =	ssyncset.done $0x0  }
0x18: {  	s21 =	simm.s32 @!p0 $0x3;
	[sflag:s12] =	ssyncadd.s32 $0xFFFFC000  }
0x19: {  	_ =	swait.ge @!p0 [sflag:s21], $0x200  }
0x1a: {  	[sflag:s21] =	ssyncset.done @!p0 $0x0  }
0x1b: {  	[sflag:s21] =	ssyncadd.s32 @!p0 $0xFFFFFE00  }
0x1c: {  	v10 =	vld [tilespmem:$0x2800]  }
0x1d: {  	v11 =	vld [tilespmem:$0x2810]  }
0x1e: {  	v17 =	vld [tilespmem:$0x2820]  }
0x1f: {  	v18 =	vld [tilespmem:$0x2830]  }
0x20: {  	v19 =	vld [tilespmem:$0x2840]  }
0x21: {  	v2 =	vld [tilespmem:$0x2850]  }
0x22: {  	v3 =	vld [tilespmem:$0x2860]  }
0x23: {  	s23 =	simm.s32 $0x2940;
	v4 =	vld [tilespmem:$0x2870]  }
0x24: {  	v20 =	vld [tilespmem:s23+$0xC0]  }
0x25: {  	v21 =	vld [tilespmem:s23+$0xD0]  }
0x26: {  	v5 =	vld [tilespmem:s23+$0xE0]  }
0x27: {  	v6 =	vld [tilespmem:s23+$0xF0]  }
0x28: {  	v7 =	vld [tilespmem:s23+$0x100]  }
0x29: {  	v0 =	vld [tilespmem:s23+$0x110]  }
0x2a: {  	v1 =	vld [tilespmem:s23+$0x120]  }
0x2b: {  	v16 =	vld [tilespmem:s23+$0x40]  }
0x2c: {  	v22 =	vld [tilespmem:s23+$0x50]  }
0x2d: {  	v23 =	vld [tilespmem:s23+$0x60]  }
0x2e: {  	v24 =	vld [tilespmem:s23+$0x70]  }
0x2f: {  	v25 =	vld [tilespmem:s23+$0x80]  }
0x30: {  	v8 =	vld [tilespmem:s23+$0x90]  }
0x31: {  	v9 =	vld [tilespmem:s23+$0xA0]  }
0x32: {  	v15 =	vld [tilespmem:s23+$0xFFFFFFC0]  }
0x33: {  	v26 =	vld [tilespmem:s23+$0xFFFFFFD0]  }
0x34: {  	v27 =	vld [tilespmem:s23+$0xFFFFFFE0]  }
0x35: {  	v28 =	vld [tilespmem:s23+$0xFFFFFFF0]  }
0x36: {  	v29 =	vld [tilespmem:s23+$0x0]  }
0x37: {  	v13 =	vld [tilespmem:s23+$0xFFFFFF40]  }
0x38: {  	v14 =	vld [tilespmem:s23+$0xFFFFFF50]  }
0x39: {  	v31 =	vld [tilespmem:s23+$0xFFFFFF70]  }
0x3a: {  	v32 =	vld [tilespmem:s23+$0xFFFFFF80]  }
0x3b: {  	v12 =	vld [tilespmem:s23+$0x10]  }
0x3c: {  	v30 =	vld [tilespmem:s23+$0xFFFFFF60]  }
0x3d: {  	v10 =	vmax.f32 v10, v13;
	v13 =	vld [tilespmem:s23+$0x20]  }
0x3e: {  	v11 =	vmax.f32 v11, v14;
	v14 =	vld [tilespmem:s23+$0xFFFFFF90]  }
0x3f: {  	v18 =	vmax.f32 v18, v31;
	v19 =	vmax.f32 v19, v32;
	v10 =	vmax.f32 v10, v15;
	v15 =	vld [tilespmem:s23+$0xFFFFFFA0]  }
0x40: {  	v11 =	vmax.f32 v11, v26;
	v19 =	vmax.f32 v19, v29;
	v10 =	vmax.f32 v10, v16;
	v16 =	vld [tilespmem:s23+$0xFFFFFFB0]  }
0x41: {  	v22 =	vmax.f32 v11, v22;
	v11 =	vmax.f32 v10, v20;
	v20 =	vmax.f32 v17, v30;
	v17 =	vld [tilespmem:s23+$0x30]  }
0x42: {  	v10 =	vmax.f32 v22, v21;
	v21 =	vmax.f32 v18, v28;
	v18 =	vld [tilespmem:s23+$0xB0];
	v20 =	vmax.f32 v20, v27  }
0x43: {  	s22 =	simm.s32 $0x1;
	s21 =	sshll.u32 s19, $0x1;
	v22 =	vmax.f32 v19, v25;
	v19 =	vld [tilespmem:s23+$0x130];
	s23 =	simm.s32 $0x2B40;
	v21 =	vmax.f32 v21, v24;
	v20 =	vmax.f32 v20, v23  }
.LBB2_3:
0x44: {  	v23 =	vld [tilespmem:s23+$0xC0];
	v20 =	vmax.f32 v20, v5;
	v21 =	vmax.f32 v21, v6;
	v22 =	vmax.f32 v22, v7  }
0x45: {  	v2 =	vmax.f32 v2, v14;
	v3 =	vmax.f32 v3, v15;
	v24 =	vld [tilespmem:s23+$0xD0];
	v4 =	vmax.f32 v4, v16  }
0x46: {  	v2 =	vmax.f32 v2, v12;
	v3 =	vmax.f32 v3, v13;
	v5 =	vld [tilespmem:s23+$0xE0];
	v4 =	vmax.f32 v4, v17  }
0x47: {  	v2 =	vmax.f32 v2, v8;
	v3 =	vmax.f32 v3, v9;
	v6 =	vld [tilespmem:s23+$0xF0];
	v4 =	vmax.f32 v4, v18  }
0x48: {  	v2 =	vmax.f32 v2, v0;
	v3 =	vmax.f32 v3, v1;
	v7 =	vld [tilespmem:s23+$0x100];
	v4 =	vmax.f32 v4, v19  }
0x49: {  	v0 =	vld [tilespmem:s23+$0x110]  }
0x4a: {  	v1 =	vld [tilespmem:s23+$0x120]  }
0x4b: {  	v16 =	vld [tilespmem:s23+$0x40]  }
0x4c: {  	v17 =	vld [tilespmem:s23+$0x50]  }
0x4d: {  	v19 =	vld [tilespmem:s23+$0x60]  }
0x4e: {  	v25 =	vld [tilespmem:s23+$0x70]  }
0x4f: {  	v26 =	vld [tilespmem:s23+$0x80]  }
0x50: {  	v8 =	vld [tilespmem:s23+$0x90]  }
0x51: {  	v9 =	vld [tilespmem:s23+$0xA0]  }
0x52: {  	v15 =	vld [tilespmem:s23+$0xFFFFFFC0]  }
0x53: {  	v18 =	vld [tilespmem:s23+$0xFFFFFFD0]  }
0x54: {  	v27 =	vld [tilespmem:s23+$0xFFFFFFE0]  }
0x55: {  	v28 =	vld [tilespmem:s23+$0xFFFFFFF0]  }
0x56: {  	v29 =	vld [tilespmem:s23+$0x0]  }
0x57: {  	v13 =	vld [tilespmem:s23+$0xFFFFFF40]  }
0x58: {  	v14 =	vld [tilespmem:s23+$0xFFFFFF50]  }
0x59: {  	v12 =	vld [tilespmem:s23+$0x10]  }
0x5a: {  	v30 =	vld [tilespmem:s23+$0xFFFFFF60]  }
0x5b: {  	v31 =	vld [tilespmem:s23+$0xFFFFFF70]  }
0x5c: {  	v32 =	vld [tilespmem:s23+$0xFFFFFF80]  }
0x5d: {  	s22 =	sadd.s32 $0x4, s22;
	v11 =	vmax.f32 v11, v13;
	v10 =	vmax.f32 v10, v14;
	v13 =	vld [tilespmem:s23+$0x20]  }
0x5e: {  	p1 =	slt.u32 s22, $0x19;
	v11 =	vmax.f32 v11, v15;
	v14 =	vld [tilespmem:s23+$0xFFFFFF90];
	v10 =	vmax.f32 v10, v18  }
.Ltmp0:
0x5f: {  	v11 =	vmax.f32 v11, v16;
	v15 =	vld [tilespmem:s23+$0xFFFFFFA0];
	v10 =	vmax.f32 v10, v17;
	(pc) =	sbr.rel @p1 .LBB2_3-.Ltmp0, $4  }
0x60: {  	v11 =	vmax.f32 v11, v23;
	v16 =	vld [tilespmem:s23+$0xFFFFFFB0];
	v10 =	vmax.f32 v10, v24  }
0x61: {  	v18 =	vmax.f32 v20, v30;
	v20 =	vmax.f32 v21, v31;
	v21 =	vmax.f32 v22, v32;
	v17 =	vld [tilespmem:s23+$0x30]  }
0x62: {  	v22 =	vmax.f32 v18, v27;
	v23 =	vmax.f32 v20, v28;
	v24 =	vmax.f32 v21, v29;
	v18 =	vld [tilespmem:s23+$0xB0]  }
0x63: {  	v20 =	vmax.f32 v22, v19;
	v21 =	vmax.f32 v23, v25;
	v22 =	vmax.f32 v24, v26;
	v19 =	vld [tilespmem:s23+$0x130];
	s23 =	sadd.s32 $0x200, s23  }
0x64: {  	v23 =	vld [tilespmem:$0x3680]  }
0x65: {  	v24 =	vld [tilespmem:$0x3690]  }
0x66: {  	v25 =	vld [tilespmem:$0x36A0]  }
0x67: {  	v26 =	vld [tilespmem:$0x36B0]  }
0x68: {  	v27 =	vld [tilespmem:$0x36C0]  }
0x69: {  	v28 =	vld [tilespmem:$0x36D0]  }
0x6a: {  	v29 =	vld [tilespmem:$0x36E0]  }
0x6b: {  	v30 =	vld [tilespmem:$0x36F0]  }
0x6c: {  	v31 =	vld [tilespmem:$0x3700]  }
0x6d: {  	v32 =	vld [tilespmem:$0x3710]  }
0x6e: {  	v33 =	vld [tilespmem:$0x3720]  }
0x6f: {  	v34 =	vld [tilespmem:$0x3730]  }
0x70: {  	v35 =	vld [tilespmem:$0x3740]  }
0x71: {  	v36 =	vld [tilespmem:$0x3750]  }
0x72: {  	v37 =	vld [tilespmem:$0x3760]  }
0x73: {  	v38 =	vld [tilespmem:$0x3770]  }
0x74: {  	v39 =	vld [tilespmem:$0x3780]  }
0x75: {  	v5 =	vmax.f32 v20, v5;
	v6 =	vmax.f32 v21, v6;
	v7 =	vmax.f32 v22, v7;
	v20 =	vld [tilespmem:$0x3790]  }
0x76: {  	v2 =	vmax.f32 v2, v14;
	v3 =	vmax.f32 v3, v15;
	v14 =	vld [tilespmem:$0x37A0];
	v4 =	vmax.f32 v4, v16  }
0x77: {  	v2 =	vmax.f32 v2, v12;
	v3 =	vmax.f32 v3, v13;
	v12 =	vld [tilespmem:$0x37B0];
	v4 =	vmax.f32 v4, v17  }
0x78: {  	v13 =	vld [tilespmem:$0x3800];
	v2 =	vmax.f32 v2, v8;
	v3 =	vmax.f32 v3, v9;
	v4 =	vmax.f32 v4, v18  }
0x79: {  	v8 =	vld [tilespmem:$0x37C0];
	v0 =	vmax.f32 v2, v0;
	v1 =	vmax.f32 v3, v1;
	v2 =	vmax.f32 v11, v23  }
0x7a: {  	v3 =	vld [tilespmem:$0x37D0];
	v4 =	vmax.f32 v4, v19;
	v9 =	vmax.f32 v10, v24;
	v2 =	vmax.f32 v2, v31  }
0x7b: {  	v17 =	vld [tilespmem:$0x3820];
	v5 =	vmax.f32 v5, v25;
	v9 =	vmax.f32 v9, v32;
	v2 =	vmax.f32 v2, v39  }
0x7c: {  	v10 =	vld [tilespmem:$0x37E0];
	v6 =	vmax.f32 v6, v26;
	v5 =	vmax.f32 v5, v33;
	v9 =	vmax.f32 v9, v20;
	[tilespmem:$0xA800] =	vst v2  }
0x7d: {  	v11 =	vld [tilespmem:$0x37F0];
	v0 =	vmax.f32 v0, v28;
	v6 =	vmax.f32 v6, v34;
	v5 =	vmax.f32 v5, v14;
	[tilespmem:$0xA810] =	vst v9  }
0x7e: {  	v18 =	vld [tilespmem:$0x3830];
	v0 =	vmax.f32 v0, v36;
	v6 =	vmax.f32 v6, v12;
	v2 =	vmax.f32 v7, v27;
	[tilespmem:$0xA820] =	vst v5  }
0x7f: {  	v19 =	vld [tilespmem:$0x3840];
	v1 =	vmax.f32 v1, v29;
	[tilespmem:$0xA830] =	vst v6;
	v0 =	vmax.f32 v0, v3;
	v2 =	vmax.f32 v2, v35  }
0x80: {  	v4 =	vmax.f32 v4, v30;
	v1 =	vmax.f32 v1, v37;
	v14 =	vld [tilespmem:$0x3810];
	[tilespmem:$0xA850] =	vst v0;
	v2 =	vmax.f32 v2, v8  }
0x81: {  	v3 =	vmax.f32 v4, v38;
	v4 =	vld [tilespmem:$0x3870];
	v1 =	vmax.f32 v1, v10;
	[tilespmem:$0xA840] =	vst v2  }
0x82: {  	v0 =	vmax.f32 v3, v11;
	v3 =	vld [tilespmem:$0x3860];
	[tilespmem:$0xA860] =	vst v1  }
0x83: {  	s23 =	simm.s32 $0x3A70;
	v2 =	vld [tilespmem:$0x3850];
	[tilespmem:$0xA870] =	vst v0  }
0x84: {  	v10 =	vld [tilespmem:s23+$0xFFFFFF90]  }
0x85: {  	v20 =	vld [tilespmem:s23+$0xFFFFFFA0]  }
0x86: {  	v5 =	vld [tilespmem:s23+$0xFFFFFFB0]  }
0x87: {  	v6 =	vld [tilespmem:s23+$0xFFFFFFC0]  }
0x88: {  	v7 =	vld [tilespmem:s23+$0xFFFFFFD0]  }
0x89: {  	v0 =	vld [tilespmem:s23+$0xFFFFFFE0]  }
0x8a: {  	v1 =	vld [tilespmem:s23+$0xFFFFFFF0]  }
0x8b: {  	v11 =	vld [tilespmem:s23+$0xFFFFFF10]  }
0x8c: {  	v16 =	vld [tilespmem:s23+$0xFFFFFF20]  }
0x8d: {  	v21 =	vld [tilespmem:s23+$0xFFFFFF30]  }
0x8e: {  	v22 =	vld [tilespmem:s23+$0xFFFFFF40]  }
0x8f: {  	v23 =	vld [tilespmem:s23+$0xFFFFFF50]  }
0x90: {  	v8 =	vld [tilespmem:s23+$0xFFFFFF60]  }
0x91: {  	v9 =	vld [tilespmem:s23+$0xFFFFFF70]  }
0x92: {  	v15 =	vld [tilespmem:s23+$0xFFFFFE90]  }
0x93: {  	v54 =	vld [tilespmem:s23+$0xFFFFFEA0]  }
0x94: {  	v55 =	vld [tilespmem:s23+$0xFFFFFEB0]  }
0x95: {  	v56 =	vld [tilespmem:s23+$0xFFFFFEC0]  }
0x96: {  	v57 =	vld [tilespmem:s23+$0xFFFFFED0]  }
0x97: {  	v58 =	vld [tilespmem:s23+$0xFFFFFE10]  }
0x98: {  	v59 =	vld [tilespmem:s23+$0xFFFFFE20]  }
0x99: {  	v12 =	vld [tilespmem:s23+$0xFFFFFEE0]  }
0x9a: {  	v61 =	vld [tilespmem:s23+$0xFFFFFE40]  }
0x9b: {  	v62 =	vld [tilespmem:s23+$0xFFFFFE50]  }
0x9c: {  	v60 =	vld [tilespmem:s23+$0xFFFFFE30]  }
0x9d: {  	v28 =	vmax.f32 v13, v58;
	v13 =	vld [tilespmem:s23+$0xFFFFFEF0]  }
0x9e: {  	v29 =	vmax.f32 v14, v59;
	v14 =	vld [tilespmem:s23+$0xFFFFFE60]  }
0x9f: {  	v18 =	vmax.f32 v18, v61;
	v28 =	vmax.f32 v28, v15;
	v24 =	vmax.f32 v29, v54;
	v15 =	vld [tilespmem:s23+$0xFFFFFE70]  }
0xa0: {  	v19 =	vmax.f32 v19, v62;
	v11 =	vmax.f32 v28, v11;
	v24 =	vmax.f32 v24, v16;
	v16 =	vld [tilespmem:s23+$0xFFFFFE80]  }
0xa1: {  	v11 =	vmax.f32 v11, v10;
	v10 =	vmax.f32 v24, v20;
	v20 =	vmax.f32 v17, v60;
	v17 =	vld [tilespmem:s23+$0xFFFFFF00]  }
0xa2: {  	v18 =	vmax.f32 v18, v56;
	v63 =	vmax.f32 v19, v57;
	v19 =	vld [tilespmem:s23+$0xFFFFFF80];
	v20 =	vmax.f32 v20, v55  }
0xa3: {  	s22 =	simm.s32 $0x1;
	v20 =	vmax.f32 v20, v21;
	v21 =	vmax.f32 v18, v22;
	v22 =	vmax.f32 v63, v23;
	v18 =	vld [tilespmem:s23+$0x0];
	s23 =	simm.s32 $0x3C70  }
.LBB2_5:
0xa4: {  	v23 =	vld [tilespmem:s23+$0xFFFFFF90];
	v20 =	vmax.f32 v20, v5;
	v21 =	vmax.f32 v21, v6;
	v22 =	vmax.f32 v22, v7  }
0xa5: {  	v2 =	vmax.f32 v2, v14;
	v3 =	vmax.f32 v3, v15;
	v24 =	vld [tilespmem:s23+$0xFFFFFFA0];
	v4 =	vmax.f32 v4, v16  }
0xa6: {  	v2 =	vmax.f32 v2, v12;
	v3 =	vmax.f32 v3, v13;
	v5 =	vld [tilespmem:s23+$0xFFFFFFB0];
	v4 =	vmax.f32 v4, v17  }
0xa7: {  	v2 =	vmax.f32 v2, v8;
	v3 =	vmax.f32 v3, v9;
	v6 =	vld [tilespmem:s23+$0xFFFFFFC0];
	v4 =	vmax.f32 v4, v19  }
0xa8: {  	v2 =	vmax.f32 v2, v0;
	v3 =	vmax.f32 v3, v1;
	v7 =	vld [tilespmem:s23+$0xFFFFFFD0];
	v4 =	vmax.f32 v4, v18  }
0xa9: {  	v0 =	vld [tilespmem:s23+$0xFFFFFFE0]  }
0xaa: {  	v1 =	vld [tilespmem:s23+$0xFFFFFFF0]  }
0xab: {  	v16 =	vld [tilespmem:s23+$0xFFFFFF10]  }
0xac: {  	v17 =	vld [tilespmem:s23+$0xFFFFFF20]  }
0xad: {  	v18 =	vld [tilespmem:s23+$0xFFFFFF30]  }
0xae: {  	v25 =	vld [tilespmem:s23+$0xFFFFFF40]  }
0xaf: {  	v26 =	vld [tilespmem:s23+$0xFFFFFF50]  }
0xb0: {  	v8 =	vld [tilespmem:s23+$0xFFFFFF60]  }
0xb1: {  	v9 =	vld [tilespmem:s23+$0xFFFFFF70]  }
0xb2: {  	v15 =	vld [tilespmem:s23+$0xFFFFFE90]  }
0xb3: {  	v19 =	vld [tilespmem:s23+$0xFFFFFEA0]  }
0xb4: {  	v27 =	vld [tilespmem:s23+$0xFFFFFEB0]  }
0xb5: {  	v28 =	vld [tilespmem:s23+$0xFFFFFEC0]  }
0xb6: {  	v29 =	vld [tilespmem:s23+$0xFFFFFED0]  }
0xb7: {  	v13 =	vld [tilespmem:s23+$0xFFFFFE10]  }
0xb8: {  	v14 =	vld [tilespmem:s23+$0xFFFFFE20]  }
0xb9: {  	v12 =	vld [tilespmem:s23+$0xFFFFFEE0]  }
0xba: {  	v30 =	vld [tilespmem:s23+$0xFFFFFE30]  }
0xbb: {  	v31 =	vld [tilespmem:s23+$0xFFFFFE40]  }
0xbc: {  	v32 =	vld [tilespmem:s23+$0xFFFFFE50]  }
0xbd: {  	s22 =	sadd.s32 $0x4, s22;
	v11 =	vmax.f32 v11, v13;
	v10 =	vmax.f32 v10, v14;
	v13 =	vld [tilespmem:s23+$0xFFFFFEF0]  }
0xbe: {  	p1 =	slt.u32 s22, $0x19;
	v11 =	vmax.f32 v11, v15;
	v14 =	vld [tilespmem:s23+$0xFFFFFE60];
	v10 =	vmax.f32 v10, v19  }
.Ltmp1:
0xbf: {  	v11 =	vmax.f32 v11, v16;
	v15 =	vld [tilespmem:s23+$0xFFFFFE70];
	v10 =	vmax.f32 v10, v17;
	(pc) =	sbr.rel @p1 .LBB2_5-.Ltmp1, $4  }
0xc0: {  	v11 =	vmax.f32 v11, v23;
	v16 =	vld [tilespmem:s23+$0xFFFFFE80];
	v10 =	vmax.f32 v10, v24  }
0xc1: {  	v19 =	vmax.f32 v20, v30;
	v20 =	vmax.f32 v21, v31;
	v21 =	vmax.f32 v22, v32;
	v17 =	vld [tilespmem:s23+$0xFFFFFF00]  }
0xc2: {  	v22 =	vmax.f32 v19, v27;
	v23 =	vmax.f32 v20, v28;
	v24 =	vmax.f32 v21, v29;
	v19 =	vld [tilespmem:s23+$0xFFFFFF80]  }
0xc3: {  	v20 =	vmax.f32 v22, v18;
	v21 =	vmax.f32 v23, v25;
	v22 =	vmax.f32 v24, v26;
	v18 =	vld [tilespmem:s23+$0x0];
	s23 =	sadd.s32 $0x200, s23  }
0xc4: {  	v23 =	vld [tilespmem:$0x4680]  }
0xc5: {  	v24 =	vld [tilespmem:$0x4690]  }
0xc6: {  	v25 =	vld [tilespmem:$0x46A0]  }
0xc7: {  	v26 =	vld [tilespmem:$0x46B0]  }
0xc8: {  	v27 =	vld [tilespmem:$0x46C0]  }
0xc9: {  	v28 =	vld [tilespmem:$0x46D0]  }
0xca: {  	v29 =	vld [tilespmem:$0x46E0]  }
0xcb: {  	v30 =	vld [tilespmem:$0x46F0]  }
0xcc: {  	v31 =	vld [tilespmem:$0x4700]  }
0xcd: {  	v32 =	vld [tilespmem:$0x4710]  }
0xce: {  	v33 =	vld [tilespmem:$0x4720]  }
0xcf: {  	v34 =	vld [tilespmem:$0x4730]  }
0xd0: {  	v35 =	vld [tilespmem:$0x4740]  }
0xd1: {  	v36 =	vld [tilespmem:$0x4750]  }
0xd2: {  	v37 =	vld [tilespmem:$0x4760]  }
0xd3: {  	v38 =	vld [tilespmem:$0x4770]  }
0xd4: {  	v39 =	vld [tilespmem:$0x4780]  }
0xd5: {  	v5 =	vmax.f32 v20, v5;
	v6 =	vmax.f32 v21, v6;
	v7 =	vmax.f32 v22, v7;
	v20 =	vld [tilespmem:$0x4790]  }
0xd6: {  	v2 =	vmax.f32 v2, v14;
	v3 =	vmax.f32 v3, v15;
	v14 =	vld [tilespmem:$0x47A0];
	v4 =	vmax.f32 v4, v16  }
0xd7: {  	v2 =	vmax.f32 v2, v12;
	v3 =	vmax.f32 v3, v13;
	v12 =	vld [tilespmem:$0x47B0];
	v4 =	vmax.f32 v4, v17  }
0xd8: {  	v13 =	vld [tilespmem:$0x4800];
	v2 =	vmax.f32 v2, v8;
	v3 =	vmax.f32 v3, v9;
	v4 =	vmax.f32 v4, v19  }
0xd9: {  	v8 =	vld [tilespmem:$0x47C0];
	v0 =	vmax.f32 v2, v0;
	v1 =	vmax.f32 v3, v1;
	v2 =	vmax.f32 v11, v23  }
0xda: {  	v3 =	vld [tilespmem:$0x47D0];
	v4 =	vmax.f32 v4, v18;
	v9 =	vmax.f32 v10, v24;
	v2 =	vmax.f32 v2, v31  }
0xdb: {  	v17 =	vld [tilespmem:$0x4820];
	v5 =	vmax.f32 v5, v25;
	v9 =	vmax.f32 v9, v32;
	v2 =	vmax.f32 v2, v39  }
0xdc: {  	v10 =	vld [tilespmem:$0x47E0];
	v6 =	vmax.f32 v6, v26;
	v5 =	vmax.f32 v5, v33;
	v9 =	vmax.f32 v9, v20;
	[tilespmem:$0xA880] =	vst v2  }
0xdd: {  	v11 =	vld [tilespmem:$0x47F0];
	v0 =	vmax.f32 v0, v28;
	v6 =	vmax.f32 v6, v34;
	v5 =	vmax.f32 v5, v14;
	[tilespmem:$0xA890] =	vst v9  }
0xde: {  	v19 =	vld [tilespmem:$0x4840];
	v0 =	vmax.f32 v0, v36;
	v6 =	vmax.f32 v6, v12;
	v2 =	vmax.f32 v7, v27;
	[tilespmem:$0xA8A0] =	vst v5  }
0xdf: {  	v18 =	vld [tilespmem:$0x4830];
	v1 =	vmax.f32 v1, v29;
	[tilespmem:$0xA8B0] =	vst v6;
	v0 =	vmax.f32 v0, v3;
	v2 =	vmax.f32 v2, v35  }
0xe0: {  	v4 =	vmax.f32 v4, v30;
	v1 =	vmax.f32 v1, v37;
	v14 =	vld [tilespmem:$0x4810];
	[tilespmem:$0xA8D0] =	vst v0;
	v2 =	vmax.f32 v2, v8  }
0xe1: {  	v3 =	vmax.f32 v4, v38;
	v4 =	vld [tilespmem:$0x4870];
	v1 =	vmax.f32 v1, v10;
	[tilespmem:$0xA8C0] =	vst v2  }
0xe2: {  	v0 =	vmax.f32 v3, v11;
	v3 =	vld [tilespmem:$0x4860];
	[tilespmem:$0xA8E0] =	vst v1  }
0xe3: {  	s23 =	simm.s32 $0x4A70;
	v2 =	vld [tilespmem:$0x4850];
	[tilespmem:$0xA8F0] =	vst v0  }
0xe4: {  	v10 =	vld [tilespmem:s23+$0xFFFFFF90]  }
0xe5: {  	v20 =	vld [tilespmem:s23+$0xFFFFFFA0]  }
0xe6: {  	v5 =	vld [tilespmem:s23+$0xFFFFFFB0]  }
0xe7: {  	v6 =	vld [tilespmem:s23+$0xFFFFFFC0]  }
0xe8: {  	v7 =	vld [tilespmem:s23+$0xFFFFFFD0]  }
0xe9: {  	v0 =	vld [tilespmem:s23+$0xFFFFFFE0]  }
0xea: {  	v1 =	vld [tilespmem:s23+$0xFFFFFFF0]  }
0xeb: {  	v11 =	vld [tilespmem:s23+$0xFFFFFF10]  }
0xec: {  	v16 =	vld [tilespmem:s23+$0xFFFFFF20]  }
0xed: {  	v21 =	vld [tilespmem:s23+$0xFFFFFF30]  }
0xee: {  	v22 =	vld [tilespmem:s23+$0xFFFFFF40]  }
0xef: {  	v23 =	vld [tilespmem:s23+$0xFFFFFF50]  }
0xf0: {  	v8 =	vld [tilespmem:s23+$0xFFFFFF60]  }
0xf1: {  	v9 =	vld [tilespmem:s23+$0xFFFFFF70]  }
0xf2: {  	v15 =	vld [tilespmem:s23+$0xFFFFFE90]  }
0xf3: {  	v54 =	vld [tilespmem:s23+$0xFFFFFEA0]  }
0xf4: {  	v55 =	vld [tilespmem:s23+$0xFFFFFEB0]  }
0xf5: {  	v56 =	vld [tilespmem:s23+$0xFFFFFEC0]  }
0xf6: {  	v57 =	vld [tilespmem:s23+$0xFFFFFED0]  }
0xf7: {  	v58 =	vld [tilespmem:s23+$0xFFFFFE10]  }
0xf8: {  	v59 =	vld [tilespmem:s23+$0xFFFFFE20]  }
0xf9: {  	v12 =	vld [tilespmem:s23+$0xFFFFFEE0]  }
0xfa: {  	v61 =	vld [tilespmem:s23+$0xFFFFFE40]  }
0xfb: {  	v62 =	vld [tilespmem:s23+$0xFFFFFE50]  }
0xfc: {  	v60 =	vld [tilespmem:s23+$0xFFFFFE30]  }
0xfd: {  	v28 =	vmax.f32 v13, v58;
	v13 =	vld [tilespmem:s23+$0xFFFFFEF0]  }
0xfe: {  	v29 =	vmax.f32 v14, v59;
	v14 =	vld [tilespmem:s23+$0xFFFFFE60]  }
0xff: {  	v18 =	vmax.f32 v18, v61;
	v28 =	vmax.f32 v28, v15;
	v24 =	vmax.f32 v29, v54;
	v15 =	vld [tilespmem:s23+$0xFFFFFE70]  }
0x100: {  	v19 =	vmax.f32 v19, v62;
	v11 =	vmax.f32 v28, v11;
	v24 =	vmax.f32 v24, v16;
	v16 =	vld [tilespmem:s23+$0xFFFFFE80]  }
0x101: {  	v11 =	vmax.f32 v11, v10;
	v10 =	vmax.f32 v24, v20;
	v20 =	vmax.f32 v17, v60;
	v17 =	vld [tilespmem:s23+$0xFFFFFF00]  }
0x102: {  	v18 =	vmax.f32 v18, v56;
	v63 =	vmax.f32 v19, v57;
	v19 =	vld [tilespmem:s23+$0xFFFFFF80];
	v20 =	vmax.f32 v20, v55  }
0x103: {  	s22 =	simm.s32 $0x1;
	v20 =	vmax.f32 v20, v21;
	v21 =	vmax.f32 v18, v22;
	v22 =	vmax.f32 v63, v23;
	v18 =	vld [tilespmem:s23+$0x0];
	s23 =	simm.s32 $0x4C70  }
.LBB2_7:
0x104: {  	v23 =	vld [tilespmem:s23+$0xFFFFFF90];
	v20 =	vmax.f32 v20, v5;
	v21 =	vmax.f32 v21, v6;
	v22 =	vmax.f32 v22, v7  }
0x105: {  	v2 =	vmax.f32 v2, v14;
	v3 =	vmax.f32 v3, v15;
	v24 =	vld [tilespmem:s23+$0xFFFFFFA0];
	v4 =	vmax.f32 v4, v16  }
0x106: {  	v2 =	vmax.f32 v2, v12;
	v3 =	vmax.f32 v3, v13;
	v5 =	vld [tilespmem:s23+$0xFFFFFFB0];
	v4 =	vmax.f32 v4, v17  }
0x107: {  	v2 =	vmax.f32 v2, v8;
	v3 =	vmax.f32 v3, v9;
	v6 =	vld [tilespmem:s23+$0xFFFFFFC0];
	v4 =	vmax.f32 v4, v19  }
0x108: {  	v2 =	vmax.f32 v2, v0;
	v3 =	vmax.f32 v3, v1;
	v7 =	vld [tilespmem:s23+$0xFFFFFFD0];
	v4 =	vmax.f32 v4, v18  }
0x109: {  	v0 =	vld [tilespmem:s23+$0xFFFFFFE0]  }
0x10a: {  	v1 =	vld [tilespmem:s23+$0xFFFFFFF0]  }
0x10b: {  	v16 =	vld [tilespmem:s23+$0xFFFFFF10]  }
0x10c: {  	v17 =	vld [tilespmem:s23+$0xFFFFFF20]  }
0x10d: {  	v18 =	vld [tilespmem:s23+$0xFFFFFF30]  }
0x10e: {  	v25 =	vld [tilespmem:s23+$0xFFFFFF40]  }
0x10f: {  	v26 =	vld [tilespmem:s23+$0xFFFFFF50]  }
0x110: {  	v8 =	vld [tilespmem:s23+$0xFFFFFF60]  }
0x111: {  	v9 =	vld [tilespmem:s23+$0xFFFFFF70]  }
0x112: {  	v15 =	vld [tilespmem:s23+$0xFFFFFE90]  }
0x113: {  	v19 =	vld [tilespmem:s23+$0xFFFFFEA0]  }
0x114: {  	v27 =	vld [tilespmem:s23+$0xFFFFFEB0]  }
0x115: {  	v28 =	vld [tilespmem:s23+$0xFFFFFEC0]  }
0x116: {  	v29 =	vld [tilespmem:s23+$0xFFFFFED0]  }
0x117: {  	v13 =	vld [tilespmem:s23+$0xFFFFFE10]  }
0x118: {  	v14 =	vld [tilespmem:s23+$0xFFFFFE20]  }
0x119: {  	v12 =	vld [tilespmem:s23+$0xFFFFFEE0]  }
0x11a: {  	v30 =	vld [tilespmem:s23+$0xFFFFFE30]  }
0x11b: {  	v31 =	vld [tilespmem:s23+$0xFFFFFE40]  }
0x11c: {  	v32 =	vld [tilespmem:s23+$0xFFFFFE50]  }
0x11d: {  	s22 =	sadd.s32 $0x4, s22;
	v11 =	vmax.f32 v11, v13;
	v10 =	vmax.f32 v10, v14;
	v13 =	vld [tilespmem:s23+$0xFFFFFEF0]  }
0x11e: {  	p1 =	slt.u32 s22, $0x19;
	v11 =	vmax.f32 v11, v15;
	v14 =	vld [tilespmem:s23+$0xFFFFFE60];
	v10 =	vmax.f32 v10, v19  }
.Ltmp2:
0x11f: {  	v11 =	vmax.f32 v11, v16;
	v15 =	vld [tilespmem:s23+$0xFFFFFE70];
	v10 =	vmax.f32 v10, v17;
	(pc) =	sbr.rel @p1 .LBB2_7-.Ltmp2, $4  }
0x120: {  	v11 =	vmax.f32 v11, v23;
	v16 =	vld [tilespmem:s23+$0xFFFFFE80];
	v10 =	vmax.f32 v10, v24  }
0x121: {  	v19 =	vmax.f32 v20, v30;
	v20 =	vmax.f32 v21, v31;
	v21 =	vmax.f32 v22, v32;
	v17 =	vld [tilespmem:s23+$0xFFFFFF00]  }
0x122: {  	v22 =	vmax.f32 v19, v27;
	v23 =	vmax.f32 v20, v28;
	v24 =	vmax.f32 v21, v29;
	v19 =	vld [tilespmem:s23+$0xFFFFFF80]  }
0x123: {  	v20 =	vmax.f32 v22, v18;
	v21 =	vmax.f32 v23, v25;
	v22 =	vmax.f32 v24, v26;
	v18 =	vld [tilespmem:s23+$0x0];
	s23 =	sadd.s32 $0x200, s23  }
0x124: {  	v23 =	vld [tilespmem:$0x5680]  }
0x125: {  	v24 =	vld [tilespmem:$0x5690]  }
0x126: {  	v25 =	vld [tilespmem:$0x56A0]  }
0x127: {  	v26 =	vld [tilespmem:$0x56B0]  }
0x128: {  	v27 =	vld [tilespmem:$0x56C0]  }
0x129: {  	v28 =	vld [tilespmem:$0x56D0]  }
0x12a: {  	v29 =	vld [tilespmem:$0x56E0]  }
0x12b: {  	v30 =	vld [tilespmem:$0x56F0]  }
0x12c: {  	v31 =	vld [tilespmem:$0x5700]  }
0x12d: {  	v32 =	vld [tilespmem:$0x5710]  }
0x12e: {  	v33 =	vld [tilespmem:$0x5720]  }
0x12f: {  	v34 =	vld [tilespmem:$0x5730]  }
0x130: {  	v35 =	vld [tilespmem:$0x5740]  }
0x131: {  	v36 =	vld [tilespmem:$0x5750]  }
0x132: {  	v37 =	vld [tilespmem:$0x5760]  }
0x133: {  	v38 =	vld [tilespmem:$0x5770]  }
0x134: {  	v39 =	vld [tilespmem:$0x5780]  }
0x135: {  	v5 =	vmax.f32 v20, v5;
	v6 =	vmax.f32 v21, v6;
	v7 =	vmax.f32 v22, v7;
	v20 =	vld [tilespmem:$0x5790]  }
0x136: {  	v2 =	vmax.f32 v2, v14;
	v3 =	vmax.f32 v3, v15;
	v14 =	vld [tilespmem:$0x57A0];
	v4 =	vmax.f32 v4, v16  }
0x137: {  	v2 =	vmax.f32 v2, v12;
	v3 =	vmax.f32 v3, v13;
	v12 =	vld [tilespmem:$0x57B0];
	v4 =	vmax.f32 v4, v17  }
0x138: {  	v13 =	vld [tilespmem:$0x5800];
	v2 =	vmax.f32 v2, v8;
	v3 =	vmax.f32 v3, v9;
	v4 =	vmax.f32 v4, v19  }
0x139: {  	v8 =	vld [tilespmem:$0x57C0];
	v0 =	vmax.f32 v2, v0;
	v1 =	vmax.f32 v3, v1;
	v2 =	vmax.f32 v11, v23  }
0x13a: {  	v3 =	vld [tilespmem:$0x57D0];
	v4 =	vmax.f32 v4, v18;
	v9 =	vmax.f32 v10, v24;
	v2 =	vmax.f32 v2, v31  }
0x13b: {  	v17 =	vld [tilespmem:$0x5820];
	v5 =	vmax.f32 v5, v25;
	v9 =	vmax.f32 v9, v32;
	v2 =	vmax.f32 v2, v39  }
0x13c: {  	v10 =	vld [tilespmem:$0x57E0];
	v6 =	vmax.f32 v6, v26;
	v5 =	vmax.f32 v5, v33;
	v9 =	vmax.f32 v9, v20;
	[tilespmem:$0xA900] =	vst v2  }
0x13d: {  	v11 =	vld [tilespmem:$0x57F0];
	v0 =	vmax.f32 v0, v28;
	v6 =	vmax.f32 v6, v34;
	v5 =	vmax.f32 v5, v14;
	[tilespmem:$0xA910] =	vst v9  }
0x13e: {  	v19 =	vld [tilespmem:$0x5840];
	v0 =	vmax.f32 v0, v36;
	v6 =	vmax.f32 v6, v12;
	v2 =	vmax.f32 v7, v27;
	[tilespmem:$0xA920] =	vst v5  }
0x13f: {  	v18 =	vld [tilespmem:$0x5830];
	v1 =	vmax.f32 v1, v29;
	[tilespmem:$0xA930] =	vst v6;
	v0 =	vmax.f32 v0, v3;
	v2 =	vmax.f32 v2, v35  }
0x140: {  	v4 =	vmax.f32 v4, v30;
	v1 =	vmax.f32 v1, v37;
	v14 =	vld [tilespmem:$0x5810];
	[tilespmem:$0xA950] =	vst v0;
	v2 =	vmax.f32 v2, v8  }
0x141: {  	v3 =	vmax.f32 v4, v38;
	v4 =	vld [tilespmem:$0x5870];
	v1 =	vmax.f32 v1, v10;
	[tilespmem:$0xA940] =	vst v2  }
0x142: {  	v0 =	vmax.f32 v3, v11;
	v3 =	vld [tilespmem:$0x5860];
	[tilespmem:$0xA960] =	vst v1  }
0x143: {  	s23 =	simm.s32 $0x5A70;
	v2 =	vld [tilespmem:$0x5850];
	[tilespmem:$0xA970] =	vst v0  }
0x144: {  	v10 =	vld [tilespmem:s23+$0xFFFFFF90]  }
0x145: {  	v20 =	vld [tilespmem:s23+$0xFFFFFFA0]  }
0x146: {  	v5 =	vld [tilespmem:s23+$0xFFFFFFB0]  }
0x147: {  	v6 =	vld [tilespmem:s23+$0xFFFFFFC0]  }
0x148: {  	v7 =	vld [tilespmem:s23+$0xFFFFFFD0]  }
0x149: {  	v0 =	vld [tilespmem:s23+$0xFFFFFFE0]  }
0x14a: {  	v1 =	vld [tilespmem:s23+$0xFFFFFFF0]  }
0x14b: {  	v11 =	vld [tilespmem:s23+$0xFFFFFF10]  }
0x14c: {  	v16 =	vld [tilespmem:s23+$0xFFFFFF20]  }
0x14d: {  	v21 =	vld [tilespmem:s23+$0xFFFFFF30]  }
0x14e: {  	v22 =	vld [tilespmem:s23+$0xFFFFFF40]  }
0x14f: {  	v23 =	vld [tilespmem:s23+$0xFFFFFF50]  }
0x150: {  	v8 =	vld [tilespmem:s23+$0xFFFFFF60]  }
0x151: {  	v9 =	vld [tilespmem:s23+$0xFFFFFF70]  }
0x152: {  	v15 =	vld [tilespmem:s23+$0xFFFFFE90]  }
0x153: {  	v54 =	vld [tilespmem:s23+$0xFFFFFEA0]  }
0x154: {  	v55 =	vld [tilespmem:s23+$0xFFFFFEB0]  }
0x155: {  	v56 =	vld [tilespmem:s23+$0xFFFFFEC0]  }
0x156: {  	v57 =	vld [tilespmem:s23+$0xFFFFFED0]  }
0x157: {  	v58 =	vld [tilespmem:s23+$0xFFFFFE10]  }
0x158: {  	v59 =	vld [tilespmem:s23+$0xFFFFFE20]  }
0x159: {  	v12 =	vld [tilespmem:s23+$0xFFFFFEE0]  }
0x15a: {  	v61 =	vld [tilespmem:s23+$0xFFFFFE40]  }
0x15b: {  	v62 =	vld [tilespmem:s23+$0xFFFFFE50]  }
0x15c: {  	v60 =	vld [tilespmem:s23+$0xFFFFFE30]  }
0x15d: {  	v28 =	vmax.f32 v13, v58;
	v13 =	vld [tilespmem:s23+$0xFFFFFEF0]  }
0x15e: {  	v29 =	vmax.f32 v14, v59;
	v14 =	vld [tilespmem:s23+$0xFFFFFE60]  }
0x15f: {  	v18 =	vmax.f32 v18, v61;
	v28 =	vmax.f32 v28, v15;
	v24 =	vmax.f32 v29, v54;
	v15 =	vld [tilespmem:s23+$0xFFFFFE70]  }
0x160: {  	v19 =	vmax.f32 v19, v62;
	v11 =	vmax.f32 v28, v11;
	v24 =	vmax.f32 v24, v16;
	v16 =	vld [tilespmem:s23+$0xFFFFFE80]  }
0x161: {  	v11 =	vmax.f32 v11, v10;
	v10 =	vmax.f32 v24, v20;
	v20 =	vmax.f32 v17, v60;
	v17 =	vld [tilespmem:s23+$0xFFFFFF00]  }
0x162: {  	v18 =	vmax.f32 v18, v56;
	v63 =	vmax.f32 v19, v57;
	v19 =	vld [tilespmem:s23+$0xFFFFFF80];
	v20 =	vmax.f32 v20, v55  }
0x163: {  	s22 =	simm.s32 $0x1;
	v20 =	vmax.f32 v20, v21;
	v21 =	vmax.f32 v18, v22;
	v22 =	vmax.f32 v63, v23;
	v18 =	vld [tilespmem:s23+$0x0];
	s23 =	simm.s32 $0x5C70  }
.LBB2_9:
0x164: {  	v23 =	vld [tilespmem:s23+$0xFFFFFF90];
	v20 =	vmax.f32 v20, v5;
	v21 =	vmax.f32 v21, v6;
	v22 =	vmax.f32 v22, v7  }
0x165: {  	v2 =	vmax.f32 v2, v14;
	v3 =	vmax.f32 v3, v15;
	v24 =	vld [tilespmem:s23+$0xFFFFFFA0];
	v4 =	vmax.f32 v4, v16  }
0x166: {  	v2 =	vmax.f32 v2, v12;
	v3 =	vmax.f32 v3, v13;
	v5 =	vld [tilespmem:s23+$0xFFFFFFB0];
	v4 =	vmax.f32 v4, v17  }
0x167: {  	v2 =	vmax.f32 v2, v8;
	v3 =	vmax.f32 v3, v9;
	v6 =	vld [tilespmem:s23+$0xFFFFFFC0];
	v4 =	vmax.f32 v4, v19  }
0x168: {  	v2 =	vmax.f32 v2, v0;
	v3 =	vmax.f32 v3, v1;
	v7 =	vld [tilespmem:s23+$0xFFFFFFD0];
	v4 =	vmax.f32 v4, v18  }
0x169: {  	v0 =	vld [tilespmem:s23+$0xFFFFFFE0]  }
0x16a: {  	v1 =	vld [tilespmem:s23+$0xFFFFFFF0]  }
0x16b: {  	v16 =	vld [tilespmem:s23+$0xFFFFFF10]  }
0x16c: {  	v17 =	vld [tilespmem:s23+$0xFFFFFF20]  }
0x16d: {  	v18 =	vld [tilespmem:s23+$0xFFFFFF30]  }
0x16e: {  	v25 =	vld [tilespmem:s23+$0xFFFFFF40]  }
0x16f: {  	v26 =	vld [tilespmem:s23+$0xFFFFFF50]  }
0x170: {  	v8 =	vld [tilespmem:s23+$0xFFFFFF60]  }
0x171: {  	v9 =	vld [tilespmem:s23+$0xFFFFFF70]  }
0x172: {  	v15 =	vld [tilespmem:s23+$0xFFFFFE90]  }
0x173: {  	v19 =	vld [tilespmem:s23+$0xFFFFFEA0]  }
0x174: {  	v27 =	vld [tilespmem:s23+$0xFFFFFEB0]  }
0x175: {  	v28 =	vld [tilespmem:s23+$0xFFFFFEC0]  }
0x176: {  	v29 =	vld [tilespmem:s23+$0xFFFFFED0]  }
0x177: {  	v13 =	vld [tilespmem:s23+$0xFFFFFE10]  }
0x178: {  	v14 =	vld [tilespmem:s23+$0xFFFFFE20]  }
0x179: {  	v12 =	vld [tilespmem:s23+$0xFFFFFEE0]  }
0x17a: {  	v30 =	vld [tilespmem:s23+$0xFFFFFE30]  }
0x17b: {  	v31 =	vld [tilespmem:s23+$0xFFFFFE40]  }
0x17c: {  	v32 =	vld [tilespmem:s23+$0xFFFFFE50]  }
0x17d: {  	s22 =	sadd.s32 $0x4, s22;
	v11 =	vmax.f32 v11, v13;
	v10 =	vmax.f32 v10, v14;
	v13 =	vld [tilespmem:s23+$0xFFFFFEF0]  }
0x17e: {  	p1 =	slt.u32 s22, $0x19;
	v11 =	vmax.f32 v11, v15;
	v14 =	vld [tilespmem:s23+$0xFFFFFE60];
	v10 =	vmax.f32 v10, v19  }
.Ltmp3:
0x17f: {  	v11 =	vmax.f32 v11, v16;
	v15 =	vld [tilespmem:s23+$0xFFFFFE70];
	v10 =	vmax.f32 v10, v17;
	(pc) =	sbr.rel @p1 .LBB2_9-.Ltmp3, $4  }
0x180: {  	v11 =	vmax.f32 v11, v23;
	v16 =	vld [tilespmem:s23+$0xFFFFFE80];
	v10 =	vmax.f32 v10, v24  }
0x181: {  	v19 =	vmax.f32 v20, v30;
	v20 =	vmax.f32 v21, v31;
	v21 =	vmax.f32 v22, v32;
	v17 =	vld [tilespmem:s23+$0xFFFFFF00]  }
0x182: {  	v22 =	vmax.f32 v19, v27;
	v23 =	vmax.f32 v20, v28;
	v24 =	vmax.f32 v21, v29;
	v19 =	vld [tilespmem:s23+$0xFFFFFF80]  }
0x183: {  	v20 =	vmax.f32 v22, v18;
	v21 =	vmax.f32 v23, v25;
	v22 =	vmax.f32 v24, v26;
	v18 =	vld [tilespmem:s23+$0x0];
	s23 =	sadd.s32 $0x200, s23  }
0x184: {  	v23 =	vld [tilespmem:$0x6680]  }
0x185: {  	v24 =	vld [tilespmem:$0x6690]  }
0x186: {  	v25 =	vld [tilespmem:$0x66A0]  }
0x187: {  	v26 =	vld [tilespmem:$0x66B0]  }
0x188: {  	v27 =	vld [tilespmem:$0x66C0]  }
0x189: {  	v28 =	vld [tilespmem:$0x66D0]  }
0x18a: {  	v29 =	vld [tilespmem:$0x66E0]  }
0x18b: {  	v30 =	vld [tilespmem:$0x66F0]  }
0x18c: {  	v31 =	vld [tilespmem:$0x6700]  }
0x18d: {  	v32 =	vld [tilespmem:$0x6710]  }
0x18e: {  	v33 =	vld [tilespmem:$0x6720]  }
0x18f: {  	v34 =	vld [tilespmem:$0x6730]  }
0x190: {  	v35 =	vld [tilespmem:$0x6740]  }
0x191: {  	v36 =	vld [tilespmem:$0x6750]  }
0x192: {  	v37 =	vld [tilespmem:$0x6760]  }
0x193: {  	v5 =	vmax.f32 v20, v5;
	v6 =	vmax.f32 v21, v6;
	v7 =	vmax.f32 v22, v7;
	v49 =	vld [tilespmem:$0x6770]  }
0x194: {  	v2 =	vmax.f32 v2, v14;
	v3 =	vmax.f32 v3, v15;
	v50 =	vld [tilespmem:$0x6780];
	v4 =	vmax.f32 v4, v16  }
0x195: {  	v51 =	vld [tilespmem:$0x6790];
	v2 =	vmax.f32 v2, v12;
	v3 =	vmax.f32 v3, v13;
	v4 =	vmax.f32 v4, v17  }
0x196: {  	v52 =	vld [tilespmem:$0x67A0];
	v2 =	vmax.f32 v2, v8;
	v3 =	vmax.f32 v3, v9;
	v4 =	vmax.f32 v4, v19  }
0x197: {  	v54 =	vld [tilespmem:$0x67B0];
	v0 =	vmax.f32 v2, v0;
	v1 =	vmax.f32 v3, v1;
	v53 =	vmax.f32 v11, v23  }
0x198: {  	v57 =	vld [tilespmem:$0x67D0];
	v4 =	vmax.f32 v4, v18;
	v55 =	vmax.f32 v10, v24;
	v2 =	vmax.f32 v53, v31  }
0x199: {  	v58 =	vld [tilespmem:$0x67E0];
	v5 =	vmax.f32 v5, v25;
	v9 =	vmax.f32 v55, v32;
	v2 =	vmax.f32 v2, v50  }
0x19a: {  	v60 =	vld [tilespmem:$0x67F0];
	v6 =	vmax.f32 v6, v26;
	v5 =	vmax.f32 v5, v33;
	v9 =	vmax.f32 v9, v51;
	[tilespmem:$0xA980] =	vst v2  }
0x19b: {  	v56 =	vld [tilespmem:$0x67C0];
	v0 =	vmax.f32 v0, v28;
	v6 =	vmax.f32 v6, v34;
	v5 =	vmax.f32 v5, v52;
	[tilespmem:$0xA990] =	vst v9  }
0x19c: {  	v1 =	vmax.f32 v1, v29;
	v0 =	vmax.f32 v0, v36;
	v3 =	vmax.f32 v6, v54;
	[tilespmem:$0xA9A0] =	vst v5  }
0x19d: {  	p1 =	sne.s32 s19, $0x27;
	v61 =	vmax.f32 v4, v30;
	v1 =	vmax.f32 v1, v37;
	v0 =	vmax.f32 v0, v57;
	[tilespmem:$0xA9B0] =	vst v3  }
.Ltmp4:
0x19e: {  	v59 =	vmax.f32 v7, v27;
	v62 =	vmax.f32 v61, v49;
	v1 =	vmax.f32 v1, v58;
	[tilespmem:$0xA9D0] =	vst v0;
	(pc) =	sbr.rel @p1 .LBB2_12-.Ltmp4, $4  }
0x19f: {  	s21 =	sadd.s32 s5, s21;
	v63 =	vmax.f32 v62, v60;
	v2 =	vmax.f32 v59, v35;
	[tilespmem:$0xA9E0] =	vst v1  }
0x1a0: {  	s21 =	sshll.u32 s21, $0x6;
	[tilespmem:$0xA9F0] =	vst v63;
	v2 =	vmax.f32 v2, v56  }
0x1a1: {  	s21 =	sadd.s32 s4, s21;
	[tilespmem:$0xA9C0] =	vst v2  }
0x1a2: {  	[hbm4b:s21+s3] =	stream.linear.scatter [tilespmem:s13], [sflag:$0x3], $0x200, $0x38;
	[tilespmem:$0xAC00] =	vst v63  }
.Ltmp5:
0x1a3: {  	(pc) =	sbr.rel .LBB2_13-.Ltmp5, $4  }
0x1a4: {  	_ = 	snop  }
0x1a5: {  	_ =	swait.ge [sflag:s14], $0x4000  }
0x1a6: {  	[sflag:s14] =	ssyncset.done $0x0  }
0x1a7: {  	[sflag:s14] =	ssyncadd.s32 $0xFFFFC000  }
.LBB2_12:
0x1a8: {  	s21 =	sshll.u32 s19, $0x8  }
0x1a9: {  	s21 =	sand.u32 $0x3FFFFF00, s21  }
.Ltmp6:
0x1aa: {  	s21 =	sadd.s32 $0x100, s21;
	(pc) =	sbr.rel @p0 .LBB2_14-.Ltmp6, $4  }
0x1ab: {  	[tilespmem:s10], [sflag:$0x1] =	stream.indirect.gather [hbm4b:s1+s9], $0x80, s21, s9, $0xb8;
	[tilespmem:$0xAC00] =	vst v63  }
0x1ac: {  	_ =	swait.ge [sflag:s14], $0x4000  }
0x1ad: {  	[sflag:s14] =	ssyncset.done $0x0  }
0x1ae: {  	[sflag:s14] =	ssyncadd.s32 $0xFFFFC000  }
.LBB2_13:
0x1af: {  	_ =	swait.ge [sflag:s15], $0x200  }
0x1b0: {  	[sflag:s15] =	ssyncset.done $0x0  }
0x1b1: {  	[sflag:s15] =	ssyncadd.s32 $0xFFFFFE00  }
.LBB2_14:
0x1b2: {  	v10 =	vld [tilespmem:$0x6800]  }
0x1b3: {  	v11 =	vld [tilespmem:$0x6810]  }
0x1b4: {  	v17 =	vld [tilespmem:$0x6820]  }
0x1b5: {  	v18 =	vld [tilespmem:$0x6830]  }
0x1b6: {  	v19 =	vld [tilespmem:$0x6840]  }
0x1b7: {  	v2 =	vld [tilespmem:$0x6850]  }
0x1b8: {  	v3 =	vld [tilespmem:$0x6860]  }
0x1b9: {  	s22 =	simm.s32 $0x6880;
	v4 =	vld [tilespmem:$0x6870]  }
0x1ba: {  	v20 =	vld [tilespmem:s22+$0x180]  }
0x1bb: {  	v21 =	vld [tilespmem:s22+$0x190]  }
0x1bc: {  	v5 =	vld [tilespmem:s22+$0x1A0]  }
0x1bd: {  	v6 =	vld [tilespmem:s22+$0x1B0]  }
0x1be: {  	v7 =	vld [tilespmem:s22+$0x1C0]  }
0x1bf: {  	v0 =	vld [tilespmem:s22+$0x1D0]  }
0x1c0: {  	v1 =	vld [tilespmem:s22+$0x1E0]  }
0x1c1: {  	v16 =	vld [tilespmem:s22+$0x100]  }
0x1c2: {  	v22 =	vld [tilespmem:s22+$0x110]  }
0x1c3: {  	v23 =	vld [tilespmem:s22+$0x120]  }
0x1c4: {  	v24 =	vld [tilespmem:s22+$0x130]  }
0x1c5: {  	v25 =	vld [tilespmem:s22+$0x140]  }
0x1c6: {  	v8 =	vld [tilespmem:s22+$0x150]  }
0x1c7: {  	v9 =	vld [tilespmem:s22+$0x160]  }
0x1c8: {  	v15 =	vld [tilespmem:s22+$0x80]  }
0x1c9: {  	v26 =	vld [tilespmem:s22+$0x90]  }
0x1ca: {  	v27 =	vld [tilespmem:s22+$0xA0]  }
0x1cb: {  	v28 =	vld [tilespmem:s22+$0xB0]  }
0x1cc: {  	v29 =	vld [tilespmem:s22+$0xC0]  }
0x1cd: {  	v13 =	vld [tilespmem:s22+$0x0]  }
0x1ce: {  	v14 =	vld [tilespmem:s22+$0x10]  }
0x1cf: {  	v31 =	vld [tilespmem:s22+$0x30]  }
0x1d0: {  	v32 =	vld [tilespmem:s22+$0x40]  }
0x1d1: {  	v12 =	vld [tilespmem:s22+$0xD0]  }
0x1d2: {  	v30 =	vld [tilespmem:s22+$0x20]  }
0x1d3: {  	v10 =	vmax.f32 v10, v13;
	v13 =	vld [tilespmem:s22+$0xE0]  }
0x1d4: {  	v11 =	vmax.f32 v11, v14;
	v14 =	vld [tilespmem:s22+$0x50]  }
0x1d5: {  	v18 =	vmax.f32 v18, v31;
	v19 =	vmax.f32 v19, v32;
	v10 =	vmax.f32 v10, v15;
	v15 =	vld [tilespmem:s22+$0x60]  }
0x1d6: {  	v11 =	vmax.f32 v11, v26;
	v18 =	vmax.f32 v18, v28;
	v10 =	vmax.f32 v10, v16;
	v16 =	vld [tilespmem:s22+$0x70]  }
0x1d7: {  	v22 =	vmax.f32 v11, v22;
	v11 =	vmax.f32 v10, v20;
	v20 =	vmax.f32 v17, v30;
	v17 =	vld [tilespmem:s22+$0xF0]  }
0x1d8: {  	v10 =	vmax.f32 v22, v21;
	v22 =	vmax.f32 v19, v29;
	v19 =	vld [tilespmem:s22+$0x170];
	v20 =	vmax.f32 v20, v27  }
0x1d9: {  	s21 =	simm.s32 $0x1;
	v21 =	vmax.f32 v18, v24;
	v18 =	vld [tilespmem:s22+$0x1F0];
	s22 =	simm.s32 $0x6A80;
	v22 =	vmax.f32 v22, v25;
	v20 =	vmax.f32 v20, v23  }
.LBB2_15:
0x1da: {  	v23 =	vld [tilespmem:s22+$0x180];
	v20 =	vmax.f32 v20, v5;
	v21 =	vmax.f32 v21, v6;
	v22 =	vmax.f32 v22, v7  }
0x1db: {  	v2 =	vmax.f32 v2, v14;
	v3 =	vmax.f32 v3, v15;
	v24 =	vld [tilespmem:s22+$0x190];
	v4 =	vmax.f32 v4, v16  }
0x1dc: {  	v2 =	vmax.f32 v2, v12;
	v3 =	vmax.f32 v3, v13;
	v5 =	vld [tilespmem:s22+$0x1A0];
	v4 =	vmax.f32 v4, v17  }
0x1dd: {  	v2 =	vmax.f32 v2, v8;
	v3 =	vmax.f32 v3, v9;
	v6 =	vld [tilespmem:s22+$0x1B0];
	v4 =	vmax.f32 v4, v19  }
0x1de: {  	v2 =	vmax.f32 v2, v0;
	v3 =	vmax.f32 v3, v1;
	v7 =	vld [tilespmem:s22+$0x1C0];
	v4 =	vmax.f32 v4, v18  }
0x1df: {  	v0 =	vld [tilespmem:s22+$0x1D0]  }
0x1e0: {  	v1 =	vld [tilespmem:s22+$0x1E0]  }
0x1e1: {  	v16 =	vld [tilespmem:s22+$0x100]  }
0x1e2: {  	v17 =	vld [tilespmem:s22+$0x110]  }
0x1e3: {  	v18 =	vld [tilespmem:s22+$0x120]  }
0x1e4: {  	v25 =	vld [tilespmem:s22+$0x130]  }
0x1e5: {  	v26 =	vld [tilespmem:s22+$0x140]  }
0x1e6: {  	v8 =	vld [tilespmem:s22+$0x150]  }
0x1e7: {  	v9 =	vld [tilespmem:s22+$0x160]  }
0x1e8: {  	v15 =	vld [tilespmem:s22+$0x80]  }
0x1e9: {  	v19 =	vld [tilespmem:s22+$0x90]  }
0x1ea: {  	v27 =	vld [tilespmem:s22+$0xA0]  }
0x1eb: {  	v28 =	vld [tilespmem:s22+$0xB0]  }
0x1ec: {  	v29 =	vld [tilespmem:s22+$0xC0]  }
0x1ed: {  	v13 =	vld [tilespmem:s22+$0x0]  }
0x1ee: {  	v14 =	vld [tilespmem:s22+$0x10]  }
0x1ef: {  	v12 =	vld [tilespmem:s22+$0xD0]  }
0x1f0: {  	v30 =	vld [tilespmem:s22+$0x20]  }
0x1f1: {  	v31 =	vld [tilespmem:s22+$0x30]  }
0x1f2: {  	v32 =	vld [tilespmem:s22+$0x40]  }
0x1f3: {  	s21 =	sadd.s32 $0x4, s21;
	v11 =	vmax.f32 v11, v13;
	v10 =	vmax.f32 v10, v14;
	v13 =	vld [tilespmem:s22+$0xE0]  }
0x1f4: {  	p0 =	slt.u32 s21, $0x19;
	v11 =	vmax.f32 v11, v15;
	v14 =	vld [tilespmem:s22+$0x50];
	v10 =	vmax.f32 v10, v19  }
.Ltmp7:
0x1f5: {  	v11 =	vmax.f32 v11, v16;
	v15 =	vld [tilespmem:s22+$0x60];
	v10 =	vmax.f32 v10, v17;
	(pc) =	sbr.rel @p0 .LBB2_15-.Ltmp7, $4  }
0x1f6: {  	v11 =	vmax.f32 v11, v23;
	v16 =	vld [tilespmem:s22+$0x70];
	v10 =	vmax.f32 v10, v24  }
0x1f7: {  	v19 =	vmax.f32 v20, v30;
	v20 =	vmax.f32 v21, v31;
	v21 =	vmax.f32 v22, v32;
	v17 =	vld [tilespmem:s22+$0xF0]  }
0x1f8: {  	v22 =	vmax.f32 v19, v27;
	v23 =	vmax.f32 v20, v28;
	v24 =	vmax.f32 v21, v29;
	v19 =	vld [tilespmem:s22+$0x170]  }
0x1f9: {  	v20 =	vmax.f32 v22, v18;
	v21 =	vmax.f32 v23, v25;
	v22 =	vmax.f32 v24, v26;
	v18 =	vld [tilespmem:s22+$0x1F0];
	s22 =	sadd.s32 $0x200, s22  }
0x1fa: {  	v23 =	vld [tilespmem:$0x7680]  }
0x1fb: {  	v24 =	vld [tilespmem:$0x7690]  }
0x1fc: {  	v25 =	vld [tilespmem:$0x76A0]  }
0x1fd: {  	v26 =	vld [tilespmem:$0x76B0]  }
0x1fe: {  	v27 =	vld [tilespmem:$0x76C0]  }
0x1ff: {  	v28 =	vld [tilespmem:$0x76D0]  }
0x200: {  	v29 =	vld [tilespmem:$0x76E0]  }
0x201: {  	v30 =	vld [tilespmem:$0x76F0]  }
0x202: {  	v31 =	vld [tilespmem:$0x7700]  }
0x203: {  	v32 =	vld [tilespmem:$0x7710]  }
0x204: {  	v33 =	vld [tilespmem:$0x7720]  }
0x205: {  	v34 =	vld [tilespmem:$0x7730]  }
0x206: {  	v35 =	vld [tilespmem:$0x7740]  }
0x207: {  	v36 =	vld [tilespmem:$0x7750]  }
0x208: {  	v37 =	vld [tilespmem:$0x7760]  }
0x209: {  	v38 =	vld [tilespmem:$0x7770]  }
0x20a: {  	v39 =	vld [tilespmem:$0x7780]  }
0x20b: {  	v5 =	vmax.f32 v20, v5;
	v6 =	vmax.f32 v21, v6;
	v7 =	vmax.f32 v22, v7;
	v20 =	vld [tilespmem:$0x7790]  }
0x20c: {  	v2 =	vmax.f32 v2, v14;
	v3 =	vmax.f32 v3, v15;
	v14 =	vld [tilespmem:$0x77A0];
	v4 =	vmax.f32 v4, v16  }
0x20d: {  	v2 =	vmax.f32 v2, v12;
	v3 =	vmax.f32 v3, v13;
	v12 =	vld [tilespmem:$0x77B0];
	v4 =	vmax.f32 v4, v17  }
0x20e: {  	v13 =	vld [tilespmem:$0x7800];
	v2 =	vmax.f32 v2, v8;
	v3 =	vmax.f32 v3, v9;
	v4 =	vmax.f32 v4, v19  }
0x20f: {  	v8 =	vld [tilespmem:$0x77C0];
	v0 =	vmax.f32 v2, v0;
	v1 =	vmax.f32 v3, v1;
	v2 =	vmax.f32 v11, v23  }
0x210: {  	v3 =	vld [tilespmem:$0x77D0];
	v4 =	vmax.f32 v4, v18;
	v9 =	vmax.f32 v10, v24;
	v2 =	vmax.f32 v2, v31  }
0x211: {  	v17 =	vld [tilespmem:$0x7820];
	v5 =	vmax.f32 v5, v25;
	v9 =	vmax.f32 v9, v32;
	v2 =	vmax.f32 v2, v39  }
0x212: {  	v10 =	vld [tilespmem:$0x77E0];
	v6 =	vmax.f32 v6, v26;
	v5 =	vmax.f32 v5, v33;
	v9 =	vmax.f32 v9, v20;
	[tilespmem:$0xAA00] =	vst v2  }
0x213: {  	v11 =	vld [tilespmem:$0x77F0];
	v0 =	vmax.f32 v0, v28;
	v6 =	vmax.f32 v6, v34;
	v5 =	vmax.f32 v5, v14;
	[tilespmem:$0xAA10] =	vst v9  }
0x214: {  	v19 =	vld [tilespmem:$0x7840];
	v0 =	vmax.f32 v0, v36;
	v6 =	vmax.f32 v6, v12;
	v2 =	vmax.f32 v7, v27;
	[tilespmem:$0xAA20] =	vst v5  }
0x215: {  	v18 =	vld [tilespmem:$0x7830];
	v1 =	vmax.f32 v1, v29;
	[tilespmem:$0xAA30] =	vst v6;
	v0 =	vmax.f32 v0, v3;
	v2 =	vmax.f32 v2, v35  }
0x216: {  	v4 =	vmax.f32 v4, v30;
	v1 =	vmax.f32 v1, v37;
	v14 =	vld [tilespmem:$0x7810];
	[tilespmem:$0xAA50] =	vst v0;
	v2 =	vmax.f32 v2, v8  }
0x217: {  	v3 =	vmax.f32 v4, v38;
	v4 =	vld [tilespmem:$0x7870];
	v1 =	vmax.f32 v1, v10;
	[tilespmem:$0xAA40] =	vst v2  }
0x218: {  	v0 =	vmax.f32 v3, v11;
	v3 =	vld [tilespmem:$0x7860];
	[tilespmem:$0xAA60] =	vst v1  }
0x219: {  	s22 =	simm.s32 $0x7880;
	v2 =	vld [tilespmem:$0x7850];
	[tilespmem:$0xAA70] =	vst v0  }
0x21a: {  	v10 =	vld [tilespmem:s22+$0x180]  }
0x21b: {  	v20 =	vld [tilespmem:s22+$0x190]  }
0x21c: {  	v5 =	vld [tilespmem:s22+$0x1A0]  }
0x21d: {  	v6 =	vld [tilespmem:s22+$0x1B0]  }
0x21e: {  	v7 =	vld [tilespmem:s22+$0x1C0]  }
0x21f: {  	v0 =	vld [tilespmem:s22+$0x1D0]  }
0x220: {  	v1 =	vld [tilespmem:s22+$0x1E0]  }
0x221: {  	v11 =	vld [tilespmem:s22+$0x100]  }
0x222: {  	v16 =	vld [tilespmem:s22+$0x110]  }
0x223: {  	v21 =	vld [tilespmem:s22+$0x120]  }
0x224: {  	v22 =	vld [tilespmem:s22+$0x130]  }
0x225: {  	v23 =	vld [tilespmem:s22+$0x140]  }
0x226: {  	v8 =	vld [tilespmem:s22+$0x150]  }
0x227: {  	v9 =	vld [tilespmem:s22+$0x160]  }
0x228: {  	v15 =	vld [tilespmem:s22+$0x80]  }
0x229: {  	v54 =	vld [tilespmem:s22+$0x90]  }
0x22a: {  	v55 =	vld [tilespmem:s22+$0xA0]  }
0x22b: {  	v56 =	vld [tilespmem:s22+$0xB0]  }
0x22c: {  	v57 =	vld [tilespmem:s22+$0xC0]  }
0x22d: {  	v58 =	vld [tilespmem:s22+$0x0]  }
0x22e: {  	v59 =	vld [tilespmem:s22+$0x10]  }
0x22f: {  	v12 =	vld [tilespmem:s22+$0xD0]  }
0x230: {  	v61 =	vld [tilespmem:s22+$0x30]  }
0x231: {  	v62 =	vld [tilespmem:s22+$0x40]  }
0x232: {  	v60 =	vld [tilespmem:s22+$0x20]  }
0x233: {  	v28 =	vmax.f32 v13, v58;
	v13 =	vld [tilespmem:s22+$0xE0]  }
0x234: {  	v29 =	vmax.f32 v14, v59;
	v14 =	vld [tilespmem:s22+$0x50]  }
0x235: {  	v18 =	vmax.f32 v18, v61;
	v28 =	vmax.f32 v28, v15;
	v24 =	vmax.f32 v29, v54;
	v15 =	vld [tilespmem:s22+$0x60]  }
0x236: {  	v19 =	vmax.f32 v19, v62;
	v11 =	vmax.f32 v28, v11;
	v24 =	vmax.f32 v24, v16;
	v16 =	vld [tilespmem:s22+$0x70]  }
0x237: {  	v11 =	vmax.f32 v11, v10;
	v10 =	vmax.f32 v24, v20;
	v20 =	vmax.f32 v17, v60;
	v17 =	vld [tilespmem:s22+$0xF0]  }
0x238: {  	v18 =	vmax.f32 v18, v56;
	v63 =	vmax.f32 v19, v57;
	v19 =	vld [tilespmem:s22+$0x170];
	v20 =	vmax.f32 v20, v55  }
0x239: {  	s21 =	simm.s32 $0x1;
	v20 =	vmax.f32 v20, v21;
	v21 =	vmax.f32 v18, v22;
	v22 =	vmax.f32 v63, v23;
	v18 =	vld [tilespmem:s22+$0x1F0];
	s22 =	simm.s32 $0x7A80  }
.LBB2_17:
0x23a: {  	v23 =	vld [tilespmem:s22+$0x180];
	v20 =	vmax.f32 v20, v5;
	v21 =	vmax.f32 v21, v6;
	v22 =	vmax.f32 v22, v7  }
0x23b: {  	v2 =	vmax.f32 v2, v14;
	v3 =	vmax.f32 v3, v15;
	v24 =	vld [tilespmem:s22+$0x190];
	v4 =	vmax.f32 v4, v16  }
0x23c: {  	v2 =	vmax.f32 v2, v12;
	v3 =	vmax.f32 v3, v13;
	v5 =	vld [tilespmem:s22+$0x1A0];
	v4 =	vmax.f32 v4, v17  }
0x23d: {  	v2 =	vmax.f32 v2, v8;
	v3 =	vmax.f32 v3, v9;
	v6 =	vld [tilespmem:s22+$0x1B0];
	v4 =	vmax.f32 v4, v19  }
0x23e: {  	v2 =	vmax.f32 v2, v0;
	v3 =	vmax.f32 v3, v1;
	v7 =	vld [tilespmem:s22+$0x1C0];
	v4 =	vmax.f32 v4, v18  }
0x23f: {  	v0 =	vld [tilespmem:s22+$0x1D0]  }
0x240: {  	v1 =	vld [tilespmem:s22+$0x1E0]  }
0x241: {  	v16 =	vld [tilespmem:s22+$0x100]  }
0x242: {  	v17 =	vld [tilespmem:s22+$0x110]  }
0x243: {  	v18 =	vld [tilespmem:s22+$0x120]  }
0x244: {  	v25 =	vld [tilespmem:s22+$0x130]  }
0x245: {  	v26 =	vld [tilespmem:s22+$0x140]  }
0x246: {  	v8 =	vld [tilespmem:s22+$0x150]  }
0x247: {  	v9 =	vld [tilespmem:s22+$0x160]  }
0x248: {  	v15 =	vld [tilespmem:s22+$0x80]  }
0x249: {  	v19 =	vld [tilespmem:s22+$0x90]  }
0x24a: {  	v27 =	vld [tilespmem:s22+$0xA0]  }
0x24b: {  	v28 =	vld [tilespmem:s22+$0xB0]  }
0x24c: {  	v29 =	vld [tilespmem:s22+$0xC0]  }
0x24d: {  	v13 =	vld [tilespmem:s22+$0x0]  }
0x24e: {  	v14 =	vld [tilespmem:s22+$0x10]  }
0x24f: {  	v12 =	vld [tilespmem:s22+$0xD0]  }
0x250: {  	v30 =	vld [tilespmem:s22+$0x20]  }
0x251: {  	v31 =	vld [tilespmem:s22+$0x30]  }
0x252: {  	v32 =	vld [tilespmem:s22+$0x40]  }
0x253: {  	s21 =	sadd.s32 $0x4, s21;
	v11 =	vmax.f32 v11, v13;
	v10 =	vmax.f32 v10, v14;
	v13 =	vld [tilespmem:s22+$0xE0]  }
0x254: {  	p0 =	slt.u32 s21, $0x19;
	v11 =	vmax.f32 v11, v15;
	v14 =	vld [tilespmem:s22+$0x50];
	v10 =	vmax.f32 v10, v19  }
.Ltmp8:
0x255: {  	v11 =	vmax.f32 v11, v16;
	v15 =	vld [tilespmem:s22+$0x60];
	v10 =	vmax.f32 v10, v17;
	(pc) =	sbr.rel @p0 .LBB2_17-.Ltmp8, $4  }
0x256: {  	v11 =	vmax.f32 v11, v23;
	v16 =	vld [tilespmem:s22+$0x70];
	v10 =	vmax.f32 v10, v24  }
0x257: {  	v19 =	vmax.f32 v20, v30;
	v20 =	vmax.f32 v21, v31;
	v21 =	vmax.f32 v22, v32;
	v17 =	vld [tilespmem:s22+$0xF0]  }
0x258: {  	v22 =	vmax.f32 v19, v27;
	v23 =	vmax.f32 v20, v28;
	v24 =	vmax.f32 v21, v29;
	v19 =	vld [tilespmem:s22+$0x170]  }
0x259: {  	v20 =	vmax.f32 v22, v18;
	v21 =	vmax.f32 v23, v25;
	v22 =	vmax.f32 v24, v26;
	v18 =	vld [tilespmem:s22+$0x1F0];
	s22 =	sadd.s32 $0x200, s22  }
0x25a: {  	v23 =	vld [tilespmem:$0x8680]  }
0x25b: {  	v24 =	vld [tilespmem:$0x8690]  }
0x25c: {  	v25 =	vld [tilespmem:$0x86A0]  }
0x25d: {  	v26 =	vld [tilespmem:$0x86B0]  }
0x25e: {  	v27 =	vld [tilespmem:$0x86C0]  }
0x25f: {  	v28 =	vld [tilespmem:$0x86D0]  }
0x260: {  	v29 =	vld [tilespmem:$0x86E0]  }
0x261: {  	v30 =	vld [tilespmem:$0x86F0]  }
0x262: {  	v31 =	vld [tilespmem:$0x8700]  }
0x263: {  	v32 =	vld [tilespmem:$0x8710]  }
0x264: {  	v33 =	vld [tilespmem:$0x8720]  }
0x265: {  	v34 =	vld [tilespmem:$0x8730]  }
0x266: {  	v35 =	vld [tilespmem:$0x8740]  }
0x267: {  	v36 =	vld [tilespmem:$0x8750]  }
0x268: {  	v37 =	vld [tilespmem:$0x8760]  }
0x269: {  	v38 =	vld [tilespmem:$0x8770]  }
0x26a: {  	v39 =	vld [tilespmem:$0x8780]  }
0x26b: {  	v5 =	vmax.f32 v20, v5;
	v6 =	vmax.f32 v21, v6;
	v7 =	vmax.f32 v22, v7;
	v20 =	vld [tilespmem:$0x8790]  }
0x26c: {  	v2 =	vmax.f32 v2, v14;
	v3 =	vmax.f32 v3, v15;
	v14 =	vld [tilespmem:$0x87A0];
	v4 =	vmax.f32 v4, v16  }
0x26d: {  	v2 =	vmax.f32 v2, v12;
	v3 =	vmax.f32 v3, v13;
	v12 =	vld [tilespmem:$0x87B0];
	v4 =	vmax.f32 v4, v17  }
0x26e: {  	v13 =	vld [tilespmem:$0x8800];
	v2 =	vmax.f32 v2, v8;
	v3 =	vmax.f32 v3, v9;
	v4 =	vmax.f32 v4, v19  }
0x26f: {  	v8 =	vld [tilespmem:$0x87C0];
	v0 =	vmax.f32 v2, v0;
	v1 =	vmax.f32 v3, v1;
	v2 =	vmax.f32 v11, v23  }
0x270: {  	v3 =	vld [tilespmem:$0x87D0];
	v4 =	vmax.f32 v4, v18;
	v9 =	vmax.f32 v10, v24;
	v2 =	vmax.f32 v2, v31  }
0x271: {  	v17 =	vld [tilespmem:$0x8820];
	v5 =	vmax.f32 v5, v25;
	v9 =	vmax.f32 v9, v32;
	v2 =	vmax.f32 v2, v39  }
0x272: {  	v10 =	vld [tilespmem:$0x87E0];
	v6 =	vmax.f32 v6, v26;
	v5 =	vmax.f32 v5, v33;
	v9 =	vmax.f32 v9, v20;
	[tilespmem:$0xAA80] =	vst v2  }
0x273: {  	v11 =	vld [tilespmem:$0x87F0];
	v0 =	vmax.f32 v0, v28;
	v6 =	vmax.f32 v6, v34;
	v5 =	vmax.f32 v5, v14;
	[tilespmem:$0xAA90] =	vst v9  }
0x274: {  	v19 =	vld [tilespmem:$0x8840];
	v0 =	vmax.f32 v0, v36;
	v6 =	vmax.f32 v6, v12;
	v2 =	vmax.f32 v7, v27;
	[tilespmem:$0xAAA0] =	vst v5  }
0x275: {  	v18 =	vld [tilespmem:$0x8830];
	v1 =	vmax.f32 v1, v29;
	[tilespmem:$0xAAB0] =	vst v6;
	v0 =	vmax.f32 v0, v3;
	v2 =	vmax.f32 v2, v35  }
0x276: {  	v4 =	vmax.f32 v4, v30;
	v1 =	vmax.f32 v1, v37;
	v14 =	vld [tilespmem:$0x8810];
	[tilespmem:$0xAAD0] =	vst v0;
	v2 =	vmax.f32 v2, v8  }
0x277: {  	v3 =	vmax.f32 v4, v38;
	v4 =	vld [tilespmem:$0x8870];
	v1 =	vmax.f32 v1, v10;
	[tilespmem:$0xAAC0] =	vst v2  }
0x278: {  	v0 =	vmax.f32 v3, v11;
	v3 =	vld [tilespmem:$0x8860];
	[tilespmem:$0xAAE0] =	vst v1  }
0x279: {  	s22 =	simm.s32 $0x8880;
	v2 =	vld [tilespmem:$0x8850];
	[tilespmem:$0xAAF0] =	vst v0  }
0x27a: {  	v10 =	vld [tilespmem:s22+$0x180]  }
0x27b: {  	v20 =	vld [tilespmem:s22+$0x190]  }
0x27c: {  	v5 =	vld [tilespmem:s22+$0x1A0]  }
0x27d: {  	v6 =	vld [tilespmem:s22+$0x1B0]  }
0x27e: {  	v7 =	vld [tilespmem:s22+$0x1C0]  }
0x27f: {  	v0 =	vld [tilespmem:s22+$0x1D0]  }
0x280: {  	v1 =	vld [tilespmem:s22+$0x1E0]  }
0x281: {  	v11 =	vld [tilespmem:s22+$0x100]  }
0x282: {  	v16 =	vld [tilespmem:s22+$0x110]  }
0x283: {  	v21 =	vld [tilespmem:s22+$0x120]  }
0x284: {  	v22 =	vld [tilespmem:s22+$0x130]  }
0x285: {  	v23 =	vld [tilespmem:s22+$0x140]  }
0x286: {  	v8 =	vld [tilespmem:s22+$0x150]  }
0x287: {  	v9 =	vld [tilespmem:s22+$0x160]  }
0x288: {  	v15 =	vld [tilespmem:s22+$0x80]  }
0x289: {  	v54 =	vld [tilespmem:s22+$0x90]  }
0x28a: {  	v55 =	vld [tilespmem:s22+$0xA0]  }
0x28b: {  	v56 =	vld [tilespmem:s22+$0xB0]  }
0x28c: {  	v57 =	vld [tilespmem:s22+$0xC0]  }
0x28d: {  	v58 =	vld [tilespmem:s22+$0x0]  }
0x28e: {  	v59 =	vld [tilespmem:s22+$0x10]  }
0x28f: {  	v12 =	vld [tilespmem:s22+$0xD0]  }
0x290: {  	v61 =	vld [tilespmem:s22+$0x30]  }
0x291: {  	v62 =	vld [tilespmem:s22+$0x40]  }
0x292: {  	v60 =	vld [tilespmem:s22+$0x20]  }
0x293: {  	v28 =	vmax.f32 v13, v58;
	v13 =	vld [tilespmem:s22+$0xE0]  }
0x294: {  	v29 =	vmax.f32 v14, v59;
	v14 =	vld [tilespmem:s22+$0x50]  }
0x295: {  	v18 =	vmax.f32 v18, v61;
	v28 =	vmax.f32 v28, v15;
	v24 =	vmax.f32 v29, v54;
	v15 =	vld [tilespmem:s22+$0x60]  }
0x296: {  	v19 =	vmax.f32 v19, v62;
	v11 =	vmax.f32 v28, v11;
	v24 =	vmax.f32 v24, v16;
	v16 =	vld [tilespmem:s22+$0x70]  }
0x297: {  	v11 =	vmax.f32 v11, v10;
	v10 =	vmax.f32 v24, v20;
	v20 =	vmax.f32 v17, v60;
	v17 =	vld [tilespmem:s22+$0xF0]  }
0x298: {  	v18 =	vmax.f32 v18, v56;
	v63 =	vmax.f32 v19, v57;
	v19 =	vld [tilespmem:s22+$0x170];
	v20 =	vmax.f32 v20, v55  }
0x299: {  	s21 =	simm.s32 $0x1;
	v20 =	vmax.f32 v20, v21;
	v21 =	vmax.f32 v18, v22;
	v22 =	vmax.f32 v63, v23;
	v18 =	vld [tilespmem:s22+$0x1F0];
	s22 =	simm.s32 $0x8A80  }
.LBB2_19:
0x29a: {  	v23 =	vld [tilespmem:s22+$0x180];
	v20 =	vmax.f32 v20, v5;
	v21 =	vmax.f32 v21, v6;
	v22 =	vmax.f32 v22, v7  }
0x29b: {  	v2 =	vmax.f32 v2, v14;
	v3 =	vmax.f32 v3, v15;
	v24 =	vld [tilespmem:s22+$0x190];
	v4 =	vmax.f32 v4, v16  }
0x29c: {  	v2 =	vmax.f32 v2, v12;
	v3 =	vmax.f32 v3, v13;
	v5 =	vld [tilespmem:s22+$0x1A0];
	v4 =	vmax.f32 v4, v17  }
0x29d: {  	v2 =	vmax.f32 v2, v8;
	v3 =	vmax.f32 v3, v9;
	v6 =	vld [tilespmem:s22+$0x1B0];
	v4 =	vmax.f32 v4, v19  }
0x29e: {  	v2 =	vmax.f32 v2, v0;
	v3 =	vmax.f32 v3, v1;
	v7 =	vld [tilespmem:s22+$0x1C0];
	v4 =	vmax.f32 v4, v18  }
0x29f: {  	v0 =	vld [tilespmem:s22+$0x1D0]  }
0x2a0: {  	v1 =	vld [tilespmem:s22+$0x1E0]  }
0x2a1: {  	v16 =	vld [tilespmem:s22+$0x100]  }
0x2a2: {  	v17 =	vld [tilespmem:s22+$0x110]  }
0x2a3: {  	v18 =	vld [tilespmem:s22+$0x120]  }
0x2a4: {  	v25 =	vld [tilespmem:s22+$0x130]  }
0x2a5: {  	v26 =	vld [tilespmem:s22+$0x140]  }
0x2a6: {  	v8 =	vld [tilespmem:s22+$0x150]  }
0x2a7: {  	v9 =	vld [tilespmem:s22+$0x160]  }
0x2a8: {  	v15 =	vld [tilespmem:s22+$0x80]  }
0x2a9: {  	v19 =	vld [tilespmem:s22+$0x90]  }
0x2aa: {  	v27 =	vld [tilespmem:s22+$0xA0]  }
0x2ab: {  	v28 =	vld [tilespmem:s22+$0xB0]  }
0x2ac: {  	v29 =	vld [tilespmem:s22+$0xC0]  }
0x2ad: {  	v13 =	vld [tilespmem:s22+$0x0]  }
0x2ae: {  	v14 =	vld [tilespmem:s22+$0x10]  }
0x2af: {  	v12 =	vld [tilespmem:s22+$0xD0]  }
0x2b0: {  	v30 =	vld [tilespmem:s22+$0x20]  }
0x2b1: {  	v31 =	vld [tilespmem:s22+$0x30]  }
0x2b2: {  	v32 =	vld [tilespmem:s22+$0x40]  }
0x2b3: {  	s21 =	sadd.s32 $0x4, s21;
	v11 =	vmax.f32 v11, v13;
	v10 =	vmax.f32 v10, v14;
	v13 =	vld [tilespmem:s22+$0xE0]  }
0x2b4: {  	p0 =	slt.u32 s21, $0x19;
	v11 =	vmax.f32 v11, v15;
	v14 =	vld [tilespmem:s22+$0x50];
	v10 =	vmax.f32 v10, v19  }
.Ltmp9:
0x2b5: {  	v11 =	vmax.f32 v11, v16;
	v15 =	vld [tilespmem:s22+$0x60];
	v10 =	vmax.f32 v10, v17;
	(pc) =	sbr.rel @p0 .LBB2_19-.Ltmp9, $4  }
0x2b6: {  	v11 =	vmax.f32 v11, v23;
	v16 =	vld [tilespmem:s22+$0x70];
	v10 =	vmax.f32 v10, v24  }
0x2b7: {  	v19 =	vmax.f32 v20, v30;
	v20 =	vmax.f32 v21, v31;
	v21 =	vmax.f32 v22, v32;
	v17 =	vld [tilespmem:s22+$0xF0]  }
0x2b8: {  	v22 =	vmax.f32 v19, v27;
	v23 =	vmax.f32 v20, v28;
	v24 =	vmax.f32 v21, v29;
	v19 =	vld [tilespmem:s22+$0x170]  }
0x2b9: {  	v20 =	vmax.f32 v22, v18;
	v21 =	vmax.f32 v23, v25;
	v22 =	vmax.f32 v24, v26;
	v18 =	vld [tilespmem:s22+$0x1F0];
	s22 =	sadd.s32 $0x200, s22  }
0x2ba: {  	v23 =	vld [tilespmem:$0x9680]  }
0x2bb: {  	v24 =	vld [tilespmem:$0x9690]  }
0x2bc: {  	v25 =	vld [tilespmem:$0x96A0]  }
0x2bd: {  	v26 =	vld [tilespmem:$0x96B0]  }
0x2be: {  	v27 =	vld [tilespmem:$0x96C0]  }
0x2bf: {  	v28 =	vld [tilespmem:$0x96D0]  }
0x2c0: {  	v29 =	vld [tilespmem:$0x96E0]  }
0x2c1: {  	v30 =	vld [tilespmem:$0x96F0]  }
0x2c2: {  	v31 =	vld [tilespmem:$0x9700]  }
0x2c3: {  	v32 =	vld [tilespmem:$0x9710]  }
0x2c4: {  	v33 =	vld [tilespmem:$0x9720]  }
0x2c5: {  	v34 =	vld [tilespmem:$0x9730]  }
0x2c6: {  	v35 =	vld [tilespmem:$0x9740]  }
0x2c7: {  	v36 =	vld [tilespmem:$0x9750]  }
0x2c8: {  	v37 =	vld [tilespmem:$0x9760]  }
0x2c9: {  	v38 =	vld [tilespmem:$0x9770]  }
0x2ca: {  	v39 =	vld [tilespmem:$0x9780]  }
0x2cb: {  	v5 =	vmax.f32 v20, v5;
	v6 =	vmax.f32 v21, v6;
	v7 =	vmax.f32 v22, v7;
	v20 =	vld [tilespmem:$0x9790]  }
0x2cc: {  	v2 =	vmax.f32 v2, v14;
	v3 =	vmax.f32 v3, v15;
	v14 =	vld [tilespmem:$0x97A0];
	v4 =	vmax.f32 v4, v16  }
0x2cd: {  	v2 =	vmax.f32 v2, v12;
	v3 =	vmax.f32 v3, v13;
	v12 =	vld [tilespmem:$0x97B0];
	v4 =	vmax.f32 v4, v17  }
0x2ce: {  	v13 =	vld [tilespmem:$0x9800];
	v2 =	vmax.f32 v2, v8;
	v3 =	vmax.f32 v3, v9;
	v4 =	vmax.f32 v4, v19  }
0x2cf: {  	v8 =	vld [tilespmem:$0x97C0];
	v0 =	vmax.f32 v2, v0;
	v1 =	vmax.f32 v3, v1;
	v2 =	vmax.f32 v11, v23  }
0x2d0: {  	v3 =	vld [tilespmem:$0x97D0];
	v4 =	vmax.f32 v4, v18;
	v9 =	vmax.f32 v10, v24;
	v2 =	vmax.f32 v2, v31  }
0x2d1: {  	v17 =	vld [tilespmem:$0x9820];
	v5 =	vmax.f32 v5, v25;
	v9 =	vmax.f32 v9, v32;
	v2 =	vmax.f32 v2, v39  }
0x2d2: {  	v10 =	vld [tilespmem:$0x97E0];
	v6 =	vmax.f32 v6, v26;
	v5 =	vmax.f32 v5, v33;
	v9 =	vmax.f32 v9, v20;
	[tilespmem:$0xAB00] =	vst v2  }
0x2d3: {  	v11 =	vld [tilespmem:$0x97F0];
	v0 =	vmax.f32 v0, v28;
	v6 =	vmax.f32 v6, v34;
	v5 =	vmax.f32 v5, v14;
	[tilespmem:$0xAB10] =	vst v9  }
0x2d4: {  	v19 =	vld [tilespmem:$0x9840];
	v0 =	vmax.f32 v0, v36;
	v6 =	vmax.f32 v6, v12;
	v2 =	vmax.f32 v7, v27;
	[tilespmem:$0xAB20] =	vst v5  }
0x2d5: {  	v18 =	vld [tilespmem:$0x9830];
	v1 =	vmax.f32 v1, v29;
	[tilespmem:$0xAB30] =	vst v6;
	v0 =	vmax.f32 v0, v3;
	v2 =	vmax.f32 v2, v35  }
0x2d6: {  	v4 =	vmax.f32 v4, v30;
	v1 =	vmax.f32 v1, v37;
	v14 =	vld [tilespmem:$0x9810];
	[tilespmem:$0xAB50] =	vst v0;
	v2 =	vmax.f32 v2, v8  }
0x2d7: {  	v3 =	vmax.f32 v4, v38;
	v4 =	vld [tilespmem:$0x9870];
	v1 =	vmax.f32 v1, v10;
	[tilespmem:$0xAB40] =	vst v2  }
0x2d8: {  	v0 =	vmax.f32 v3, v11;
	v3 =	vld [tilespmem:$0x9860];
	[tilespmem:$0xAB60] =	vst v1  }
0x2d9: {  	s22 =	simm.s32 $0x9880;
	v2 =	vld [tilespmem:$0x9850];
	[tilespmem:$0xAB70] =	vst v0  }
0x2da: {  	v10 =	vld [tilespmem:s22+$0x180]  }
0x2db: {  	v20 =	vld [tilespmem:s22+$0x190]  }
0x2dc: {  	v5 =	vld [tilespmem:s22+$0x1A0]  }
0x2dd: {  	v6 =	vld [tilespmem:s22+$0x1B0]  }
0x2de: {  	v7 =	vld [tilespmem:s22+$0x1C0]  }
0x2df: {  	v0 =	vld [tilespmem:s22+$0x1D0]  }
0x2e0: {  	v1 =	vld [tilespmem:s22+$0x1E0]  }
0x2e1: {  	v11 =	vld [tilespmem:s22+$0x100]  }
0x2e2: {  	v16 =	vld [tilespmem:s22+$0x110]  }
0x2e3: {  	v21 =	vld [tilespmem:s22+$0x120]  }
0x2e4: {  	v22 =	vld [tilespmem:s22+$0x130]  }
0x2e5: {  	v23 =	vld [tilespmem:s22+$0x140]  }
0x2e6: {  	v8 =	vld [tilespmem:s22+$0x150]  }
0x2e7: {  	v9 =	vld [tilespmem:s22+$0x160]  }
0x2e8: {  	v15 =	vld [tilespmem:s22+$0x80]  }
0x2e9: {  	v54 =	vld [tilespmem:s22+$0x90]  }
0x2ea: {  	v55 =	vld [tilespmem:s22+$0xA0]  }
0x2eb: {  	v56 =	vld [tilespmem:s22+$0xB0]  }
0x2ec: {  	v57 =	vld [tilespmem:s22+$0xC0]  }
0x2ed: {  	v58 =	vld [tilespmem:s22+$0x0]  }
0x2ee: {  	v59 =	vld [tilespmem:s22+$0x10]  }
0x2ef: {  	v12 =	vld [tilespmem:s22+$0xD0]  }
0x2f0: {  	v61 =	vld [tilespmem:s22+$0x30]  }
0x2f1: {  	v62 =	vld [tilespmem:s22+$0x40]  }
0x2f2: {  	v60 =	vld [tilespmem:s22+$0x20]  }
0x2f3: {  	v28 =	vmax.f32 v13, v58;
	v13 =	vld [tilespmem:s22+$0xE0]  }
0x2f4: {  	v29 =	vmax.f32 v14, v59;
	v14 =	vld [tilespmem:s22+$0x50]  }
0x2f5: {  	v18 =	vmax.f32 v18, v61;
	v28 =	vmax.f32 v28, v15;
	v24 =	vmax.f32 v29, v54;
	v15 =	vld [tilespmem:s22+$0x60]  }
0x2f6: {  	v19 =	vmax.f32 v19, v62;
	v11 =	vmax.f32 v28, v11;
	v24 =	vmax.f32 v24, v16;
	v16 =	vld [tilespmem:s22+$0x70]  }
0x2f7: {  	v11 =	vmax.f32 v11, v10;
	v10 =	vmax.f32 v24, v20;
	v20 =	vmax.f32 v17, v60;
	v17 =	vld [tilespmem:s22+$0xF0]  }
0x2f8: {  	v18 =	vmax.f32 v18, v56;
	v63 =	vmax.f32 v19, v57;
	v19 =	vld [tilespmem:s22+$0x170];
	v20 =	vmax.f32 v20, v55  }
0x2f9: {  	s21 =	simm.s32 $0x1;
	v20 =	vmax.f32 v20, v21;
	v21 =	vmax.f32 v18, v22;
	v22 =	vmax.f32 v63, v23;
	v18 =	vld [tilespmem:s22+$0x1F0];
	s22 =	simm.s32 $0x9A80  }
.LBB2_21:
0x2fa: {  	v23 =	vld [tilespmem:s22+$0x180];
	v20 =	vmax.f32 v20, v5;
	v21 =	vmax.f32 v21, v6;
	v22 =	vmax.f32 v22, v7  }
0x2fb: {  	v2 =	vmax.f32 v2, v14;
	v3 =	vmax.f32 v3, v15;
	v24 =	vld [tilespmem:s22+$0x190];
	v4 =	vmax.f32 v4, v16  }
0x2fc: {  	v2 =	vmax.f32 v2, v12;
	v3 =	vmax.f32 v3, v13;
	v5 =	vld [tilespmem:s22+$0x1A0];
	v4 =	vmax.f32 v4, v17  }
0x2fd: {  	v2 =	vmax.f32 v2, v8;
	v3 =	vmax.f32 v3, v9;
	v6 =	vld [tilespmem:s22+$0x1B0];
	v4 =	vmax.f32 v4, v19  }
0x2fe: {  	v2 =	vmax.f32 v2, v0;
	v3 =	vmax.f32 v3, v1;
	v7 =	vld [tilespmem:s22+$0x1C0];
	v4 =	vmax.f32 v4, v18  }
0x2ff: {  	v0 =	vld [tilespmem:s22+$0x1D0]  }
0x300: {  	v1 =	vld [tilespmem:s22+$0x1E0]  }
0x301: {  	v16 =	vld [tilespmem:s22+$0x100]  }
0x302: {  	v17 =	vld [tilespmem:s22+$0x110]  }
0x303: {  	v18 =	vld [tilespmem:s22+$0x120]  }
0x304: {  	v25 =	vld [tilespmem:s22+$0x130]  }
0x305: {  	v26 =	vld [tilespmem:s22+$0x140]  }
0x306: {  	v8 =	vld [tilespmem:s22+$0x150]  }
0x307: {  	v9 =	vld [tilespmem:s22+$0x160]  }
0x308: {  	v15 =	vld [tilespmem:s22+$0x80]  }
0x309: {  	v19 =	vld [tilespmem:s22+$0x90]  }
0x30a: {  	v27 =	vld [tilespmem:s22+$0xA0]  }
0x30b: {  	v28 =	vld [tilespmem:s22+$0xB0]  }
0x30c: {  	v29 =	vld [tilespmem:s22+$0xC0]  }
0x30d: {  	v13 =	vld [tilespmem:s22+$0x0]  }
0x30e: {  	v14 =	vld [tilespmem:s22+$0x10]  }
0x30f: {  	v12 =	vld [tilespmem:s22+$0xD0]  }
0x310: {  	v30 =	vld [tilespmem:s22+$0x20]  }
0x311: {  	v31 =	vld [tilespmem:s22+$0x30]  }
0x312: {  	v32 =	vld [tilespmem:s22+$0x40]  }
0x313: {  	s21 =	sadd.s32 $0x4, s21;
	v11 =	vmax.f32 v11, v13;
	v10 =	vmax.f32 v10, v14;
	v13 =	vld [tilespmem:s22+$0xE0]  }
0x314: {  	p0 =	slt.u32 s21, $0x19;
	v11 =	vmax.f32 v11, v15;
	v14 =	vld [tilespmem:s22+$0x50];
	v10 =	vmax.f32 v10, v19  }
.Ltmp10:
0x315: {  	v11 =	vmax.f32 v11, v16;
	v15 =	vld [tilespmem:s22+$0x60];
	v10 =	vmax.f32 v10, v17;
	(pc) =	sbr.rel @p0 .LBB2_21-.Ltmp10, $4  }
0x316: {  	v11 =	vmax.f32 v11, v23;
	v16 =	vld [tilespmem:s22+$0x70];
	v10 =	vmax.f32 v10, v24  }
0x317: {  	v19 =	vmax.f32 v20, v30;
	v20 =	vmax.f32 v21, v31;
	v21 =	vmax.f32 v22, v32;
	v17 =	vld [tilespmem:s22+$0xF0]  }
0x318: {  	v22 =	vmax.f32 v19, v27;
	v23 =	vmax.f32 v20, v28;
	v24 =	vmax.f32 v21, v29;
	v19 =	vld [tilespmem:s22+$0x170]  }
0x319: {  	v20 =	vmax.f32 v22, v18;
	v21 =	vmax.f32 v23, v25;
	v22 =	vmax.f32 v24, v26;
	v18 =	vld [tilespmem:s22+$0x1F0];
	s22 =	sadd.s32 $0x200, s22  }
0x31a: {  	v23 =	vld [tilespmem:$0xA680]  }
0x31b: {  	v24 =	vld [tilespmem:$0xA690]  }
0x31c: {  	v25 =	vld [tilespmem:$0xA6A0]  }
0x31d: {  	v26 =	vld [tilespmem:$0xA6B0]  }
0x31e: {  	v27 =	vld [tilespmem:$0xA6C0]  }
0x31f: {  	v28 =	vld [tilespmem:$0xA6D0]  }
0x320: {  	v29 =	vld [tilespmem:$0xA6E0]  }
0x321: {  	v30 =	vld [tilespmem:$0xA6F0]  }
0x322: {  	v31 =	vld [tilespmem:$0xA700]  }
0x323: {  	v32 =	vld [tilespmem:$0xA710]  }
0x324: {  	v33 =	vld [tilespmem:$0xA720]  }
0x325: {  	v34 =	vld [tilespmem:$0xA730]  }
0x326: {  	v35 =	vld [tilespmem:$0xA740]  }
0x327: {  	v36 =	vld [tilespmem:$0xA750]  }
0x328: {  	v37 =	vld [tilespmem:$0xA760]  }
0x329: {  	v5 =	vmax.f32 v20, v5;
	v6 =	vmax.f32 v21, v6;
	v7 =	vmax.f32 v22, v7;
	v49 =	vld [tilespmem:$0xA770]  }
0x32a: {  	v2 =	vmax.f32 v2, v14;
	v3 =	vmax.f32 v3, v15;
	v50 =	vld [tilespmem:$0xA780];
	v4 =	vmax.f32 v4, v16  }
0x32b: {  	v51 =	vld [tilespmem:$0xA790];
	v2 =	vmax.f32 v2, v12;
	v3 =	vmax.f32 v3, v13;
	v4 =	vmax.f32 v4, v17  }
0x32c: {  	v52 =	vld [tilespmem:$0xA7A0];
	v2 =	vmax.f32 v2, v8;
	v3 =	vmax.f32 v3, v9;
	v4 =	vmax.f32 v4, v19  }
0x32d: {  	v54 =	vld [tilespmem:$0xA7B0];
	v0 =	vmax.f32 v2, v0;
	v1 =	vmax.f32 v3, v1;
	v53 =	vmax.f32 v11, v23  }
0x32e: {  	v57 =	vld [tilespmem:$0xA7D0];
	v4 =	vmax.f32 v4, v18;
	v55 =	vmax.f32 v10, v24;
	v2 =	vmax.f32 v53, v31  }
0x32f: {  	v58 =	vld [tilespmem:$0xA7E0];
	v5 =	vmax.f32 v5, v25;
	v9 =	vmax.f32 v55, v32;
	v2 =	vmax.f32 v2, v50  }
0x330: {  	v60 =	vld [tilespmem:$0xA7F0];
	v6 =	vmax.f32 v6, v26;
	v5 =	vmax.f32 v5, v33;
	v9 =	vmax.f32 v9, v51;
	[tilespmem:$0xAB80] =	vst v2  }
0x331: {  	v56 =	vld [tilespmem:$0xA7C0];
	v0 =	vmax.f32 v0, v28;
	v6 =	vmax.f32 v6, v34;
	v5 =	vmax.f32 v5, v52;
	[tilespmem:$0xAB90] =	vst v9  }
0x332: {  	s19 =	sadd.s32 $0x1, s19;
	v1 =	vmax.f32 v1, v29;
	v0 =	vmax.f32 v0, v36;
	v3 =	vmax.f32 v6, v54;
	[tilespmem:$0xABA0] =	vst v5  }
0x333: {  	p0 =	sne.s32 s19, $0x28;
	v61 =	vmax.f32 v4, v30;
	v1 =	vmax.f32 v1, v37;
	v0 =	vmax.f32 v0, v57;
	[tilespmem:$0xABB0] =	vst v3  }
.Ltmp11:
0x334: {  	s20 =	sadd.s32 s5, s20;
	v59 =	vmax.f32 v7, v27;
	v62 =	vmax.f32 v61, v49;
	v1 =	vmax.f32 v1, v58;
	[tilespmem:$0xABD0] =	vst v0;
	(pc) =	sbr.rel @p0 .LBB2_2-.Ltmp11, $4  }
0x335: {  	s20 =	sshll.u32 s20, $0x6;
	v63 =	vmax.f32 v62, v60;
	v2 =	vmax.f32 v59, v35;
	[tilespmem:$0xABE0] =	vst v1  }
0x336: {  	s20 =	sand.u32 $0x1FFFFFC0, s20;
	[tilespmem:$0xABF0] =	vst v63;
	v2 =	vmax.f32 v2, v56  }
0x337: {  	s20 =	sadd.s32 s4, s20;
	[tilespmem:$0xABC0] =	vst v2  }
0x338: {  	[hbm4b:s20+s3] =	stream.linear.scatter [tilespmem:s16], [sflag:$0x4], $0x200, $0x38;
	[tilespmem:$0xAC00] =	vst v63  }
0x339: {  	s18 =	sadd.s32 $0x1, s18  }
0x33a: {  	_ =	swait.ge [sflag:s17], $0x200;
	p0 =	sne.s32 s18, s7  }
.Ltmp12:
0x33b: {  	[sflag:s17] =	ssyncset.done $0x0;
	(pc) =	sbr.rel @p0 .LBB2_1-.Ltmp12, $4  }
0x33c: {  	[sflag:s17] =	ssyncadd.s32 $0xFFFFFE00  }
0x33d: {  	_ =	swait.ge [sflag:s15], $0x200  }
0x33e: {  	[sflag:s15] =	ssyncset.done $0x0  }
0x33f: {  	[sflag:s15] =	ssyncadd.s32 $0xFFFFFE00  }
0x340: {  	_ =	sfence.sel $0x180000  }
0x341: {  	[bflag:$0x0] =	sbarrier.arrive $0xFFFF  }
0x342: {  	p0 =	sne.s32 s0, $0x0;
	_ =	strace $0x90000047  }
0x343: {  	s0 =	sadd.s32 @!p0 $0x100000, s2;
	[bflag:$0x2] =	sbarrier.arrive $0xFFFF  }
0x344: {  	[sflag:s0] =	ssyncadd.tile.s32 @!p0 $0x1;
	_ =	shalt  }
.Lfunc_end2:
_tile_overlayer_lowered:
.L_overlay_start_2:
0x345: {  	(tag) =	ssettag $0x2  }
0x346: {  	s0 =	rddreg [dreg:$0x0];
	s2 =	stileid.u32  }
0x347: {  	s1 =	rddreg [dreg:$0x1];
	p0 =	sne.s32 s2, $0x0  }
0x348: {  	s3 =	rddreg [dreg:$0x2];
	[bflag:$0x3] =	sbarrier.arrive $0xFFFF;
	s2 =	simm.s32 @!p0 $0x1C05  }
0x349: {  	[timem:s3], [sflag:s2] =	dma.local @!p0 [hbm:s0], s1  }
0x34a: {  	s0 =	simm.s32 @!p0 $0x5  }
0x34b: {  	_ =	swait.ge @!p0 [sflag:s0], s1  }
0x34c: {  	s1 =	ssub.s32 @!p0 $0x0, s1;
	[sflag:s0] =	ssyncset.done @!p0 $0x0  }
0x34d: {  	[sflag:s0] =	ssyncadd.s32 @!p0 s1  }
0x34e: {  	[bflag:$0x3] =	sbarrier.arrive $0xFFFF  }
0x34f: {  	_ =	shalt  }

</sc_bundles>
